<compile_context>
chip_gen: v7x
topology: tpu7x:2x2x1
jax: 0.10.2.dev20260603
libtpu: 0.0.44.dev20260713+nightly
codegen_flags: <defaults>
</compile_context>

<pallas_src>
import jax
import jax.numpy as jnp
from jax import lax
from jax.experimental import pallas as pl
from jax.experimental.pallas import tpu as pltpu
from jax.experimental.pallas import tpu_sc as plsc

BATCH = 1024
SEQ = 200
HIDDEN = 128
L = 16
NC, NS = 2, 16
NW = NC * NS
NROWS = BATCH * SEQ
RPW = NROWS // NW
CH = 64
NCHUNK = RPW // CH
NBUF = 5
DEPTH = 3
NCOMBO = 2 * SEQ
JV = HIDDEN // L
UNROLL = 4


def _lane_splat(v, lane_idx):
    dn = lax.GatherDimensionNumbers(
        offset_dims=(), collapsed_slice_dims=(0,), start_index_map=(0,))
    return lax.gather(v, lane_idx[:, None], dn, (1,),
                      mode=lax.GatherScatterMode.PROMISE_IN_BOUNDS)


def _sc_body(tok3, segf, ttab, stf, ptf, gam, bet, out,
             combo, rows0, rows1, rows2, rows3, rows4, idxall,
             cball, gv, bv, stv, gsem, wsem, ssem):
    wid = lax.axis_index("s") * NC + lax.axis_index("c")
    base0 = wid * RPW
    rows = (rows0, rows1, rows2, rows3, rows4)

    pltpu.sync_copy(gam, gv)
    pltpu.sync_copy(bet, bv)
    pltpu.sync_copy(stf, stv)
    pltpu.sync_copy(tok3.at[wid], idxall)
    pltpu.sync_copy(ptf.at[pl.ds(0, SEQ * HIDDEN)], combo.at[pl.ds(0, SEQ * HIDDEN)])
    pltpu.sync_copy(ptf.at[pl.ds(0, SEQ * HIDDEN)],
                    combo.at[pl.ds(SEQ * HIDDEN, SEQ * HIDDEN)])

    def _addseg(p, carry):
        off = p * HIDDEN
        for s_ in range(2):
            for j in range(JV):
                sl = pl.ds(s_ * SEQ * HIDDEN + off + j * L, L)
                combo[sl] = combo[sl] + stv[pl.ds(s_ * HIDDEN + j * L, L)]
        return carry

    lax.fori_loop(0, SEQ, _addseg, 0)

    pltpu.async_copy(segf.at[pl.ds(base0, RPW)], cball, ssem).wait()

    def _cb(g, carry):
        i16 = lax.iota(jnp.int32, L) + (base0 + g * L)
        pos = lax.rem(i16, SEQ)
        sg = cball[pl.ds(g * L, L)]
        cball[pl.ds(g * L, L)] = (sg * SEQ + pos) * HIDDEN
        return carry

    lax.fori_loop(0, RPW // L, _cb, 0)

    col = [lax.iota(jnp.int32, L) + j * L for j in range(JV)]
    gvr = [gv[pl.ds(j * L, L)] for j in range(JV)]
    bvr = [bv[pl.ds(j * L, L)] for j in range(JV)]
    inv_h = jnp.float32(1.0 / HIDDEN)
    lane15 = jnp.full((L,), L - 1, jnp.int32)

    def _gather_start(k, b):
        pltpu.async_copy(ttab.at[idxall.at[k]], rows[b], gsem)

    def _gather_wait(b):
        pltpu.make_async_copy(ttab.at[pl.ds(0, CH)], rows[b], gsem).wait()

    def _write_start(k, b):
        pltpu.async_copy(rows[b], out.at[pl.ds(base0 + k * CH, CH)], wsem)

    def _write_wait(b):
        pltpu.make_async_copy(rows[b], out.at[pl.ds(0, CH)], wsem).wait()

    for m in range(DEPTH):
        _gather_start(m, m)

    def _row_block(b, k, i):
        stats = []
        xs_all = []
        for u in range(UNROLL):
            r = i + u
            cb = plsc.load_gather(
                cball, [jnp.broadcast_to(k * CH + r, (L,)).astype(jnp.int32)])
            xs = []
            for j in range(JV):
                te = rows[b][r, pl.ds(j * L, L)]
                cm = plsc.load_gather(combo, [cb + col[j]])
                xs.append(te + cm)
            s = ((xs[0] + xs[1]) + (xs[2] + xs[3])) + ((xs[4] + xs[5]) + (xs[6] + xs[7]))
            q0 = xs[0] * xs[0] + xs[1] * xs[1]
            q1 = xs[2] * xs[2] + xs[3] * xs[3]
            q2 = xs[4] * xs[4] + xs[5] * xs[5]
            q3 = xs[6] * xs[6] + xs[7] * xs[7]
            q = (q0 + q1) + (q2 + q3)
            xs_all.append(xs)
            stats.append((s, q))
        for u in range(UNROLL):
            r = i + u
            s, q = stats[u]
            xs = xs_all[u]
            mean = _lane_splat(plsc.cumsum(s), lane15) * inv_h
            msq = _lane_splat(plsc.cumsum(q), lane15) * inv_h
            a = msq - mean * mean + jnp.float32(1e-3)
            bits = plsc.bitcast(a, jnp.int32)
            y = plsc.bitcast(jnp.int32(0x5F3759DF) - (bits >> 1), jnp.float32)
            half_a = a * jnp.float32(0.5)
            for _ in range(2):
                y = y * (jnp.float32(1.5) - half_a * y * y)
            c0 = jnp.float32(0.0) - mean * y
            for j in range(JV):
                z = xs[j] * y + c0
                rows[b][r, pl.ds(j * L, L)] = z * gvr[j] + bvr[j]

    def _super(t, carry):
        for b in range(NBUF):
            k = NBUF * t + b
            _gather_wait(b)

            @pl.when(k + DEPTH < NCHUNK)
            def _():
                @pl.when(k >= NBUF - DEPTH)
                def _():
                    _write_wait((b + DEPTH) % NBUF)
                _gather_start(k + DEPTH, (b + DEPTH) % NBUF)

            def _rb(i, c):
                _row_block(b, k, i * UNROLL)
                return c

            lax.fori_loop(0, CH // UNROLL, _rb, 0)
            _write_start(k, b)
        return carry

    lax.fori_loop(0, NCHUNK // NBUF, _super, 0)
    for b in range(NBUF):
        _write_wait(b)


@jax.jit
def _run(tok3, segf, ttab, stf, ptf, gam, bet):
    mesh = plsc.VectorSubcoreMesh(core_axis_name="c", subcore_axis_name="s")
    f = pl.kernel(
        _sc_body,
        out_type=jax.ShapeDtypeStruct((NROWS, HIDDEN), jnp.float32),
        mesh=mesh,
        compiler_params=pltpu.CompilerParams(needs_layout_passes=False),
        scratch_types=[
            pltpu.VMEM((NCOMBO * HIDDEN,), jnp.float32),
            pltpu.VMEM((CH, HIDDEN), jnp.float32),
            pltpu.VMEM((CH, HIDDEN), jnp.float32),
            pltpu.VMEM((CH, HIDDEN), jnp.float32),
            pltpu.VMEM((CH, HIDDEN), jnp.float32),
            pltpu.VMEM((CH, HIDDEN), jnp.float32),
            pltpu.VMEM((NCHUNK, CH), jnp.int32),
            pltpu.VMEM((RPW,), jnp.int32),
            pltpu.VMEM((HIDDEN,), jnp.float32),
            pltpu.VMEM((HIDDEN,), jnp.float32),
            pltpu.VMEM((2 * HIDDEN,), jnp.float32),
            pltpu.SemaphoreType.DMA,
            pltpu.SemaphoreType.DMA,
            pltpu.SemaphoreType.DMA,
        ],
    )
    return f(tok3, segf, ttab, stf, ptf, gam, bet)


def kernel(token, segment, token_table, segment_table, position_table, gamma, beta):
    tok3 = token.reshape(NW, NCHUNK, CH).astype(jnp.int32)
    segf = segment.reshape(-1).astype(jnp.int32)
    stf = segment_table.reshape(-1)
    ptf = position_table.reshape(-1)
    out = _run(tok3, segf, token_table, stf, ptf, gamma, beta)
    return out.reshape(BATCH, SEQ, HIDDEN)

# --- scband reference (transcript-rebuilt; emitter-appended) ---
"""Pipeline reference for scband-input-embedding-50165218017833 (READ-ONLY COPY).

The authoritative reference and input builder live on the scoring server;
editing this copy changes nothing except your own understanding.
"""

import jax, jax.numpy as jnp
import numpy as np

VOCAB = 1000000
HIDDEN = 128
MAX_POS = 512
BATCH = 1024
SEQ = 200


def setup_inputs(seed: int = 0) -> dict:
    key = jax.random.key(seed)
    k1, k2, k3, k4, k5 = jax.random.split(key, 5)
    token = jax.random.randint(k1, (BATCH, SEQ), 0, VOCAB, dtype=jnp.int32).astype(jnp.int64)
    segment = jax.random.randint(k2, (BATCH, SEQ), 0, 2, dtype=jnp.int32).astype(jnp.int64)
    token_table = jax.random.normal(k3, (VOCAB, HIDDEN), dtype=jnp.float32) * 0.02
    segment_table = jax.random.normal(k4, (2, HIDDEN), dtype=jnp.float32) * 0.02
    position_table = jax.random.normal(k5, (MAX_POS, HIDDEN), dtype=jnp.float32) * 0.02
    gamma = jnp.ones((HIDDEN,), dtype=jnp.float32)
    beta = jnp.zeros((HIDDEN,), dtype=jnp.float32)
    return {
        "token": token,
        "segment": segment,
        "token_table": token_table,
        "segment_table": segment_table,
        "position_table": position_table,
        "gamma": gamma,
        "beta": beta,
    }


def reference(token, segment, token_table, segment_table, position_table, gamma, beta):
    # token embedding lookup (gather)
    te = jnp.take(token_table, token, axis=0)
    # segment embedding lookup
    se = jnp.take(segment_table, segment, axis=0)
    out = te + se
    seq_len = token.shape[1]
    position_ids = jnp.arange(seq_len)
    pe = jnp.take(position_table, position_ids, axis=0)
    out = out + pe[None, :, :]
    # Dropout in inference mode = identity
    # LayerNormalization (Keras default epsilon=1e-3, axis=-1)
    mean = jnp.mean(out, axis=-1, keepdims=True)
    var = jnp.var(out, axis=-1, keepdims=True)
    out = (out - mean) / jnp.sqrt(var + 1e-3)
    out = out * gamma + beta
    return out

if __name__ == "__main__":
    import jax
    _d = setup_inputs()
    print(jax.jit(kernel)(*tuple(_d.values())))

</pallas_src>

<mosaic_0001>
#map = affine_map<(d0, d1) -> (0, 0, 0)>
#map1 = affine_map<(d0, d1) -> (0)>
#map2 = affine_map<(d0, d1) -> (0, 0)>
module attributes {stable_mosaic.version = 14 : i64} {
  func.func @_sc_body(%arg0: i32, %arg1: i32, %arg2: memref<32x100x64xi32, #tpu.memory_space<hbm>>, %arg3: memref<204800xi32, #tpu.memory_space<hbm>>, %arg4: memref<1000000x128xf32, #tpu.memory_space<hbm>>, %arg5: memref<256xf32, #tpu.memory_space<hbm>>, %arg6: memref<65536xf32, #tpu.memory_space<hbm>>, %arg7: memref<128xf32, #tpu.memory_space<hbm>>, %arg8: memref<128xf32, #tpu.memory_space<hbm>>, %arg9: memref<204800x128xf32, #tpu.memory_space<hbm>>, %arg10: memref<51200xf32, #tpu.memory_space<vmem>>, %arg11: memref<64x128xf32, #tpu.memory_space<vmem>>, %arg12: memref<64x128xf32, #tpu.memory_space<vmem>>, %arg13: memref<64x128xf32, #tpu.memory_space<vmem>>, %arg14: memref<64x128xf32, #tpu.memory_space<vmem>>, %arg15: memref<64x128xf32, #tpu.memory_space<vmem>>, %arg16: memref<100x64xi32, #tpu.memory_space<vmem>>, %arg17: memref<6400xi32, #tpu.memory_space<vmem>>, %arg18: memref<128xf32, #tpu.memory_space<vmem>>, %arg19: memref<128xf32, #tpu.memory_space<vmem>>, %arg20: memref<256xf32, #tpu.memory_space<vmem>>, %arg21: memref<!tpu.dma_semaphore, #tpu.memory_space<semaphore_mem>>, %arg22: memref<!tpu.dma_semaphore, #tpu.memory_space<semaphore_mem>>, %arg23: memref<!tpu.dma_semaphore, #tpu.memory_space<semaphore_mem>>) attributes {dimension_semantics = [#tpu.dimension_semantics<core_parallel>, #tpu.dimension_semantics<subcore_parallel>], iteration_bounds = array<i64: 2, 16>, scalar_prefetch = 0 : i64, scratch_operands = 14 : i64, tpu.core_type = #tpu.core_type<sc_vector_subcore>, window_params = [{transform_indices = #map}, {transform_indices = #map1}, {transform_indices = #map2}, {transform_indices = #map1}, {transform_indices = #map1}, {transform_indices = #map1}, {transform_indices = #map1}, {transform_indices = #map2}]} {
    %mul3A = arith.constant 2 : i32
    %mul3A_0 = arith.muli %arg1, %mul3A : i32
    %add3A = arith.addi %mul3A_0, %arg0 : i32
    %mul3A_1 = arith.constant 6400 : i32
    %mul3A_2 = arith.muli %add3A, %mul3A_1 : i32
    "tpu.region"() ({
      %run_scoped3A = tpu.sem_alloc : memref<!tpu.dma_semaphore, #tpu.memory_space<semaphore_mem>>
      tpu.enqueue_dma source(%arg7 : memref<128xf32, #tpu.memory_space<hbm>>) target(%arg18 : memref<128xf32, #tpu.memory_space<vmem>>) target_semaphore(%run_scoped3A : memref<!tpu.dma_semaphore, #tpu.memory_space<semaphore_mem>>)
      tpu.wait_dma2 semaphore(%run_scoped3A : memref<!tpu.dma_semaphore, #tpu.memory_space<semaphore_mem>>) src(%arg7 : memref<128xf32, #tpu.memory_space<hbm>>) dst(%arg18 : memref<128xf32, #tpu.memory_space<vmem>>)
      tpu.yield
    }) : () -> ()
    "tpu.region"() ({
      %run_scoped3A = tpu.sem_alloc : memref<!tpu.dma_semaphore, #tpu.memory_space<semaphore_mem>>
      tpu.enqueue_dma source(%arg8 : memref<128xf32, #tpu.memory_space<hbm>>) target(%arg19 : memref<128xf32, #tpu.memory_space<vmem>>) target_semaphore(%run_scoped3A : memref<!tpu.dma_semaphore, #tpu.memory_space<semaphore_mem>>)
      tpu.wait_dma2 semaphore(%run_scoped3A : memref<!tpu.dma_semaphore, #tpu.memory_space<semaphore_mem>>) src(%arg8 : memref<128xf32, #tpu.memory_space<hbm>>) dst(%arg19 : memref<128xf32, #tpu.memory_space<vmem>>)
      tpu.yield
    }) : () -> ()
    "tpu.region"() ({
      %run_scoped3A = tpu.sem_alloc : memref<!tpu.dma_semaphore, #tpu.memory_space<semaphore_mem>>
      tpu.enqueue_dma source(%arg5 : memref<256xf32, #tpu.memory_space<hbm>>) target(%arg20 : memref<256xf32, #tpu.memory_space<vmem>>) target_semaphore(%run_scoped3A : memref<!tpu.dma_semaphore, #tpu.memory_space<semaphore_mem>>)
      tpu.wait_dma2 semaphore(%run_scoped3A : memref<!tpu.dma_semaphore, #tpu.memory_space<semaphore_mem>>) src(%arg5 : memref<256xf32, #tpu.memory_space<hbm>>) dst(%arg20 : memref<256xf32, #tpu.memory_space<vmem>>)
      tpu.yield
    }) : () -> ()
    "tpu.region"() ({
      %run_scoped3A = tpu.sem_alloc : memref<!tpu.dma_semaphore, #tpu.memory_space<semaphore_mem>>
      %dma_start3A_137 = arith.constant 0 : i32
      %dma_start3A_138 = arith.constant 0 : i32
      %dma_start3A_139 = tpu.memref_slice %arg2[%add3A, %dma_start3A_137, %dma_start3A_138] : memref<32x100x64xi32, #tpu.memory_space<hbm>> -> memref<1x100x64xi32, #tpu.memory_space<hbm>>
      %dma_start3A_140 = tpu.memref_squeeze %dma_start3A_139 : memref<1x100x64xi32, #tpu.memory_space<hbm>> -> memref<100x64xi32, #tpu.memory_space<hbm>>
      %dma_start3A_141 = arith.constant 0 : i32
      %dma_start3A_142 = arith.constant 0 : i32
      %dma_start3A_143 = tpu.memref_slice %arg2[%add3A, %dma_start3A_141, %dma_start3A_142] : memref<32x100x64xi32, #tpu.memory_space<hbm>> -> memref<1x100x64xi32, #tpu.memory_space<hbm>>
      %dma_start3A_144 = tpu.memref_squeeze %dma_start3A_143 : memref<1x100x64xi32, #tpu.memory_space<hbm>> -> memref<100x64xi32, #tpu.memory_space<hbm>>
      tpu.enqueue_dma source(%dma_start3A_144 : memref<100x64xi32, #tpu.memory_space<hbm>>) target(%arg16 : memref<100x64xi32, #tpu.memory_space<vmem>>) target_semaphore(%run_scoped3A : memref<!tpu.dma_semaphore, #tpu.memory_space<semaphore_mem>>)
      %dma_wait3A_145 = arith.constant 0 : i32
      %dma_wait3A_146 = arith.constant 0 : i32
      %dma_wait3A_147 = tpu.memref_slice %arg2[%add3A, %dma_wait3A_145, %dma_wait3A_146] : memref<32x100x64xi32, #tpu.memory_space<hbm>> -> memref<1x100x64xi32, #tpu.memory_space<hbm>>
      %dma_wait3A_148 = tpu.memref_squeeze %dma_wait3A_147 : memref<1x100x64xi32, #tpu.memory_space<hbm>> -> memref<100x64xi32, #tpu.memory_space<hbm>>
      %dma_wait3A_149 = arith.constant 0 : i32
      %dma_wait3A_150 = arith.constant 0 : i32
      %dma_wait3A_151 = tpu.memref_slice %arg2[%add3A, %dma_wait3A_149, %dma_wait3A_150] : memref<32x100x64xi32, #tpu.memory_space<hbm>> -> memref<1x100x64xi32, #tpu.memory_space<hbm>>
      %dma_wait3A_152 = tpu.memref_squeeze %dma_wait3A_151 : memref<1x100x64xi32, #tpu.memory_space<hbm>> -> memref<100x64xi32, #tpu.memory_space<hbm>>
      tpu.wait_dma2 semaphore(%run_scoped3A : memref<!tpu.dma_semaphore, #tpu.memory_space<semaphore_mem>>) src(%dma_wait3A_152 : memref<100x64xi32, #tpu.memory_space<hbm>>) dst(%arg16 : memref<100x64xi32, #tpu.memory_space<vmem>>)
      tpu.yield
    }) : () -> ()
    "tpu.region"() ({
      %run_scoped3A = tpu.sem_alloc : memref<!tpu.dma_semaphore, #tpu.memory_space<semaphore_mem>>
      %dma_start3A_137 = arith.constant 0 : i32
      %dma_start3A_138 = tpu.memref_slice %arg10[%dma_start3A_137] : memref<51200xf32, #tpu.memory_space<vmem>> -> memref<25600xf32, #tpu.memory_space<vmem>>
      %dma_start3A_139 = arith.constant 0 : i32
      %dma_start3A_140 = tpu.memref_slice %arg6[%dma_start3A_139] : memref<65536xf32, #tpu.memory_space<hbm>> -> memref<25600xf32, #tpu.memory_space<hbm>>
      %dma_start3A_141 = arith.constant 0 : i32
      %dma_start3A_142 = tpu.memref_slice %arg10[%dma_start3A_141] : memref<51200xf32, #tpu.memory_space<vmem>> -> memref<25600xf32, #tpu.memory_space<vmem>>
      %dma_start3A_143 = arith.constant 0 : i32
      %dma_start3A_144 = tpu.memref_slice %arg6[%dma_start3A_143] : memref<65536xf32, #tpu.memory_space<hbm>> -> memref<25600xf32, #tpu.memory_space<hbm>>
      tpu.enqueue_dma source(%dma_start3A_144 : memref<25600xf32, #tpu.memory_space<hbm>>) target(%dma_start3A_142 : memref<25600xf32, #tpu.memory_space<vmem>>) target_semaphore(%run_scoped3A : memref<!tpu.dma_semaphore, #tpu.memory_space<semaphore_mem>>)
      %dma_wait3A_145 = arith.constant 0 : i32
      %dma_wait3A_146 = tpu.memref_slice %arg10[%dma_wait3A_145] : memref<51200xf32, #tpu.memory_space<vmem>> -> memref<25600xf32, #tpu.memory_space<vmem>>
      %dma_wait3A_147 = arith.constant 0 : i32
      %dma_wait3A_148 = tpu.memref_slice %arg6[%dma_wait3A_147] : memref<65536xf32, #tpu.memory_space<hbm>> -> memref<25600xf32, #tpu.memory_space<hbm>>
      %dma_wait3A_149 = arith.constant 0 : i32
      %dma_wait3A_150 = tpu.memref_slice %arg10[%dma_wait3A_149] : memref<51200xf32, #tpu.memory_space<vmem>> -> memref<25600xf32, #tpu.memory_space<vmem>>
      %dma_wait3A_151 = arith.constant 0 : i32
      %dma_wait3A_152 = tpu.memref_slice %arg6[%dma_wait3A_151] : memref<65536xf32, #tpu.memory_space<hbm>> -> memref<25600xf32, #tpu.memory_space<hbm>>
      tpu.wait_dma2 semaphore(%run_scoped3A : memref<!tpu.dma_semaphore, #tpu.memory_space<semaphore_mem>>) src(%dma_wait3A_152 : memref<25600xf32, #tpu.memory_space<hbm>>) dst(%dma_wait3A_150 : memref<25600xf32, #tpu.memory_space<vmem>>)
      tpu.yield
    }) : () -> ()
    "tpu.region"() ({
      %run_scoped3A = tpu.sem_alloc : memref<!tpu.dma_semaphore, #tpu.memory_space<semaphore_mem>>
      %dma_start3A_137 = arith.constant 25600 : i32
      %dma_start3A_138 = tpu.memref_slice %arg10[%dma_start3A_137] : memref<51200xf32, #tpu.memory_space<vmem>> -> memref<25600xf32, #tpu.memory_space<vmem>>
      %dma_start3A_139 = arith.constant 0 : i32
      %dma_start3A_140 = tpu.memref_slice %arg6[%dma_start3A_139] : memref<65536xf32, #tpu.memory_space<hbm>> -> memref<25600xf32, #tpu.memory_space<hbm>>
      %dma_start3A_141 = arith.constant 25600 : i32
      %dma_start3A_142 = tpu.memref_slice %arg10[%dma_start3A_141] : memref<51200xf32, #tpu.memory_space<vmem>> -> memref<25600xf32, #tpu.memory_space<vmem>>
      %dma_start3A_143 = arith.constant 0 : i32
      %dma_start3A_144 = tpu.memref_slice %arg6[%dma_start3A_143] : memref<65536xf32, #tpu.memory_space<hbm>> -> memref<25600xf32, #tpu.memory_space<hbm>>
      tpu.enqueue_dma source(%dma_start3A_144 : memref<25600xf32, #tpu.memory_space<hbm>>) target(%dma_start3A_142 : memref<25600xf32, #tpu.memory_space<vmem>>) target_semaphore(%run_scoped3A : memref<!tpu.dma_semaphore, #tpu.memory_space<semaphore_mem>>)
      %dma_wait3A_145 = arith.constant 25600 : i32
      %dma_wait3A_146 = tpu.memref_slice %arg10[%dma_wait3A_145] : memref<51200xf32, #tpu.memory_space<vmem>> -> memref<25600xf32, #tpu.memory_space<vmem>>
      %dma_wait3A_147 = arith.constant 0 : i32
      %dma_wait3A_148 = tpu.memref_slice %arg6[%dma_wait3A_147] : memref<65536xf32, #tpu.memory_space<hbm>> -> memref<25600xf32, #tpu.memory_space<hbm>>
      %dma_wait3A_149 = arith.constant 25600 : i32
      %dma_wait3A_150 = tpu.memref_slice %arg10[%dma_wait3A_149] : memref<51200xf32, #tpu.memory_space<vmem>> -> memref<25600xf32, #tpu.memory_space<vmem>>
      %dma_wait3A_151 = arith.constant 0 : i32
      %dma_wait3A_152 = tpu.memref_slice %arg6[%dma_wait3A_151] : memref<65536xf32, #tpu.memory_space<hbm>> -> memref<25600xf32, #tpu.memory_space<hbm>>
      tpu.wait_dma2 semaphore(%run_scoped3A : memref<!tpu.dma_semaphore, #tpu.memory_space<semaphore_mem>>) src(%dma_wait3A_152 : memref<25600xf32, #tpu.memory_space<hbm>>) dst(%dma_wait3A_150 : memref<25600xf32, #tpu.memory_space<vmem>>)
      tpu.yield
    }) : () -> ()
    %scan3A = arith.constant 0 : i32
    %scan3A_3 = arith.constant 0 : i32
    %scan3A_4 = arith.constant 200 : i32
    %scan3A_5 = arith.addi %scan3A_3, %scan3A_4 : i32
    %scan3A_6 = arith.constant 1 : i32
    scf.for %scan3A_137 = %scan3A_3 to %scan3A_5 step %scan3A_6  : i32 {
      %mul3A_138 = arith.constant 128 : i32
      %mul3A_139 = arith.muli %scan3A_137, %mul3A_138 : i32
      %add3A_140 = arith.constant 0 : i32
      %add3A_141 = arith.addi %add3A_140, %mul3A_139 : i32
      %add3A_142 = arith.constant 0 : i32
      %add3A_143 = arith.addi %add3A_141, %add3A_142 : i32
      %get3A_144 = arith.index_cast %add3A_143 : i32 to index
      %get3A_145 = tpu.vector_load %arg10[%get3A_144] {strides = array<i32>} : memref<51200xf32, #tpu.memory_space<vmem>>, vector<16xf32>,
      %get3A_146 = arith.constant 0 : index
      %get3A_147 = tpu.vector_load %arg20[%get3A_146] {strides = array<i32>} : memref<256xf32, #tpu.memory_space<vmem>>, vector<16xf32>,
      %add3A_148 = arith.addf %get3A_145, %get3A_147 : vector<16xf32>
      %swap3A = arith.index_cast %add3A_143 : i32 to index
      %swap3A_149 = tpu.vector_load %arg10[%swap3A] {strides = array<i32>} : memref<51200xf32, #tpu.memory_space<vmem>>, vector<16xf32>,
      tpu.vector_store %arg10[%swap3A], %add3A_148 {strides = array<i32>} : memref<51200xf32, #tpu.memory_space<vmem>>, vector<16xf32>,
      %add3A_150 = arith.constant 0 : i32
      %add3A_151 = arith.addi %add3A_150, %mul3A_139 : i32
      %add3A_152 = arith.constant 16 : i32
      %add3A_153 = arith.addi %add3A_151, %add3A_152 : i32
      %get3A_154 = arith.index_cast %add3A_153 : i32 to index
      %get3A_155 = tpu.vector_load %arg10[%get3A_154] {strides = array<i32>} : memref<51200xf32, #tpu.memory_space<vmem>>, vector<16xf32>,
      %get3A_156 = arith.constant 16 : index
      %get3A_157 = tpu.vector_load %arg20[%get3A_156] {strides = array<i32>} : memref<256xf32, #tpu.memory_space<vmem>>, vector<16xf32>,
      %add3A_158 = arith.addf %get3A_155, %get3A_157 : vector<16xf32>
      %swap3A_159 = arith.index_cast %add3A_153 : i32 to index
      %swap3A_160 = tpu.vector_load %arg10[%swap3A_159] {strides = array<i32>} : memref<51200xf32, #tpu.memory_space<vmem>>, vector<16xf32>,
      tpu.vector_store %arg10[%swap3A_159], %add3A_158 {strides = array<i32>} : memref<51200xf32, #tpu.memory_space<vmem>>, vector<16xf32>,
      %add3A_161 = arith.constant 0 : i32
      %add3A_162 = arith.addi %add3A_161, %mul3A_139 : i32
      %add3A_163 = arith.constant 32 : i32
      %add3A_164 = arith.addi %add3A_162, %add3A_163 : i32
      %get3A_165 = arith.index_cast %add3A_164 : i32 to index
      %get3A_166 = tpu.vector_load %arg10[%get3A_165] {strides = array<i32>} : memref<51200xf32, #tpu.memory_space<vmem>>, vector<16xf32>,
      %get3A_167 = arith.constant 32 : index
      %get3A_168 = tpu.vector_load %arg20[%get3A_167] {strides = array<i32>} : memref<256xf32, #tpu.memory_space<vmem>>, vector<16xf32>,
      %add3A_169 = arith.addf %get3A_166, %get3A_168 : vector<16xf32>
      %swap3A_170 = arith.index_cast %add3A_164 : i32 to index
      %swap3A_171 = tpu.vector_load %arg10[%swap3A_170] {strides = array<i32>} : memref<51200xf32, #tpu.memory_space<vmem>>, vector<16xf32>,
      tpu.vector_store %arg10[%swap3A_170], %add3A_169 {strides = array<i32>} : memref<51200xf32, #tpu.memory_space<vmem>>, vector<16xf32>,
      %add3A_172 = arith.constant 0 : i32
      %add3A_173 = arith.addi %add3A_172, %mul3A_139 : i32
      %add3A_174 = arith.constant 48 : i32
      %add3A_175 = arith.addi %add3A_173, %add3A_174 : i32
      %get3A_176 = arith.index_cast %add3A_175 : i32 to index
      %get3A_177 = tpu.vector_load %arg10[%get3A_176] {strides = array<i32>} : memref<51200xf32, #tpu.memory_space<vmem>>, vector<16xf32>,
      %get3A_178 = arith.constant 48 : index
      %get3A_179 = tpu.vector_load %arg20[%get3A_178] {strides = array<i32>} : memref<256xf32, #tpu.memory_space<vmem>>, vector<16xf32>,
      %add3A_180 = arith.addf %get3A_177, %get3A_179 : vector<16xf32>
      %swap3A_181 = arith.index_cast %add3A_175 : i32 to index
      %swap3A_182 = tpu.vector_load %arg10[%swap3A_181] {strides = array<i32>} : memref<51200xf32, #tpu.memory_space<vmem>>, vector<16xf32>,
      tpu.vector_store %arg10[%swap3A_181], %add3A_180 {strides = array<i32>} : memref<51200xf32, #tpu.memory_space<vmem>>, vector<16xf32>,
      %add3A_183 = arith.constant 0 : i32
      %add3A_184 = arith.addi %add3A_183, %mul3A_139 : i32
      %add3A_185 = arith.constant 64 : i32
      %add3A_186 = arith.addi %add3A_184, %add3A_185 : i32
      %get3A_187 = arith.index_cast %add3A_186 : i32 to index
      %get3A_188 = tpu.vector_load %arg10[%get3A_187] {strides = array<i32>} : memref<51200xf32, #tpu.memory_space<vmem>>, vector<16xf32>,
      %get3A_189 = arith.constant 64 : index
      %get3A_190 = tpu.vector_load %arg20[%get3A_189] {strides = array<i32>} : memref<256xf32, #tpu.memory_space<vmem>>, vector<16xf32>,
      %add3A_191 = arith.addf %get3A_188, %get3A_190 : vector<16xf32>
      %swap3A_192 = arith.index_cast %add3A_186 : i32 to index
      %swap3A_193 = tpu.vector_load %arg10[%swap3A_192] {strides = array<i32>} : memref<51200xf32, #tpu.memory_space<vmem>>, vector<16xf32>,
      tpu.vector_store %arg10[%swap3A_192], %add3A_191 {strides = array<i32>} : memref<51200xf32, #tpu.memory_space<vmem>>, vector<16xf32>,
      %add3A_194 = arith.constant 0 : i32
      %add3A_195 = arith.addi %add3A_194, %mul3A_139 : i32
      %add3A_196 = arith.constant 80 : i32
      %add3A_197 = arith.addi %add3A_195, %add3A_196 : i32
      %get3A_198 = arith.index_cast %add3A_197 : i32 to index
      %get3A_199 = tpu.vector_load %arg10[%get3A_198] {strides = array<i32>} : memref<51200xf32, #tpu.memory_space<vmem>>, vector<16xf32>,
      %get3A_200 = arith.constant 80 : index
      %get3A_201 = tpu.vector_load %arg20[%get3A_200] {strides = array<i32>} : memref<256xf32, #tpu.memory_space<vmem>>, vector<16xf32>,
      %add3A_202 = arith.addf %get3A_199, %get3A_201 : vector<16xf32>
      %swap3A_203 = arith.index_cast %add3A_197 : i32 to index
      %swap3A_204 = tpu.vector_load %arg10[%swap3A_203] {strides = array<i32>} : memref<51200xf32, #tpu.memory_space<vmem>>, vector<16xf32>,
      tpu.vector_store %arg10[%swap3A_203], %add3A_202 {strides = array<i32>} : memref<51200xf32, #tpu.memory_space<vmem>>, vector<16xf32>,
      %add3A_205 = arith.constant 0 : i32
      %add3A_206 = arith.addi %add3A_205, %mul3A_139 : i32
      %add3A_207 = arith.constant 96 : i32
      %add3A_208 = arith.addi %add3A_206, %add3A_207 : i32
      %get3A_209 = arith.index_cast %add3A_208 : i32 to index
      %get3A_210 = tpu.vector_load %arg10[%get3A_209] {strides = array<i32>} : memref<51200xf32, #tpu.memory_space<vmem>>, vector<16xf32>,
      %get3A_211 = arith.constant 96 : index
      %get3A_212 = tpu.vector_load %arg20[%get3A_211] {strides = array<i32>} : memref<256xf32, #tpu.memory_space<vmem>>, vector<16xf32>,
      %add3A_213 = arith.addf %get3A_210, %get3A_212 : vector<16xf32>
      %swap3A_214 = arith.index_cast %add3A_208 : i32 to index
      %swap3A_215 = tpu.vector_load %arg10[%swap3A_214] {strides = array<i32>} : memref<51200xf32, #tpu.memory_space<vmem>>, vector<16xf32>,
      tpu.vector_store %arg10[%swap3A_214], %add3A_213 {strides = array<i32>} : memref<51200xf32, #tpu.memory_space<vmem>>, vector<16xf32>,
      %add3A_216 = arith.constant 0 : i32
      %add3A_217 = arith.addi %add3A_216, %mul3A_139 : i32
      %add3A_218 = arith.constant 112 : i32
      %add3A_219 = arith.addi %add3A_217, %add3A_218 : i32
      %get3A_220 = arith.index_cast %add3A_219 : i32 to index
      %get3A_221 = tpu.vector_load %arg10[%get3A_220] {strides = array<i32>} : memref<51200xf32, #tpu.memory_space<vmem>>, vector<16xf32>,
      %get3A_222 = arith.constant 112 : index
      %get3A_223 = tpu.vector_load %arg20[%get3A_222] {strides = array<i32>} : memref<256xf32, #tpu.memory_space<vmem>>, vector<16xf32>,
      %add3A_224 = arith.addf %get3A_221, %get3A_223 : vector<16xf32>
      %swap3A_225 = arith.index_cast %add3A_219 : i32 to index
      %swap3A_226 = tpu.vector_load %arg10[%swap3A_225] {strides = array<i32>} : memref<51200xf32, #tpu.memory_space<vmem>>, vector<16xf32>,
      tpu.vector_store %arg10[%swap3A_225], %add3A_224 {strides = array<i32>} : memref<51200xf32, #tpu.memory_space<vmem>>, vector<16xf32>,
      %add3A_227 = arith.constant 25600 : i32
      %add3A_228 = arith.addi %add3A_227, %mul3A_139 : i32
      %add3A_229 = arith.constant 0 : i32
      %add3A_230 = arith.addi %add3A_228, %add3A_229 : i32
      %get3A_231 = arith.index_cast %add3A_230 : i32 to index
      %get3A_232 = tpu.vector_load %arg10[%get3A_231] {strides = array<i32>} : memref<51200xf32, #tpu.memory_space<vmem>>, vector<16xf32>,
      %get3A_233 = arith.constant 128 : index
      %get3A_234 = tpu.vector_load %arg20[%get3A_233] {strides = array<i32>} : memref<256xf32, #tpu.memory_space<vmem>>, vector<16xf32>,
      %add3A_235 = arith.addf %get3A_232, %get3A_234 : vector<16xf32>
      %swap3A_236 = arith.index_cast %add3A_230 : i32 to index
      %swap3A_237 = tpu.vector_load %arg10[%swap3A_236] {strides = array<i32>} : memref<51200xf32, #tpu.memory_space<vmem>>, vector<16xf32>,
      tpu.vector_store %arg10[%swap3A_236], %add3A_235 {strides = array<i32>} : memref<51200xf32, #tpu.memory_space<vmem>>, vector<16xf32>,
      %add3A_238 = arith.constant 25600 : i32
      %add3A_239 = arith.addi %add3A_238, %mul3A_139 : i32
      %add3A_240 = arith.constant 16 : i32
      %add3A_241 = arith.addi %add3A_239, %add3A_240 : i32
      %get3A_242 = arith.index_cast %add3A_241 : i32 to index
      %get3A_243 = tpu.vector_load %arg10[%get3A_242] {strides = array<i32>} : memref<51200xf32, #tpu.memory_space<vmem>>, vector<16xf32>,
      %get3A_244 = arith.constant 144 : index
      %get3A_245 = tpu.vector_load %arg20[%get3A_244] {strides = array<i32>} : memref<256xf32, #tpu.memory_space<vmem>>, vector<16xf32>,
      %add3A_246 = arith.addf %get3A_243, %get3A_245 : vector<16xf32>
      %swap3A_247 = arith.index_cast %add3A_241 : i32 to index
      %swap3A_248 = tpu.vector_load %arg10[%swap3A_247] {strides = array<i32>} : memref<51200xf32, #tpu.memory_space<vmem>>, vector<16xf32>,
      tpu.vector_store %arg10[%swap3A_247], %add3A_246 {strides = array<i32>} : memref<51200xf32, #tpu.memory_space<vmem>>, vector<16xf32>,
      %add3A_249 = arith.constant 25600 : i32
      %add3A_250 = arith.addi %add3A_249, %mul3A_139 : i32
      %add3A_251 = arith.constant 32 : i32
      %add3A_252 = arith.addi %add3A_250, %add3A_251 : i32
      %get3A_253 = arith.index_cast %add3A_252 : i32 to index
      %get3A_254 = tpu.vector_load %arg10[%get3A_253] {strides = array<i32>} : memref<51200xf32, #tpu.memory_space<vmem>>, vector<16xf32>,
      %get3A_255 = arith.constant 160 : index
      %get3A_256 = tpu.vector_load %arg20[%get3A_255] {strides = array<i32>} : memref<256xf32, #tpu.memory_space<vmem>>, vector<16xf32>,
      %add3A_257 = arith.addf %get3A_254, %get3A_256 : vector<16xf32>
      %swap3A_258 = arith.index_cast %add3A_252 : i32 to index
      %swap3A_259 = tpu.vector_load %arg10[%swap3A_258] {strides = array<i32>} : memref<51200xf32, #tpu.memory_space<vmem>>, vector<16xf32>,
      tpu.vector_store %arg10[%swap3A_258], %add3A_257 {strides = array<i32>} : memref<51200xf32, #tpu.memory_space<vmem>>, vector<16xf32>,
      %add3A_260 = arith.constant 25600 : i32
      %add3A_261 = arith.addi %add3A_260, %mul3A_139 : i32
      %add3A_262 = arith.constant 48 : i32
      %add3A_263 = arith.addi %add3A_261, %add3A_262 : i32
      %get3A_264 = arith.index_cast %add3A_263 : i32 to index
      %get3A_265 = tpu.vector_load %arg10[%get3A_264] {strides = array<i32>} : memref<51200xf32, #tpu.memory_space<vmem>>, vector<16xf32>,
      %get3A_266 = arith.constant 176 : index
      %get3A_267 = tpu.vector_load %arg20[%get3A_266] {strides = array<i32>} : memref<256xf32, #tpu.memory_space<vmem>>, vector<16xf32>,
      %add3A_268 = arith.addf %get3A_265, %get3A_267 : vector<16xf32>
      %swap3A_269 = arith.index_cast %add3A_263 : i32 to index
      %swap3A_270 = tpu.vector_load %arg10[%swap3A_269] {strides = array<i32>} : memref<51200xf32, #tpu.memory_space<vmem>>, vector<16xf32>,
      tpu.vector_store %arg10[%swap3A_269], %add3A_268 {strides = array<i32>} : memref<51200xf32, #tpu.memory_space<vmem>>, vector<16xf32>,
      %add3A_271 = arith.constant 25600 : i32
      %add3A_272 = arith.addi %add3A_271, %mul3A_139 : i32
      %add3A_273 = arith.constant 64 : i32
      %add3A_274 = arith.addi %add3A_272, %add3A_273 : i32
      %get3A_275 = arith.index_cast %add3A_274 : i32 to index
      %get3A_276 = tpu.vector_load %arg10[%get3A_275] {strides = array<i32>} : memref<51200xf32, #tpu.memory_space<vmem>>, vector<16xf32>,
      %get3A_277 = arith.constant 192 : index
      %get3A_278 = tpu.vector_load %arg20[%get3A_277] {strides = array<i32>} : memref<256xf32, #tpu.memory_space<vmem>>, vector<16xf32>,
      %add3A_279 = arith.addf %get3A_276, %get3A_278 : vector<16xf32>
      %swap3A_280 = arith.index_cast %add3A_274 : i32 to index
      %swap3A_281 = tpu.vector_load %arg10[%swap3A_280] {strides = array<i32>} : memref<51200xf32, #tpu.memory_space<vmem>>, vector<16xf32>,
      tpu.vector_store %arg10[%swap3A_280], %add3A_279 {strides = array<i32>} : memref<51200xf32, #tpu.memory_space<vmem>>, vector<16xf32>,
      %add3A_282 = arith.constant 25600 : i32
      %add3A_283 = arith.addi %add3A_282, %mul3A_139 : i32
      %add3A_284 = arith.constant 80 : i32
      %add3A_285 = arith.addi %add3A_283, %add3A_284 : i32
      %get3A_286 = arith.index_cast %add3A_285 : i32 to index
      %get3A_287 = tpu.vector_load %arg10[%get3A_286] {strides = array<i32>} : memref<51200xf32, #tpu.memory_space<vmem>>, vector<16xf32>,
      %get3A_288 = arith.constant 208 : index
      %get3A_289 = tpu.vector_load %arg20[%get3A_288] {strides = array<i32>} : memref<256xf32, #tpu.memory_space<vmem>>, vector<16xf32>,
      %add3A_290 = arith.addf %get3A_287, %get3A_289 : vector<16xf32>
      %swap3A_291 = arith.index_cast %add3A_285 : i32 to index
      %swap3A_292 = tpu.vector_load %arg10[%swap3A_291] {strides = array<i32>} : memref<51200xf32, #tpu.memory_space<vmem>>, vector<16xf32>,
      tpu.vector_store %arg10[%swap3A_291], %add3A_290 {strides = array<i32>} : memref<51200xf32, #tpu.memory_space<vmem>>, vector<16xf32>,
      %add3A_293 = arith.constant 25600 : i32
      %add3A_294 = arith.addi %add3A_293, %mul3A_139 : i32
      %add3A_295 = arith.constant 96 : i32
      %add3A_296 = arith.addi %add3A_294, %add3A_295 : i32
      %get3A_297 = arith.index_cast %add3A_296 : i32 to index
      %get3A_298 = tpu.vector_load %arg10[%get3A_297] {strides = array<i32>} : memref<51200xf32, #tpu.memory_space<vmem>>, vector<16xf32>,
      %get3A_299 = arith.constant 224 : index
      %get3A_300 = tpu.vector_load %arg20[%get3A_299] {strides = array<i32>} : memref<256xf32, #tpu.memory_space<vmem>>, vector<16xf32>,
      %add3A_301 = arith.addf %get3A_298, %get3A_300 : vector<16xf32>
      %swap3A_302 = arith.index_cast %add3A_296 : i32 to index
      %swap3A_303 = tpu.vector_load %arg10[%swap3A_302] {strides = array<i32>} : memref<51200xf32, #tpu.memory_space<vmem>>, vector<16xf32>,
      tpu.vector_store %arg10[%swap3A_302], %add3A_301 {strides = array<i32>} : memref<51200xf32, #tpu.memory_space<vmem>>, vector<16xf32>,
      %add3A_304 = arith.constant 25600 : i32
      %add3A_305 = arith.addi %add3A_304, %mul3A_139 : i32
      %add3A_306 = arith.constant 112 : i32
      %add3A_307 = arith.addi %add3A_305, %add3A_306 : i32
      %get3A_308 = arith.index_cast %add3A_307 : i32 to index
      %get3A_309 = tpu.vector_load %arg10[%get3A_308] {strides = array<i32>} : memref<51200xf32, #tpu.memory_space<vmem>>, vector<16xf32>,
      %get3A_310 = arith.constant 240 : index
      %get3A_311 = tpu.vector_load %arg20[%get3A_310] {strides = array<i32>} : memref<256xf32, #tpu.memory_space<vmem>>, vector<16xf32>,
      %add3A_312 = arith.addf %get3A_309, %get3A_311 : vector<16xf32>
      %swap3A_313 = arith.index_cast %add3A_307 : i32 to index
      %swap3A_314 = tpu.vector_load %arg10[%swap3A_313] {strides = array<i32>} : memref<51200xf32, #tpu.memory_space<vmem>>, vector<16xf32>,
      tpu.vector_store %arg10[%swap3A_313], %add3A_312 {strides = array<i32>} : memref<51200xf32, #tpu.memory_space<vmem>>, vector<16xf32>,
    }
    %scan3A_7 = arith.constant 200 : i32
    %dma_start3A = tpu.memref_slice %arg3[%mul3A_2] : memref<204800xi32, #tpu.memory_space<hbm>> -> memref<6400xi32, #tpu.memory_space<hbm>>
    %dma_start3A_8 = tpu.memref_slice %arg3[%mul3A_2] : memref<204800xi32, #tpu.memory_space<hbm>> -> memref<6400xi32, #tpu.memory_space<hbm>>
    tpu.enqueue_dma source(%dma_start3A_8 : memref<6400xi32, #tpu.memory_space<hbm>>) target(%arg17 : memref<6400xi32, #tpu.memory_space<vmem>>) target_semaphore(%arg23 : memref<!tpu.dma_semaphore, #tpu.memory_space<semaphore_mem>>)
    %dma_wait3A = tpu.memref_slice %arg3[%mul3A_2] : memref<204800xi32, #tpu.memory_space<hbm>> -> memref<6400xi32, #tpu.memory_space<hbm>>
    %dma_wait3A_9 = tpu.memref_slice %arg3[%mul3A_2] : memref<204800xi32, #tpu.memory_space<hbm>> -> memref<6400xi32, #tpu.memory_space<hbm>>
    tpu.wait_dma2 semaphore(%arg23 : memref<!tpu.dma_semaphore, #tpu.memory_space<semaphore_mem>>) src(%dma_wait3A_9 : memref<6400xi32, #tpu.memory_space<hbm>>) dst(%arg17 : memref<6400xi32, #tpu.memory_space<vmem>>)
    %scan3A_10 = arith.constant 0 : i32
    %scan3A_11 = arith.constant 0 : i32
    %scan3A_12 = arith.constant 400 : i32
    %scan3A_13 = arith.addi %scan3A_11, %scan3A_12 : i32
    %scan3A_14 = arith.constant 1 : i32
    scf.for %scan3A_137 = %scan3A_11 to %scan3A_13 step %scan3A_14  : i32 {
      %iota3A_138 = tpu.iota {dimensions = array<i32: 0>} : vector<16xi32>
      %mul3A_139 = arith.constant 16 : i32
      %mul3A_140 = arith.muli %scan3A_137, %mul3A_139 : i32
      %add3A_141 = arith.addi %mul3A_2, %mul3A_140 : i32
      %add3A_142 = vector.broadcast %add3A_141 : i32 to vector<16xi32>
      %add3A_143 = arith.addi %iota3A_138, %add3A_142 : vector<16xi32>
      %rem3A = arith.constant 200 : i32
      %rem3A_144 = vector.broadcast %rem3A : i32 to vector<16xi32>
      %rem3A_145 = arith.remsi %add3A_143, %rem3A_144 : vector<16xi32>
      %mul3A_146 = arith.constant 16 : i32
      %mul3A_147 = arith.muli %scan3A_137, %mul3A_146 : i32
      %get3A_148 = arith.index_cast %mul3A_147 : i32 to index
      %get3A_149 = tpu.vector_load %arg17[%get3A_148] {strides = array<i32>} : memref<6400xi32, #tpu.memory_space<vmem>>, vector<16xi32>,
      %mul3A_150 = arith.constant 200 : i32
      %mul3A_151 = vector.broadcast %mul3A_150 : i32 to vector<16xi32>
      %mul3A_152 = arith.muli %get3A_149, %mul3A_151 : vector<16xi32>
      %add3A_153 = arith.addi %mul3A_152, %rem3A_145 : vector<16xi32>
      %mul3A_154 = arith.constant 128 : i32
      %mul3A_155 = vector.broadcast %mul3A_154 : i32 to vector<16xi32>
      %mul3A_156 = arith.muli %add3A_153, %mul3A_155 : vector<16xi32>
      %mul3A_157 = arith.constant 16 : i32
      %mul3A_158 = arith.muli %scan3A_137, %mul3A_157 : i32
      %swap3A = arith.index_cast %mul3A_158 : i32 to index
      %swap3A_159 = tpu.vector_load %arg17[%swap3A] {strides = array<i32>} : memref<6400xi32, #tpu.memory_space<vmem>>, vector<16xi32>,
      tpu.vector_store %arg17[%swap3A], %mul3A_156 {strides = array<i32>} : memref<6400xi32, #tpu.memory_space<vmem>>, vector<16xi32>,
    }
    %scan3A_15 = arith.constant 400 : i32
    %iota3A = tpu.iota {dimensions = array<i32: 0>} : vector<16xi32>
    %add3A_16 = arith.constant 0 : i32
    %add3A_17 = vector.broadcast %add3A_16 : i32 to vector<16xi32>
    %add3A_18 = arith.addi %iota3A, %add3A_17 : vector<16xi32>
    %iota3A_19 = tpu.iota {dimensions = array<i32: 0>} : vector<16xi32>
    %add3A_20 = arith.constant 16 : i32
    %add3A_21 = vector.broadcast %add3A_20 : i32 to vector<16xi32>
    %add3A_22 = arith.addi %iota3A_19, %add3A_21 : vector<16xi32>
    %iota3A_23 = tpu.iota {dimensions = array<i32: 0>} : vector<16xi32>
    %add3A_24 = arith.constant 32 : i32
    %add3A_25 = vector.broadcast %add3A_24 : i32 to vector<16xi32>
    %add3A_26 = arith.addi %iota3A_23, %add3A_25 : vector<16xi32>
    %iota3A_27 = tpu.iota {dimensions = array<i32: 0>} : vector<16xi32>
    %add3A_28 = arith.constant 48 : i32
    %add3A_29 = vector.broadcast %add3A_28 : i32 to vector<16xi32>
    %add3A_30 = arith.addi %iota3A_27, %add3A_29 : vector<16xi32>
    %iota3A_31 = tpu.iota {dimensions = array<i32: 0>} : vector<16xi32>
    %add3A_32 = arith.constant 64 : i32
    %add3A_33 = vector.broadcast %add3A_32 : i32 to vector<16xi32>
    %add3A_34 = arith.addi %iota3A_31, %add3A_33 : vector<16xi32>
    %iota3A_35 = tpu.iota {dimensions = array<i32: 0>} : vector<16xi32>
    %add3A_36 = arith.constant 80 : i32
    %add3A_37 = vector.broadcast %add3A_36 : i32 to vector<16xi32>
    %add3A_38 = arith.addi %iota3A_35, %add3A_37 : vector<16xi32>
    %iota3A_39 = tpu.iota {dimensions = array<i32: 0>} : vector<16xi32>
    %add3A_40 = arith.constant 96 : i32
    %add3A_41 = vector.broadcast %add3A_40 : i32 to vector<16xi32>
    %add3A_42 = arith.addi %iota3A_39, %add3A_41 : vector<16xi32>
    %iota3A_43 = tpu.iota {dimensions = array<i32: 0>} : vector<16xi32>
    %add3A_44 = arith.constant 112 : i32
    %add3A_45 = vector.broadcast %add3A_44 : i32 to vector<16xi32>
    %add3A_46 = arith.addi %iota3A_43, %add3A_45 : vector<16xi32>
    %get3A = arith.constant 0 : index
    %get3A_47 = tpu.vector_load %arg18[%get3A] {strides = array<i32>} : memref<128xf32, #tpu.memory_space<vmem>>, vector<16xf32>,
    %get3A_48 = arith.constant 16 : index
    %get3A_49 = tpu.vector_load %arg18[%get3A_48] {strides = array<i32>} : memref<128xf32, #tpu.memory_space<vmem>>, vector<16xf32>,
    %get3A_50 = arith.constant 32 : index
    %get3A_51 = tpu.vector_load %arg18[%get3A_50] {strides = array<i32>} : memref<128xf32, #tpu.memory_space<vmem>>, vector<16xf32>,
    %get3A_52 = arith.constant 48 : index
    %get3A_53 = tpu.vector_load %arg18[%get3A_52] {strides = array<i32>} : memref<128xf32, #tpu.memory_space<vmem>>, vector<16xf32>,
    %get3A_54 = arith.constant 64 : index
    %get3A_55 = tpu.vector_load %arg18[%get3A_54] {strides = array<i32>} : memref<128xf32, #tpu.memory_space<vmem>>, vector<16xf32>,
    %get3A_56 = arith.constant 80 : index
    %get3A_57 = tpu.vector_load %arg18[%get3A_56] {strides = array<i32>} : memref<128xf32, #tpu.memory_space<vmem>>, vector<16xf32>,
    %get3A_58 = arith.constant 96 : index
    %get3A_59 = tpu.vector_load %arg18[%get3A_58] {strides = array<i32>} : memref<128xf32, #tpu.memory_space<vmem>>, vector<16xf32>,
    %get3A_60 = arith.constant 112 : index
    %get3A_61 = tpu.vector_load %arg18[%get3A_60] {strides = array<i32>} : memref<128xf32, #tpu.memory_space<vmem>>, vector<16xf32>,
    %get3A_62 = arith.constant 0 : index
    %get3A_63 = tpu.vector_load %arg19[%get3A_62] {strides = array<i32>} : memref<128xf32, #tpu.memory_space<vmem>>, vector<16xf32>,
    %get3A_64 = arith.constant 16 : index
    %get3A_65 = tpu.vector_load %arg19[%get3A_64] {strides = array<i32>} : memref<128xf32, #tpu.memory_space<vmem>>, vector<16xf32>,
    %get3A_66 = arith.constant 32 : index
    %get3A_67 = tpu.vector_load %arg19[%get3A_66] {strides = array<i32>} : memref<128xf32, #tpu.memory_space<vmem>>, vector<16xf32>,
    %get3A_68 = arith.constant 48 : index
    %get3A_69 = tpu.vector_load %arg19[%get3A_68] {strides = array<i32>} : memref<128xf32, #tpu.memory_space<vmem>>, vector<16xf32>,
    %get3A_70 = arith.constant 64 : index
    %get3A_71 = tpu.vector_load %arg19[%get3A_70] {strides = array<i32>} : memref<128xf32, #tpu.memory_space<vmem>>, vector<16xf32>,
    %get3A_72 = arith.constant 80 : index
    %get3A_73 = tpu.vector_load %arg19[%get3A_72] {strides = array<i32>} : memref<128xf32, #tpu.memory_space<vmem>>, vector<16xf32>,
    %get3A_74 = arith.constant 96 : index
    %get3A_75 = tpu.vector_load %arg19[%get3A_74] {strides = array<i32>} : memref<128xf32, #tpu.memory_space<vmem>>, vector<16xf32>,
    %get3A_76 = arith.constant 112 : index
    %get3A_77 = tpu.vector_load %arg19[%get3A_76] {strides = array<i32>} : memref<128xf32, #tpu.memory_space<vmem>>, vector<16xf32>,
    %broadcast_in_dim3A = arith.constant 15 : i32
    %broadcast_in_dim3A_78 = vector.broadcast %broadcast_in_dim3A : i32 to vector<16xi32>
    %dma_start3A_79 = arith.constant 0 : i32
    %dma_start3A_80 = arith.constant 0 : i32
    %dma_start3A_81 = tpu.memref_slice %arg16[%dma_start3A_79, %dma_start3A_80] : memref<100x64xi32, #tpu.memory_space<vmem>> -> memref<1x64xi32, #tpu.memory_space<vmem>>
    %dma_start3A_82 = tpu.memref_squeeze %dma_start3A_81 : memref<1x64xi32, #tpu.memory_space<vmem>> -> memref<64xi32, #tpu.memory_space<vmem>>
    %dma_start3A_83 = arith.constant 0 : i32
    %dma_start3A_84 = arith.constant 0 : i32
    %dma_start3A_85 = tpu.memref_slice %arg4[%dma_start3A_83, %dma_start3A_84] : memref<1000000x128xf32, #tpu.memory_space<hbm>> -> memref<1000000x128xf32, #tpu.memory_space<hbm>>
    tpu.enqueue_indirect_dma source(%dma_start3A_85 : memref<1000000x128xf32, #tpu.memory_space<hbm>>) target(%arg11 : memref<64x128xf32, #tpu.memory_space<vmem>>) offsets(%dma_start3A_82 : memref<64xi32, #tpu.memory_space<vmem>>) semaphore(%arg21 : memref<!tpu.dma_semaphore, #tpu.memory_space<semaphore_mem>>)
    %dma_start3A_86 = arith.constant 1 : i32
    %dma_start3A_87 = arith.constant 0 : i32
    %dma_start3A_88 = tpu.memref_slice %arg16[%dma_start3A_86, %dma_start3A_87] : memref<100x64xi32, #tpu.memory_space<vmem>> -> memref<1x64xi32, #tpu.memory_space<vmem>>
    %dma_start3A_89 = tpu.memref_squeeze %dma_start3A_88 : memref<1x64xi32, #tpu.memory_space<vmem>> -> memref<64xi32, #tpu.memory_space<vmem>>
    %dma_start3A_90 = arith.constant 0 : i32
    %dma_start3A_91 = arith.constant 0 : i32
    %dma_start3A_92 = tpu.memref_slice %arg4[%dma_start3A_90, %dma_start3A_91] : memref<1000000x128xf32, #tpu.memory_space<hbm>> -> memref<1000000x128xf32, #tpu.memory_space<hbm>>
    tpu.enqueue_indirect_dma source(%dma_start3A_92 : memref<1000000x128xf32, #tpu.memory_space<hbm>>) target(%arg12 : memref<64x128xf32, #tpu.memory_space<vmem>>) offsets(%dma_start3A_89 : memref<64xi32, #tpu.memory_space<vmem>>) semaphore(%arg21 : memref<!tpu.dma_semaphore, #tpu.memory_space<semaphore_mem>>)
    %dma_start3A_93 = arith.constant 2 : i32
    %dma_start3A_94 = arith.constant 0 : i32
    %dma_start3A_95 = tpu.memref_slice %arg16[%dma_start3A_93, %dma_start3A_94] : memref<100x64xi32, #tpu.memory_space<vmem>> -> memref<1x64xi32, #tpu.memory_space<vmem>>
    %dma_start3A_96 = tpu.memref_squeeze %dma_start3A_95 : memref<1x64xi32, #tpu.memory_space<vmem>> -> memref<64xi32, #tpu.memory_space<vmem>>
    %dma_start3A_97 = arith.constant 0 : i32
    %dma_start3A_98 = arith.constant 0 : i32
    %dma_start3A_99 = tpu.memref_slice %arg4[%dma_start3A_97, %dma_start3A_98] : memref<1000000x128xf32, #tpu.memory_space<hbm>> -> memref<1000000x128xf32, #tpu.memory_space<hbm>>
    tpu.enqueue_indirect_dma source(%dma_start3A_99 : memref<1000000x128xf32, #tpu.memory_space<hbm>>) target(%arg13 : memref<64x128xf32, #tpu.memory_space<vmem>>) offsets(%dma_start3A_96 : memref<64xi32, #tpu.memory_space<vmem>>) semaphore(%arg21 : memref<!tpu.dma_semaphore, #tpu.memory_space<semaphore_mem>>)
    %scan3A_100 = arith.constant 0 : i32
    %scan3A_101 = arith.constant 7.812500e-03 : f32
    %scan3A_102 = arith.constant 0 : i32
    %scan3A_103 = arith.constant 20 : i32
    %scan3A_104 = arith.addi %scan3A_102, %scan3A_103 : i32
    %scan3A_105 = arith.constant 1 : i32
    scf.for %scan3A_137 = %scan3A_102 to %scan3A_104 step %scan3A_105  : i32 {
      %mul3A_138 = arith.constant 5 : i32
      %mul3A_139 = arith.muli %mul3A_138, %scan3A_137 : i32
      %add3A_140 = arith.constant 0 : i32
      %add3A_141 = arith.addi %mul3A_139, %add3A_140 : i32
      %dma_wait3A_142 = arith.constant 0 : i32
      %dma_wait3A_143 = arith.constant 0 : i32
      %dma_wait3A_144 = tpu.memref_slice %arg4[%dma_wait3A_142, %dma_wait3A_143] : memref<1000000x128xf32, #tpu.memory_space<hbm>> -> memref<64x128xf32, #tpu.memory_space<hbm>>
      %dma_wait3A_145 = arith.constant 0 : i32
      %dma_wait3A_146 = arith.constant 0 : i32
      %dma_wait3A_147 = tpu.memref_slice %arg4[%dma_wait3A_145, %dma_wait3A_146] : memref<1000000x128xf32, #tpu.memory_space<hbm>> -> memref<64x128xf32, #tpu.memory_space<hbm>>
      tpu.wait_dma2 semaphore(%arg21 : memref<!tpu.dma_semaphore, #tpu.memory_space<semaphore_mem>>) src(%dma_wait3A_147 : memref<64x128xf32, #tpu.memory_space<hbm>>) dst(%arg11 : memref<64x128xf32, #tpu.memory_space<vmem>>)
      %add3A_148 = arith.constant 3 : i32
      %add3A_149 = arith.addi %add3A_141, %add3A_148 : i32
      %lt3A = arith.constant 100 : i32
      %lt3A_150 = arith.cmpi slt, %add3A_149, %lt3A : i32
      %convert_element_type3A = arith.extui %lt3A_150 : i1 to i32
      %cond3A = arith.constant 0 : i32
      %cond3A_151 = arith.cmpi ne, %convert_element_type3A, %cond3A : i32
      scf.if %cond3A_151 {
        %ge3A = arith.constant 2 : i32
        %ge3A_285 = arith.cmpi sge, %add3A_141, %ge3A : i32
        %convert_element_type3A_286 = arith.extui %ge3A_285 : i1 to i32
        %cond3A_287 = arith.constant 0 : i32
        %cond3A_288 = arith.cmpi ne, %convert_element_type3A_286, %cond3A_287 : i32
        scf.if %cond3A_288 {
          %dma_wait3A_297 = arith.constant 0 : i32
          %dma_wait3A_298 = arith.constant 0 : i32
          %dma_wait3A_299 = tpu.memref_slice %arg9[%dma_wait3A_297, %dma_wait3A_298] : memref<204800x128xf32, #tpu.memory_space<hbm>> -> memref<64x128xf32, #tpu.memory_space<hbm>>
          %dma_wait3A_300 = arith.constant 0 : i32
          %dma_wait3A_301 = arith.constant 0 : i32
          %dma_wait3A_302 = tpu.memref_slice %arg9[%dma_wait3A_300, %dma_wait3A_301] : memref<204800x128xf32, #tpu.memory_space<hbm>> -> memref<64x128xf32, #tpu.memory_space<hbm>>
          tpu.wait_dma2 semaphore(%arg22 : memref<!tpu.dma_semaphore, #tpu.memory_space<semaphore_mem>>) src(%arg14 : memref<64x128xf32, #tpu.memory_space<vmem>>) dst(%dma_wait3A_302 : memref<64x128xf32, #tpu.memory_space<hbm>>)
        } else {
        }
        %add3A_289 = arith.constant 3 : i32
        %add3A_290 = arith.addi %add3A_141, %add3A_289 : i32
        %dma_start3A_291 = arith.constant 0 : i32
        %dma_start3A_292 = tpu.memref_slice %arg16[%add3A_290, %dma_start3A_291] : memref<100x64xi32, #tpu.memory_space<vmem>> -> memref<1x64xi32, #tpu.memory_space<vmem>>
        %dma_start3A_293 = tpu.memref_squeeze %dma_start3A_292 : memref<1x64xi32, #tpu.memory_space<vmem>> -> memref<64xi32, #tpu.memory_space<vmem>>
        %dma_start3A_294 = arith.constant 0 : i32
        %dma_start3A_295 = arith.constant 0 : i32
        %dma_start3A_296 = tpu.memref_slice %arg4[%dma_start3A_294, %dma_start3A_295] : memref<1000000x128xf32, #tpu.memory_space<hbm>> -> memref<1000000x128xf32, #tpu.memory_space<hbm>>
        tpu.enqueue_indirect_dma source(%dma_start3A_296 : memref<1000000x128xf32, #tpu.memory_space<hbm>>) target(%arg14 : memref<64x128xf32, #tpu.memory_space<vmem>>) offsets(%dma_start3A_293 : memref<64xi32, #tpu.memory_space<vmem>>) semaphore(%arg21 : memref<!tpu.dma_semaphore, #tpu.memory_space<semaphore_mem>>)
      } else {
      }
      %scan3A_152 = arith.constant 0 : i32
      %scan3A_153 = arith.constant 0 : i32
      %scan3A_154 = arith.constant 16 : i32
      %scan3A_155 = arith.addi %scan3A_153, %scan3A_154 : i32
      %scan3A_156 = arith.constant 1 : i32
      scf.for %scan3A_285 = %scan3A_153 to %scan3A_155 step %scan3A_156  : i32 {
        %mul3A_286 = arith.constant 4 : i32
        %mul3A_287 = arith.muli %scan3A_285, %mul3A_286 : i32
        %add3A_288 = arith.constant 0 : i32
        %add3A_289 = arith.addi %mul3A_287, %add3A_288 : i32
        %mul3A_290 = arith.constant 64 : i32
        %mul3A_291 = arith.muli %add3A_141, %mul3A_290 : i32
        %add3A_292 = arith.addi %mul3A_291, %add3A_289 : i32
        %broadcast_in_dim3A_293 = vector.broadcast %add3A_292 : i32 to vector<16xi32>
        %gather3A = tpu.vector_load_idx %arg17[%broadcast_in_dim3A_293] : memref<6400xi32, #tpu.memory_space<vmem>>[vector<16xi32>], vector<16xi32>,
        %get3A_294 = arith.index_cast %add3A_289 : i32 to index
        %get3A_295 = arith.constant 0 : index
        %get3A_296 = tpu.vector_load %arg11[%get3A_294, %get3A_295] {strides = array<i32>} : memref<64x128xf32, #tpu.memory_space<vmem>>, vector<16xf32>,
        %add3A_297 = arith.addi %gather3A, %add3A_18 : vector<16xi32>
        %gather3A_298 = tpu.vector_load_idx %arg10[%add3A_297] : memref<51200xf32, #tpu.memory_space<vmem>>[vector<16xi32>], vector<16xf32>,
        %add3A_299 = arith.addf %get3A_296, %gather3A_298 : vector<16xf32>
        %get3A_300 = arith.index_cast %add3A_289 : i32 to index
        %get3A_301 = arith.constant 16 : index
        %get3A_302 = tpu.vector_load %arg11[%get3A_300, %get3A_301] {strides = array<i32>} : memref<64x128xf32, #tpu.memory_space<vmem>>, vector<16xf32>,
        %add3A_303 = arith.addi %gather3A, %add3A_22 : vector<16xi32>
        %gather3A_304 = tpu.vector_load_idx %arg10[%add3A_303] : memref<51200xf32, #tpu.memory_space<vmem>>[vector<16xi32>], vector<16xf32>,
        %add3A_305 = arith.addf %get3A_302, %gather3A_304 : vector<16xf32>
        %get3A_306 = arith.index_cast %add3A_289 : i32 to index
        %get3A_307 = arith.constant 32 : index
        %get3A_308 = tpu.vector_load %arg11[%get3A_306, %get3A_307] {strides = array<i32>} : memref<64x128xf32, #tpu.memory_space<vmem>>, vector<16xf32>,
        %add3A_309 = arith.addi %gather3A, %add3A_26 : vector<16xi32>
        %gather3A_310 = tpu.vector_load_idx %arg10[%add3A_309] : memref<51200xf32, #tpu.memory_space<vmem>>[vector<16xi32>], vector<16xf32>,
        %add3A_311 = arith.addf %get3A_308, %gather3A_310 : vector<16xf32>
        %get3A_312 = arith.index_cast %add3A_289 : i32 to index
        %get3A_313 = arith.constant 48 : index
        %get3A_314 = tpu.vector_load %arg11[%get3A_312, %get3A_313] {strides = array<i32>} : memref<64x128xf32, #tpu.memory_space<vmem>>, vector<16xf32>,
        %add3A_315 = arith.addi %gather3A, %add3A_30 : vector<16xi32>
        %gather3A_316 = tpu.vector_load_idx %arg10[%add3A_315] : memref<51200xf32, #tpu.memory_space<vmem>>[vector<16xi32>], vector<16xf32>,
        %add3A_317 = arith.addf %get3A_314, %gather3A_316 : vector<16xf32>
        %get3A_318 = arith.index_cast %add3A_289 : i32 to index
        %get3A_319 = arith.constant 64 : index
        %get3A_320 = tpu.vector_load %arg11[%get3A_318, %get3A_319] {strides = array<i32>} : memref<64x128xf32, #tpu.memory_space<vmem>>, vector<16xf32>,
        %add3A_321 = arith.addi %gather3A, %add3A_34 : vector<16xi32>
        %gather3A_322 = tpu.vector_load_idx %arg10[%add3A_321] : memref<51200xf32, #tpu.memory_space<vmem>>[vector<16xi32>], vector<16xf32>,
        %add3A_323 = arith.addf %get3A_320, %gather3A_322 : vector<16xf32>
        %get3A_324 = arith.index_cast %add3A_289 : i32 to index
        %get3A_325 = arith.constant 80 : index
        %get3A_326 = tpu.vector_load %arg11[%get3A_324, %get3A_325] {strides = array<i32>} : memref<64x128xf32, #tpu.memory_space<vmem>>, vector<16xf32>,
        %add3A_327 = arith.addi %gather3A, %add3A_38 : vector<16xi32>
        %gather3A_328 = tpu.vector_load_idx %arg10[%add3A_327] : memref<51200xf32, #tpu.memory_space<vmem>>[vector<16xi32>], vector<16xf32>,
        %add3A_329 = arith.addf %get3A_326, %gather3A_328 : vector<16xf32>
        %get3A_330 = arith.index_cast %add3A_289 : i32 to index
        %get3A_331 = arith.constant 96 : index
        %get3A_332 = tpu.vector_load %arg11[%get3A_330, %get3A_331] {strides = array<i32>} : memref<64x128xf32, #tpu.memory_space<vmem>>, vector<16xf32>,
        %add3A_333 = arith.addi %gather3A, %add3A_42 : vector<16xi32>
        %gather3A_334 = tpu.vector_load_idx %arg10[%add3A_333] : memref<51200xf32, #tpu.memory_space<vmem>>[vector<16xi32>], vector<16xf32>,
        %add3A_335 = arith.addf %get3A_332, %gather3A_334 : vector<16xf32>
        %get3A_336 = arith.index_cast %add3A_289 : i32 to index
        %get3A_337 = arith.constant 112 : index
        %get3A_338 = tpu.vector_load %arg11[%get3A_336, %get3A_337] {strides = array<i32>} : memref<64x128xf32, #tpu.memory_space<vmem>>, vector<16xf32>,
        %add3A_339 = arith.addi %gather3A, %add3A_46 : vector<16xi32>
        %gather3A_340 = tpu.vector_load_idx %arg10[%add3A_339] : memref<51200xf32, #tpu.memory_space<vmem>>[vector<16xi32>], vector<16xf32>,
        %add3A_341 = arith.addf %get3A_338, %gather3A_340 : vector<16xf32>
        %add3A_342 = arith.addf %add3A_299, %add3A_305 : vector<16xf32>
        %add3A_343 = arith.addf %add3A_311, %add3A_317 : vector<16xf32>
        %add3A_344 = arith.addf %add3A_342, %add3A_343 : vector<16xf32>
        %add3A_345 = arith.addf %add3A_323, %add3A_329 : vector<16xf32>
        %add3A_346 = arith.addf %add3A_335, %add3A_341 : vector<16xf32>
        %add3A_347 = arith.addf %add3A_345, %add3A_346 : vector<16xf32>
        %add3A_348 = arith.addf %add3A_344, %add3A_347 : vector<16xf32>
        %mul3A_349 = arith.mulf %add3A_299, %add3A_299 : vector<16xf32>
        %mul3A_350 = arith.mulf %add3A_305, %add3A_305 : vector<16xf32>
        %add3A_351 = arith.addf %mul3A_349, %mul3A_350 : vector<16xf32>
        %mul3A_352 = arith.mulf %add3A_311, %add3A_311 : vector<16xf32>
        %mul3A_353 = arith.mulf %add3A_317, %add3A_317 : vector<16xf32>
        %add3A_354 = arith.addf %mul3A_352, %mul3A_353 : vector<16xf32>
        %mul3A_355 = arith.mulf %add3A_323, %add3A_323 : vector<16xf32>
        %mul3A_356 = arith.mulf %add3A_329, %add3A_329 : vector<16xf32>
        %add3A_357 = arith.addf %mul3A_355, %mul3A_356 : vector<16xf32>
        %mul3A_358 = arith.mulf %add3A_335, %add3A_335 : vector<16xf32>
        %mul3A_359 = arith.mulf %add3A_341, %add3A_341 : vector<16xf32>
        %add3A_360 = arith.addf %mul3A_358, %mul3A_359 : vector<16xf32>
        %add3A_361 = arith.addf %add3A_351, %add3A_354 : vector<16xf32>
        %add3A_362 = arith.addf %add3A_357, %add3A_360 : vector<16xf32>
        %add3A_363 = arith.addf %add3A_361, %add3A_362 : vector<16xf32>
        %add3A_364 = arith.constant 1 : i32
        %add3A_365 = arith.addi %mul3A_287, %add3A_364 : i32
        %mul3A_366 = arith.constant 64 : i32
        %mul3A_367 = arith.muli %add3A_141, %mul3A_366 : i32
        %add3A_368 = arith.addi %mul3A_367, %add3A_365 : i32
        %broadcast_in_dim3A_369 = vector.broadcast %add3A_368 : i32 to vector<16xi32>
        %gather3A_370 = tpu.vector_load_idx %arg17[%broadcast_in_dim3A_369] : memref<6400xi32, #tpu.memory_space<vmem>>[vector<16xi32>], vector<16xi32>,
        %get3A_371 = arith.index_cast %add3A_365 : i32 to index
        %get3A_372 = arith.constant 0 : index
        %get3A_373 = tpu.vector_load %arg11[%get3A_371, %get3A_372] {strides = array<i32>} : memref<64x128xf32, #tpu.memory_space<vmem>>, vector<16xf32>,
        %add3A_374 = arith.addi %gather3A_370, %add3A_18 : vector<16xi32>
        %gather3A_375 = tpu.vector_load_idx %arg10[%add3A_374] : memref<51200xf32, #tpu.memory_space<vmem>>[vector<16xi32>], vector<16xf32>,
        %add3A_376 = arith.addf %get3A_373, %gather3A_375 : vector<16xf32>
        %get3A_377 = arith.index_cast %add3A_365 : i32 to index
        %get3A_378 = arith.constant 16 : index
        %get3A_379 = tpu.vector_load %arg11[%get3A_377, %get3A_378] {strides = array<i32>} : memref<64x128xf32, #tpu.memory_space<vmem>>, vector<16xf32>,
        %add3A_380 = arith.addi %gather3A_370, %add3A_22 : vector<16xi32>
        %gather3A_381 = tpu.vector_load_idx %arg10[%add3A_380] : memref<51200xf32, #tpu.memory_space<vmem>>[vector<16xi32>], vector<16xf32>,
        %add3A_382 = arith.addf %get3A_379, %gather3A_381 : vector<16xf32>
        %get3A_383 = arith.index_cast %add3A_365 : i32 to index
        %get3A_384 = arith.constant 32 : index
        %get3A_385 = tpu.vector_load %arg11[%get3A_383, %get3A_384] {strides = array<i32>} : memref<64x128xf32, #tpu.memory_space<vmem>>, vector<16xf32>,
        %add3A_386 = arith.addi %gather3A_370, %add3A_26 : vector<16xi32>
        %gather3A_387 = tpu.vector_load_idx %arg10[%add3A_386] : memref<51200xf32, #tpu.memory_space<vmem>>[vector<16xi32>], vector<16xf32>,
        %add3A_388 = arith.addf %get3A_385, %gather3A_387 : vector<16xf32>
        %get3A_389 = arith.index_cast %add3A_365 : i32 to index
        %get3A_390 = arith.constant 48 : index
        %get3A_391 = tpu.vector_load %arg11[%get3A_389, %get3A_390] {strides = array<i32>} : memref<64x128xf32, #tpu.memory_space<vmem>>, vector<16xf32>,
        %add3A_392 = arith.addi %gather3A_370, %add3A_30 : vector<16xi32>
        %gather3A_393 = tpu.vector_load_idx %arg10[%add3A_392] : memref<51200xf32, #tpu.memory_space<vmem>>[vector<16xi32>], vector<16xf32>,
        %add3A_394 = arith.addf %get3A_391, %gather3A_393 : vector<16xf32>
        %get3A_395 = arith.index_cast %add3A_365 : i32 to index
        %get3A_396 = arith.constant 64 : index
        %get3A_397 = tpu.vector_load %arg11[%get3A_395, %get3A_396] {strides = array<i32>} : memref<64x128xf32, #tpu.memory_space<vmem>>, vector<16xf32>,
        %add3A_398 = arith.addi %gather3A_370, %add3A_34 : vector<16xi32>
        %gather3A_399 = tpu.vector_load_idx %arg10[%add3A_398] : memref<51200xf32, #tpu.memory_space<vmem>>[vector<16xi32>], vector<16xf32>,
        %add3A_400 = arith.addf %get3A_397, %gather3A_399 : vector<16xf32>
        %get3A_401 = arith.index_cast %add3A_365 : i32 to index
        %get3A_402 = arith.constant 80 : index
        %get3A_403 = tpu.vector_load %arg11[%get3A_401, %get3A_402] {strides = array<i32>} : memref<64x128xf32, #tpu.memory_space<vmem>>, vector<16xf32>,
        %add3A_404 = arith.addi %gather3A_370, %add3A_38 : vector<16xi32>
        %gather3A_405 = tpu.vector_load_idx %arg10[%add3A_404] : memref<51200xf32, #tpu.memory_space<vmem>>[vector<16xi32>], vector<16xf32>,
        %add3A_406 = arith.addf %get3A_403, %gather3A_405 : vector<16xf32>
        %get3A_407 = arith.index_cast %add3A_365 : i32 to index
        %get3A_408 = arith.constant 96 : index
        %get3A_409 = tpu.vector_load %arg11[%get3A_407, %get3A_408] {strides = array<i32>} : memref<64x128xf32, #tpu.memory_space<vmem>>, vector<16xf32>,
        %add3A_410 = arith.addi %gather3A_370, %add3A_42 : vector<16xi32>
        %gather3A_411 = tpu.vector_load_idx %arg10[%add3A_410] : memref<51200xf32, #tpu.memory_space<vmem>>[vector<16xi32>], vector<16xf32>,
        %add3A_412 = arith.addf %get3A_409, %gather3A_411 : vector<16xf32>
        %get3A_413 = arith.index_cast %add3A_365 : i32 to index
        %get3A_414 = arith.constant 112 : index
        %get3A_415 = tpu.vector_load %arg11[%get3A_413, %get3A_414] {strides = array<i32>} : memref<64x128xf32, #tpu.memory_space<vmem>>, vector<16xf32>,
        %add3A_416 = arith.addi %gather3A_370, %add3A_46 : vector<16xi32>
        %gather3A_417 = tpu.vector_load_idx %arg10[%add3A_416] : memref<51200xf32, #tpu.memory_space<vmem>>[vector<16xi32>], vector<16xf32>,
        %add3A_418 = arith.addf %get3A_415, %gather3A_417 : vector<16xf32>
        %add3A_419 = arith.addf %add3A_376, %add3A_382 : vector<16xf32>
        %add3A_420 = arith.addf %add3A_388, %add3A_394 : vector<16xf32>
        %add3A_421 = arith.addf %add3A_419, %add3A_420 : vector<16xf32>
        %add3A_422 = arith.addf %add3A_400, %add3A_406 : vector<16xf32>
        %add3A_423 = arith.addf %add3A_412, %add3A_418 : vector<16xf32>
        %add3A_424 = arith.addf %add3A_422, %add3A_423 : vector<16xf32>
        %add3A_425 = arith.addf %add3A_421, %add3A_424 : vector<16xf32>
        %mul3A_426 = arith.mulf %add3A_376, %add3A_376 : vector<16xf32>
        %mul3A_427 = arith.mulf %add3A_382, %add3A_382 : vector<16xf32>
        %add3A_428 = arith.addf %mul3A_426, %mul3A_427 : vector<16xf32>
        %mul3A_429 = arith.mulf %add3A_388, %add3A_388 : vector<16xf32>
        %mul3A_430 = arith.mulf %add3A_394, %add3A_394 : vector<16xf32>
        %add3A_431 = arith.addf %mul3A_429, %mul3A_430 : vector<16xf32>
        %mul3A_432 = arith.mulf %add3A_400, %add3A_400 : vector<16xf32>
        %mul3A_433 = arith.mulf %add3A_406, %add3A_406 : vector<16xf32>
        %add3A_434 = arith.addf %mul3A_432, %mul3A_433 : vector<16xf32>
        %mul3A_435 = arith.mulf %add3A_412, %add3A_412 : vector<16xf32>
        %mul3A_436 = arith.mulf %add3A_418, %add3A_418 : vector<16xf32>
        %add3A_437 = arith.addf %mul3A_435, %mul3A_436 : vector<16xf32>
        %add3A_438 = arith.addf %add3A_428, %add3A_431 : vector<16xf32>
        %add3A_439 = arith.addf %add3A_434, %add3A_437 : vector<16xf32>
        %add3A_440 = arith.addf %add3A_438, %add3A_439 : vector<16xf32>
        %add3A_441 = arith.constant 2 : i32
        %add3A_442 = arith.addi %mul3A_287, %add3A_441 : i32
        %mul3A_443 = arith.constant 64 : i32
        %mul3A_444 = arith.muli %add3A_141, %mul3A_443 : i32
        %add3A_445 = arith.addi %mul3A_444, %add3A_442 : i32
        %broadcast_in_dim3A_446 = vector.broadcast %add3A_445 : i32 to vector<16xi32>
        %gather3A_447 = tpu.vector_load_idx %arg17[%broadcast_in_dim3A_446] : memref<6400xi32, #tpu.memory_space<vmem>>[vector<16xi32>], vector<16xi32>,
        %get3A_448 = arith.index_cast %add3A_442 : i32 to index
        %get3A_449 = arith.constant 0 : index
        %get3A_450 = tpu.vector_load %arg11[%get3A_448, %get3A_449] {strides = array<i32>} : memref<64x128xf32, #tpu.memory_space<vmem>>, vector<16xf32>,
        %add3A_451 = arith.addi %gather3A_447, %add3A_18 : vector<16xi32>
        %gather3A_452 = tpu.vector_load_idx %arg10[%add3A_451] : memref<51200xf32, #tpu.memory_space<vmem>>[vector<16xi32>], vector<16xf32>,
        %add3A_453 = arith.addf %get3A_450, %gather3A_452 : vector<16xf32>
        %get3A_454 = arith.index_cast %add3A_442 : i32 to index
        %get3A_455 = arith.constant 16 : index
        %get3A_456 = tpu.vector_load %arg11[%get3A_454, %get3A_455] {strides = array<i32>} : memref<64x128xf32, #tpu.memory_space<vmem>>, vector<16xf32>,
        %add3A_457 = arith.addi %gather3A_447, %add3A_22 : vector<16xi32>
        %gather3A_458 = tpu.vector_load_idx %arg10[%add3A_457] : memref<51200xf32, #tpu.memory_space<vmem>>[vector<16xi32>], vector<16xf32>,
        %add3A_459 = arith.addf %get3A_456, %gather3A_458 : vector<16xf32>
        %get3A_460 = arith.index_cast %add3A_442 : i32 to index
        %get3A_461 = arith.constant 32 : index
        %get3A_462 = tpu.vector_load %arg11[%get3A_460, %get3A_461] {strides = array<i32>} : memref<64x128xf32, #tpu.memory_space<vmem>>, vector<16xf32>,
        %add3A_463 = arith.addi %gather3A_447, %add3A_26 : vector<16xi32>
        %gather3A_464 = tpu.vector_load_idx %arg10[%add3A_463] : memref<51200xf32, #tpu.memory_space<vmem>>[vector<16xi32>], vector<16xf32>,
        %add3A_465 = arith.addf %get3A_462, %gather3A_464 : vector<16xf32>
        %get3A_466 = arith.index_cast %add3A_442 : i32 to index
        %get3A_467 = arith.constant 48 : index
        %get3A_468 = tpu.vector_load %arg11[%get3A_466, %get3A_467] {strides = array<i32>} : memref<64x128xf32, #tpu.memory_space<vmem>>, vector<16xf32>,
        %add3A_469 = arith.addi %gather3A_447, %add3A_30 : vector<16xi32>
        %gather3A_470 = tpu.vector_load_idx %arg10[%add3A_469] : memref<51200xf32, #tpu.memory_space<vmem>>[vector<16xi32>], vector<16xf32>,
        %add3A_471 = arith.addf %get3A_468, %gather3A_470 : vector<16xf32>
        %get3A_472 = arith.index_cast %add3A_442 : i32 to index
        %get3A_473 = arith.constant 64 : index
        %get3A_474 = tpu.vector_load %arg11[%get3A_472, %get3A_473] {strides = array<i32>} : memref<64x128xf32, #tpu.memory_space<vmem>>, vector<16xf32>,
        %add3A_475 = arith.addi %gather3A_447, %add3A_34 : vector<16xi32>
        %gather3A_476 = tpu.vector_load_idx %arg10[%add3A_475] : memref<51200xf32, #tpu.memory_space<vmem>>[vector<16xi32>], vector<16xf32>,
        %add3A_477 = arith.addf %get3A_474, %gather3A_476 : vector<16xf32>
        %get3A_478 = arith.index_cast %add3A_442 : i32 to index
        %get3A_479 = arith.constant 80 : index
        %get3A_480 = tpu.vector_load %arg11[%get3A_478, %get3A_479] {strides = array<i32>} : memref<64x128xf32, #tpu.memory_space<vmem>>, vector<16xf32>,
        %add3A_481 = arith.addi %gather3A_447, %add3A_38 : vector<16xi32>
        %gather3A_482 = tpu.vector_load_idx %arg10[%add3A_481] : memref<51200xf32, #tpu.memory_space<vmem>>[vector<16xi32>], vector<16xf32>,
        %add3A_483 = arith.addf %get3A_480, %gather3A_482 : vector<16xf32>
        %get3A_484 = arith.index_cast %add3A_442 : i32 to index
        %get3A_485 = arith.constant 96 : index
        %get3A_486 = tpu.vector_load %arg11[%get3A_484, %get3A_485] {strides = array<i32>} : memref<64x128xf32, #tpu.memory_space<vmem>>, vector<16xf32>,
        %add3A_487 = arith.addi %gather3A_447, %add3A_42 : vector<16xi32>
        %gather3A_488 = tpu.vector_load_idx %arg10[%add3A_487] : memref<51200xf32, #tpu.memory_space<vmem>>[vector<16xi32>], vector<16xf32>,
        %add3A_489 = arith.addf %get3A_486, %gather3A_488 : vector<16xf32>
        %get3A_490 = arith.index_cast %add3A_442 : i32 to index
        %get3A_491 = arith.constant 112 : index
        %get3A_492 = tpu.vector_load %arg11[%get3A_490, %get3A_491] {strides = array<i32>} : memref<64x128xf32, #tpu.memory_space<vmem>>, vector<16xf32>,
        %add3A_493 = arith.addi %gather3A_447, %add3A_46 : vector<16xi32>
        %gather3A_494 = tpu.vector_load_idx %arg10[%add3A_493] : memref<51200xf32, #tpu.memory_space<vmem>>[vector<16xi32>], vector<16xf32>,
        %add3A_495 = arith.addf %get3A_492, %gather3A_494 : vector<16xf32>
        %add3A_496 = arith.addf %add3A_453, %add3A_459 : vector<16xf32>
        %add3A_497 = arith.addf %add3A_465, %add3A_471 : vector<16xf32>
        %add3A_498 = arith.addf %add3A_496, %add3A_497 : vector<16xf32>
        %add3A_499 = arith.addf %add3A_477, %add3A_483 : vector<16xf32>
        %add3A_500 = arith.addf %add3A_489, %add3A_495 : vector<16xf32>
        %add3A_501 = arith.addf %add3A_499, %add3A_500 : vector<16xf32>
        %add3A_502 = arith.addf %add3A_498, %add3A_501 : vector<16xf32>
        %mul3A_503 = arith.mulf %add3A_453, %add3A_453 : vector<16xf32>
        %mul3A_504 = arith.mulf %add3A_459, %add3A_459 : vector<16xf32>
        %add3A_505 = arith.addf %mul3A_503, %mul3A_504 : vector<16xf32>
        %mul3A_506 = arith.mulf %add3A_465, %add3A_465 : vector<16xf32>
        %mul3A_507 = arith.mulf %add3A_471, %add3A_471 : vector<16xf32>
        %add3A_508 = arith.addf %mul3A_506, %mul3A_507 : vector<16xf32>
        %mul3A_509 = arith.mulf %add3A_477, %add3A_477 : vector<16xf32>
        %mul3A_510 = arith.mulf %add3A_483, %add3A_483 : vector<16xf32>
        %add3A_511 = arith.addf %mul3A_509, %mul3A_510 : vector<16xf32>
        %mul3A_512 = arith.mulf %add3A_489, %add3A_489 : vector<16xf32>
        %mul3A_513 = arith.mulf %add3A_495, %add3A_495 : vector<16xf32>
        %add3A_514 = arith.addf %mul3A_512, %mul3A_513 : vector<16xf32>
        %add3A_515 = arith.addf %add3A_505, %add3A_508 : vector<16xf32>
        %add3A_516 = arith.addf %add3A_511, %add3A_514 : vector<16xf32>
        %add3A_517 = arith.addf %add3A_515, %add3A_516 : vector<16xf32>
        %add3A_518 = arith.constant 3 : i32
        %add3A_519 = arith.addi %mul3A_287, %add3A_518 : i32
        %mul3A_520 = arith.constant 64 : i32
        %mul3A_521 = arith.muli %add3A_141, %mul3A_520 : i32
        %add3A_522 = arith.addi %mul3A_521, %add3A_519 : i32
        %broadcast_in_dim3A_523 = vector.broadcast %add3A_522 : i32 to vector<16xi32>
        %gather3A_524 = tpu.vector_load_idx %arg17[%broadcast_in_dim3A_523] : memref<6400xi32, #tpu.memory_space<vmem>>[vector<16xi32>], vector<16xi32>,
        %get3A_525 = arith.index_cast %add3A_519 : i32 to index
        %get3A_526 = arith.constant 0 : index
        %get3A_527 = tpu.vector_load %arg11[%get3A_525, %get3A_526] {strides = array<i32>} : memref<64x128xf32, #tpu.memory_space<vmem>>, vector<16xf32>,
        %add3A_528 = arith.addi %gather3A_524, %add3A_18 : vector<16xi32>
        %gather3A_529 = tpu.vector_load_idx %arg10[%add3A_528] : memref<51200xf32, #tpu.memory_space<vmem>>[vector<16xi32>], vector<16xf32>,
        %add3A_530 = arith.addf %get3A_527, %gather3A_529 : vector<16xf32>
        %get3A_531 = arith.index_cast %add3A_519 : i32 to index
        %get3A_532 = arith.constant 16 : index
        %get3A_533 = tpu.vector_load %arg11[%get3A_531, %get3A_532] {strides = array<i32>} : memref<64x128xf32, #tpu.memory_space<vmem>>, vector<16xf32>,
        %add3A_534 = arith.addi %gather3A_524, %add3A_22 : vector<16xi32>
        %gather3A_535 = tpu.vector_load_idx %arg10[%add3A_534] : memref<51200xf32, #tpu.memory_space<vmem>>[vector<16xi32>], vector<16xf32>,
        %add3A_536 = arith.addf %get3A_533, %gather3A_535 : vector<16xf32>
        %get3A_537 = arith.index_cast %add3A_519 : i32 to index
        %get3A_538 = arith.constant 32 : index
        %get3A_539 = tpu.vector_load %arg11[%get3A_537, %get3A_538] {strides = array<i32>} : memref<64x128xf32, #tpu.memory_space<vmem>>, vector<16xf32>,
        %add3A_540 = arith.addi %gather3A_524, %add3A_26 : vector<16xi32>
        %gather3A_541 = tpu.vector_load_idx %arg10[%add3A_540] : memref<51200xf32, #tpu.memory_space<vmem>>[vector<16xi32>], vector<16xf32>,
        %add3A_542 = arith.addf %get3A_539, %gather3A_541 : vector<16xf32>
        %get3A_543 = arith.index_cast %add3A_519 : i32 to index
        %get3A_544 = arith.constant 48 : index
        %get3A_545 = tpu.vector_load %arg11[%get3A_543, %get3A_544] {strides = array<i32>} : memref<64x128xf32, #tpu.memory_space<vmem>>, vector<16xf32>,
        %add3A_546 = arith.addi %gather3A_524, %add3A_30 : vector<16xi32>
        %gather3A_547 = tpu.vector_load_idx %arg10[%add3A_546] : memref<51200xf32, #tpu.memory_space<vmem>>[vector<16xi32>], vector<16xf32>,
        %add3A_548 = arith.addf %get3A_545, %gather3A_547 : vector<16xf32>
        %get3A_549 = arith.index_cast %add3A_519 : i32 to index
        %get3A_550 = arith.constant 64 : index
        %get3A_551 = tpu.vector_load %arg11[%get3A_549, %get3A_550] {strides = array<i32>} : memref<64x128xf32, #tpu.memory_space<vmem>>, vector<16xf32>,
        %add3A_552 = arith.addi %gather3A_524, %add3A_34 : vector<16xi32>
        %gather3A_553 = tpu.vector_load_idx %arg10[%add3A_552] : memref<51200xf32, #tpu.memory_space<vmem>>[vector<16xi32>], vector<16xf32>,
        %add3A_554 = arith.addf %get3A_551, %gather3A_553 : vector<16xf32>
        %get3A_555 = arith.index_cast %add3A_519 : i32 to index
        %get3A_556 = arith.constant 80 : index
        %get3A_557 = tpu.vector_load %arg11[%get3A_555, %get3A_556] {strides = array<i32>} : memref<64x128xf32, #tpu.memory_space<vmem>>, vector<16xf32>,
        %add3A_558 = arith.addi %gather3A_524, %add3A_38 : vector<16xi32>
        %gather3A_559 = tpu.vector_load_idx %arg10[%add3A_558] : memref<51200xf32, #tpu.memory_space<vmem>>[vector<16xi32>], vector<16xf32>,
        %add3A_560 = arith.addf %get3A_557, %gather3A_559 : vector<16xf32>
        %get3A_561 = arith.index_cast %add3A_519 : i32 to index
        %get3A_562 = arith.constant 96 : index
        %get3A_563 = tpu.vector_load %arg11[%get3A_561, %get3A_562] {strides = array<i32>} : memref<64x128xf32, #tpu.memory_space<vmem>>, vector<16xf32>,
        %add3A_564 = arith.addi %gather3A_524, %add3A_42 : vector<16xi32>
        %gather3A_565 = tpu.vector_load_idx %arg10[%add3A_564] : memref<51200xf32, #tpu.memory_space<vmem>>[vector<16xi32>], vector<16xf32>,
        %add3A_566 = arith.addf %get3A_563, %gather3A_565 : vector<16xf32>
        %get3A_567 = arith.index_cast %add3A_519 : i32 to index
        %get3A_568 = arith.constant 112 : index
        %get3A_569 = tpu.vector_load %arg11[%get3A_567, %get3A_568] {strides = array<i32>} : memref<64x128xf32, #tpu.memory_space<vmem>>, vector<16xf32>,
        %add3A_570 = arith.addi %gather3A_524, %add3A_46 : vector<16xi32>
        %gather3A_571 = tpu.vector_load_idx %arg10[%add3A_570] : memref<51200xf32, #tpu.memory_space<vmem>>[vector<16xi32>], vector<16xf32>,
        %add3A_572 = arith.addf %get3A_569, %gather3A_571 : vector<16xf32>
        %add3A_573 = arith.addf %add3A_530, %add3A_536 : vector<16xf32>
        %add3A_574 = arith.addf %add3A_542, %add3A_548 : vector<16xf32>
        %add3A_575 = arith.addf %add3A_573, %add3A_574 : vector<16xf32>
        %add3A_576 = arith.addf %add3A_554, %add3A_560 : vector<16xf32>
        %add3A_577 = arith.addf %add3A_566, %add3A_572 : vector<16xf32>
        %add3A_578 = arith.addf %add3A_576, %add3A_577 : vector<16xf32>
        %add3A_579 = arith.addf %add3A_575, %add3A_578 : vector<16xf32>
        %mul3A_580 = arith.mulf %add3A_530, %add3A_530 : vector<16xf32>
        %mul3A_581 = arith.mulf %add3A_536, %add3A_536 : vector<16xf32>
        %add3A_582 = arith.addf %mul3A_580, %mul3A_581 : vector<16xf32>
        %mul3A_583 = arith.mulf %add3A_542, %add3A_542 : vector<16xf32>
        %mul3A_584 = arith.mulf %add3A_548, %add3A_548 : vector<16xf32>
        %add3A_585 = arith.addf %mul3A_583, %mul3A_584 : vector<16xf32>
        %mul3A_586 = arith.mulf %add3A_554, %add3A_554 : vector<16xf32>
        %mul3A_587 = arith.mulf %add3A_560, %add3A_560 : vector<16xf32>
        %add3A_588 = arith.addf %mul3A_586, %mul3A_587 : vector<16xf32>
        %mul3A_589 = arith.mulf %add3A_566, %add3A_566 : vector<16xf32>
        %mul3A_590 = arith.mulf %add3A_572, %add3A_572 : vector<16xf32>
        %add3A_591 = arith.addf %mul3A_589, %mul3A_590 : vector<16xf32>
        %add3A_592 = arith.addf %add3A_582, %add3A_585 : vector<16xf32>
        %add3A_593 = arith.addf %add3A_588, %add3A_591 : vector<16xf32>
        %add3A_594 = arith.addf %add3A_592, %add3A_593 : vector<16xf32>
        %add3A_595 = arith.constant 0 : i32
        %add3A_596 = arith.addi %mul3A_287, %add3A_595 : i32
        %broadcast_in_dim3A_597 = arith.constant true
        %broadcast_in_dim3A_598 = vector.broadcast %broadcast_in_dim3A_597 : i1 to vector<16xi1>
        %masked_cumsum3A = tpu.scan <sum>, %add3A_348 masked %broadcast_in_dim3A_598 : vector<16xf32>, vector<16xi1> -> vector<16xf32>
        %broadcast_in_dim3A_599 = vector.shape_cast %broadcast_in_dim3A_78 : vector<16xi32> to vector<16x1xi32>
        %gather3A_600 = vector.shape_cast %broadcast_in_dim3A_599 : vector<16x1xi32> to vector<16xi32>
        %gather3A_601 = tpu.dynamic_gather %masked_cumsum3A[%gather3A_600] in [0] : vector<16xf32>, vector<16xi32> -> vector<16xf32>
        %mul3A_602 = vector.broadcast %scan3A_101 : f32 to vector<16xf32>
        %mul3A_603 = arith.mulf %gather3A_601, %mul3A_602 : vector<16xf32>
        %broadcast_in_dim3A_604 = arith.constant true
        %broadcast_in_dim3A_605 = vector.broadcast %broadcast_in_dim3A_604 : i1 to vector<16xi1>
        %masked_cumsum3A_606 = tpu.scan <sum>, %add3A_363 masked %broadcast_in_dim3A_605 : vector<16xf32>, vector<16xi1> -> vector<16xf32>
        %broadcast_in_dim3A_607 = vector.shape_cast %broadcast_in_dim3A_78 : vector<16xi32> to vector<16x1xi32>
        %gather3A_608 = vector.shape_cast %broadcast_in_dim3A_607 : vector<16x1xi32> to vector<16xi32>
        %gather3A_609 = tpu.dynamic_gather %masked_cumsum3A_606[%gather3A_608] in [0] : vector<16xf32>, vector<16xi32> -> vector<16xf32>
        %mul3A_610 = vector.broadcast %scan3A_101 : f32 to vector<16xf32>
        %mul3A_611 = arith.mulf %gather3A_609, %mul3A_610 : vector<16xf32>
        %mul3A_612 = arith.mulf %mul3A_603, %mul3A_603 : vector<16xf32>
        %sub3A = arith.subf %mul3A_611, %mul3A_612 : vector<16xf32>
        %add3A_613 = arith.constant 1.000000e-03 : f32
        %add3A_614 = vector.broadcast %add3A_613 : f32 to vector<16xf32>
        %add3A_615 = arith.addf %sub3A, %add3A_614 : vector<16xf32>
        %bitcast3A = vector.bitcast %add3A_615 : vector<16xf32> to vector<16xi32>
        %shift_right_arithmetic3A = arith.constant 1 : i32
        %shift_right_arithmetic3A_616 = vector.broadcast %shift_right_arithmetic3A : i32 to vector<16xi32>
        %shift_right_arithmetic3A_617 = arith.shrsi %bitcast3A, %shift_right_arithmetic3A_616 : vector<16xi32>
        %sub3A_618 = arith.constant 1597463007 : i32
        %sub3A_619 = vector.broadcast %sub3A_618 : i32 to vector<16xi32>
        %sub3A_620 = arith.subi %sub3A_619, %shift_right_arithmetic3A_617 : vector<16xi32>
        %bitcast3A_621 = vector.bitcast %sub3A_620 : vector<16xi32> to vector<16xf32>
        %mul3A_622 = arith.constant 5.000000e-01 : f32
        %mul3A_623 = vector.broadcast %mul3A_622 : f32 to vector<16xf32>
        %mul3A_624 = arith.mulf %add3A_615, %mul3A_623 : vector<16xf32>
        %mul3A_625 = arith.mulf %mul3A_624, %bitcast3A_621 : vector<16xf32>
        %mul3A_626 = arith.mulf %mul3A_625, %bitcast3A_621 : vector<16xf32>
        %sub3A_627 = arith.constant 1.500000e+00 : f32
        %sub3A_628 = vector.broadcast %sub3A_627 : f32 to vector<16xf32>
        %sub3A_629 = arith.subf %sub3A_628, %mul3A_626 : vector<16xf32>
        %mul3A_630 = arith.mulf %bitcast3A_621, %sub3A_629 : vector<16xf32>
        %mul3A_631 = arith.mulf %mul3A_624, %mul3A_630 : vector<16xf32>
        %mul3A_632 = arith.mulf %mul3A_631, %mul3A_630 : vector<16xf32>
        %sub3A_633 = arith.constant 1.500000e+00 : f32
        %sub3A_634 = vector.broadcast %sub3A_633 : f32 to vector<16xf32>
        %sub3A_635 = arith.subf %sub3A_634, %mul3A_632 : vector<16xf32>
        %mul3A_636 = arith.mulf %mul3A_630, %sub3A_635 : vector<16xf32>
        %mul3A_637 = arith.mulf %mul3A_603, %mul3A_636 : vector<16xf32>
        %sub3A_638 = arith.constant 0.000000e+00 : f32
        %sub3A_639 = vector.broadcast %sub3A_638 : f32 to vector<16xf32>
        %sub3A_640 = arith.subf %sub3A_639, %mul3A_637 : vector<16xf32>
        %mul3A_641 = arith.mulf %add3A_299, %mul3A_636 : vector<16xf32>
        %add3A_642 = arith.addf %mul3A_641, %sub3A_640 : vector<16xf32>
        %mul3A_643 = arith.mulf %add3A_642, %get3A_47 : vector<16xf32>
        %add3A_644 = arith.addf %mul3A_643, %get3A_63 : vector<16xf32>
        %swap3A = arith.index_cast %add3A_596 : i32 to index
        %swap3A_645 = arith.constant 0 : index
        %swap3A_646 = tpu.vector_load %arg11[%swap3A, %swap3A_645] {strides = array<i32>} : memref<64x128xf32, #tpu.memory_space<vmem>>, vector<16xf32>,
        tpu.vector_store %arg11[%swap3A, %swap3A_645], %add3A_644 {strides = array<i32>} : memref<64x128xf32, #tpu.memory_space<vmem>>, vector<16xf32>,
        %mul3A_647 = arith.mulf %add3A_305, %mul3A_636 : vector<16xf32>
        %add3A_648 = arith.addf %mul3A_647, %sub3A_640 : vector<16xf32>
        %mul3A_649 = arith.mulf %add3A_648, %get3A_49 : vector<16xf32>
        %add3A_650 = arith.addf %mul3A_649, %get3A_65 : vector<16xf32>
        %swap3A_651 = arith.index_cast %add3A_596 : i32 to index
        %swap3A_652 = arith.constant 16 : index
        %swap3A_653 = tpu.vector_load %arg11[%swap3A_651, %swap3A_652] {strides = array<i32>} : memref<64x128xf32, #tpu.memory_space<vmem>>, vector<16xf32>,
        tpu.vector_store %arg11[%swap3A_651, %swap3A_652], %add3A_650 {strides = array<i32>} : memref<64x128xf32, #tpu.memory_space<vmem>>, vector<16xf32>,
        %mul3A_654 = arith.mulf %add3A_311, %mul3A_636 : vector<16xf32>
        %add3A_655 = arith.addf %mul3A_654, %sub3A_640 : vector<16xf32>
        %mul3A_656 = arith.mulf %add3A_655, %get3A_51 : vector<16xf32>
        %add3A_657 = arith.addf %mul3A_656, %get3A_67 : vector<16xf32>
        %swap3A_658 = arith.index_cast %add3A_596 : i32 to index
        %swap3A_659 = arith.constant 32 : index
        %swap3A_660 = tpu.vector_load %arg11[%swap3A_658, %swap3A_659] {strides = array<i32>} : memref<64x128xf32, #tpu.memory_space<vmem>>, vector<16xf32>,
        tpu.vector_store %arg11[%swap3A_658, %swap3A_659], %add3A_657 {strides = array<i32>} : memref<64x128xf32, #tpu.memory_space<vmem>>, vector<16xf32>,
        %mul3A_661 = arith.mulf %add3A_317, %mul3A_636 : vector<16xf32>
        %add3A_662 = arith.addf %mul3A_661, %sub3A_640 : vector<16xf32>
        %mul3A_663 = arith.mulf %add3A_662, %get3A_53 : vector<16xf32>
        %add3A_664 = arith.addf %mul3A_663, %get3A_69 : vector<16xf32>
        %swap3A_665 = arith.index_cast %add3A_596 : i32 to index
        %swap3A_666 = arith.constant 48 : index
        %swap3A_667 = tpu.vector_load %arg11[%swap3A_665, %swap3A_666] {strides = array<i32>} : memref<64x128xf32, #tpu.memory_space<vmem>>, vector<16xf32>,
        tpu.vector_store %arg11[%swap3A_665, %swap3A_666], %add3A_664 {strides = array<i32>} : memref<64x128xf32, #tpu.memory_space<vmem>>, vector<16xf32>,
        %mul3A_668 = arith.mulf %add3A_323, %mul3A_636 : vector<16xf32>
        %add3A_669 = arith.addf %mul3A_668, %sub3A_640 : vector<16xf32>
        %mul3A_670 = arith.mulf %add3A_669, %get3A_55 : vector<16xf32>
        %add3A_671 = arith.addf %mul3A_670, %get3A_71 : vector<16xf32>
        %swap3A_672 = arith.index_cast %add3A_596 : i32 to index
        %swap3A_673 = arith.constant 64 : index
        %swap3A_674 = tpu.vector_load %arg11[%swap3A_672, %swap3A_673] {strides = array<i32>} : memref<64x128xf32, #tpu.memory_space<vmem>>, vector<16xf32>,
        tpu.vector_store %arg11[%swap3A_672, %swap3A_673], %add3A_671 {strides = array<i32>} : memref<64x128xf32, #tpu.memory_space<vmem>>, vector<16xf32>,
        %mul3A_675 = arith.mulf %add3A_329, %mul3A_636 : vector<16xf32>
        %add3A_676 = arith.addf %mul3A_675, %sub3A_640 : vector<16xf32>
        %mul3A_677 = arith.mulf %add3A_676, %get3A_57 : vector<16xf32>
        %add3A_678 = arith.addf %mul3A_677, %get3A_73 : vector<16xf32>
        %swap3A_679 = arith.index_cast %add3A_596 : i32 to index
        %swap3A_680 = arith.constant 80 : index
        %swap3A_681 = tpu.vector_load %arg11[%swap3A_679, %swap3A_680] {strides = array<i32>} : memref<64x128xf32, #tpu.memory_space<vmem>>, vector<16xf32>,
        tpu.vector_store %arg11[%swap3A_679, %swap3A_680], %add3A_678 {strides = array<i32>} : memref<64x128xf32, #tpu.memory_space<vmem>>, vector<16xf32>,
        %mul3A_682 = arith.mulf %add3A_335, %mul3A_636 : vector<16xf32>
        %add3A_683 = arith.addf %mul3A_682, %sub3A_640 : vector<16xf32>
        %mul3A_684 = arith.mulf %add3A_683, %get3A_59 : vector<16xf32>
        %add3A_685 = arith.addf %mul3A_684, %get3A_75 : vector<16xf32>
        %swap3A_686 = arith.index_cast %add3A_596 : i32 to index
        %swap3A_687 = arith.constant 96 : index
        %swap3A_688 = tpu.vector_load %arg11[%swap3A_686, %swap3A_687] {strides = array<i32>} : memref<64x128xf32, #tpu.memory_space<vmem>>, vector<16xf32>,
        tpu.vector_store %arg11[%swap3A_686, %swap3A_687], %add3A_685 {strides = array<i32>} : memref<64x128xf32, #tpu.memory_space<vmem>>, vector<16xf32>,
        %mul3A_689 = arith.mulf %add3A_341, %mul3A_636 : vector<16xf32>
        %add3A_690 = arith.addf %mul3A_689, %sub3A_640 : vector<16xf32>
        %mul3A_691 = arith.mulf %add3A_690, %get3A_61 : vector<16xf32>
        %add3A_692 = arith.addf %mul3A_691, %get3A_77 : vector<16xf32>
        %swap3A_693 = arith.index_cast %add3A_596 : i32 to index
        %swap3A_694 = arith.constant 112 : index
        %swap3A_695 = tpu.vector_load %arg11[%swap3A_693, %swap3A_694] {strides = array<i32>} : memref<64x128xf32, #tpu.memory_space<vmem>>, vector<16xf32>,
        tpu.vector_store %arg11[%swap3A_693, %swap3A_694], %add3A_692 {strides = array<i32>} : memref<64x128xf32, #tpu.memory_space<vmem>>, vector<16xf32>,
        %add3A_696 = arith.constant 1 : i32
        %add3A_697 = arith.addi %mul3A_287, %add3A_696 : i32
        %broadcast_in_dim3A_698 = arith.constant true
        %broadcast_in_dim3A_699 = vector.broadcast %broadcast_in_dim3A_698 : i1 to vector<16xi1>
        %masked_cumsum3A_700 = tpu.scan <sum>, %add3A_425 masked %broadcast_in_dim3A_699 : vector<16xf32>, vector<16xi1> -> vector<16xf32>
        %broadcast_in_dim3A_701 = vector.shape_cast %broadcast_in_dim3A_78 : vector<16xi32> to vector<16x1xi32>
        %gather3A_702 = vector.shape_cast %broadcast_in_dim3A_701 : vector<16x1xi32> to vector<16xi32>
        %gather3A_703 = tpu.dynamic_gather %masked_cumsum3A_700[%gather3A_702] in [0] : vector<16xf32>, vector<16xi32> -> vector<16xf32>
        %mul3A_704 = vector.broadcast %scan3A_101 : f32 to vector<16xf32>
        %mul3A_705 = arith.mulf %gather3A_703, %mul3A_704 : vector<16xf32>
        %broadcast_in_dim3A_706 = arith.constant true
        %broadcast_in_dim3A_707 = vector.broadcast %broadcast_in_dim3A_706 : i1 to vector<16xi1>
        %masked_cumsum3A_708 = tpu.scan <sum>, %add3A_440 masked %broadcast_in_dim3A_707 : vector<16xf32>, vector<16xi1> -> vector<16xf32>
        %broadcast_in_dim3A_709 = vector.shape_cast %broadcast_in_dim3A_78 : vector<16xi32> to vector<16x1xi32>
        %gather3A_710 = vector.shape_cast %broadcast_in_dim3A_709 : vector<16x1xi32> to vector<16xi32>
        %gather3A_711 = tpu.dynamic_gather %masked_cumsum3A_708[%gather3A_710] in [0] : vector<16xf32>, vector<16xi32> -> vector<16xf32>
        %mul3A_712 = vector.broadcast %scan3A_101 : f32 to vector<16xf32>
        %mul3A_713 = arith.mulf %gather3A_711, %mul3A_712 : vector<16xf32>
        %mul3A_714 = arith.mulf %mul3A_705, %mul3A_705 : vector<16xf32>
        %sub3A_715 = arith.subf %mul3A_713, %mul3A_714 : vector<16xf32>
        %add3A_716 = arith.constant 1.000000e-03 : f32
        %add3A_717 = vector.broadcast %add3A_716 : f32 to vector<16xf32>
        %add3A_718 = arith.addf %sub3A_715, %add3A_717 : vector<16xf32>
        %bitcast3A_719 = vector.bitcast %add3A_718 : vector<16xf32> to vector<16xi32>
        %shift_right_arithmetic3A_720 = arith.constant 1 : i32
        %shift_right_arithmetic3A_721 = vector.broadcast %shift_right_arithmetic3A_720 : i32 to vector<16xi32>
        %shift_right_arithmetic3A_722 = arith.shrsi %bitcast3A_719, %shift_right_arithmetic3A_721 : vector<16xi32>
        %sub3A_723 = arith.constant 1597463007 : i32
        %sub3A_724 = vector.broadcast %sub3A_723 : i32 to vector<16xi32>
        %sub3A_725 = arith.subi %sub3A_724, %shift_right_arithmetic3A_722 : vector<16xi32>
        %bitcast3A_726 = vector.bitcast %sub3A_725 : vector<16xi32> to vector<16xf32>
        %mul3A_727 = arith.constant 5.000000e-01 : f32
        %mul3A_728 = vector.broadcast %mul3A_727 : f32 to vector<16xf32>
        %mul3A_729 = arith.mulf %add3A_718, %mul3A_728 : vector<16xf32>
        %mul3A_730 = arith.mulf %mul3A_729, %bitcast3A_726 : vector<16xf32>
        %mul3A_731 = arith.mulf %mul3A_730, %bitcast3A_726 : vector<16xf32>
        %sub3A_732 = arith.constant 1.500000e+00 : f32
        %sub3A_733 = vector.broadcast %sub3A_732 : f32 to vector<16xf32>
        %sub3A_734 = arith.subf %sub3A_733, %mul3A_731 : vector<16xf32>
        %mul3A_735 = arith.mulf %bitcast3A_726, %sub3A_734 : vector<16xf32>
        %mul3A_736 = arith.mulf %mul3A_729, %mul3A_735 : vector<16xf32>
        %mul3A_737 = arith.mulf %mul3A_736, %mul3A_735 : vector<16xf32>
        %sub3A_738 = arith.constant 1.500000e+00 : f32
        %sub3A_739 = vector.broadcast %sub3A_738 : f32 to vector<16xf32>
        %sub3A_740 = arith.subf %sub3A_739, %mul3A_737 : vector<16xf32>
        %mul3A_741 = arith.mulf %mul3A_735, %sub3A_740 : vector<16xf32>
        %mul3A_742 = arith.mulf %mul3A_705, %mul3A_741 : vector<16xf32>
        %sub3A_743 = arith.constant 0.000000e+00 : f32
        %sub3A_744 = vector.broadcast %sub3A_743 : f32 to vector<16xf32>
        %sub3A_745 = arith.subf %sub3A_744, %mul3A_742 : vector<16xf32>
        %mul3A_746 = arith.mulf %add3A_376, %mul3A_741 : vector<16xf32>
        %add3A_747 = arith.addf %mul3A_746, %sub3A_745 : vector<16xf32>
        %mul3A_748 = arith.mulf %add3A_747, %get3A_47 : vector<16xf32>
        %add3A_749 = arith.addf %mul3A_748, %get3A_63 : vector<16xf32>
        %swap3A_750 = arith.index_cast %add3A_697 : i32 to index
        %swap3A_751 = arith.constant 0 : index
        %swap3A_752 = tpu.vector_load %arg11[%swap3A_750, %swap3A_751] {strides = array<i32>} : memref<64x128xf32, #tpu.memory_space<vmem>>, vector<16xf32>,
        tpu.vector_store %arg11[%swap3A_750, %swap3A_751], %add3A_749 {strides = array<i32>} : memref<64x128xf32, #tpu.memory_space<vmem>>, vector<16xf32>,
        %mul3A_753 = arith.mulf %add3A_382, %mul3A_741 : vector<16xf32>
        %add3A_754 = arith.addf %mul3A_753, %sub3A_745 : vector<16xf32>
        %mul3A_755 = arith.mulf %add3A_754, %get3A_49 : vector<16xf32>
        %add3A_756 = arith.addf %mul3A_755, %get3A_65 : vector<16xf32>
        %swap3A_757 = arith.index_cast %add3A_697 : i32 to index
        %swap3A_758 = arith.constant 16 : index
        %swap3A_759 = tpu.vector_load %arg11[%swap3A_757, %swap3A_758] {strides = array<i32>} : memref<64x128xf32, #tpu.memory_space<vmem>>, vector<16xf32>,
        tpu.vector_store %arg11[%swap3A_757, %swap3A_758], %add3A_756 {strides = array<i32>} : memref<64x128xf32, #tpu.memory_space<vmem>>, vector<16xf32>,
        %mul3A_760 = arith.mulf %add3A_388, %mul3A_741 : vector<16xf32>
        %add3A_761 = arith.addf %mul3A_760, %sub3A_745 : vector<16xf32>
        %mul3A_762 = arith.mulf %add3A_761, %get3A_51 : vector<16xf32>
        %add3A_763 = arith.addf %mul3A_762, %get3A_67 : vector<16xf32>
        %swap3A_764 = arith.index_cast %add3A_697 : i32 to index
        %swap3A_765 = arith.constant 32 : index
        %swap3A_766 = tpu.vector_load %arg11[%swap3A_764, %swap3A_765] {strides = array<i32>} : memref<64x128xf32, #tpu.memory_space<vmem>>, vector<16xf32>,
        tpu.vector_store %arg11[%swap3A_764, %swap3A_765], %add3A_763 {strides = array<i32>} : memref<64x128xf32, #tpu.memory_space<vmem>>, vector<16xf32>,
        %mul3A_767 = arith.mulf %add3A_394, %mul3A_741 : vector<16xf32>
        %add3A_768 = arith.addf %mul3A_767, %sub3A_745 : vector<16xf32>
        %mul3A_769 = arith.mulf %add3A_768, %get3A_53 : vector<16xf32>
        %add3A_770 = arith.addf %mul3A_769, %get3A_69 : vector<16xf32>
        %swap3A_771 = arith.index_cast %add3A_697 : i32 to index
        %swap3A_772 = arith.constant 48 : index
        %swap3A_773 = tpu.vector_load %arg11[%swap3A_771, %swap3A_772] {strides = array<i32>} : memref<64x128xf32, #tpu.memory_space<vmem>>, vector<16xf32>,
        tpu.vector_store %arg11[%swap3A_771, %swap3A_772], %add3A_770 {strides = array<i32>} : memref<64x128xf32, #tpu.memory_space<vmem>>, vector<16xf32>,
        %mul3A_774 = arith.mulf %add3A_400, %mul3A_741 : vector<16xf32>
        %add3A_775 = arith.addf %mul3A_774, %sub3A_745 : vector<16xf32>
        %mul3A_776 = arith.mulf %add3A_775, %get3A_55 : vector<16xf32>
        %add3A_777 = arith.addf %mul3A_776, %get3A_71 : vector<16xf32>
        %swap3A_778 = arith.index_cast %add3A_697 : i32 to index
        %swap3A_779 = arith.constant 64 : index
        %swap3A_780 = tpu.vector_load %arg11[%swap3A_778, %swap3A_779] {strides = array<i32>} : memref<64x128xf32, #tpu.memory_space<vmem>>, vector<16xf32>,
        tpu.vector_store %arg11[%swap3A_778, %swap3A_779], %add3A_777 {strides = array<i32>} : memref<64x128xf32, #tpu.memory_space<vmem>>, vector<16xf32>,
        %mul3A_781 = arith.mulf %add3A_406, %mul3A_741 : vector<16xf32>
        %add3A_782 = arith.addf %mul3A_781, %sub3A_745 : vector<16xf32>
        %mul3A_783 = arith.mulf %add3A_782, %get3A_57 : vector<16xf32>
        %add3A_784 = arith.addf %mul3A_783, %get3A_73 : vector<16xf32>
        %swap3A_785 = arith.index_cast %add3A_697 : i32 to index
        %swap3A_786 = arith.constant 80 : index
        %swap3A_787 = tpu.vector_load %arg11[%swap3A_785, %swap3A_786] {strides = array<i32>} : memref<64x128xf32, #tpu.memory_space<vmem>>, vector<16xf32>,
        tpu.vector_store %arg11[%swap3A_785, %swap3A_786], %add3A_784 {strides = array<i32>} : memref<64x128xf32, #tpu.memory_space<vmem>>, vector<16xf32>,
        %mul3A_788 = arith.mulf %add3A_412, %mul3A_741 : vector<16xf32>
        %add3A_789 = arith.addf %mul3A_788, %sub3A_745 : vector<16xf32>
        %mul3A_790 = arith.mulf %add3A_789, %get3A_59 : vector<16xf32>
        %add3A_791 = arith.addf %mul3A_790, %get3A_75 : vector<16xf32>
        %swap3A_792 = arith.index_cast %add3A_697 : i32 to index
        %swap3A_793 = arith.constant 96 : index
        %swap3A_794 = tpu.vector_load %arg11[%swap3A_792, %swap3A_793] {strides = array<i32>} : memref<64x128xf32, #tpu.memory_space<vmem>>, vector<16xf32>,
        tpu.vector_store %arg11[%swap3A_792, %swap3A_793], %add3A_791 {strides = array<i32>} : memref<64x128xf32, #tpu.memory_space<vmem>>, vector<16xf32>,
        %mul3A_795 = arith.mulf %add3A_418, %mul3A_741 : vector<16xf32>
        %add3A_796 = arith.addf %mul3A_795, %sub3A_745 : vector<16xf32>
        %mul3A_797 = arith.mulf %add3A_796, %get3A_61 : vector<16xf32>
        %add3A_798 = arith.addf %mul3A_797, %get3A_77 : vector<16xf32>
        %swap3A_799 = arith.index_cast %add3A_697 : i32 to index
        %swap3A_800 = arith.constant 112 : index
        %swap3A_801 = tpu.vector_load %arg11[%swap3A_799, %swap3A_800] {strides = array<i32>} : memref<64x128xf32, #tpu.memory_space<vmem>>, vector<16xf32>,
        tpu.vector_store %arg11[%swap3A_799, %swap3A_800], %add3A_798 {strides = array<i32>} : memref<64x128xf32, #tpu.memory_space<vmem>>, vector<16xf32>,
        %add3A_802 = arith.constant 2 : i32
        %add3A_803 = arith.addi %mul3A_287, %add3A_802 : i32
        %broadcast_in_dim3A_804 = arith.constant true
        %broadcast_in_dim3A_805 = vector.broadcast %broadcast_in_dim3A_804 : i1 to vector<16xi1>
        %masked_cumsum3A_806 = tpu.scan <sum>, %add3A_502 masked %broadcast_in_dim3A_805 : vector<16xf32>, vector<16xi1> -> vector<16xf32>
        %broadcast_in_dim3A_807 = vector.shape_cast %broadcast_in_dim3A_78 : vector<16xi32> to vector<16x1xi32>
        %gather3A_808 = vector.shape_cast %broadcast_in_dim3A_807 : vector<16x1xi32> to vector<16xi32>
        %gather3A_809 = tpu.dynamic_gather %masked_cumsum3A_806[%gather3A_808] in [0] : vector<16xf32>, vector<16xi32> -> vector<16xf32>
        %mul3A_810 = vector.broadcast %scan3A_101 : f32 to vector<16xf32>
        %mul3A_811 = arith.mulf %gather3A_809, %mul3A_810 : vector<16xf32>
        %broadcast_in_dim3A_812 = arith.constant true
        %broadcast_in_dim3A_813 = vector.broadcast %broadcast_in_dim3A_812 : i1 to vector<16xi1>
        %masked_cumsum3A_814 = tpu.scan <sum>, %add3A_517 masked %broadcast_in_dim3A_813 : vector<16xf32>, vector<16xi1> -> vector<16xf32>
        %broadcast_in_dim3A_815 = vector.shape_cast %broadcast_in_dim3A_78 : vector<16xi32> to vector<16x1xi32>
        %gather3A_816 = vector.shape_cast %broadcast_in_dim3A_815 : vector<16x1xi32> to vector<16xi32>
        %gather3A_817 = tpu.dynamic_gather %masked_cumsum3A_814[%gather3A_816] in [0] : vector<16xf32>, vector<16xi32> -> vector<16xf32>
        %mul3A_818 = vector.broadcast %scan3A_101 : f32 to vector<16xf32>
        %mul3A_819 = arith.mulf %gather3A_817, %mul3A_818 : vector<16xf32>
        %mul3A_820 = arith.mulf %mul3A_811, %mul3A_811 : vector<16xf32>
        %sub3A_821 = arith.subf %mul3A_819, %mul3A_820 : vector<16xf32>
        %add3A_822 = arith.constant 1.000000e-03 : f32
        %add3A_823 = vector.broadcast %add3A_822 : f32 to vector<16xf32>
        %add3A_824 = arith.addf %sub3A_821, %add3A_823 : vector<16xf32>
        %bitcast3A_825 = vector.bitcast %add3A_824 : vector<16xf32> to vector<16xi32>
        %shift_right_arithmetic3A_826 = arith.constant 1 : i32
        %shift_right_arithmetic3A_827 = vector.broadcast %shift_right_arithmetic3A_826 : i32 to vector<16xi32>
        %shift_right_arithmetic3A_828 = arith.shrsi %bitcast3A_825, %shift_right_arithmetic3A_827 : vector<16xi32>
        %sub3A_829 = arith.constant 1597463007 : i32
        %sub3A_830 = vector.broadcast %sub3A_829 : i32 to vector<16xi32>
        %sub3A_831 = arith.subi %sub3A_830, %shift_right_arithmetic3A_828 : vector<16xi32>
        %bitcast3A_832 = vector.bitcast %sub3A_831 : vector<16xi32> to vector<16xf32>
        %mul3A_833 = arith.constant 5.000000e-01 : f32
        %mul3A_834 = vector.broadcast %mul3A_833 : f32 to vector<16xf32>
        %mul3A_835 = arith.mulf %add3A_824, %mul3A_834 : vector<16xf32>
        %mul3A_836 = arith.mulf %mul3A_835, %bitcast3A_832 : vector<16xf32>
        %mul3A_837 = arith.mulf %mul3A_836, %bitcast3A_832 : vector<16xf32>
        %sub3A_838 = arith.constant 1.500000e+00 : f32
        %sub3A_839 = vector.broadcast %sub3A_838 : f32 to vector<16xf32>
        %sub3A_840 = arith.subf %sub3A_839, %mul3A_837 : vector<16xf32>
        %mul3A_841 = arith.mulf %bitcast3A_832, %sub3A_840 : vector<16xf32>
        %mul3A_842 = arith.mulf %mul3A_835, %mul3A_841 : vector<16xf32>
        %mul3A_843 = arith.mulf %mul3A_842, %mul3A_841 : vector<16xf32>
        %sub3A_844 = arith.constant 1.500000e+00 : f32
        %sub3A_845 = vector.broadcast %sub3A_844 : f32 to vector<16xf32>
        %sub3A_846 = arith.subf %sub3A_845, %mul3A_843 : vector<16xf32>
        %mul3A_847 = arith.mulf %mul3A_841, %sub3A_846 : vector<16xf32>
        %mul3A_848 = arith.mulf %mul3A_811, %mul3A_847 : vector<16xf32>
        %sub3A_849 = arith.constant 0.000000e+00 : f32
        %sub3A_850 = vector.broadcast %sub3A_849 : f32 to vector<16xf32>
        %sub3A_851 = arith.subf %sub3A_850, %mul3A_848 : vector<16xf32>
        %mul3A_852 = arith.mulf %add3A_453, %mul3A_847 : vector<16xf32>
        %add3A_853 = arith.addf %mul3A_852, %sub3A_851 : vector<16xf32>
        %mul3A_854 = arith.mulf %add3A_853, %get3A_47 : vector<16xf32>
        %add3A_855 = arith.addf %mul3A_854, %get3A_63 : vector<16xf32>
        %swap3A_856 = arith.index_cast %add3A_803 : i32 to index
        %swap3A_857 = arith.constant 0 : index
        %swap3A_858 = tpu.vector_load %arg11[%swap3A_856, %swap3A_857] {strides = array<i32>} : memref<64x128xf32, #tpu.memory_space<vmem>>, vector<16xf32>,
        tpu.vector_store %arg11[%swap3A_856, %swap3A_857], %add3A_855 {strides = array<i32>} : memref<64x128xf32, #tpu.memory_space<vmem>>, vector<16xf32>,
        %mul3A_859 = arith.mulf %add3A_459, %mul3A_847 : vector<16xf32>
        %add3A_860 = arith.addf %mul3A_859, %sub3A_851 : vector<16xf32>
        %mul3A_861 = arith.mulf %add3A_860, %get3A_49 : vector<16xf32>
        %add3A_862 = arith.addf %mul3A_861, %get3A_65 : vector<16xf32>
        %swap3A_863 = arith.index_cast %add3A_803 : i32 to index
        %swap3A_864 = arith.constant 16 : index
        %swap3A_865 = tpu.vector_load %arg11[%swap3A_863, %swap3A_864] {strides = array<i32>} : memref<64x128xf32, #tpu.memory_space<vmem>>, vector<16xf32>,
        tpu.vector_store %arg11[%swap3A_863, %swap3A_864], %add3A_862 {strides = array<i32>} : memref<64x128xf32, #tpu.memory_space<vmem>>, vector<16xf32>,
        %mul3A_866 = arith.mulf %add3A_465, %mul3A_847 : vector<16xf32>
        %add3A_867 = arith.addf %mul3A_866, %sub3A_851 : vector<16xf32>
        %mul3A_868 = arith.mulf %add3A_867, %get3A_51 : vector<16xf32>
        %add3A_869 = arith.addf %mul3A_868, %get3A_67 : vector<16xf32>
        %swap3A_870 = arith.index_cast %add3A_803 : i32 to index
        %swap3A_871 = arith.constant 32 : index
        %swap3A_872 = tpu.vector_load %arg11[%swap3A_870, %swap3A_871] {strides = array<i32>} : memref<64x128xf32, #tpu.memory_space<vmem>>, vector<16xf32>,
        tpu.vector_store %arg11[%swap3A_870, %swap3A_871], %add3A_869 {strides = array<i32>} : memref<64x128xf32, #tpu.memory_space<vmem>>, vector<16xf32>,
        %mul3A_873 = arith.mulf %add3A_471, %mul3A_847 : vector<16xf32>
        %add3A_874 = arith.addf %mul3A_873, %sub3A_851 : vector<16xf32>
        %mul3A_875 = arith.mulf %add3A_874, %get3A_53 : vector<16xf32>
        %add3A_876 = arith.addf %mul3A_875, %get3A_69 : vector<16xf32>
        %swap3A_877 = arith.index_cast %add3A_803 : i32 to index
        %swap3A_878 = arith.constant 48 : index
        %swap3A_879 = tpu.vector_load %arg11[%swap3A_877, %swap3A_878] {strides = array<i32>} : memref<64x128xf32, #tpu.memory_space<vmem>>, vector<16xf32>,
        tpu.vector_store %arg11[%swap3A_877, %swap3A_878], %add3A_876 {strides = array<i32>} : memref<64x128xf32, #tpu.memory_space<vmem>>, vector<16xf32>,
        %mul3A_880 = arith.mulf %add3A_477, %mul3A_847 : vector<16xf32>
        %add3A_881 = arith.addf %mul3A_880, %sub3A_851 : vector<16xf32>
        %mul3A_882 = arith.mulf %add3A_881, %get3A_55 : vector<16xf32>
        %add3A_883 = arith.addf %mul3A_882, %get3A_71 : vector<16xf32>
        %swap3A_884 = arith.index_cast %add3A_803 : i32 to index
        %swap3A_885 = arith.constant 64 : index
        %swap3A_886 = tpu.vector_load %arg11[%swap3A_884, %swap3A_885] {strides = array<i32>} : memref<64x128xf32, #tpu.memory_space<vmem>>, vector<16xf32>,
        tpu.vector_store %arg11[%swap3A_884, %swap3A_885], %add3A_883 {strides = array<i32>} : memref<64x128xf32, #tpu.memory_space<vmem>>, vector<16xf32>,
        %mul3A_887 = arith.mulf %add3A_483, %mul3A_847 : vector<16xf32>
        %add3A_888 = arith.addf %mul3A_887, %sub3A_851 : vector<16xf32>
        %mul3A_889 = arith.mulf %add3A_888, %get3A_57 : vector<16xf32>
        %add3A_890 = arith.addf %mul3A_889, %get3A_73 : vector<16xf32>
        %swap3A_891 = arith.index_cast %add3A_803 : i32 to index
        %swap3A_892 = arith.constant 80 : index
        %swap3A_893 = tpu.vector_load %arg11[%swap3A_891, %swap3A_892] {strides = array<i32>} : memref<64x128xf32, #tpu.memory_space<vmem>>, vector<16xf32>,
        tpu.vector_store %arg11[%swap3A_891, %swap3A_892], %add3A_890 {strides = array<i32>} : memref<64x128xf32, #tpu.memory_space<vmem>>, vector<16xf32>,
        %mul3A_894 = arith.mulf %add3A_489, %mul3A_847 : vector<16xf32>
        %add3A_895 = arith.addf %mul3A_894, %sub3A_851 : vector<16xf32>
        %mul3A_896 = arith.mulf %add3A_895, %get3A_59 : vector<16xf32>
        %add3A_897 = arith.addf %mul3A_896, %get3A_75 : vector<16xf32>
        %swap3A_898 = arith.index_cast %add3A_803 : i32 to index
        %swap3A_899 = arith.constant 96 : index
        %swap3A_900 = tpu.vector_load %arg11[%swap3A_898, %swap3A_899] {strides = array<i32>} : memref<64x128xf32, #tpu.memory_space<vmem>>, vector<16xf32>,
        tpu.vector_store %arg11[%swap3A_898, %swap3A_899], %add3A_897 {strides = array<i32>} : memref<64x128xf32, #tpu.memory_space<vmem>>, vector<16xf32>,
        %mul3A_901 = arith.mulf %add3A_495, %mul3A_847 : vector<16xf32>
        %add3A_902 = arith.addf %mul3A_901, %sub3A_851 : vector<16xf32>
        %mul3A_903 = arith.mulf %add3A_902, %get3A_61 : vector<16xf32>
        %add3A_904 = arith.addf %mul3A_903, %get3A_77 : vector<16xf32>
        %swap3A_905 = arith.index_cast %add3A_803 : i32 to index
        %swap3A_906 = arith.constant 112 : index
        %swap3A_907 = tpu.vector_load %arg11[%swap3A_905, %swap3A_906] {strides = array<i32>} : memref<64x128xf32, #tpu.memory_space<vmem>>, vector<16xf32>,
        tpu.vector_store %arg11[%swap3A_905, %swap3A_906], %add3A_904 {strides = array<i32>} : memref<64x128xf32, #tpu.memory_space<vmem>>, vector<16xf32>,
        %add3A_908 = arith.constant 3 : i32
        %add3A_909 = arith.addi %mul3A_287, %add3A_908 : i32
        %broadcast_in_dim3A_910 = arith.constant true
        %broadcast_in_dim3A_911 = vector.broadcast %broadcast_in_dim3A_910 : i1 to vector<16xi1>
        %masked_cumsum3A_912 = tpu.scan <sum>, %add3A_579 masked %broadcast_in_dim3A_911 : vector<16xf32>, vector<16xi1> -> vector<16xf32>
        %broadcast_in_dim3A_913 = vector.shape_cast %broadcast_in_dim3A_78 : vector<16xi32> to vector<16x1xi32>
        %gather3A_914 = vector.shape_cast %broadcast_in_dim3A_913 : vector<16x1xi32> to vector<16xi32>
        %gather3A_915 = tpu.dynamic_gather %masked_cumsum3A_912[%gather3A_914] in [0] : vector<16xf32>, vector<16xi32> -> vector<16xf32>
        %mul3A_916 = vector.broadcast %scan3A_101 : f32 to vector<16xf32>
        %mul3A_917 = arith.mulf %gather3A_915, %mul3A_916 : vector<16xf32>
        %broadcast_in_dim3A_918 = arith.constant true
        %broadcast_in_dim3A_919 = vector.broadcast %broadcast_in_dim3A_918 : i1 to vector<16xi1>
        %masked_cumsum3A_920 = tpu.scan <sum>, %add3A_594 masked %broadcast_in_dim3A_919 : vector<16xf32>, vector<16xi1> -> vector<16xf32>
        %broadcast_in_dim3A_921 = vector.shape_cast %broadcast_in_dim3A_78 : vector<16xi32> to vector<16x1xi32>
        %gather3A_922 = vector.shape_cast %broadcast_in_dim3A_921 : vector<16x1xi32> to vector<16xi32>
        %gather3A_923 = tpu.dynamic_gather %masked_cumsum3A_920[%gather3A_922] in [0] : vector<16xf32>, vector<16xi32> -> vector<16xf32>
        %mul3A_924 = vector.broadcast %scan3A_101 : f32 to vector<16xf32>
        %mul3A_925 = arith.mulf %gather3A_923, %mul3A_924 : vector<16xf32>
        %mul3A_926 = arith.mulf %mul3A_917, %mul3A_917 : vector<16xf32>
        %sub3A_927 = arith.subf %mul3A_925, %mul3A_926 : vector<16xf32>
        %add3A_928 = arith.constant 1.000000e-03 : f32
        %add3A_929 = vector.broadcast %add3A_928 : f32 to vector<16xf32>
        %add3A_930 = arith.addf %sub3A_927, %add3A_929 : vector<16xf32>
        %bitcast3A_931 = vector.bitcast %add3A_930 : vector<16xf32> to vector<16xi32>
        %shift_right_arithmetic3A_932 = arith.constant 1 : i32
        %shift_right_arithmetic3A_933 = vector.broadcast %shift_right_arithmetic3A_932 : i32 to vector<16xi32>
        %shift_right_arithmetic3A_934 = arith.shrsi %bitcast3A_931, %shift_right_arithmetic3A_933 : vector<16xi32>
        %sub3A_935 = arith.constant 1597463007 : i32
        %sub3A_936 = vector.broadcast %sub3A_935 : i32 to vector<16xi32>
        %sub3A_937 = arith.subi %sub3A_936, %shift_right_arithmetic3A_934 : vector<16xi32>
        %bitcast3A_938 = vector.bitcast %sub3A_937 : vector<16xi32> to vector<16xf32>
        %mul3A_939 = arith.constant 5.000000e-01 : f32
        %mul3A_940 = vector.broadcast %mul3A_939 : f32 to vector<16xf32>
        %mul3A_941 = arith.mulf %add3A_930, %mul3A_940 : vector<16xf32>
        %mul3A_942 = arith.mulf %mul3A_941, %bitcast3A_938 : vector<16xf32>
        %mul3A_943 = arith.mulf %mul3A_942, %bitcast3A_938 : vector<16xf32>
        %sub3A_944 = arith.constant 1.500000e+00 : f32
        %sub3A_945 = vector.broadcast %sub3A_944 : f32 to vector<16xf32>
        %sub3A_946 = arith.subf %sub3A_945, %mul3A_943 : vector<16xf32>
        %mul3A_947 = arith.mulf %bitcast3A_938, %sub3A_946 : vector<16xf32>
        %mul3A_948 = arith.mulf %mul3A_941, %mul3A_947 : vector<16xf32>
        %mul3A_949 = arith.mulf %mul3A_948, %mul3A_947 : vector<16xf32>
        %sub3A_950 = arith.constant 1.500000e+00 : f32
        %sub3A_951 = vector.broadcast %sub3A_950 : f32 to vector<16xf32>
        %sub3A_952 = arith.subf %sub3A_951, %mul3A_949 : vector<16xf32>
        %mul3A_953 = arith.mulf %mul3A_947, %sub3A_952 : vector<16xf32>
        %mul3A_954 = arith.mulf %mul3A_917, %mul3A_953 : vector<16xf32>
        %sub3A_955 = arith.constant 0.000000e+00 : f32
        %sub3A_956 = vector.broadcast %sub3A_955 : f32 to vector<16xf32>
        %sub3A_957 = arith.subf %sub3A_956, %mul3A_954 : vector<16xf32>
        %mul3A_958 = arith.mulf %add3A_530, %mul3A_953 : vector<16xf32>
        %add3A_959 = arith.addf %mul3A_958, %sub3A_957 : vector<16xf32>
        %mul3A_960 = arith.mulf %add3A_959, %get3A_47 : vector<16xf32>
        %add3A_961 = arith.addf %mul3A_960, %get3A_63 : vector<16xf32>
        %swap3A_962 = arith.index_cast %add3A_909 : i32 to index
        %swap3A_963 = arith.constant 0 : index
        %swap3A_964 = tpu.vector_load %arg11[%swap3A_962, %swap3A_963] {strides = array<i32>} : memref<64x128xf32, #tpu.memory_space<vmem>>, vector<16xf32>,
        tpu.vector_store %arg11[%swap3A_962, %swap3A_963], %add3A_961 {strides = array<i32>} : memref<64x128xf32, #tpu.memory_space<vmem>>, vector<16xf32>,
        %mul3A_965 = arith.mulf %add3A_536, %mul3A_953 : vector<16xf32>
        %add3A_966 = arith.addf %mul3A_965, %sub3A_957 : vector<16xf32>
        %mul3A_967 = arith.mulf %add3A_966, %get3A_49 : vector<16xf32>
        %add3A_968 = arith.addf %mul3A_967, %get3A_65 : vector<16xf32>
        %swap3A_969 = arith.index_cast %add3A_909 : i32 to index
        %swap3A_970 = arith.constant 16 : index
        %swap3A_971 = tpu.vector_load %arg11[%swap3A_969, %swap3A_970] {strides = array<i32>} : memref<64x128xf32, #tpu.memory_space<vmem>>, vector<16xf32>,
        tpu.vector_store %arg11[%swap3A_969, %swap3A_970], %add3A_968 {strides = array<i32>} : memref<64x128xf32, #tpu.memory_space<vmem>>, vector<16xf32>,
        %mul3A_972 = arith.mulf %add3A_542, %mul3A_953 : vector<16xf32>
        %add3A_973 = arith.addf %mul3A_972, %sub3A_957 : vector<16xf32>
        %mul3A_974 = arith.mulf %add3A_973, %get3A_51 : vector<16xf32>
        %add3A_975 = arith.addf %mul3A_974, %get3A_67 : vector<16xf32>
        %swap3A_976 = arith.index_cast %add3A_909 : i32 to index
        %swap3A_977 = arith.constant 32 : index
        %swap3A_978 = tpu.vector_load %arg11[%swap3A_976, %swap3A_977] {strides = array<i32>} : memref<64x128xf32, #tpu.memory_space<vmem>>, vector<16xf32>,
        tpu.vector_store %arg11[%swap3A_976, %swap3A_977], %add3A_975 {strides = array<i32>} : memref<64x128xf32, #tpu.memory_space<vmem>>, vector<16xf32>,
        %mul3A_979 = arith.mulf %add3A_548, %mul3A_953 : vector<16xf32>
        %add3A_980 = arith.addf %mul3A_979, %sub3A_957 : vector<16xf32>
        %mul3A_981 = arith.mulf %add3A_980, %get3A_53 : vector<16xf32>
        %add3A_982 = arith.addf %mul3A_981, %get3A_69 : vector<16xf32>
        %swap3A_983 = arith.index_cast %add3A_909 : i32 to index
        %swap3A_984 = arith.constant 48 : index
        %swap3A_985 = tpu.vector_load %arg11[%swap3A_983, %swap3A_984] {strides = array<i32>} : memref<64x128xf32, #tpu.memory_space<vmem>>, vector<16xf32>,
        tpu.vector_store %arg11[%swap3A_983, %swap3A_984], %add3A_982 {strides = array<i32>} : memref<64x128xf32, #tpu.memory_space<vmem>>, vector<16xf32>,
        %mul3A_986 = arith.mulf %add3A_554, %mul3A_953 : vector<16xf32>
        %add3A_987 = arith.addf %mul3A_986, %sub3A_957 : vector<16xf32>
        %mul3A_988 = arith.mulf %add3A_987, %get3A_55 : vector<16xf32>
        %add3A_989 = arith.addf %mul3A_988, %get3A_71 : vector<16xf32>
        %swap3A_990 = arith.index_cast %add3A_909 : i32 to index
        %swap3A_991 = arith.constant 64 : index
        %swap3A_992 = tpu.vector_load %arg11[%swap3A_990, %swap3A_991] {strides = array<i32>} : memref<64x128xf32, #tpu.memory_space<vmem>>, vector<16xf32>,
        tpu.vector_store %arg11[%swap3A_990, %swap3A_991], %add3A_989 {strides = array<i32>} : memref<64x128xf32, #tpu.memory_space<vmem>>, vector<16xf32>,
        %mul3A_993 = arith.mulf %add3A_560, %mul3A_953 : vector<16xf32>
        %add3A_994 = arith.addf %mul3A_993, %sub3A_957 : vector<16xf32>
        %mul3A_995 = arith.mulf %add3A_994, %get3A_57 : vector<16xf32>
        %add3A_996 = arith.addf %mul3A_995, %get3A_73 : vector<16xf32>
        %swap3A_997 = arith.index_cast %add3A_909 : i32 to index
        %swap3A_998 = arith.constant 80 : index
        %swap3A_999 = tpu.vector_load %arg11[%swap3A_997, %swap3A_998] {strides = array<i32>} : memref<64x128xf32, #tpu.memory_space<vmem>>, vector<16xf32>,
        tpu.vector_store %arg11[%swap3A_997, %swap3A_998], %add3A_996 {strides = array<i32>} : memref<64x128xf32, #tpu.memory_space<vmem>>, vector<16xf32>,
        %mul3A_1000 = arith.mulf %add3A_566, %mul3A_953 : vector<16xf32>
        %add3A_1001 = arith.addf %mul3A_1000, %sub3A_957 : vector<16xf32>
        %mul3A_1002 = arith.mulf %add3A_1001, %get3A_59 : vector<16xf32>
        %add3A_1003 = arith.addf %mul3A_1002, %get3A_75 : vector<16xf32>
        %swap3A_1004 = arith.index_cast %add3A_909 : i32 to index
        %swap3A_1005 = arith.constant 96 : index
        %swap3A_1006 = tpu.vector_load %arg11[%swap3A_1004, %swap3A_1005] {strides = array<i32>} : memref<64x128xf32, #tpu.memory_space<vmem>>, vector<16xf32>,
        tpu.vector_store %arg11[%swap3A_1004, %swap3A_1005], %add3A_1003 {strides = array<i32>} : memref<64x128xf32, #tpu.memory_space<vmem>>, vector<16xf32>,
        %mul3A_1007 = arith.mulf %add3A_572, %mul3A_953 : vector<16xf32>
        %add3A_1008 = arith.addf %mul3A_1007, %sub3A_957 : vector<16xf32>
        %mul3A_1009 = arith.mulf %add3A_1008, %get3A_61 : vector<16xf32>
        %add3A_1010 = arith.addf %mul3A_1009, %get3A_77 : vector<16xf32>
        %swap3A_1011 = arith.index_cast %add3A_909 : i32 to index
        %swap3A_1012 = arith.constant 112 : index
        %swap3A_1013 = tpu.vector_load %arg11[%swap3A_1011, %swap3A_1012] {strides = array<i32>} : memref<64x128xf32, #tpu.memory_space<vmem>>, vector<16xf32>,
        tpu.vector_store %arg11[%swap3A_1011, %swap3A_1012], %add3A_1010 {strides = array<i32>} : memref<64x128xf32, #tpu.memory_space<vmem>>, vector<16xf32>,
      }
      %scan3A_157 = arith.constant 16 : i32
      %mul3A_158 = arith.constant 64 : i32
      %mul3A_159 = arith.muli %add3A_141, %mul3A_158 : i32
      %add3A_160 = arith.addi %mul3A_2, %mul3A_159 : i32
      %dma_start3A_161 = arith.constant 0 : i32
      %dma_start3A_162 = tpu.memref_slice %arg9[%add3A_160, %dma_start3A_161] : memref<204800x128xf32, #tpu.memory_space<hbm>> -> memref<64x128xf32, #tpu.memory_space<hbm>>
      %dma_start3A_163 = arith.constant 0 : i32
      %dma_start3A_164 = tpu.memref_slice %arg9[%add3A_160, %dma_start3A_163] : memref<204800x128xf32, #tpu.memory_space<hbm>> -> memref<64x128xf32, #tpu.memory_space<hbm>>
      tpu.enqueue_dma source(%arg11 : memref<64x128xf32, #tpu.memory_space<vmem>>) target(%dma_start3A_164 : memref<64x128xf32, #tpu.memory_space<hbm>>) target_semaphore(%arg22 : memref<!tpu.dma_semaphore, #tpu.memory_space<semaphore_mem>>)
      %mul3A_165 = arith.constant 5 : i32
      %mul3A_166 = arith.muli %mul3A_165, %scan3A_137 : i32
      %add3A_167 = arith.constant 1 : i32
      %add3A_168 = arith.addi %mul3A_166, %add3A_167 : i32
      %dma_wait3A_169 = arith.constant 0 : i32
      %dma_wait3A_170 = arith.constant 0 : i32
      %dma_wait3A_171 = tpu.memref_slice %arg4[%dma_wait3A_169, %dma_wait3A_170] : memref<1000000x128xf32, #tpu.memory_space<hbm>> -> memref<64x128xf32, #tpu.memory_space<hbm>>
      %dma_wait3A_172 = arith.constant 0 : i32
      %dma_wait3A_173 = arith.constant 0 : i32
      %dma_wait3A_174 = tpu.memref_slice %arg4[%dma_wait3A_172, %dma_wait3A_173] : memref<1000000x128xf32, #tpu.memory_space<hbm>> -> memref<64x128xf32, #tpu.memory_space<hbm>>
      tpu.wait_dma2 semaphore(%arg21 : memref<!tpu.dma_semaphore, #tpu.memory_space<semaphore_mem>>) src(%dma_wait3A_174 : memref<64x128xf32, #tpu.memory_space<hbm>>) dst(%arg12 : memref<64x128xf32, #tpu.memory_space<vmem>>)
      %add3A_175 = arith.constant 3 : i32
      %add3A_176 = arith.addi %add3A_168, %add3A_175 : i32
      %lt3A_177 = arith.constant 100 : i32
      %lt3A_178 = arith.cmpi slt, %add3A_176, %lt3A_177 : i32
      %convert_element_type3A_179 = arith.extui %lt3A_178 : i1 to i32
      %cond3A_180 = arith.constant 0 : i32
      %cond3A_181 = arith.cmpi ne, %convert_element_type3A_179, %cond3A_180 : i32
      scf.if %cond3A_181 {
        %ge3A = arith.constant 2 : i32
        %ge3A_285 = arith.cmpi sge, %add3A_168, %ge3A : i32
        %convert_element_type3A_286 = arith.extui %ge3A_285 : i1 to i32
        %cond3A_287 = arith.constant 0 : i32
        %cond3A_288 = arith.cmpi ne, %convert_element_type3A_286, %cond3A_287 : i32
        scf.if %cond3A_288 {
          %dma_wait3A_297 = arith.constant 0 : i32
          %dma_wait3A_298 = arith.constant 0 : i32
          %dma_wait3A_299 = tpu.memref_slice %arg9[%dma_wait3A_297, %dma_wait3A_298] : memref<204800x128xf32, #tpu.memory_space<hbm>> -> memref<64x128xf32, #tpu.memory_space<hbm>>
          %dma_wait3A_300 = arith.constant 0 : i32
          %dma_wait3A_301 = arith.constant 0 : i32
          %dma_wait3A_302 = tpu.memref_slice %arg9[%dma_wait3A_300, %dma_wait3A_301] : memref<204800x128xf32, #tpu.memory_space<hbm>> -> memref<64x128xf32, #tpu.memory_space<hbm>>
          tpu.wait_dma2 semaphore(%arg22 : memref<!tpu.dma_semaphore, #tpu.memory_space<semaphore_mem>>) src(%arg15 : memref<64x128xf32, #tpu.memory_space<vmem>>) dst(%dma_wait3A_302 : memref<64x128xf32, #tpu.memory_space<hbm>>)
        } else {
        }
        %add3A_289 = arith.constant 3 : i32
        %add3A_290 = arith.addi %add3A_168, %add3A_289 : i32
        %dma_start3A_291 = arith.constant 0 : i32
        %dma_start3A_292 = tpu.memref_slice %arg16[%add3A_290, %dma_start3A_291] : memref<100x64xi32, #tpu.memory_space<vmem>> -> memref<1x64xi32, #tpu.memory_space<vmem>>
        %dma_start3A_293 = tpu.memref_squeeze %dma_start3A_292 : memref<1x64xi32, #tpu.memory_space<vmem>> -> memref<64xi32, #tpu.memory_space<vmem>>
        %dma_start3A_294 = arith.constant 0 : i32
        %dma_start3A_295 = arith.constant 0 : i32
        %dma_start3A_296 = tpu.memref_slice %arg4[%dma_start3A_294, %dma_start3A_295] : memref<1000000x128xf32, #tpu.memory_space<hbm>> -> memref<1000000x128xf32, #tpu.memory_space<hbm>>
        tpu.enqueue_indirect_dma source(%dma_start3A_296 : memref<1000000x128xf32, #tpu.memory_space<hbm>>) target(%arg15 : memref<64x128xf32, #tpu.memory_space<vmem>>) offsets(%dma_start3A_293 : memref<64xi32, #tpu.memory_space<vmem>>) semaphore(%arg21 : memref<!tpu.dma_semaphore, #tpu.memory_space<semaphore_mem>>)
      } else {
      }
      %scan3A_182 = arith.constant 0 : i32
      %scan3A_183 = arith.constant 0 : i32
      %scan3A_184 = arith.constant 16 : i32
      %scan3A_185 = arith.addi %scan3A_183, %scan3A_184 : i32
      %scan3A_186 = arith.constant 1 : i32
      scf.for %scan3A_285 = %scan3A_183 to %scan3A_185 step %scan3A_186  : i32 {
        %mul3A_286 = arith.constant 4 : i32
        %mul3A_287 = arith.muli %scan3A_285, %mul3A_286 : i32
        %add3A_288 = arith.constant 0 : i32
        %add3A_289 = arith.addi %mul3A_287, %add3A_288 : i32
        %mul3A_290 = arith.constant 64 : i32
        %mul3A_291 = arith.muli %add3A_168, %mul3A_290 : i32
        %add3A_292 = arith.addi %mul3A_291, %add3A_289 : i32
        %broadcast_in_dim3A_293 = vector.broadcast %add3A_292 : i32 to vector<16xi32>
        %gather3A = tpu.vector_load_idx %arg17[%broadcast_in_dim3A_293] : memref<6400xi32, #tpu.memory_space<vmem>>[vector<16xi32>], vector<16xi32>,
        %get3A_294 = arith.index_cast %add3A_289 : i32 to index
        %get3A_295 = arith.constant 0 : index
        %get3A_296 = tpu.vector_load %arg12[%get3A_294, %get3A_295] {strides = array<i32>} : memref<64x128xf32, #tpu.memory_space<vmem>>, vector<16xf32>,
        %add3A_297 = arith.addi %gather3A, %add3A_18 : vector<16xi32>
        %gather3A_298 = tpu.vector_load_idx %arg10[%add3A_297] : memref<51200xf32, #tpu.memory_space<vmem>>[vector<16xi32>], vector<16xf32>,
        %add3A_299 = arith.addf %get3A_296, %gather3A_298 : vector<16xf32>
        %get3A_300 = arith.index_cast %add3A_289 : i32 to index
        %get3A_301 = arith.constant 16 : index
        %get3A_302 = tpu.vector_load %arg12[%get3A_300, %get3A_301] {strides = array<i32>} : memref<64x128xf32, #tpu.memory_space<vmem>>, vector<16xf32>,
        %add3A_303 = arith.addi %gather3A, %add3A_22 : vector<16xi32>
        %gather3A_304 = tpu.vector_load_idx %arg10[%add3A_303] : memref<51200xf32, #tpu.memory_space<vmem>>[vector<16xi32>], vector<16xf32>,
        %add3A_305 = arith.addf %get3A_302, %gather3A_304 : vector<16xf32>
        %get3A_306 = arith.index_cast %add3A_289 : i32 to index
        %get3A_307 = arith.constant 32 : index
        %get3A_308 = tpu.vector_load %arg12[%get3A_306, %get3A_307] {strides = array<i32>} : memref<64x128xf32, #tpu.memory_space<vmem>>, vector<16xf32>,
        %add3A_309 = arith.addi %gather3A, %add3A_26 : vector<16xi32>
        %gather3A_310 = tpu.vector_load_idx %arg10[%add3A_309] : memref<51200xf32, #tpu.memory_space<vmem>>[vector<16xi32>], vector<16xf32>,
        %add3A_311 = arith.addf %get3A_308, %gather3A_310 : vector<16xf32>
        %get3A_312 = arith.index_cast %add3A_289 : i32 to index
        %get3A_313 = arith.constant 48 : index
        %get3A_314 = tpu.vector_load %arg12[%get3A_312, %get3A_313] {strides = array<i32>} : memref<64x128xf32, #tpu.memory_space<vmem>>, vector<16xf32>,
        %add3A_315 = arith.addi %gather3A, %add3A_30 : vector<16xi32>
        %gather3A_316 = tpu.vector_load_idx %arg10[%add3A_315] : memref<51200xf32, #tpu.memory_space<vmem>>[vector<16xi32>], vector<16xf32>,
        %add3A_317 = arith.addf %get3A_314, %gather3A_316 : vector<16xf32>
        %get3A_318 = arith.index_cast %add3A_289 : i32 to index
        %get3A_319 = arith.constant 64 : index
        %get3A_320 = tpu.vector_load %arg12[%get3A_318, %get3A_319] {strides = array<i32>} : memref<64x128xf32, #tpu.memory_space<vmem>>, vector<16xf32>,
        %add3A_321 = arith.addi %gather3A, %add3A_34 : vector<16xi32>
        %gather3A_322 = tpu.vector_load_idx %arg10[%add3A_321] : memref<51200xf32, #tpu.memory_space<vmem>>[vector<16xi32>], vector<16xf32>,
        %add3A_323 = arith.addf %get3A_320, %gather3A_322 : vector<16xf32>
        %get3A_324 = arith.index_cast %add3A_289 : i32 to index
        %get3A_325 = arith.constant 80 : index
        %get3A_326 = tpu.vector_load %arg12[%get3A_324, %get3A_325] {strides = array<i32>} : memref<64x128xf32, #tpu.memory_space<vmem>>, vector<16xf32>,
        %add3A_327 = arith.addi %gather3A, %add3A_38 : vector<16xi32>
        %gather3A_328 = tpu.vector_load_idx %arg10[%add3A_327] : memref<51200xf32, #tpu.memory_space<vmem>>[vector<16xi32>], vector<16xf32>,
        %add3A_329 = arith.addf %get3A_326, %gather3A_328 : vector<16xf32>
        %get3A_330 = arith.index_cast %add3A_289 : i32 to index
        %get3A_331 = arith.constant 96 : index
        %get3A_332 = tpu.vector_load %arg12[%get3A_330, %get3A_331] {strides = array<i32>} : memref<64x128xf32, #tpu.memory_space<vmem>>, vector<16xf32>,
        %add3A_333 = arith.addi %gather3A, %add3A_42 : vector<16xi32>
        %gather3A_334 = tpu.vector_load_idx %arg10[%add3A_333] : memref<51200xf32, #tpu.memory_space<vmem>>[vector<16xi32>], vector<16xf32>,
        %add3A_335 = arith.addf %get3A_332, %gather3A_334 : vector<16xf32>
        %get3A_336 = arith.index_cast %add3A_289 : i32 to index
        %get3A_337 = arith.constant 112 : index
        %get3A_338 = tpu.vector_load %arg12[%get3A_336, %get3A_337] {strides = array<i32>} : memref<64x128xf32, #tpu.memory_space<vmem>>, vector<16xf32>,
        %add3A_339 = arith.addi %gather3A, %add3A_46 : vector<16xi32>
        %gather3A_340 = tpu.vector_load_idx %arg10[%add3A_339] : memref<51200xf32, #tpu.memory_space<vmem>>[vector<16xi32>], vector<16xf32>,
        %add3A_341 = arith.addf %get3A_338, %gather3A_340 : vector<16xf32>
        %add3A_342 = arith.addf %add3A_299, %add3A_305 : vector<16xf32>
        %add3A_343 = arith.addf %add3A_311, %add3A_317 : vector<16xf32>
        %add3A_344 = arith.addf %add3A_342, %add3A_343 : vector<16xf32>
        %add3A_345 = arith.addf %add3A_323, %add3A_329 : vector<16xf32>
        %add3A_346 = arith.addf %add3A_335, %add3A_341 : vector<16xf32>
        %add3A_347 = arith.addf %add3A_345, %add3A_346 : vector<16xf32>
        %add3A_348 = arith.addf %add3A_344, %add3A_347 : vector<16xf32>
        %mul3A_349 = arith.mulf %add3A_299, %add3A_299 : vector<16xf32>
        %mul3A_350 = arith.mulf %add3A_305, %add3A_305 : vector<16xf32>
        %add3A_351 = arith.addf %mul3A_349, %mul3A_350 : vector<16xf32>
        %mul3A_352 = arith.mulf %add3A_311, %add3A_311 : vector<16xf32>
        %mul3A_353 = arith.mulf %add3A_317, %add3A_317 : vector<16xf32>
        %add3A_354 = arith.addf %mul3A_352, %mul3A_353 : vector<16xf32>
        %mul3A_355 = arith.mulf %add3A_323, %add3A_323 : vector<16xf32>
        %mul3A_356 = arith.mulf %add3A_329, %add3A_329 : vector<16xf32>
        %add3A_357 = arith.addf %mul3A_355, %mul3A_356 : vector<16xf32>
        %mul3A_358 = arith.mulf %add3A_335, %add3A_335 : vector<16xf32>
        %mul3A_359 = arith.mulf %add3A_341, %add3A_341 : vector<16xf32>
        %add3A_360 = arith.addf %mul3A_358, %mul3A_359 : vector<16xf32>
        %add3A_361 = arith.addf %add3A_351, %add3A_354 : vector<16xf32>
        %add3A_362 = arith.addf %add3A_357, %add3A_360 : vector<16xf32>
        %add3A_363 = arith.addf %add3A_361, %add3A_362 : vector<16xf32>
        %add3A_364 = arith.constant 1 : i32
        %add3A_365 = arith.addi %mul3A_287, %add3A_364 : i32
        %mul3A_366 = arith.constant 64 : i32
        %mul3A_367 = arith.muli %add3A_168, %mul3A_366 : i32
        %add3A_368 = arith.addi %mul3A_367, %add3A_365 : i32
        %broadcast_in_dim3A_369 = vector.broadcast %add3A_368 : i32 to vector<16xi32>
        %gather3A_370 = tpu.vector_load_idx %arg17[%broadcast_in_dim3A_369] : memref<6400xi32, #tpu.memory_space<vmem>>[vector<16xi32>], vector<16xi32>,
        %get3A_371 = arith.index_cast %add3A_365 : i32 to index
        %get3A_372 = arith.constant 0 : index
        %get3A_373 = tpu.vector_load %arg12[%get3A_371, %get3A_372] {strides = array<i32>} : memref<64x128xf32, #tpu.memory_space<vmem>>, vector<16xf32>,
        %add3A_374 = arith.addi %gather3A_370, %add3A_18 : vector<16xi32>
        %gather3A_375 = tpu.vector_load_idx %arg10[%add3A_374] : memref<51200xf32, #tpu.memory_space<vmem>>[vector<16xi32>], vector<16xf32>,
        %add3A_376 = arith.addf %get3A_373, %gather3A_375 : vector<16xf32>
        %get3A_377 = arith.index_cast %add3A_365 : i32 to index
        %get3A_378 = arith.constant 16 : index
        %get3A_379 = tpu.vector_load %arg12[%get3A_377, %get3A_378] {strides = array<i32>} : memref<64x128xf32, #tpu.memory_space<vmem>>, vector<16xf32>,
        %add3A_380 = arith.addi %gather3A_370, %add3A_22 : vector<16xi32>
        %gather3A_381 = tpu.vector_load_idx %arg10[%add3A_380] : memref<51200xf32, #tpu.memory_space<vmem>>[vector<16xi32>], vector<16xf32>,
        %add3A_382 = arith.addf %get3A_379, %gather3A_381 : vector<16xf32>
        %get3A_383 = arith.index_cast %add3A_365 : i32 to index
        %get3A_384 = arith.constant 32 : index
        %get3A_385 = tpu.vector_load %arg12[%get3A_383, %get3A_384] {strides = array<i32>} : memref<64x128xf32, #tpu.memory_space<vmem>>, vector<16xf32>,
        %add3A_386 = arith.addi %gather3A_370, %add3A_26 : vector<16xi32>
        %gather3A_387 = tpu.vector_load_idx %arg10[%add3A_386] : memref<51200xf32, #tpu.memory_space<vmem>>[vector<16xi32>], vector<16xf32>,
        %add3A_388 = arith.addf %get3A_385, %gather3A_387 : vector<16xf32>
        %get3A_389 = arith.index_cast %add3A_365 : i32 to index
        %get3A_390 = arith.constant 48 : index
        %get3A_391 = tpu.vector_load %arg12[%get3A_389, %get3A_390] {strides = array<i32>} : memref<64x128xf32, #tpu.memory_space<vmem>>, vector<16xf32>,
        %add3A_392 = arith.addi %gather3A_370, %add3A_30 : vector<16xi32>
        %gather3A_393 = tpu.vector_load_idx %arg10[%add3A_392] : memref<51200xf32, #tpu.memory_space<vmem>>[vector<16xi32>], vector<16xf32>,
        %add3A_394 = arith.addf %get3A_391, %gather3A_393 : vector<16xf32>
        %get3A_395 = arith.index_cast %add3A_365 : i32 to index
        %get3A_396 = arith.constant 64 : index
        %get3A_397 = tpu.vector_load %arg12[%get3A_395, %get3A_396] {strides = array<i32>} : memref<64x128xf32, #tpu.memory_space<vmem>>, vector<16xf32>,
        %add3A_398 = arith.addi %gather3A_370, %add3A_34 : vector<16xi32>
        %gather3A_399 = tpu.vector_load_idx %arg10[%add3A_398] : memref<51200xf32, #tpu.memory_space<vmem>>[vector<16xi32>], vector<16xf32>,
        %add3A_400 = arith.addf %get3A_397, %gather3A_399 : vector<16xf32>
        %get3A_401 = arith.index_cast %add3A_365 : i32 to index
        %get3A_402 = arith.constant 80 : index
        %get3A_403 = tpu.vector_load %arg12[%get3A_401, %get3A_402] {strides = array<i32>} : memref<64x128xf32, #tpu.memory_space<vmem>>, vector<16xf32>,
        %add3A_404 = arith.addi %gather3A_370, %add3A_38 : vector<16xi32>
        %gather3A_405 = tpu.vector_load_idx %arg10[%add3A_404] : memref<51200xf32, #tpu.memory_space<vmem>>[vector<16xi32>], vector<16xf32>,
        %add3A_406 = arith.addf %get3A_403, %gather3A_405 : vector<16xf32>
        %get3A_407 = arith.index_cast %add3A_365 : i32 to index
        %get3A_408 = arith.constant 96 : index
        %get3A_409 = tpu.vector_load %arg12[%get3A_407, %get3A_408] {strides = array<i32>} : memref<64x128xf32, #tpu.memory_space<vmem>>, vector<16xf32>,
        %add3A_410 = arith.addi %gather3A_370, %add3A_42 : vector<16xi32>
        %gather3A_411 = tpu.vector_load_idx %arg10[%add3A_410] : memref<51200xf32, #tpu.memory_space<vmem>>[vector<16xi32>], vector<16xf32>,
        %add3A_412 = arith.addf %get3A_409, %gather3A_411 : vector<16xf32>
        %get3A_413 = arith.index_cast %add3A_365 : i32 to index
        %get3A_414 = arith.constant 112 : index
        %get3A_415 = tpu.vector_load %arg12[%get3A_413, %get3A_414] {strides = array<i32>} : memref<64x128xf32, #tpu.memory_space<vmem>>, vector<16xf32>,
        %add3A_416 = arith.addi %gather3A_370, %add3A_46 : vector<16xi32>
        %gather3A_417 = tpu.vector_load_idx %arg10[%add3A_416] : memref<51200xf32, #tpu.memory_space<vmem>>[vector<16xi32>], vector<16xf32>,
        %add3A_418 = arith.addf %get3A_415, %gather3A_417 : vector<16xf32>
        %add3A_419 = arith.addf %add3A_376, %add3A_382 : vector<16xf32>
        %add3A_420 = arith.addf %add3A_388, %add3A_394 : vector<16xf32>
        %add3A_421 = arith.addf %add3A_419, %add3A_420 : vector<16xf32>
        %add3A_422 = arith.addf %add3A_400, %add3A_406 : vector<16xf32>
        %add3A_423 = arith.addf %add3A_412, %add3A_418 : vector<16xf32>
        %add3A_424 = arith.addf %add3A_422, %add3A_423 : vector<16xf32>
        %add3A_425 = arith.addf %add3A_421, %add3A_424 : vector<16xf32>
        %mul3A_426 = arith.mulf %add3A_376, %add3A_376 : vector<16xf32>
        %mul3A_427 = arith.mulf %add3A_382, %add3A_382 : vector<16xf32>
        %add3A_428 = arith.addf %mul3A_426, %mul3A_427 : vector<16xf32>
        %mul3A_429 = arith.mulf %add3A_388, %add3A_388 : vector<16xf32>
        %mul3A_430 = arith.mulf %add3A_394, %add3A_394 : vector<16xf32>
        %add3A_431 = arith.addf %mul3A_429, %mul3A_430 : vector<16xf32>
        %mul3A_432 = arith.mulf %add3A_400, %add3A_400 : vector<16xf32>
        %mul3A_433 = arith.mulf %add3A_406, %add3A_406 : vector<16xf32>
        %add3A_434 = arith.addf %mul3A_432, %mul3A_433 : vector<16xf32>
        %mul3A_435 = arith.mulf %add3A_412, %add3A_412 : vector<16xf32>
        %mul3A_436 = arith.mulf %add3A_418, %add3A_418 : vector<16xf32>
        %add3A_437 = arith.addf %mul3A_435, %mul3A_436 : vector<16xf32>
        %add3A_438 = arith.addf %add3A_428, %add3A_431 : vector<16xf32>
        %add3A_439 = arith.addf %add3A_434, %add3A_437 : vector<16xf32>
        %add3A_440 = arith.addf %add3A_438, %add3A_439 : vector<16xf32>
        %add3A_441 = arith.constant 2 : i32
        %add3A_442 = arith.addi %mul3A_287, %add3A_441 : i32
        %mul3A_443 = arith.constant 64 : i32
        %mul3A_444 = arith.muli %add3A_168, %mul3A_443 : i32
        %add3A_445 = arith.addi %mul3A_444, %add3A_442 : i32
        %broadcast_in_dim3A_446 = vector.broadcast %add3A_445 : i32 to vector<16xi32>
        %gather3A_447 = tpu.vector_load_idx %arg17[%broadcast_in_dim3A_446] : memref<6400xi32, #tpu.memory_space<vmem>>[vector<16xi32>], vector<16xi32>,
        %get3A_448 = arith.index_cast %add3A_442 : i32 to index
        %get3A_449 = arith.constant 0 : index
        %get3A_450 = tpu.vector_load %arg12[%get3A_448, %get3A_449] {strides = array<i32>} : memref<64x128xf32, #tpu.memory_space<vmem>>, vector<16xf32>,
        %add3A_451 = arith.addi %gather3A_447, %add3A_18 : vector<16xi32>
        %gather3A_452 = tpu.vector_load_idx %arg10[%add3A_451] : memref<51200xf32, #tpu.memory_space<vmem>>[vector<16xi32>], vector<16xf32>,
        %add3A_453 = arith.addf %get3A_450, %gather3A_452 : vector<16xf32>
        %get3A_454 = arith.index_cast %add3A_442 : i32 to index
        %get3A_455 = arith.constant 16 : index
        %get3A_456 = tpu.vector_load %arg12[%get3A_454, %get3A_455] {strides = array<i32>} : memref<64x128xf32, #tpu.memory_space<vmem>>, vector<16xf32>,
        %add3A_457 = arith.addi %gather3A_447, %add3A_22 : vector<16xi32>
        %gather3A_458 = tpu.vector_load_idx %arg10[%add3A_457] : memref<51200xf32, #tpu.memory_space<vmem>>[vector<16xi32>], vector<16xf32>,
        %add3A_459 = arith.addf %get3A_456, %gather3A_458 : vector<16xf32>
        %get3A_460 = arith.index_cast %add3A_442 : i32 to index
        %get3A_461 = arith.constant 32 : index
        %get3A_462 = tpu.vector_load %arg12[%get3A_460, %get3A_461] {strides = array<i32>} : memref<64x128xf32, #tpu.memory_space<vmem>>, vector<16xf32>,
        %add3A_463 = arith.addi %gather3A_447, %add3A_26 : vector<16xi32>
        %gather3A_464 = tpu.vector_load_idx %arg10[%add3A_463] : memref<51200xf32, #tpu.memory_space<vmem>>[vector<16xi32>], vector<16xf32>,
        %add3A_465 = arith.addf %get3A_462, %gather3A_464 : vector<16xf32>
        %get3A_466 = arith.index_cast %add3A_442 : i32 to index
        %get3A_467 = arith.constant 48 : index
        %get3A_468 = tpu.vector_load %arg12[%get3A_466, %get3A_467] {strides = array<i32>} : memref<64x128xf32, #tpu.memory_space<vmem>>, vector<16xf32>,
        %add3A_469 = arith.addi %gather3A_447, %add3A_30 : vector<16xi32>
        %gather3A_470 = tpu.vector_load_idx %arg10[%add3A_469] : memref<51200xf32, #tpu.memory_space<vmem>>[vector<16xi32>], vector<16xf32>,
        %add3A_471 = arith.addf %get3A_468, %gather3A_470 : vector<16xf32>
        %get3A_472 = arith.index_cast %add3A_442 : i32 to index
        %get3A_473 = arith.constant 64 : index
        %get3A_474 = tpu.vector_load %arg12[%get3A_472, %get3A_473] {strides = array<i32>} : memref<64x128xf32, #tpu.memory_space<vmem>>, vector<16xf32>,
        %add3A_475 = arith.addi %gather3A_447, %add3A_34 : vector<16xi32>
        %gather3A_476 = tpu.vector_load_idx %arg10[%add3A_475] : memref<51200xf32, #tpu.memory_space<vmem>>[vector<16xi32>], vector<16xf32>,
        %add3A_477 = arith.addf %get3A_474, %gather3A_476 : vector<16xf32>
        %get3A_478 = arith.index_cast %add3A_442 : i32 to index
        %get3A_479 = arith.constant 80 : index
        %get3A_480 = tpu.vector_load %arg12[%get3A_478, %get3A_479] {strides = array<i32>} : memref<64x128xf32, #tpu.memory_space<vmem>>, vector<16xf32>,
        %add3A_481 = arith.addi %gather3A_447, %add3A_38 : vector<16xi32>
        %gather3A_482 = tpu.vector_load_idx %arg10[%add3A_481] : memref<51200xf32, #tpu.memory_space<vmem>>[vector<16xi32>], vector<16xf32>,
        %add3A_483 = arith.addf %get3A_480, %gather3A_482 : vector<16xf32>
        %get3A_484 = arith.index_cast %add3A_442 : i32 to index
        %get3A_485 = arith.constant 96 : index
        %get3A_486 = tpu.vector_load %arg12[%get3A_484, %get3A_485] {strides = array<i32>} : memref<64x128xf32, #tpu.memory_space<vmem>>, vector<16xf32>,
        %add3A_487 = arith.addi %gather3A_447, %add3A_42 : vector<16xi32>
        %gather3A_488 = tpu.vector_load_idx %arg10[%add3A_487] : memref<51200xf32, #tpu.memory_space<vmem>>[vector<16xi32>], vector<16xf32>,
        %add3A_489 = arith.addf %get3A_486, %gather3A_488 : vector<16xf32>
        %get3A_490 = arith.index_cast %add3A_442 : i32 to index
        %get3A_491 = arith.constant 112 : index
        %get3A_492 = tpu.vector_load %arg12[%get3A_490, %get3A_491] {strides = array<i32>} : memref<64x128xf32, #tpu.memory_space<vmem>>, vector<16xf32>,
        %add3A_493 = arith.addi %gather3A_447, %add3A_46 : vector<16xi32>
        %gather3A_494 = tpu.vector_load_idx %arg10[%add3A_493] : memref<51200xf32, #tpu.memory_space<vmem>>[vector<16xi32>], vector<16xf32>,
        %add3A_495 = arith.addf %get3A_492, %gather3A_494 : vector<16xf32>
        %add3A_496 = arith.addf %add3A_453, %add3A_459 : vector<16xf32>
        %add3A_497 = arith.addf %add3A_465, %add3A_471 : vector<16xf32>
        %add3A_498 = arith.addf %add3A_496, %add3A_497 : vector<16xf32>
        %add3A_499 = arith.addf %add3A_477, %add3A_483 : vector<16xf32>
        %add3A_500 = arith.addf %add3A_489, %add3A_495 : vector<16xf32>
        %add3A_501 = arith.addf %add3A_499, %add3A_500 : vector<16xf32>
        %add3A_502 = arith.addf %add3A_498, %add3A_501 : vector<16xf32>
        %mul3A_503 = arith.mulf %add3A_453, %add3A_453 : vector<16xf32>
        %mul3A_504 = arith.mulf %add3A_459, %add3A_459 : vector<16xf32>
        %add3A_505 = arith.addf %mul3A_503, %mul3A_504 : vector<16xf32>
        %mul3A_506 = arith.mulf %add3A_465, %add3A_465 : vector<16xf32>
        %mul3A_507 = arith.mulf %add3A_471, %add3A_471 : vector<16xf32>
        %add3A_508 = arith.addf %mul3A_506, %mul3A_507 : vector<16xf32>
        %mul3A_509 = arith.mulf %add3A_477, %add3A_477 : vector<16xf32>
        %mul3A_510 = arith.mulf %add3A_483, %add3A_483 : vector<16xf32>
        %add3A_511 = arith.addf %mul3A_509, %mul3A_510 : vector<16xf32>
        %mul3A_512 = arith.mulf %add3A_489, %add3A_489 : vector<16xf32>
        %mul3A_513 = arith.mulf %add3A_495, %add3A_495 : vector<16xf32>
        %add3A_514 = arith.addf %mul3A_512, %mul3A_513 : vector<16xf32>
        %add3A_515 = arith.addf %add3A_505, %add3A_508 : vector<16xf32>
        %add3A_516 = arith.addf %add3A_511, %add3A_514 : vector<16xf32>
        %add3A_517 = arith.addf %add3A_515, %add3A_516 : vector<16xf32>
        %add3A_518 = arith.constant 3 : i32
        %add3A_519 = arith.addi %mul3A_287, %add3A_518 : i32
        %mul3A_520 = arith.constant 64 : i32
        %mul3A_521 = arith.muli %add3A_168, %mul3A_520 : i32
        %add3A_522 = arith.addi %mul3A_521, %add3A_519 : i32
        %broadcast_in_dim3A_523 = vector.broadcast %add3A_522 : i32 to vector<16xi32>
        %gather3A_524 = tpu.vector_load_idx %arg17[%broadcast_in_dim3A_523] : memref<6400xi32, #tpu.memory_space<vmem>>[vector<16xi32>], vector<16xi32>,
        %get3A_525 = arith.index_cast %add3A_519 : i32 to index
        %get3A_526 = arith.constant 0 : index
        %get3A_527 = tpu.vector_load %arg12[%get3A_525, %get3A_526] {strides = array<i32>} : memref<64x128xf32, #tpu.memory_space<vmem>>, vector<16xf32>,
        %add3A_528 = arith.addi %gather3A_524, %add3A_18 : vector<16xi32>
        %gather3A_529 = tpu.vector_load_idx %arg10[%add3A_528] : memref<51200xf32, #tpu.memory_space<vmem>>[vector<16xi32>], vector<16xf32>,
        %add3A_530 = arith.addf %get3A_527, %gather3A_529 : vector<16xf32>
        %get3A_531 = arith.index_cast %add3A_519 : i32 to index
        %get3A_532 = arith.constant 16 : index
        %get3A_533 = tpu.vector_load %arg12[%get3A_531, %get3A_532] {strides = array<i32>} : memref<64x128xf32, #tpu.memory_space<vmem>>, vector<16xf32>,
        %add3A_534 = arith.addi %gather3A_524, %add3A_22 : vector<16xi32>
        %gather3A_535 = tpu.vector_load_idx %arg10[%add3A_534] : memref<51200xf32, #tpu.memory_space<vmem>>[vector<16xi32>], vector<16xf32>,
        %add3A_536 = arith.addf %get3A_533, %gather3A_535 : vector<16xf32>
        %get3A_537 = arith.index_cast %add3A_519 : i32 to index
        %get3A_538 = arith.constant 32 : index
        %get3A_539 = tpu.vector_load %arg12[%get3A_537, %get3A_538] {strides = array<i32>} : memref<64x128xf32, #tpu.memory_space<vmem>>, vector<16xf32>,
        %add3A_540 = arith.addi %gather3A_524, %add3A_26 : vector<16xi32>
        %gather3A_541 = tpu.vector_load_idx %arg10[%add3A_540] : memref<51200xf32, #tpu.memory_space<vmem>>[vector<16xi32>], vector<16xf32>,
        %add3A_542 = arith.addf %get3A_539, %gather3A_541 : vector<16xf32>
        %get3A_543 = arith.index_cast %add3A_519 : i32 to index
        %get3A_544 = arith.constant 48 : index
        %get3A_545 = tpu.vector_load %arg12[%get3A_543, %get3A_544] {strides = array<i32>} : memref<64x128xf32, #tpu.memory_space<vmem>>, vector<16xf32>,
        %add3A_546 = arith.addi %gather3A_524, %add3A_30 : vector<16xi32>
        %gather3A_547 = tpu.vector_load_idx %arg10[%add3A_546] : memref<51200xf32, #tpu.memory_space<vmem>>[vector<16xi32>], vector<16xf32>,
        %add3A_548 = arith.addf %get3A_545, %gather3A_547 : vector<16xf32>
        %get3A_549 = arith.index_cast %add3A_519 : i32 to index
        %get3A_550 = arith.constant 64 : index
        %get3A_551 = tpu.vector_load %arg12[%get3A_549, %get3A_550] {strides = array<i32>} : memref<64x128xf32, #tpu.memory_space<vmem>>, vector<16xf32>,
        %add3A_552 = arith.addi %gather3A_524, %add3A_34 : vector<16xi32>
        %gather3A_553 = tpu.vector_load_idx %arg10[%add3A_552] : memref<51200xf32, #tpu.memory_space<vmem>>[vector<16xi32>], vector<16xf32>,
        %add3A_554 = arith.addf %get3A_551, %gather3A_553 : vector<16xf32>
        %get3A_555 = arith.index_cast %add3A_519 : i32 to index
        %get3A_556 = arith.constant 80 : index
        %get3A_557 = tpu.vector_load %arg12[%get3A_555, %get3A_556] {strides = array<i32>} : memref<64x128xf32, #tpu.memory_space<vmem>>, vector<16xf32>,
        %add3A_558 = arith.addi %gather3A_524, %add3A_38 : vector<16xi32>
        %gather3A_559 = tpu.vector_load_idx %arg10[%add3A_558] : memref<51200xf32, #tpu.memory_space<vmem>>[vector<16xi32>], vector<16xf32>,
        %add3A_560 = arith.addf %get3A_557, %gather3A_559 : vector<16xf32>
        %get3A_561 = arith.index_cast %add3A_519 : i32 to index
        %get3A_562 = arith.constant 96 : index
        %get3A_563 = tpu.vector_load %arg12[%get3A_561, %get3A_562] {strides = array<i32>} : memref<64x128xf32, #tpu.memory_space<vmem>>, vector<16xf32>,
        %add3A_564 = arith.addi %gather3A_524, %add3A_42 : vector<16xi32>
        %gather3A_565 = tpu.vector_load_idx %arg10[%add3A_564] : memref<51200xf32, #tpu.memory_space<vmem>>[vector<16xi32>], vector<16xf32>,
        %add3A_566 = arith.addf %get3A_563, %gather3A_565 : vector<16xf32>
        %get3A_567 = arith.index_cast %add3A_519 : i32 to index
        %get3A_568 = arith.constant 112 : index
        %get3A_569 = tpu.vector_load %arg12[%get3A_567, %get3A_568] {strides = array<i32>} : memref<64x128xf32, #tpu.memory_space<vmem>>, vector<16xf32>,
        %add3A_570 = arith.addi %gather3A_524, %add3A_46 : vector<16xi32>
        %gather3A_571 = tpu.vector_load_idx %arg10[%add3A_570] : memref<51200xf32, #tpu.memory_space<vmem>>[vector<16xi32>], vector<16xf32>,
        %add3A_572 = arith.addf %get3A_569, %gather3A_571 : vector<16xf32>
        %add3A_573 = arith.addf %add3A_530, %add3A_536 : vector<16xf32>
        %add3A_574 = arith.addf %add3A_542, %add3A_548 : vector<16xf32>
        %add3A_575 = arith.addf %add3A_573, %add3A_574 : vector<16xf32>
        %add3A_576 = arith.addf %add3A_554, %add3A_560 : vector<16xf32>
        %add3A_577 = arith.addf %add3A_566, %add3A_572 : vector<16xf32>
        %add3A_578 = arith.addf %add3A_576, %add3A_577 : vector<16xf32>
        %add3A_579 = arith.addf %add3A_575, %add3A_578 : vector<16xf32>
        %mul3A_580 = arith.mulf %add3A_530, %add3A_530 : vector<16xf32>
        %mul3A_581 = arith.mulf %add3A_536, %add3A_536 : vector<16xf32>
        %add3A_582 = arith.addf %mul3A_580, %mul3A_581 : vector<16xf32>
        %mul3A_583 = arith.mulf %add3A_542, %add3A_542 : vector<16xf32>
        %mul3A_584 = arith.mulf %add3A_548, %add3A_548 : vector<16xf32>
        %add3A_585 = arith.addf %mul3A_583, %mul3A_584 : vector<16xf32>
        %mul3A_586 = arith.mulf %add3A_554, %add3A_554 : vector<16xf32>
        %mul3A_587 = arith.mulf %add3A_560, %add3A_560 : vector<16xf32>
        %add3A_588 = arith.addf %mul3A_586, %mul3A_587 : vector<16xf32>
        %mul3A_589 = arith.mulf %add3A_566, %add3A_566 : vector<16xf32>
        %mul3A_590 = arith.mulf %add3A_572, %add3A_572 : vector<16xf32>
        %add3A_591 = arith.addf %mul3A_589, %mul3A_590 : vector<16xf32>
        %add3A_592 = arith.addf %add3A_582, %add3A_585 : vector<16xf32>
        %add3A_593 = arith.addf %add3A_588, %add3A_591 : vector<16xf32>
        %add3A_594 = arith.addf %add3A_592, %add3A_593 : vector<16xf32>
        %add3A_595 = arith.constant 0 : i32
        %add3A_596 = arith.addi %mul3A_287, %add3A_595 : i32
        %broadcast_in_dim3A_597 = arith.constant true
        %broadcast_in_dim3A_598 = vector.broadcast %broadcast_in_dim3A_597 : i1 to vector<16xi1>
        %masked_cumsum3A = tpu.scan <sum>, %add3A_348 masked %broadcast_in_dim3A_598 : vector<16xf32>, vector<16xi1> -> vector<16xf32>
        %broadcast_in_dim3A_599 = vector.shape_cast %broadcast_in_dim3A_78 : vector<16xi32> to vector<16x1xi32>
        %gather3A_600 = vector.shape_cast %broadcast_in_dim3A_599 : vector<16x1xi32> to vector<16xi32>
        %gather3A_601 = tpu.dynamic_gather %masked_cumsum3A[%gather3A_600] in [0] : vector<16xf32>, vector<16xi32> -> vector<16xf32>
        %mul3A_602 = vector.broadcast %scan3A_101 : f32 to vector<16xf32>
        %mul3A_603 = arith.mulf %gather3A_601, %mul3A_602 : vector<16xf32>
        %broadcast_in_dim3A_604 = arith.constant true
        %broadcast_in_dim3A_605 = vector.broadcast %broadcast_in_dim3A_604 : i1 to vector<16xi1>
        %masked_cumsum3A_606 = tpu.scan <sum>, %add3A_363 masked %broadcast_in_dim3A_605 : vector<16xf32>, vector<16xi1> -> vector<16xf32>
        %broadcast_in_dim3A_607 = vector.shape_cast %broadcast_in_dim3A_78 : vector<16xi32> to vector<16x1xi32>
        %gather3A_608 = vector.shape_cast %broadcast_in_dim3A_607 : vector<16x1xi32> to vector<16xi32>
        %gather3A_609 = tpu.dynamic_gather %masked_cumsum3A_606[%gather3A_608] in [0] : vector<16xf32>, vector<16xi32> -> vector<16xf32>
        %mul3A_610 = vector.broadcast %scan3A_101 : f32 to vector<16xf32>
        %mul3A_611 = arith.mulf %gather3A_609, %mul3A_610 : vector<16xf32>
        %mul3A_612 = arith.mulf %mul3A_603, %mul3A_603 : vector<16xf32>
        %sub3A = arith.subf %mul3A_611, %mul3A_612 : vector<16xf32>
        %add3A_613 = arith.constant 1.000000e-03 : f32
        %add3A_614 = vector.broadcast %add3A_613 : f32 to vector<16xf32>
        %add3A_615 = arith.addf %sub3A, %add3A_614 : vector<16xf32>
        %bitcast3A = vector.bitcast %add3A_615 : vector<16xf32> to vector<16xi32>
        %shift_right_arithmetic3A = arith.constant 1 : i32
        %shift_right_arithmetic3A_616 = vector.broadcast %shift_right_arithmetic3A : i32 to vector<16xi32>
        %shift_right_arithmetic3A_617 = arith.shrsi %bitcast3A, %shift_right_arithmetic3A_616 : vector<16xi32>
        %sub3A_618 = arith.constant 1597463007 : i32
        %sub3A_619 = vector.broadcast %sub3A_618 : i32 to vector<16xi32>
        %sub3A_620 = arith.subi %sub3A_619, %shift_right_arithmetic3A_617 : vector<16xi32>
        %bitcast3A_621 = vector.bitcast %sub3A_620 : vector<16xi32> to vector<16xf32>
        %mul3A_622 = arith.constant 5.000000e-01 : f32
        %mul3A_623 = vector.broadcast %mul3A_622 : f32 to vector<16xf32>
        %mul3A_624 = arith.mulf %add3A_615, %mul3A_623 : vector<16xf32>
        %mul3A_625 = arith.mulf %mul3A_624, %bitcast3A_621 : vector<16xf32>
        %mul3A_626 = arith.mulf %mul3A_625, %bitcast3A_621 : vector<16xf32>
        %sub3A_627 = arith.constant 1.500000e+00 : f32
        %sub3A_628 = vector.broadcast %sub3A_627 : f32 to vector<16xf32>
        %sub3A_629 = arith.subf %sub3A_628, %mul3A_626 : vector<16xf32>
        %mul3A_630 = arith.mulf %bitcast3A_621, %sub3A_629 : vector<16xf32>
        %mul3A_631 = arith.mulf %mul3A_624, %mul3A_630 : vector<16xf32>
        %mul3A_632 = arith.mulf %mul3A_631, %mul3A_630 : vector<16xf32>
        %sub3A_633 = arith.constant 1.500000e+00 : f32
        %sub3A_634 = vector.broadcast %sub3A_633 : f32 to vector<16xf32>
        %sub3A_635 = arith.subf %sub3A_634, %mul3A_632 : vector<16xf32>
        %mul3A_636 = arith.mulf %mul3A_630, %sub3A_635 : vector<16xf32>
        %mul3A_637 = arith.mulf %mul3A_603, %mul3A_636 : vector<16xf32>
        %sub3A_638 = arith.constant 0.000000e+00 : f32
        %sub3A_639 = vector.broadcast %sub3A_638 : f32 to vector<16xf32>
        %sub3A_640 = arith.subf %sub3A_639, %mul3A_637 : vector<16xf32>
        %mul3A_641 = arith.mulf %add3A_299, %mul3A_636 : vector<16xf32>
        %add3A_642 = arith.addf %mul3A_641, %sub3A_640 : vector<16xf32>
        %mul3A_643 = arith.mulf %add3A_642, %get3A_47 : vector<16xf32>
        %add3A_644 = arith.addf %mul3A_643, %get3A_63 : vector<16xf32>
        %swap3A = arith.index_cast %add3A_596 : i32 to index
        %swap3A_645 = arith.constant 0 : index
        %swap3A_646 = tpu.vector_load %arg12[%swap3A, %swap3A_645] {strides = array<i32>} : memref<64x128xf32, #tpu.memory_space<vmem>>, vector<16xf32>,
        tpu.vector_store %arg12[%swap3A, %swap3A_645], %add3A_644 {strides = array<i32>} : memref<64x128xf32, #tpu.memory_space<vmem>>, vector<16xf32>,
        %mul3A_647 = arith.mulf %add3A_305, %mul3A_636 : vector<16xf32>
        %add3A_648 = arith.addf %mul3A_647, %sub3A_640 : vector<16xf32>
        %mul3A_649 = arith.mulf %add3A_648, %get3A_49 : vector<16xf32>
        %add3A_650 = arith.addf %mul3A_649, %get3A_65 : vector<16xf32>
        %swap3A_651 = arith.index_cast %add3A_596 : i32 to index
        %swap3A_652 = arith.constant 16 : index
        %swap3A_653 = tpu.vector_load %arg12[%swap3A_651, %swap3A_652] {strides = array<i32>} : memref<64x128xf32, #tpu.memory_space<vmem>>, vector<16xf32>,
        tpu.vector_store %arg12[%swap3A_651, %swap3A_652], %add3A_650 {strides = array<i32>} : memref<64x128xf32, #tpu.memory_space<vmem>>, vector<16xf32>,
        %mul3A_654 = arith.mulf %add3A_311, %mul3A_636 : vector<16xf32>
        %add3A_655 = arith.addf %mul3A_654, %sub3A_640 : vector<16xf32>
        %mul3A_656 = arith.mulf %add3A_655, %get3A_51 : vector<16xf32>
        %add3A_657 = arith.addf %mul3A_656, %get3A_67 : vector<16xf32>
        %swap3A_658 = arith.index_cast %add3A_596 : i32 to index
        %swap3A_659 = arith.constant 32 : index
        %swap3A_660 = tpu.vector_load %arg12[%swap3A_658, %swap3A_659] {strides = array<i32>} : memref<64x128xf32, #tpu.memory_space<vmem>>, vector<16xf32>,
        tpu.vector_store %arg12[%swap3A_658, %swap3A_659], %add3A_657 {strides = array<i32>} : memref<64x128xf32, #tpu.memory_space<vmem>>, vector<16xf32>,
        %mul3A_661 = arith.mulf %add3A_317, %mul3A_636 : vector<16xf32>
        %add3A_662 = arith.addf %mul3A_661, %sub3A_640 : vector<16xf32>
        %mul3A_663 = arith.mulf %add3A_662, %get3A_53 : vector<16xf32>
        %add3A_664 = arith.addf %mul3A_663, %get3A_69 : vector<16xf32>
        %swap3A_665 = arith.index_cast %add3A_596 : i32 to index
        %swap3A_666 = arith.constant 48 : index
        %swap3A_667 = tpu.vector_load %arg12[%swap3A_665, %swap3A_666] {strides = array<i32>} : memref<64x128xf32, #tpu.memory_space<vmem>>, vector<16xf32>,
        tpu.vector_store %arg12[%swap3A_665, %swap3A_666], %add3A_664 {strides = array<i32>} : memref<64x128xf32, #tpu.memory_space<vmem>>, vector<16xf32>,
        %mul3A_668 = arith.mulf %add3A_323, %mul3A_636 : vector<16xf32>
        %add3A_669 = arith.addf %mul3A_668, %sub3A_640 : vector<16xf32>
        %mul3A_670 = arith.mulf %add3A_669, %get3A_55 : vector<16xf32>
        %add3A_671 = arith.addf %mul3A_670, %get3A_71 : vector<16xf32>
        %swap3A_672 = arith.index_cast %add3A_596 : i32 to index
        %swap3A_673 = arith.constant 64 : index
        %swap3A_674 = tpu.vector_load %arg12[%swap3A_672, %swap3A_673] {strides = array<i32>} : memref<64x128xf32, #tpu.memory_space<vmem>>, vector<16xf32>,
        tpu.vector_store %arg12[%swap3A_672, %swap3A_673], %add3A_671 {strides = array<i32>} : memref<64x128xf32, #tpu.memory_space<vmem>>, vector<16xf32>,
        %mul3A_675 = arith.mulf %add3A_329, %mul3A_636 : vector<16xf32>
        %add3A_676 = arith.addf %mul3A_675, %sub3A_640 : vector<16xf32>
        %mul3A_677 = arith.mulf %add3A_676, %get3A_57 : vector<16xf32>
        %add3A_678 = arith.addf %mul3A_677, %get3A_73 : vector<16xf32>
        %swap3A_679 = arith.index_cast %add3A_596 : i32 to index
        %swap3A_680 = arith.constant 80 : index
        %swap3A_681 = tpu.vector_load %arg12[%swap3A_679, %swap3A_680] {strides = array<i32>} : memref<64x128xf32, #tpu.memory_space<vmem>>, vector<16xf32>,
        tpu.vector_store %arg12[%swap3A_679, %swap3A_680], %add3A_678 {strides = array<i32>} : memref<64x128xf32, #tpu.memory_space<vmem>>, vector<16xf32>,
        %mul3A_682 = arith.mulf %add3A_335, %mul3A_636 : vector<16xf32>
        %add3A_683 = arith.addf %mul3A_682, %sub3A_640 : vector<16xf32>
        %mul3A_684 = arith.mulf %add3A_683, %get3A_59 : vector<16xf32>
        %add3A_685 = arith.addf %mul3A_684, %get3A_75 : vector<16xf32>
        %swap3A_686 = arith.index_cast %add3A_596 : i32 to index
        %swap3A_687 = arith.constant 96 : index
        %swap3A_688 = tpu.vector_load %arg12[%swap3A_686, %swap3A_687] {strides = array<i32>} : memref<64x128xf32, #tpu.memory_space<vmem>>, vector<16xf32>,
        tpu.vector_store %arg12[%swap3A_686, %swap3A_687], %add3A_685 {strides = array<i32>} : memref<64x128xf32, #tpu.memory_space<vmem>>, vector<16xf32>,
        %mul3A_689 = arith.mulf %add3A_341, %mul3A_636 : vector<16xf32>
        %add3A_690 = arith.addf %mul3A_689, %sub3A_640 : vector<16xf32>
        %mul3A_691 = arith.mulf %add3A_690, %get3A_61 : vector<16xf32>
        %add3A_692 = arith.addf %mul3A_691, %get3A_77 : vector<16xf32>
        %swap3A_693 = arith.index_cast %add3A_596 : i32 to index
        %swap3A_694 = arith.constant 112 : index
        %swap3A_695 = tpu.vector_load %arg12[%swap3A_693, %swap3A_694] {strides = array<i32>} : memref<64x128xf32, #tpu.memory_space<vmem>>, vector<16xf32>,
        tpu.vector_store %arg12[%swap3A_693, %swap3A_694], %add3A_692 {strides = array<i32>} : memref<64x128xf32, #tpu.memory_space<vmem>>, vector<16xf32>,
        %add3A_696 = arith.constant 1 : i32
        %add3A_697 = arith.addi %mul3A_287, %add3A_696 : i32
        %broadcast_in_dim3A_698 = arith.constant true
        %broadcast_in_dim3A_699 = vector.broadcast %broadcast_in_dim3A_698 : i1 to vector<16xi1>
        %masked_cumsum3A_700 = tpu.scan <sum>, %add3A_425 masked %broadcast_in_dim3A_699 : vector<16xf32>, vector<16xi1> -> vector<16xf32>
        %broadcast_in_dim3A_701 = vector.shape_cast %broadcast_in_dim3A_78 : vector<16xi32> to vector<16x1xi32>
        %gather3A_702 = vector.shape_cast %broadcast_in_dim3A_701 : vector<16x1xi32> to vector<16xi32>
        %gather3A_703 = tpu.dynamic_gather %masked_cumsum3A_700[%gather3A_702] in [0] : vector<16xf32>, vector<16xi32> -> vector<16xf32>
        %mul3A_704 = vector.broadcast %scan3A_101 : f32 to vector<16xf32>
        %mul3A_705 = arith.mulf %gather3A_703, %mul3A_704 : vector<16xf32>
        %broadcast_in_dim3A_706 = arith.constant true
        %broadcast_in_dim3A_707 = vector.broadcast %broadcast_in_dim3A_706 : i1 to vector<16xi1>
        %masked_cumsum3A_708 = tpu.scan <sum>, %add3A_440 masked %broadcast_in_dim3A_707 : vector<16xf32>, vector<16xi1> -> vector<16xf32>
        %broadcast_in_dim3A_709 = vector.shape_cast %broadcast_in_dim3A_78 : vector<16xi32> to vector<16x1xi32>
        %gather3A_710 = vector.shape_cast %broadcast_in_dim3A_709 : vector<16x1xi32> to vector<16xi32>
        %gather3A_711 = tpu.dynamic_gather %masked_cumsum3A_708[%gather3A_710] in [0] : vector<16xf32>, vector<16xi32> -> vector<16xf32>
        %mul3A_712 = vector.broadcast %scan3A_101 : f32 to vector<16xf32>
        %mul3A_713 = arith.mulf %gather3A_711, %mul3A_712 : vector<16xf32>
        %mul3A_714 = arith.mulf %mul3A_705, %mul3A_705 : vector<16xf32>
        %sub3A_715 = arith.subf %mul3A_713, %mul3A_714 : vector<16xf32>
        %add3A_716 = arith.constant 1.000000e-03 : f32
        %add3A_717 = vector.broadcast %add3A_716 : f32 to vector<16xf32>
        %add3A_718 = arith.addf %sub3A_715, %add3A_717 : vector<16xf32>
        %bitcast3A_719 = vector.bitcast %add3A_718 : vector<16xf32> to vector<16xi32>
        %shift_right_arithmetic3A_720 = arith.constant 1 : i32
        %shift_right_arithmetic3A_721 = vector.broadcast %shift_right_arithmetic3A_720 : i32 to vector<16xi32>
        %shift_right_arithmetic3A_722 = arith.shrsi %bitcast3A_719, %shift_right_arithmetic3A_721 : vector<16xi32>
        %sub3A_723 = arith.constant 1597463007 : i32
        %sub3A_724 = vector.broadcast %sub3A_723 : i32 to vector<16xi32>
        %sub3A_725 = arith.subi %sub3A_724, %shift_right_arithmetic3A_722 : vector<16xi32>
        %bitcast3A_726 = vector.bitcast %sub3A_725 : vector<16xi32> to vector<16xf32>
        %mul3A_727 = arith.constant 5.000000e-01 : f32
        %mul3A_728 = vector.broadcast %mul3A_727 : f32 to vector<16xf32>
        %mul3A_729 = arith.mulf %add3A_718, %mul3A_728 : vector<16xf32>
        %mul3A_730 = arith.mulf %mul3A_729, %bitcast3A_726 : vector<16xf32>
        %mul3A_731 = arith.mulf %mul3A_730, %bitcast3A_726 : vector<16xf32>
        %sub3A_732 = arith.constant 1.500000e+00 : f32
        %sub3A_733 = vector.broadcast %sub3A_732 : f32 to vector<16xf32>
        %sub3A_734 = arith.subf %sub3A_733, %mul3A_731 : vector<16xf32>
        %mul3A_735 = arith.mulf %bitcast3A_726, %sub3A_734 : vector<16xf32>
        %mul3A_736 = arith.mulf %mul3A_729, %mul3A_735 : vector<16xf32>
        %mul3A_737 = arith.mulf %mul3A_736, %mul3A_735 : vector<16xf32>
        %sub3A_738 = arith.constant 1.500000e+00 : f32
        %sub3A_739 = vector.broadcast %sub3A_738 : f32 to vector<16xf32>
        %sub3A_740 = arith.subf %sub3A_739, %mul3A_737 : vector<16xf32>
        %mul3A_741 = arith.mulf %mul3A_735, %sub3A_740 : vector<16xf32>
        %mul3A_742 = arith.mulf %mul3A_705, %mul3A_741 : vector<16xf32>
        %sub3A_743 = arith.constant 0.000000e+00 : f32
        %sub3A_744 = vector.broadcast %sub3A_743 : f32 to vector<16xf32>
        %sub3A_745 = arith.subf %sub3A_744, %mul3A_742 : vector<16xf32>
        %mul3A_746 = arith.mulf %add3A_376, %mul3A_741 : vector<16xf32>
        %add3A_747 = arith.addf %mul3A_746, %sub3A_745 : vector<16xf32>
        %mul3A_748 = arith.mulf %add3A_747, %get3A_47 : vector<16xf32>
        %add3A_749 = arith.addf %mul3A_748, %get3A_63 : vector<16xf32>
        %swap3A_750 = arith.index_cast %add3A_697 : i32 to index
        %swap3A_751 = arith.constant 0 : index
        %swap3A_752 = tpu.vector_load %arg12[%swap3A_750, %swap3A_751] {strides = array<i32>} : memref<64x128xf32, #tpu.memory_space<vmem>>, vector<16xf32>,
        tpu.vector_store %arg12[%swap3A_750, %swap3A_751], %add3A_749 {strides = array<i32>} : memref<64x128xf32, #tpu.memory_space<vmem>>, vector<16xf32>,
        %mul3A_753 = arith.mulf %add3A_382, %mul3A_741 : vector<16xf32>
        %add3A_754 = arith.addf %mul3A_753, %sub3A_745 : vector<16xf32>
        %mul3A_755 = arith.mulf %add3A_754, %get3A_49 : vector<16xf32>
        %add3A_756 = arith.addf %mul3A_755, %get3A_65 : vector<16xf32>
        %swap3A_757 = arith.index_cast %add3A_697 : i32 to index
        %swap3A_758 = arith.constant 16 : index
        %swap3A_759 = tpu.vector_load %arg12[%swap3A_757, %swap3A_758] {strides = array<i32>} : memref<64x128xf32, #tpu.memory_space<vmem>>, vector<16xf32>,
        tpu.vector_store %arg12[%swap3A_757, %swap3A_758], %add3A_756 {strides = array<i32>} : memref<64x128xf32, #tpu.memory_space<vmem>>, vector<16xf32>,
        %mul3A_760 = arith.mulf %add3A_388, %mul3A_741 : vector<16xf32>
        %add3A_761 = arith.addf %mul3A_760, %sub3A_745 : vector<16xf32>
        %mul3A_762 = arith.mulf %add3A_761, %get3A_51 : vector<16xf32>
        %add3A_763 = arith.addf %mul3A_762, %get3A_67 : vector<16xf32>
        %swap3A_764 = arith.index_cast %add3A_697 : i32 to index
        %swap3A_765 = arith.constant 32 : index
        %swap3A_766 = tpu.vector_load %arg12[%swap3A_764, %swap3A_765] {strides = array<i32>} : memref<64x128xf32, #tpu.memory_space<vmem>>, vector<16xf32>,
        tpu.vector_store %arg12[%swap3A_764, %swap3A_765], %add3A_763 {strides = array<i32>} : memref<64x128xf32, #tpu.memory_space<vmem>>, vector<16xf32>,
        %mul3A_767 = arith.mulf %add3A_394, %mul3A_741 : vector<16xf32>
        %add3A_768 = arith.addf %mul3A_767, %sub3A_745 : vector<16xf32>
        %mul3A_769 = arith.mulf %add3A_768, %get3A_53 : vector<16xf32>
        %add3A_770 = arith.addf %mul3A_769, %get3A_69 : vector<16xf32>
        %swap3A_771 = arith.index_cast %add3A_697 : i32 to index
        %swap3A_772 = arith.constant 48 : index
        %swap3A_773 = tpu.vector_load %arg12[%swap3A_771, %swap3A_772] {strides = array<i32>} : memref<64x128xf32, #tpu.memory_space<vmem>>, vector<16xf32>,
        tpu.vector_store %arg12[%swap3A_771, %swap3A_772], %add3A_770 {strides = array<i32>} : memref<64x128xf32, #tpu.memory_space<vmem>>, vector<16xf32>,
        %mul3A_774 = arith.mulf %add3A_400, %mul3A_741 : vector<16xf32>
        %add3A_775 = arith.addf %mul3A_774, %sub3A_745 : vector<16xf32>
        %mul3A_776 = arith.mulf %add3A_775, %get3A_55 : vector<16xf32>
        %add3A_777 = arith.addf %mul3A_776, %get3A_71 : vector<16xf32>
        %swap3A_778 = arith.index_cast %add3A_697 : i32 to index
        %swap3A_779 = arith.constant 64 : index
        %swap3A_780 = tpu.vector_load %arg12[%swap3A_778, %swap3A_779] {strides = array<i32>} : memref<64x128xf32, #tpu.memory_space<vmem>>, vector<16xf32>,
        tpu.vector_store %arg12[%swap3A_778, %swap3A_779], %add3A_777 {strides = array<i32>} : memref<64x128xf32, #tpu.memory_space<vmem>>, vector<16xf32>,
        %mul3A_781 = arith.mulf %add3A_406, %mul3A_741 : vector<16xf32>
        %add3A_782 = arith.addf %mul3A_781, %sub3A_745 : vector<16xf32>
        %mul3A_783 = arith.mulf %add3A_782, %get3A_57 : vector<16xf32>
        %add3A_784 = arith.addf %mul3A_783, %get3A_73 : vector<16xf32>
        %swap3A_785 = arith.index_cast %add3A_697 : i32 to index
        %swap3A_786 = arith.constant 80 : index
        %swap3A_787 = tpu.vector_load %arg12[%swap3A_785, %swap3A_786] {strides = array<i32>} : memref<64x128xf32, #tpu.memory_space<vmem>>, vector<16xf32>,
        tpu.vector_store %arg12[%swap3A_785, %swap3A_786], %add3A_784 {strides = array<i32>} : memref<64x128xf32, #tpu.memory_space<vmem>>, vector<16xf32>,
        %mul3A_788 = arith.mulf %add3A_412, %mul3A_741 : vector<16xf32>
        %add3A_789 = arith.addf %mul3A_788, %sub3A_745 : vector<16xf32>
        %mul3A_790 = arith.mulf %add3A_789, %get3A_59 : vector<16xf32>
        %add3A_791 = arith.addf %mul3A_790, %get3A_75 : vector<16xf32>
        %swap3A_792 = arith.index_cast %add3A_697 : i32 to index
        %swap3A_793 = arith.constant 96 : index
        %swap3A_794 = tpu.vector_load %arg12[%swap3A_792, %swap3A_793] {strides = array<i32>} : memref<64x128xf32, #tpu.memory_space<vmem>>, vector<16xf32>,
        tpu.vector_store %arg12[%swap3A_792, %swap3A_793], %add3A_791 {strides = array<i32>} : memref<64x128xf32, #tpu.memory_space<vmem>>, vector<16xf32>,
        %mul3A_795 = arith.mulf %add3A_418, %mul3A_741 : vector<16xf32>
        %add3A_796 = arith.addf %mul3A_795, %sub3A_745 : vector<16xf32>
        %mul3A_797 = arith.mulf %add3A_796, %get3A_61 : vector<16xf32>
        %add3A_798 = arith.addf %mul3A_797, %get3A_77 : vector<16xf32>
        %swap3A_799 = arith.index_cast %add3A_697 : i32 to index
        %swap3A_800 = arith.constant 112 : index
        %swap3A_801 = tpu.vector_load %arg12[%swap3A_799, %swap3A_800] {strides = array<i32>} : memref<64x128xf32, #tpu.memory_space<vmem>>, vector<16xf32>,
        tpu.vector_store %arg12[%swap3A_799, %swap3A_800], %add3A_798 {strides = array<i32>} : memref<64x128xf32, #tpu.memory_space<vmem>>, vector<16xf32>,
        %add3A_802 = arith.constant 2 : i32
        %add3A_803 = arith.addi %mul3A_287, %add3A_802 : i32
        %broadcast_in_dim3A_804 = arith.constant true
        %broadcast_in_dim3A_805 = vector.broadcast %broadcast_in_dim3A_804 : i1 to vector<16xi1>
        %masked_cumsum3A_806 = tpu.scan <sum>, %add3A_502 masked %broadcast_in_dim3A_805 : vector<16xf32>, vector<16xi1> -> vector<16xf32>
        %broadcast_in_dim3A_807 = vector.shape_cast %broadcast_in_dim3A_78 : vector<16xi32> to vector<16x1xi32>
        %gather3A_808 = vector.shape_cast %broadcast_in_dim3A_807 : vector<16x1xi32> to vector<16xi32>
        %gather3A_809 = tpu.dynamic_gather %masked_cumsum3A_806[%gather3A_808] in [0] : vector<16xf32>, vector<16xi32> -> vector<16xf32>
        %mul3A_810 = vector.broadcast %scan3A_101 : f32 to vector<16xf32>
        %mul3A_811 = arith.mulf %gather3A_809, %mul3A_810 : vector<16xf32>
        %broadcast_in_dim3A_812 = arith.constant true
        %broadcast_in_dim3A_813 = vector.broadcast %broadcast_in_dim3A_812 : i1 to vector<16xi1>
        %masked_cumsum3A_814 = tpu.scan <sum>, %add3A_517 masked %broadcast_in_dim3A_813 : vector<16xf32>, vector<16xi1> -> vector<16xf32>
        %broadcast_in_dim3A_815 = vector.shape_cast %broadcast_in_dim3A_78 : vector<16xi32> to vector<16x1xi32>
        %gather3A_816 = vector.shape_cast %broadcast_in_dim3A_815 : vector<16x1xi32> to vector<16xi32>
        %gather3A_817 = tpu.dynamic_gather %masked_cumsum3A_814[%gather3A_816] in [0] : vector<16xf32>, vector<16xi32> -> vector<16xf32>
        %mul3A_818 = vector.broadcast %scan3A_101 : f32 to vector<16xf32>
        %mul3A_819 = arith.mulf %gather3A_817, %mul3A_818 : vector<16xf32>
        %mul3A_820 = arith.mulf %mul3A_811, %mul3A_811 : vector<16xf32>
        %sub3A_821 = arith.subf %mul3A_819, %mul3A_820 : vector<16xf32>
        %add3A_822 = arith.constant 1.000000e-03 : f32
        %add3A_823 = vector.broadcast %add3A_822 : f32 to vector<16xf32>
        %add3A_824 = arith.addf %sub3A_821, %add3A_823 : vector<16xf32>
        %bitcast3A_825 = vector.bitcast %add3A_824 : vector<16xf32> to vector<16xi32>
        %shift_right_arithmetic3A_826 = arith.constant 1 : i32
        %shift_right_arithmetic3A_827 = vector.broadcast %shift_right_arithmetic3A_826 : i32 to vector<16xi32>
        %shift_right_arithmetic3A_828 = arith.shrsi %bitcast3A_825, %shift_right_arithmetic3A_827 : vector<16xi32>
        %sub3A_829 = arith.constant 1597463007 : i32
        %sub3A_830 = vector.broadcast %sub3A_829 : i32 to vector<16xi32>
        %sub3A_831 = arith.subi %sub3A_830, %shift_right_arithmetic3A_828 : vector<16xi32>
        %bitcast3A_832 = vector.bitcast %sub3A_831 : vector<16xi32> to vector<16xf32>
        %mul3A_833 = arith.constant 5.000000e-01 : f32
        %mul3A_834 = vector.broadcast %mul3A_833 : f32 to vector<16xf32>
        %mul3A_835 = arith.mulf %add3A_824, %mul3A_834 : vector<16xf32>
        %mul3A_836 = arith.mulf %mul3A_835, %bitcast3A_832 : vector<16xf32>
        %mul3A_837 = arith.mulf %mul3A_836, %bitcast3A_832 : vector<16xf32>
        %sub3A_838 = arith.constant 1.500000e+00 : f32
        %sub3A_839 = vector.broadcast %sub3A_838 : f32 to vector<16xf32>
        %sub3A_840 = arith.subf %sub3A_839, %mul3A_837 : vector<16xf32>
        %mul3A_841 = arith.mulf %bitcast3A_832, %sub3A_840 : vector<16xf32>
        %mul3A_842 = arith.mulf %mul3A_835, %mul3A_841 : vector<16xf32>
        %mul3A_843 = arith.mulf %mul3A_842, %mul3A_841 : vector<16xf32>
        %sub3A_844 = arith.constant 1.500000e+00 : f32
        %sub3A_845 = vector.broadcast %sub3A_844 : f32 to vector<16xf32>
        %sub3A_846 = arith.subf %sub3A_845, %mul3A_843 : vector<16xf32>
        %mul3A_847 = arith.mulf %mul3A_841, %sub3A_846 : vector<16xf32>
        %mul3A_848 = arith.mulf %mul3A_811, %mul3A_847 : vector<16xf32>
        %sub3A_849 = arith.constant 0.000000e+00 : f32
        %sub3A_850 = vector.broadcast %sub3A_849 : f32 to vector<16xf32>
        %sub3A_851 = arith.subf %sub3A_850, %mul3A_848 : vector<16xf32>
        %mul3A_852 = arith.mulf %add3A_453, %mul3A_847 : vector<16xf32>
        %add3A_853 = arith.addf %mul3A_852, %sub3A_851 : vector<16xf32>
        %mul3A_854 = arith.mulf %add3A_853, %get3A_47 : vector<16xf32>
        %add3A_855 = arith.addf %mul3A_854, %get3A_63 : vector<16xf32>
        %swap3A_856 = arith.index_cast %add3A_803 : i32 to index
        %swap3A_857 = arith.constant 0 : index
        %swap3A_858 = tpu.vector_load %arg12[%swap3A_856, %swap3A_857] {strides = array<i32>} : memref<64x128xf32, #tpu.memory_space<vmem>>, vector<16xf32>,
        tpu.vector_store %arg12[%swap3A_856, %swap3A_857], %add3A_855 {strides = array<i32>} : memref<64x128xf32, #tpu.memory_space<vmem>>, vector<16xf32>,
        %mul3A_859 = arith.mulf %add3A_459, %mul3A_847 : vector<16xf32>
        %add3A_860 = arith.addf %mul3A_859, %sub3A_851 : vector<16xf32>
        %mul3A_861 = arith.mulf %add3A_860, %get3A_49 : vector<16xf32>
        %add3A_862 = arith.addf %mul3A_861, %get3A_65 : vector<16xf32>
        %swap3A_863 = arith.index_cast %add3A_803 : i32 to index
        %swap3A_864 = arith.constant 16 : index
        %swap3A_865 = tpu.vector_load %arg12[%swap3A_863, %swap3A_864] {strides = array<i32>} : memref<64x128xf32, #tpu.memory_space<vmem>>, vector<16xf32>,
        tpu.vector_store %arg12[%swap3A_863, %swap3A_864], %add3A_862 {strides = array<i32>} : memref<64x128xf32, #tpu.memory_space<vmem>>, vector<16xf32>,
        %mul3A_866 = arith.mulf %add3A_465, %mul3A_847 : vector<16xf32>
        %add3A_867 = arith.addf %mul3A_866, %sub3A_851 : vector<16xf32>
        %mul3A_868 = arith.mulf %add3A_867, %get3A_51 : vector<16xf32>
        %add3A_869 = arith.addf %mul3A_868, %get3A_67 : vector<16xf32>
        %swap3A_870 = arith.index_cast %add3A_803 : i32 to index
        %swap3A_871 = arith.constant 32 : index
        %swap3A_872 = tpu.vector_load %arg12[%swap3A_870, %swap3A_871] {strides = array<i32>} : memref<64x128xf32, #tpu.memory_space<vmem>>, vector<16xf32>,
        tpu.vector_store %arg12[%swap3A_870, %swap3A_871], %add3A_869 {strides = array<i32>} : memref<64x128xf32, #tpu.memory_space<vmem>>, vector<16xf32>,
        %mul3A_873 = arith.mulf %add3A_471, %mul3A_847 : vector<16xf32>
        %add3A_874 = arith.addf %mul3A_873, %sub3A_851 : vector<16xf32>
        %mul3A_875 = arith.mulf %add3A_874, %get3A_53 : vector<16xf32>
        %add3A_876 = arith.addf %mul3A_875, %get3A_69 : vector<16xf32>
        %swap3A_877 = arith.index_cast %add3A_803 : i32 to index
        %swap3A_878 = arith.constant 48 : index
        %swap3A_879 = tpu.vector_load %arg12[%swap3A_877, %swap3A_878] {strides = array<i32>} : memref<64x128xf32, #tpu.memory_space<vmem>>, vector<16xf32>,
        tpu.vector_store %arg12[%swap3A_877, %swap3A_878], %add3A_876 {strides = array<i32>} : memref<64x128xf32, #tpu.memory_space<vmem>>, vector<16xf32>,
        %mul3A_880 = arith.mulf %add3A_477, %mul3A_847 : vector<16xf32>
        %add3A_881 = arith.addf %mul3A_880, %sub3A_851 : vector<16xf32>
        %mul3A_882 = arith.mulf %add3A_881, %get3A_55 : vector<16xf32>
        %add3A_883 = arith.addf %mul3A_882, %get3A_71 : vector<16xf32>
        %swap3A_884 = arith.index_cast %add3A_803 : i32 to index
        %swap3A_885 = arith.constant 64 : index
        %swap3A_886 = tpu.vector_load %arg12[%swap3A_884, %swap3A_885] {strides = array<i32>} : memref<64x128xf32, #tpu.memory_space<vmem>>, vector<16xf32>,
        tpu.vector_store %arg12[%swap3A_884, %swap3A_885], %add3A_883 {strides = array<i32>} : memref<64x128xf32, #tpu.memory_space<vmem>>, vector<16xf32>,
        %mul3A_887 = arith.mulf %add3A_483, %mul3A_847 : vector<16xf32>
        %add3A_888 = arith.addf %mul3A_887, %sub3A_851 : vector<16xf32>
        %mul3A_889 = arith.mulf %add3A_888, %get3A_57 : vector<16xf32>
        %add3A_890 = arith.addf %mul3A_889, %get3A_73 : vector<16xf32>
        %swap3A_891 = arith.index_cast %add3A_803 : i32 to index
        %swap3A_892 = arith.constant 80 : index
        %swap3A_893 = tpu.vector_load %arg12[%swap3A_891, %swap3A_892] {strides = array<i32>} : memref<64x128xf32, #tpu.memory_space<vmem>>, vector<16xf32>,
        tpu.vector_store %arg12[%swap3A_891, %swap3A_892], %add3A_890 {strides = array<i32>} : memref<64x128xf32, #tpu.memory_space<vmem>>, vector<16xf32>,
        %mul3A_894 = arith.mulf %add3A_489, %mul3A_847 : vector<16xf32>
        %add3A_895 = arith.addf %mul3A_894, %sub3A_851 : vector<16xf32>
        %mul3A_896 = arith.mulf %add3A_895, %get3A_59 : vector<16xf32>
        %add3A_897 = arith.addf %mul3A_896, %get3A_75 : vector<16xf32>
        %swap3A_898 = arith.index_cast %add3A_803 : i32 to index
        %swap3A_899 = arith.constant 96 : index
        %swap3A_900 = tpu.vector_load %arg12[%swap3A_898, %swap3A_899] {strides = array<i32>} : memref<64x128xf32, #tpu.memory_space<vmem>>, vector<16xf32>,
        tpu.vector_store %arg12[%swap3A_898, %swap3A_899], %add3A_897 {strides = array<i32>} : memref<64x128xf32, #tpu.memory_space<vmem>>, vector<16xf32>,
        %mul3A_901 = arith.mulf %add3A_495, %mul3A_847 : vector<16xf32>
        %add3A_902 = arith.addf %mul3A_901, %sub3A_851 : vector<16xf32>
        %mul3A_903 = arith.mulf %add3A_902, %get3A_61 : vector<16xf32>
        %add3A_904 = arith.addf %mul3A_903, %get3A_77 : vector<16xf32>
        %swap3A_905 = arith.index_cast %add3A_803 : i32 to index
        %swap3A_906 = arith.constant 112 : index
        %swap3A_907 = tpu.vector_load %arg12[%swap3A_905, %swap3A_906] {strides = array<i32>} : memref<64x128xf32, #tpu.memory_space<vmem>>, vector<16xf32>,
        tpu.vector_store %arg12[%swap3A_905, %swap3A_906], %add3A_904 {strides = array<i32>} : memref<64x128xf32, #tpu.memory_space<vmem>>, vector<16xf32>,
        %add3A_908 = arith.constant 3 : i32
        %add3A_909 = arith.addi %mul3A_287, %add3A_908 : i32
        %broadcast_in_dim3A_910 = arith.constant true
        %broadcast_in_dim3A_911 = vector.broadcast %broadcast_in_dim3A_910 : i1 to vector<16xi1>
        %masked_cumsum3A_912 = tpu.scan <sum>, %add3A_579 masked %broadcast_in_dim3A_911 : vector<16xf32>, vector<16xi1> -> vector<16xf32>
        %broadcast_in_dim3A_913 = vector.shape_cast %broadcast_in_dim3A_78 : vector<16xi32> to vector<16x1xi32>
        %gather3A_914 = vector.shape_cast %broadcast_in_dim3A_913 : vector<16x1xi32> to vector<16xi32>
        %gather3A_915 = tpu.dynamic_gather %masked_cumsum3A_912[%gather3A_914] in [0] : vector<16xf32>, vector<16xi32> -> vector<16xf32>
        %mul3A_916 = vector.broadcast %scan3A_101 : f32 to vector<16xf32>
        %mul3A_917 = arith.mulf %gather3A_915, %mul3A_916 : vector<16xf32>
        %broadcast_in_dim3A_918 = arith.constant true
        %broadcast_in_dim3A_919 = vector.broadcast %broadcast_in_dim3A_918 : i1 to vector<16xi1>
        %masked_cumsum3A_920 = tpu.scan <sum>, %add3A_594 masked %broadcast_in_dim3A_919 : vector<16xf32>, vector<16xi1> -> vector<16xf32>
        %broadcast_in_dim3A_921 = vector.shape_cast %broadcast_in_dim3A_78 : vector<16xi32> to vector<16x1xi32>
        %gather3A_922 = vector.shape_cast %broadcast_in_dim3A_921 : vector<16x1xi32> to vector<16xi32>
        %gather3A_923 = tpu.dynamic_gather %masked_cumsum3A_920[%gather3A_922] in [0] : vector<16xf32>, vector<16xi32> -> vector<16xf32>
        %mul3A_924 = vector.broadcast %scan3A_101 : f32 to vector<16xf32>
        %mul3A_925 = arith.mulf %gather3A_923, %mul3A_924 : vector<16xf32>
        %mul3A_926 = arith.mulf %mul3A_917, %mul3A_917 : vector<16xf32>
        %sub3A_927 = arith.subf %mul3A_925, %mul3A_926 : vector<16xf32>
        %add3A_928 = arith.constant 1.000000e-03 : f32
        %add3A_929 = vector.broadcast %add3A_928 : f32 to vector<16xf32>
        %add3A_930 = arith.addf %sub3A_927, %add3A_929 : vector<16xf32>
        %bitcast3A_931 = vector.bitcast %add3A_930 : vector<16xf32> to vector<16xi32>
        %shift_right_arithmetic3A_932 = arith.constant 1 : i32
        %shift_right_arithmetic3A_933 = vector.broadcast %shift_right_arithmetic3A_932 : i32 to vector<16xi32>
        %shift_right_arithmetic3A_934 = arith.shrsi %bitcast3A_931, %shift_right_arithmetic3A_933 : vector<16xi32>
        %sub3A_935 = arith.constant 1597463007 : i32
        %sub3A_936 = vector.broadcast %sub3A_935 : i32 to vector<16xi32>
        %sub3A_937 = arith.subi %sub3A_936, %shift_right_arithmetic3A_934 : vector<16xi32>
        %bitcast3A_938 = vector.bitcast %sub3A_937 : vector<16xi32> to vector<16xf32>
        %mul3A_939 = arith.constant 5.000000e-01 : f32
        %mul3A_940 = vector.broadcast %mul3A_939 : f32 to vector<16xf32>
        %mul3A_941 = arith.mulf %add3A_930, %mul3A_940 : vector<16xf32>
        %mul3A_942 = arith.mulf %mul3A_941, %bitcast3A_938 : vector<16xf32>
        %mul3A_943 = arith.mulf %mul3A_942, %bitcast3A_938 : vector<16xf32>
        %sub3A_944 = arith.constant 1.500000e+00 : f32
        %sub3A_945 = vector.broadcast %sub3A_944 : f32 to vector<16xf32>
        %sub3A_946 = arith.subf %sub3A_945, %mul3A_943 : vector<16xf32>
        %mul3A_947 = arith.mulf %bitcast3A_938, %sub3A_946 : vector<16xf32>
        %mul3A_948 = arith.mulf %mul3A_941, %mul3A_947 : vector<16xf32>
        %mul3A_949 = arith.mulf %mul3A_948, %mul3A_947 : vector<16xf32>
        %sub3A_950 = arith.constant 1.500000e+00 : f32
        %sub3A_951 = vector.broadcast %sub3A_950 : f32 to vector<16xf32>
        %sub3A_952 = arith.subf %sub3A_951, %mul3A_949 : vector<16xf32>
        %mul3A_953 = arith.mulf %mul3A_947, %sub3A_952 : vector<16xf32>
        %mul3A_954 = arith.mulf %mul3A_917, %mul3A_953 : vector<16xf32>
        %sub3A_955 = arith.constant 0.000000e+00 : f32
        %sub3A_956 = vector.broadcast %sub3A_955 : f32 to vector<16xf32>
        %sub3A_957 = arith.subf %sub3A_956, %mul3A_954 : vector<16xf32>
        %mul3A_958 = arith.mulf %add3A_530, %mul3A_953 : vector<16xf32>
        %add3A_959 = arith.addf %mul3A_958, %sub3A_957 : vector<16xf32>
        %mul3A_960 = arith.mulf %add3A_959, %get3A_47 : vector<16xf32>
        %add3A_961 = arith.addf %mul3A_960, %get3A_63 : vector<16xf32>
        %swap3A_962 = arith.index_cast %add3A_909 : i32 to index
        %swap3A_963 = arith.constant 0 : index
        %swap3A_964 = tpu.vector_load %arg12[%swap3A_962, %swap3A_963] {strides = array<i32>} : memref<64x128xf32, #tpu.memory_space<vmem>>, vector<16xf32>,
        tpu.vector_store %arg12[%swap3A_962, %swap3A_963], %add3A_961 {strides = array<i32>} : memref<64x128xf32, #tpu.memory_space<vmem>>, vector<16xf32>,
        %mul3A_965 = arith.mulf %add3A_536, %mul3A_953 : vector<16xf32>
        %add3A_966 = arith.addf %mul3A_965, %sub3A_957 : vector<16xf32>
        %mul3A_967 = arith.mulf %add3A_966, %get3A_49 : vector<16xf32>
        %add3A_968 = arith.addf %mul3A_967, %get3A_65 : vector<16xf32>
        %swap3A_969 = arith.index_cast %add3A_909 : i32 to index
        %swap3A_970 = arith.constant 16 : index
        %swap3A_971 = tpu.vector_load %arg12[%swap3A_969, %swap3A_970] {strides = array<i32>} : memref<64x128xf32, #tpu.memory_space<vmem>>, vector<16xf32>,
        tpu.vector_store %arg12[%swap3A_969, %swap3A_970], %add3A_968 {strides = array<i32>} : memref<64x128xf32, #tpu.memory_space<vmem>>, vector<16xf32>,
        %mul3A_972 = arith.mulf %add3A_542, %mul3A_953 : vector<16xf32>
        %add3A_973 = arith.addf %mul3A_972, %sub3A_957 : vector<16xf32>
        %mul3A_974 = arith.mulf %add3A_973, %get3A_51 : vector<16xf32>
        %add3A_975 = arith.addf %mul3A_974, %get3A_67 : vector<16xf32>
        %swap3A_976 = arith.index_cast %add3A_909 : i32 to index
        %swap3A_977 = arith.constant 32 : index
        %swap3A_978 = tpu.vector_load %arg12[%swap3A_976, %swap3A_977] {strides = array<i32>} : memref<64x128xf32, #tpu.memory_space<vmem>>, vector<16xf32>,
        tpu.vector_store %arg12[%swap3A_976, %swap3A_977], %add3A_975 {strides = array<i32>} : memref<64x128xf32, #tpu.memory_space<vmem>>, vector<16xf32>,
        %mul3A_979 = arith.mulf %add3A_548, %mul3A_953 : vector<16xf32>
        %add3A_980 = arith.addf %mul3A_979, %sub3A_957 : vector<16xf32>
        %mul3A_981 = arith.mulf %add3A_980, %get3A_53 : vector<16xf32>
        %add3A_982 = arith.addf %mul3A_981, %get3A_69 : vector<16xf32>
        %swap3A_983 = arith.index_cast %add3A_909 : i32 to index
        %swap3A_984 = arith.constant 48 : index
        %swap3A_985 = tpu.vector_load %arg12[%swap3A_983, %swap3A_984] {strides = array<i32>} : memref<64x128xf32, #tpu.memory_space<vmem>>, vector<16xf32>,
        tpu.vector_store %arg12[%swap3A_983, %swap3A_984], %add3A_982 {strides = array<i32>} : memref<64x128xf32, #tpu.memory_space<vmem>>, vector<16xf32>,
        %mul3A_986 = arith.mulf %add3A_554, %mul3A_953 : vector<16xf32>
        %add3A_987 = arith.addf %mul3A_986, %sub3A_957 : vector<16xf32>
        %mul3A_988 = arith.mulf %add3A_987, %get3A_55 : vector<16xf32>
        %add3A_989 = arith.addf %mul3A_988, %get3A_71 : vector<16xf32>
        %swap3A_990 = arith.index_cast %add3A_909 : i32 to index
        %swap3A_991 = arith.constant 64 : index
        %swap3A_992 = tpu.vector_load %arg12[%swap3A_990, %swap3A_991] {strides = array<i32>} : memref<64x128xf32, #tpu.memory_space<vmem>>, vector<16xf32>,
        tpu.vector_store %arg12[%swap3A_990, %swap3A_991], %add3A_989 {strides = array<i32>} : memref<64x128xf32, #tpu.memory_space<vmem>>, vector<16xf32>,
        %mul3A_993 = arith.mulf %add3A_560, %mul3A_953 : vector<16xf32>
        %add3A_994 = arith.addf %mul3A_993, %sub3A_957 : vector<16xf32>
        %mul3A_995 = arith.mulf %add3A_994, %get3A_57 : vector<16xf32>
        %add3A_996 = arith.addf %mul3A_995, %get3A_73 : vector<16xf32>
        %swap3A_997 = arith.index_cast %add3A_909 : i32 to index
        %swap3A_998 = arith.constant 80 : index
        %swap3A_999 = tpu.vector_load %arg12[%swap3A_997, %swap3A_998] {strides = array<i32>} : memref<64x128xf32, #tpu.memory_space<vmem>>, vector<16xf32>,
        tpu.vector_store %arg12[%swap3A_997, %swap3A_998], %add3A_996 {strides = array<i32>} : memref<64x128xf32, #tpu.memory_space<vmem>>, vector<16xf32>,
        %mul3A_1000 = arith.mulf %add3A_566, %mul3A_953 : vector<16xf32>
        %add3A_1001 = arith.addf %mul3A_1000, %sub3A_957 : vector<16xf32>
        %mul3A_1002 = arith.mulf %add3A_1001, %get3A_59 : vector<16xf32>
        %add3A_1003 = arith.addf %mul3A_1002, %get3A_75 : vector<16xf32>
        %swap3A_1004 = arith.index_cast %add3A_909 : i32 to index
        %swap3A_1005 = arith.constant 96 : index
        %swap3A_1006 = tpu.vector_load %arg12[%swap3A_1004, %swap3A_1005] {strides = array<i32>} : memref<64x128xf32, #tpu.memory_space<vmem>>, vector<16xf32>,
        tpu.vector_store %arg12[%swap3A_1004, %swap3A_1005], %add3A_1003 {strides = array<i32>} : memref<64x128xf32, #tpu.memory_space<vmem>>, vector<16xf32>,
        %mul3A_1007 = arith.mulf %add3A_572, %mul3A_953 : vector<16xf32>
        %add3A_1008 = arith.addf %mul3A_1007, %sub3A_957 : vector<16xf32>
        %mul3A_1009 = arith.mulf %add3A_1008, %get3A_61 : vector<16xf32>
        %add3A_1010 = arith.addf %mul3A_1009, %get3A_77 : vector<16xf32>
        %swap3A_1011 = arith.index_cast %add3A_909 : i32 to index
        %swap3A_1012 = arith.constant 112 : index
        %swap3A_1013 = tpu.vector_load %arg12[%swap3A_1011, %swap3A_1012] {strides = array<i32>} : memref<64x128xf32, #tpu.memory_space<vmem>>, vector<16xf32>,
        tpu.vector_store %arg12[%swap3A_1011, %swap3A_1012], %add3A_1010 {strides = array<i32>} : memref<64x128xf32, #tpu.memory_space<vmem>>, vector<16xf32>,
      }
      %scan3A_187 = arith.constant 16 : i32
      %mul3A_188 = arith.constant 64 : i32
      %mul3A_189 = arith.muli %add3A_168, %mul3A_188 : i32
      %add3A_190 = arith.addi %mul3A_2, %mul3A_189 : i32
      %dma_start3A_191 = arith.constant 0 : i32
      %dma_start3A_192 = tpu.memref_slice %arg9[%add3A_190, %dma_start3A_191] : memref<204800x128xf32, #tpu.memory_space<hbm>> -> memref<64x128xf32, #tpu.memory_space<hbm>>
      %dma_start3A_193 = arith.constant 0 : i32
      %dma_start3A_194 = tpu.memref_slice %arg9[%add3A_190, %dma_start3A_193] : memref<204800x128xf32, #tpu.memory_space<hbm>> -> memref<64x128xf32, #tpu.memory_space<hbm>>
      tpu.enqueue_dma source(%arg12 : memref<64x128xf32, #tpu.memory_space<vmem>>) target(%dma_start3A_194 : memref<64x128xf32, #tpu.memory_space<hbm>>) target_semaphore(%arg22 : memref<!tpu.dma_semaphore, #tpu.memory_space<semaphore_mem>>)
      %mul3A_195 = arith.constant 5 : i32
      %mul3A_196 = arith.muli %mul3A_195, %scan3A_137 : i32
      %add3A_197 = arith.constant 2 : i32
      %add3A_198 = arith.addi %mul3A_196, %add3A_197 : i32
      %dma_wait3A_199 = arith.constant 0 : i32
      %dma_wait3A_200 = arith.constant 0 : i32
      %dma_wait3A_201 = tpu.memref_slice %arg4[%dma_wait3A_199, %dma_wait3A_200] : memref<1000000x128xf32, #tpu.memory_space<hbm>> -> memref<64x128xf32, #tpu.memory_space<hbm>>
      %dma_wait3A_202 = arith.constant 0 : i32
      %dma_wait3A_203 = arith.constant 0 : i32
      %dma_wait3A_204 = tpu.memref_slice %arg4[%dma_wait3A_202, %dma_wait3A_203] : memref<1000000x128xf32, #tpu.memory_space<hbm>> -> memref<64x128xf32, #tpu.memory_space<hbm>>
      tpu.wait_dma2 semaphore(%arg21 : memref<!tpu.dma_semaphore, #tpu.memory_space<semaphore_mem>>) src(%dma_wait3A_204 : memref<64x128xf32, #tpu.memory_space<hbm>>) dst(%arg13 : memref<64x128xf32, #tpu.memory_space<vmem>>)
      %add3A_205 = arith.constant 3 : i32
      %add3A_206 = arith.addi %add3A_198, %add3A_205 : i32
      %lt3A_207 = arith.constant 100 : i32
      %lt3A_208 = arith.cmpi slt, %add3A_206, %lt3A_207 : i32
      %convert_element_type3A_209 = arith.extui %lt3A_208 : i1 to i32
      %cond3A_210 = arith.constant 0 : i32
      %cond3A_211 = arith.cmpi ne, %convert_element_type3A_209, %cond3A_210 : i32
      scf.if %cond3A_211 {
        %ge3A = arith.constant 2 : i32
        %ge3A_285 = arith.cmpi sge, %add3A_198, %ge3A : i32
        %convert_element_type3A_286 = arith.extui %ge3A_285 : i1 to i32
        %cond3A_287 = arith.constant 0 : i32
        %cond3A_288 = arith.cmpi ne, %convert_element_type3A_286, %cond3A_287 : i32
        scf.if %cond3A_288 {
          %dma_wait3A_297 = arith.constant 0 : i32
          %dma_wait3A_298 = arith.constant 0 : i32
          %dma_wait3A_299 = tpu.memref_slice %arg9[%dma_wait3A_297, %dma_wait3A_298] : memref<204800x128xf32, #tpu.memory_space<hbm>> -> memref<64x128xf32, #tpu.memory_space<hbm>>
          %dma_wait3A_300 = arith.constant 0 : i32
          %dma_wait3A_301 = arith.constant 0 : i32
          %dma_wait3A_302 = tpu.memref_slice %arg9[%dma_wait3A_300, %dma_wait3A_301] : memref<204800x128xf32, #tpu.memory_space<hbm>> -> memref<64x128xf32, #tpu.memory_space<hbm>>
          tpu.wait_dma2 semaphore(%arg22 : memref<!tpu.dma_semaphore, #tpu.memory_space<semaphore_mem>>) src(%arg11 : memref<64x128xf32, #tpu.memory_space<vmem>>) dst(%dma_wait3A_302 : memref<64x128xf32, #tpu.memory_space<hbm>>)
        } else {
        }
        %add3A_289 = arith.constant 3 : i32
        %add3A_290 = arith.addi %add3A_198, %add3A_289 : i32
        %dma_start3A_291 = arith.constant 0 : i32
        %dma_start3A_292 = tpu.memref_slice %arg16[%add3A_290, %dma_start3A_291] : memref<100x64xi32, #tpu.memory_space<vmem>> -> memref<1x64xi32, #tpu.memory_space<vmem>>
        %dma_start3A_293 = tpu.memref_squeeze %dma_start3A_292 : memref<1x64xi32, #tpu.memory_space<vmem>> -> memref<64xi32, #tpu.memory_space<vmem>>
        %dma_start3A_294 = arith.constant 0 : i32
        %dma_start3A_295 = arith.constant 0 : i32
        %dma_start3A_296 = tpu.memref_slice %arg4[%dma_start3A_294, %dma_start3A_295] : memref<1000000x128xf32, #tpu.memory_space<hbm>> -> memref<1000000x128xf32, #tpu.memory_space<hbm>>
        tpu.enqueue_indirect_dma source(%dma_start3A_296 : memref<1000000x128xf32, #tpu.memory_space<hbm>>) target(%arg11 : memref<64x128xf32, #tpu.memory_space<vmem>>) offsets(%dma_start3A_293 : memref<64xi32, #tpu.memory_space<vmem>>) semaphore(%arg21 : memref<!tpu.dma_semaphore, #tpu.memory_space<semaphore_mem>>)
      } else {
      }
      %scan3A_212 = arith.constant 0 : i32
      %scan3A_213 = arith.constant 0 : i32
      %scan3A_214 = arith.constant 16 : i32
      %scan3A_215 = arith.addi %scan3A_213, %scan3A_214 : i32
      %scan3A_216 = arith.constant 1 : i32
      scf.for %scan3A_285 = %scan3A_213 to %scan3A_215 step %scan3A_216  : i32 {
        %mul3A_286 = arith.constant 4 : i32
        %mul3A_287 = arith.muli %scan3A_285, %mul3A_286 : i32
        %add3A_288 = arith.constant 0 : i32
        %add3A_289 = arith.addi %mul3A_287, %add3A_288 : i32
        %mul3A_290 = arith.constant 64 : i32
        %mul3A_291 = arith.muli %add3A_198, %mul3A_290 : i32
        %add3A_292 = arith.addi %mul3A_291, %add3A_289 : i32
        %broadcast_in_dim3A_293 = vector.broadcast %add3A_292 : i32 to vector<16xi32>
        %gather3A = tpu.vector_load_idx %arg17[%broadcast_in_dim3A_293] : memref<6400xi32, #tpu.memory_space<vmem>>[vector<16xi32>], vector<16xi32>,
        %get3A_294 = arith.index_cast %add3A_289 : i32 to index
        %get3A_295 = arith.constant 0 : index
        %get3A_296 = tpu.vector_load %arg13[%get3A_294, %get3A_295] {strides = array<i32>} : memref<64x128xf32, #tpu.memory_space<vmem>>, vector<16xf32>,
        %add3A_297 = arith.addi %gather3A, %add3A_18 : vector<16xi32>
        %gather3A_298 = tpu.vector_load_idx %arg10[%add3A_297] : memref<51200xf32, #tpu.memory_space<vmem>>[vector<16xi32>], vector<16xf32>,
        %add3A_299 = arith.addf %get3A_296, %gather3A_298 : vector<16xf32>
        %get3A_300 = arith.index_cast %add3A_289 : i32 to index
        %get3A_301 = arith.constant 16 : index
        %get3A_302 = tpu.vector_load %arg13[%get3A_300, %get3A_301] {strides = array<i32>} : memref<64x128xf32, #tpu.memory_space<vmem>>, vector<16xf32>,
        %add3A_303 = arith.addi %gather3A, %add3A_22 : vector<16xi32>
        %gather3A_304 = tpu.vector_load_idx %arg10[%add3A_303] : memref<51200xf32, #tpu.memory_space<vmem>>[vector<16xi32>], vector<16xf32>,
        %add3A_305 = arith.addf %get3A_302, %gather3A_304 : vector<16xf32>
        %get3A_306 = arith.index_cast %add3A_289 : i32 to index
        %get3A_307 = arith.constant 32 : index
        %get3A_308 = tpu.vector_load %arg13[%get3A_306, %get3A_307] {strides = array<i32>} : memref<64x128xf32, #tpu.memory_space<vmem>>, vector<16xf32>,
        %add3A_309 = arith.addi %gather3A, %add3A_26 : vector<16xi32>
        %gather3A_310 = tpu.vector_load_idx %arg10[%add3A_309] : memref<51200xf32, #tpu.memory_space<vmem>>[vector<16xi32>], vector<16xf32>,
        %add3A_311 = arith.addf %get3A_308, %gather3A_310 : vector<16xf32>
        %get3A_312 = arith.index_cast %add3A_289 : i32 to index
        %get3A_313 = arith.constant 48 : index
        %get3A_314 = tpu.vector_load %arg13[%get3A_312, %get3A_313] {strides = array<i32>} : memref<64x128xf32, #tpu.memory_space<vmem>>, vector<16xf32>,
        %add3A_315 = arith.addi %gather3A, %add3A_30 : vector<16xi32>
        %gather3A_316 = tpu.vector_load_idx %arg10[%add3A_315] : memref<51200xf32, #tpu.memory_space<vmem>>[vector<16xi32>], vector<16xf32>,
        %add3A_317 = arith.addf %get3A_314, %gather3A_316 : vector<16xf32>
        %get3A_318 = arith.index_cast %add3A_289 : i32 to index
        %get3A_319 = arith.constant 64 : index
        %get3A_320 = tpu.vector_load %arg13[%get3A_318, %get3A_319] {strides = array<i32>} : memref<64x128xf32, #tpu.memory_space<vmem>>, vector<16xf32>,
        %add3A_321 = arith.addi %gather3A, %add3A_34 : vector<16xi32>
        %gather3A_322 = tpu.vector_load_idx %arg10[%add3A_321] : memref<51200xf32, #tpu.memory_space<vmem>>[vector<16xi32>], vector<16xf32>,
        %add3A_323 = arith.addf %get3A_320, %gather3A_322 : vector<16xf32>
        %get3A_324 = arith.index_cast %add3A_289 : i32 to index
        %get3A_325 = arith.constant 80 : index
        %get3A_326 = tpu.vector_load %arg13[%get3A_324, %get3A_325] {strides = array<i32>} : memref<64x128xf32, #tpu.memory_space<vmem>>, vector<16xf32>,
        %add3A_327 = arith.addi %gather3A, %add3A_38 : vector<16xi32>
        %gather3A_328 = tpu.vector_load_idx %arg10[%add3A_327] : memref<51200xf32, #tpu.memory_space<vmem>>[vector<16xi32>], vector<16xf32>,
        %add3A_329 = arith.addf %get3A_326, %gather3A_328 : vector<16xf32>
        %get3A_330 = arith.index_cast %add3A_289 : i32 to index
        %get3A_331 = arith.constant 96 : index
        %get3A_332 = tpu.vector_load %arg13[%get3A_330, %get3A_331] {strides = array<i32>} : memref<64x128xf32, #tpu.memory_space<vmem>>, vector<16xf32>,
        %add3A_333 = arith.addi %gather3A, %add3A_42 : vector<16xi32>
        %gather3A_334 = tpu.vector_load_idx %arg10[%add3A_333] : memref<51200xf32, #tpu.memory_space<vmem>>[vector<16xi32>], vector<16xf32>,
        %add3A_335 = arith.addf %get3A_332, %gather3A_334 : vector<16xf32>
        %get3A_336 = arith.index_cast %add3A_289 : i32 to index
        %get3A_337 = arith.constant 112 : index
        %get3A_338 = tpu.vector_load %arg13[%get3A_336, %get3A_337] {strides = array<i32>} : memref<64x128xf32, #tpu.memory_space<vmem>>, vector<16xf32>,
        %add3A_339 = arith.addi %gather3A, %add3A_46 : vector<16xi32>
        %gather3A_340 = tpu.vector_load_idx %arg10[%add3A_339] : memref<51200xf32, #tpu.memory_space<vmem>>[vector<16xi32>], vector<16xf32>,
        %add3A_341 = arith.addf %get3A_338, %gather3A_340 : vector<16xf32>
        %add3A_342 = arith.addf %add3A_299, %add3A_305 : vector<16xf32>
        %add3A_343 = arith.addf %add3A_311, %add3A_317 : vector<16xf32>
        %add3A_344 = arith.addf %add3A_342, %add3A_343 : vector<16xf32>
        %add3A_345 = arith.addf %add3A_323, %add3A_329 : vector<16xf32>
        %add3A_346 = arith.addf %add3A_335, %add3A_341 : vector<16xf32>
        %add3A_347 = arith.addf %add3A_345, %add3A_346 : vector<16xf32>
        %add3A_348 = arith.addf %add3A_344, %add3A_347 : vector<16xf32>
        %mul3A_349 = arith.mulf %add3A_299, %add3A_299 : vector<16xf32>
        %mul3A_350 = arith.mulf %add3A_305, %add3A_305 : vector<16xf32>
        %add3A_351 = arith.addf %mul3A_349, %mul3A_350 : vector<16xf32>
        %mul3A_352 = arith.mulf %add3A_311, %add3A_311 : vector<16xf32>
        %mul3A_353 = arith.mulf %add3A_317, %add3A_317 : vector<16xf32>
        %add3A_354 = arith.addf %mul3A_352, %mul3A_353 : vector<16xf32>
        %mul3A_355 = arith.mulf %add3A_323, %add3A_323 : vector<16xf32>
        %mul3A_356 = arith.mulf %add3A_329, %add3A_329 : vector<16xf32>
        %add3A_357 = arith.addf %mul3A_355, %mul3A_356 : vector<16xf32>
        %mul3A_358 = arith.mulf %add3A_335, %add3A_335 : vector<16xf32>
        %mul3A_359 = arith.mulf %add3A_341, %add3A_341 : vector<16xf32>
        %add3A_360 = arith.addf %mul3A_358, %mul3A_359 : vector<16xf32>
        %add3A_361 = arith.addf %add3A_351, %add3A_354 : vector<16xf32>
        %add3A_362 = arith.addf %add3A_357, %add3A_360 : vector<16xf32>
        %add3A_363 = arith.addf %add3A_361, %add3A_362 : vector<16xf32>
        %add3A_364 = arith.constant 1 : i32
        %add3A_365 = arith.addi %mul3A_287, %add3A_364 : i32
        %mul3A_366 = arith.constant 64 : i32
        %mul3A_367 = arith.muli %add3A_198, %mul3A_366 : i32
        %add3A_368 = arith.addi %mul3A_367, %add3A_365 : i32
        %broadcast_in_dim3A_369 = vector.broadcast %add3A_368 : i32 to vector<16xi32>
        %gather3A_370 = tpu.vector_load_idx %arg17[%broadcast_in_dim3A_369] : memref<6400xi32, #tpu.memory_space<vmem>>[vector<16xi32>], vector<16xi32>,
        %get3A_371 = arith.index_cast %add3A_365 : i32 to index
        %get3A_372 = arith.constant 0 : index
        %get3A_373 = tpu.vector_load %arg13[%get3A_371, %get3A_372] {strides = array<i32>} : memref<64x128xf32, #tpu.memory_space<vmem>>, vector<16xf32>,
        %add3A_374 = arith.addi %gather3A_370, %add3A_18 : vector<16xi32>
        %gather3A_375 = tpu.vector_load_idx %arg10[%add3A_374] : memref<51200xf32, #tpu.memory_space<vmem>>[vector<16xi32>], vector<16xf32>,
        %add3A_376 = arith.addf %get3A_373, %gather3A_375 : vector<16xf32>
        %get3A_377 = arith.index_cast %add3A_365 : i32 to index
        %get3A_378 = arith.constant 16 : index
        %get3A_379 = tpu.vector_load %arg13[%get3A_377, %get3A_378] {strides = array<i32>} : memref<64x128xf32, #tpu.memory_space<vmem>>, vector<16xf32>,
        %add3A_380 = arith.addi %gather3A_370, %add3A_22 : vector<16xi32>
        %gather3A_381 = tpu.vector_load_idx %arg10[%add3A_380] : memref<51200xf32, #tpu.memory_space<vmem>>[vector<16xi32>], vector<16xf32>,
        %add3A_382 = arith.addf %get3A_379, %gather3A_381 : vector<16xf32>
        %get3A_383 = arith.index_cast %add3A_365 : i32 to index
        %get3A_384 = arith.constant 32 : index
        %get3A_385 = tpu.vector_load %arg13[%get3A_383, %get3A_384] {strides = array<i32>} : memref<64x128xf32, #tpu.memory_space<vmem>>, vector<16xf32>,
        %add3A_386 = arith.addi %gather3A_370, %add3A_26 : vector<16xi32>
        %gather3A_387 = tpu.vector_load_idx %arg10[%add3A_386] : memref<51200xf32, #tpu.memory_space<vmem>>[vector<16xi32>], vector<16xf32>,
        %add3A_388 = arith.addf %get3A_385, %gather3A_387 : vector<16xf32>
        %get3A_389 = arith.index_cast %add3A_365 : i32 to index
        %get3A_390 = arith.constant 48 : index
        %get3A_391 = tpu.vector_load %arg13[%get3A_389, %get3A_390] {strides = array<i32>} : memref<64x128xf32, #tpu.memory_space<vmem>>, vector<16xf32>,
        %add3A_392 = arith.addi %gather3A_370, %add3A_30 : vector<16xi32>
        %gather3A_393 = tpu.vector_load_idx %arg10[%add3A_392] : memref<51200xf32, #tpu.memory_space<vmem>>[vector<16xi32>], vector<16xf32>,
        %add3A_394 = arith.addf %get3A_391, %gather3A_393 : vector<16xf32>
        %get3A_395 = arith.index_cast %add3A_365 : i32 to index
        %get3A_396 = arith.constant 64 : index
        %get3A_397 = tpu.vector_load %arg13[%get3A_395, %get3A_396] {strides = array<i32>} : memref<64x128xf32, #tpu.memory_space<vmem>>, vector<16xf32>,
        %add3A_398 = arith.addi %gather3A_370, %add3A_34 : vector<16xi32>
        %gather3A_399 = tpu.vector_load_idx %arg10[%add3A_398] : memref<51200xf32, #tpu.memory_space<vmem>>[vector<16xi32>], vector<16xf32>,
        %add3A_400 = arith.addf %get3A_397, %gather3A_399 : vector<16xf32>
        %get3A_401 = arith.index_cast %add3A_365 : i32 to index
        %get3A_402 = arith.constant 80 : index
        %get3A_403 = tpu.vector_load %arg13[%get3A_401, %get3A_402] {strides = array<i32>} : memref<64x128xf32, #tpu.memory_space<vmem>>, vector<16xf32>,
        %add3A_404 = arith.addi %gather3A_370, %add3A_38 : vector<16xi32>
        %gather3A_405 = tpu.vector_load_idx %arg10[%add3A_404] : memref<51200xf32, #tpu.memory_space<vmem>>[vector<16xi32>], vector<16xf32>,
        %add3A_406 = arith.addf %get3A_403, %gather3A_405 : vector<16xf32>
        %get3A_407 = arith.index_cast %add3A_365 : i32 to index
        %get3A_408 = arith.constant 96 : index
        %get3A_409 = tpu.vector_load %arg13[%get3A_407, %get3A_408] {strides = array<i32>} : memref<64x128xf32, #tpu.memory_space<vmem>>, vector<16xf32>,
        %add3A_410 = arith.addi %gather3A_370, %add3A_42 : vector<16xi32>
        %gather3A_411 = tpu.vector_load_idx %arg10[%add3A_410] : memref<51200xf32, #tpu.memory_space<vmem>>[vector<16xi32>], vector<16xf32>,
        %add3A_412 = arith.addf %get3A_409, %gather3A_411 : vector<16xf32>
        %get3A_413 = arith.index_cast %add3A_365 : i32 to index
        %get3A_414 = arith.constant 112 : index
        %get3A_415 = tpu.vector_load %arg13[%get3A_413, %get3A_414] {strides = array<i32>} : memref<64x128xf32, #tpu.memory_space<vmem>>, vector<16xf32>,
        %add3A_416 = arith.addi %gather3A_370, %add3A_46 : vector<16xi32>
        %gather3A_417 = tpu.vector_load_idx %arg10[%add3A_416] : memref<51200xf32, #tpu.memory_space<vmem>>[vector<16xi32>], vector<16xf32>,
        %add3A_418 = arith.addf %get3A_415, %gather3A_417 : vector<16xf32>
        %add3A_419 = arith.addf %add3A_376, %add3A_382 : vector<16xf32>
        %add3A_420 = arith.addf %add3A_388, %add3A_394 : vector<16xf32>
        %add3A_421 = arith.addf %add3A_419, %add3A_420 : vector<16xf32>
        %add3A_422 = arith.addf %add3A_400, %add3A_406 : vector<16xf32>
        %add3A_423 = arith.addf %add3A_412, %add3A_418 : vector<16xf32>
        %add3A_424 = arith.addf %add3A_422, %add3A_423 : vector<16xf32>
        %add3A_425 = arith.addf %add3A_421, %add3A_424 : vector<16xf32>
        %mul3A_426 = arith.mulf %add3A_376, %add3A_376 : vector<16xf32>
        %mul3A_427 = arith.mulf %add3A_382, %add3A_382 : vector<16xf32>
        %add3A_428 = arith.addf %mul3A_426, %mul3A_427 : vector<16xf32>
        %mul3A_429 = arith.mulf %add3A_388, %add3A_388 : vector<16xf32>
        %mul3A_430 = arith.mulf %add3A_394, %add3A_394 : vector<16xf32>
        %add3A_431 = arith.addf %mul3A_429, %mul3A_430 : vector<16xf32>
        %mul3A_432 = arith.mulf %add3A_400, %add3A_400 : vector<16xf32>
        %mul3A_433 = arith.mulf %add3A_406, %add3A_406 : vector<16xf32>
        %add3A_434 = arith.addf %mul3A_432, %mul3A_433 : vector<16xf32>
        %mul3A_435 = arith.mulf %add3A_412, %add3A_412 : vector<16xf32>
        %mul3A_436 = arith.mulf %add3A_418, %add3A_418 : vector<16xf32>
        %add3A_437 = arith.addf %mul3A_435, %mul3A_436 : vector<16xf32>
        %add3A_438 = arith.addf %add3A_428, %add3A_431 : vector<16xf32>
        %add3A_439 = arith.addf %add3A_434, %add3A_437 : vector<16xf32>
        %add3A_440 = arith.addf %add3A_438, %add3A_439 : vector<16xf32>
        %add3A_441 = arith.constant 2 : i32
        %add3A_442 = arith.addi %mul3A_287, %add3A_441 : i32
        %mul3A_443 = arith.constant 64 : i32
        %mul3A_444 = arith.muli %add3A_198, %mul3A_443 : i32
        %add3A_445 = arith.addi %mul3A_444, %add3A_442 : i32
        %broadcast_in_dim3A_446 = vector.broadcast %add3A_445 : i32 to vector<16xi32>
        %gather3A_447 = tpu.vector_load_idx %arg17[%broadcast_in_dim3A_446] : memref<6400xi32, #tpu.memory_space<vmem>>[vector<16xi32>], vector<16xi32>,
        %get3A_448 = arith.index_cast %add3A_442 : i32 to index
        %get3A_449 = arith.constant 0 : index
        %get3A_450 = tpu.vector_load %arg13[%get3A_448, %get3A_449] {strides = array<i32>} : memref<64x128xf32, #tpu.memory_space<vmem>>, vector<16xf32>,
        %add3A_451 = arith.addi %gather3A_447, %add3A_18 : vector<16xi32>
        %gather3A_452 = tpu.vector_load_idx %arg10[%add3A_451] : memref<51200xf32, #tpu.memory_space<vmem>>[vector<16xi32>], vector<16xf32>,
        %add3A_453 = arith.addf %get3A_450, %gather3A_452 : vector<16xf32>
        %get3A_454 = arith.index_cast %add3A_442 : i32 to index
        %get3A_455 = arith.constant 16 : index
        %get3A_456 = tpu.vector_load %arg13[%get3A_454, %get3A_455] {strides = array<i32>} : memref<64x128xf32, #tpu.memory_space<vmem>>, vector<16xf32>,
        %add3A_457 = arith.addi %gather3A_447, %add3A_22 : vector<16xi32>
        %gather3A_458 = tpu.vector_load_idx %arg10[%add3A_457] : memref<51200xf32, #tpu.memory_space<vmem>>[vector<16xi32>], vector<16xf32>,
        %add3A_459 = arith.addf %get3A_456, %gather3A_458 : vector<16xf32>
        %get3A_460 = arith.index_cast %add3A_442 : i32 to index
        %get3A_461 = arith.constant 32 : index
        %get3A_462 = tpu.vector_load %arg13[%get3A_460, %get3A_461] {strides = array<i32>} : memref<64x128xf32, #tpu.memory_space<vmem>>, vector<16xf32>,
        %add3A_463 = arith.addi %gather3A_447, %add3A_26 : vector<16xi32>
        %gather3A_464 = tpu.vector_load_idx %arg10[%add3A_463] : memref<51200xf32, #tpu.memory_space<vmem>>[vector<16xi32>], vector<16xf32>,
        %add3A_465 = arith.addf %get3A_462, %gather3A_464 : vector<16xf32>
        %get3A_466 = arith.index_cast %add3A_442 : i32 to index
        %get3A_467 = arith.constant 48 : index
        %get3A_468 = tpu.vector_load %arg13[%get3A_466, %get3A_467] {strides = array<i32>} : memref<64x128xf32, #tpu.memory_space<vmem>>, vector<16xf32>,
        %add3A_469 = arith.addi %gather3A_447, %add3A_30 : vector<16xi32>
        %gather3A_470 = tpu.vector_load_idx %arg10[%add3A_469] : memref<51200xf32, #tpu.memory_space<vmem>>[vector<16xi32>], vector<16xf32>,
        %add3A_471 = arith.addf %get3A_468, %gather3A_470 : vector<16xf32>
        %get3A_472 = arith.index_cast %add3A_442 : i32 to index
        %get3A_473 = arith.constant 64 : index
        %get3A_474 = tpu.vector_load %arg13[%get3A_472, %get3A_473] {strides = array<i32>} : memref<64x128xf32, #tpu.memory_space<vmem>>, vector<16xf32>,
        %add3A_475 = arith.addi %gather3A_447, %add3A_34 : vector<16xi32>
        %gather3A_476 = tpu.vector_load_idx %arg10[%add3A_475] : memref<51200xf32, #tpu.memory_space<vmem>>[vector<16xi32>], vector<16xf32>,
        %add3A_477 = arith.addf %get3A_474, %gather3A_476 : vector<16xf32>
        %get3A_478 = arith.index_cast %add3A_442 : i32 to index
        %get3A_479 = arith.constant 80 : index
        %get3A_480 = tpu.vector_load %arg13[%get3A_478, %get3A_479] {strides = array<i32>} : memref<64x128xf32, #tpu.memory_space<vmem>>, vector<16xf32>,
        %add3A_481 = arith.addi %gather3A_447, %add3A_38 : vector<16xi32>
        %gather3A_482 = tpu.vector_load_idx %arg10[%add3A_481] : memref<51200xf32, #tpu.memory_space<vmem>>[vector<16xi32>], vector<16xf32>,
        %add3A_483 = arith.addf %get3A_480, %gather3A_482 : vector<16xf32>
        %get3A_484 = arith.index_cast %add3A_442 : i32 to index
        %get3A_485 = arith.constant 96 : index
        %get3A_486 = tpu.vector_load %arg13[%get3A_484, %get3A_485] {strides = array<i32>} : memref<64x128xf32, #tpu.memory_space<vmem>>, vector<16xf32>,
        %add3A_487 = arith.addi %gather3A_447, %add3A_42 : vector<16xi32>
        %gather3A_488 = tpu.vector_load_idx %arg10[%add3A_487] : memref<51200xf32, #tpu.memory_space<vmem>>[vector<16xi32>], vector<16xf32>,
        %add3A_489 = arith.addf %get3A_486, %gather3A_488 : vector<16xf32>
        %get3A_490 = arith.index_cast %add3A_442 : i32 to index
        %get3A_491 = arith.constant 112 : index
        %get3A_492 = tpu.vector_load %arg13[%get3A_490, %get3A_491] {strides = array<i32>} : memref<64x128xf32, #tpu.memory_space<vmem>>, vector<16xf32>,
        %add3A_493 = arith.addi %gather3A_447, %add3A_46 : vector<16xi32>
        %gather3A_494 = tpu.vector_load_idx %arg10[%add3A_493] : memref<51200xf32, #tpu.memory_space<vmem>>[vector<16xi32>], vector<16xf32>,
        %add3A_495 = arith.addf %get3A_492, %gather3A_494 : vector<16xf32>
        %add3A_496 = arith.addf %add3A_453, %add3A_459 : vector<16xf32>
        %add3A_497 = arith.addf %add3A_465, %add3A_471 : vector<16xf32>
        %add3A_498 = arith.addf %add3A_496, %add3A_497 : vector<16xf32>
        %add3A_499 = arith.addf %add3A_477, %add3A_483 : vector<16xf32>
        %add3A_500 = arith.addf %add3A_489, %add3A_495 : vector<16xf32>
        %add3A_501 = arith.addf %add3A_499, %add3A_500 : vector<16xf32>
        %add3A_502 = arith.addf %add3A_498, %add3A_501 : vector<16xf32>
        %mul3A_503 = arith.mulf %add3A_453, %add3A_453 : vector<16xf32>
        %mul3A_504 = arith.mulf %add3A_459, %add3A_459 : vector<16xf32>
        %add3A_505 = arith.addf %mul3A_503, %mul3A_504 : vector<16xf32>
        %mul3A_506 = arith.mulf %add3A_465, %add3A_465 : vector<16xf32>
        %mul3A_507 = arith.mulf %add3A_471, %add3A_471 : vector<16xf32>
        %add3A_508 = arith.addf %mul3A_506, %mul3A_507 : vector<16xf32>
        %mul3A_509 = arith.mulf %add3A_477, %add3A_477 : vector<16xf32>
        %mul3A_510 = arith.mulf %add3A_483, %add3A_483 : vector<16xf32>
        %add3A_511 = arith.addf %mul3A_509, %mul3A_510 : vector<16xf32>
        %mul3A_512 = arith.mulf %add3A_489, %add3A_489 : vector<16xf32>
        %mul3A_513 = arith.mulf %add3A_495, %add3A_495 : vector<16xf32>
        %add3A_514 = arith.addf %mul3A_512, %mul3A_513 : vector<16xf32>
        %add3A_515 = arith.addf %add3A_505, %add3A_508 : vector<16xf32>
        %add3A_516 = arith.addf %add3A_511, %add3A_514 : vector<16xf32>
        %add3A_517 = arith.addf %add3A_515, %add3A_516 : vector<16xf32>
        %add3A_518 = arith.constant 3 : i32
        %add3A_519 = arith.addi %mul3A_287, %add3A_518 : i32
        %mul3A_520 = arith.constant 64 : i32
        %mul3A_521 = arith.muli %add3A_198, %mul3A_520 : i32
        %add3A_522 = arith.addi %mul3A_521, %add3A_519 : i32
        %broadcast_in_dim3A_523 = vector.broadcast %add3A_522 : i32 to vector<16xi32>
        %gather3A_524 = tpu.vector_load_idx %arg17[%broadcast_in_dim3A_523] : memref<6400xi32, #tpu.memory_space<vmem>>[vector<16xi32>], vector<16xi32>,
        %get3A_525 = arith.index_cast %add3A_519 : i32 to index
        %get3A_526 = arith.constant 0 : index
        %get3A_527 = tpu.vector_load %arg13[%get3A_525, %get3A_526] {strides = array<i32>} : memref<64x128xf32, #tpu.memory_space<vmem>>, vector<16xf32>,
        %add3A_528 = arith.addi %gather3A_524, %add3A_18 : vector<16xi32>
        %gather3A_529 = tpu.vector_load_idx %arg10[%add3A_528] : memref<51200xf32, #tpu.memory_space<vmem>>[vector<16xi32>], vector<16xf32>,
        %add3A_530 = arith.addf %get3A_527, %gather3A_529 : vector<16xf32>
        %get3A_531 = arith.index_cast %add3A_519 : i32 to index
        %get3A_532 = arith.constant 16 : index
        %get3A_533 = tpu.vector_load %arg13[%get3A_531, %get3A_532] {strides = array<i32>} : memref<64x128xf32, #tpu.memory_space<vmem>>, vector<16xf32>,
        %add3A_534 = arith.addi %gather3A_524, %add3A_22 : vector<16xi32>
        %gather3A_535 = tpu.vector_load_idx %arg10[%add3A_534] : memref<51200xf32, #tpu.memory_space<vmem>>[vector<16xi32>], vector<16xf32>,
        %add3A_536 = arith.addf %get3A_533, %gather3A_535 : vector<16xf32>
        %get3A_537 = arith.index_cast %add3A_519 : i32 to index
        %get3A_538 = arith.constant 32 : index
        %get3A_539 = tpu.vector_load %arg13[%get3A_537, %get3A_538] {strides = array<i32>} : memref<64x128xf32, #tpu.memory_space<vmem>>, vector<16xf32>,
        %add3A_540 = arith.addi %gather3A_524, %add3A_26 : vector<16xi32>
        %gather3A_541 = tpu.vector_load_idx %arg10[%add3A_540] : memref<51200xf32, #tpu.memory_space<vmem>>[vector<16xi32>], vector<16xf32>,
        %add3A_542 = arith.addf %get3A_539, %gather3A_541 : vector<16xf32>
        %get3A_543 = arith.index_cast %add3A_519 : i32 to index
        %get3A_544 = arith.constant 48 : index
        %get3A_545 = tpu.vector_load %arg13[%get3A_543, %get3A_544] {strides = array<i32>} : memref<64x128xf32, #tpu.memory_space<vmem>>, vector<16xf32>,
        %add3A_546 = arith.addi %gather3A_524, %add3A_30 : vector<16xi32>
        %gather3A_547 = tpu.vector_load_idx %arg10[%add3A_546] : memref<51200xf32, #tpu.memory_space<vmem>>[vector<16xi32>], vector<16xf32>,
        %add3A_548 = arith.addf %get3A_545, %gather3A_547 : vector<16xf32>
        %get3A_549 = arith.index_cast %add3A_519 : i32 to index
        %get3A_550 = arith.constant 64 : index
        %get3A_551 = tpu.vector_load %arg13[%get3A_549, %get3A_550] {strides = array<i32>} : memref<64x128xf32, #tpu.memory_space<vmem>>, vector<16xf32>,
        %add3A_552 = arith.addi %gather3A_524, %add3A_34 : vector<16xi32>
        %gather3A_553 = tpu.vector_load_idx %arg10[%add3A_552] : memref<51200xf32, #tpu.memory_space<vmem>>[vector<16xi32>], vector<16xf32>,
        %add3A_554 = arith.addf %get3A_551, %gather3A_553 : vector<16xf32>
        %get3A_555 = arith.index_cast %add3A_519 : i32 to index
        %get3A_556 = arith.constant 80 : index
        %get3A_557 = tpu.vector_load %arg13[%get3A_555, %get3A_556] {strides = array<i32>} : memref<64x128xf32, #tpu.memory_space<vmem>>, vector<16xf32>,
        %add3A_558 = arith.addi %gather3A_524, %add3A_38 : vector<16xi32>
        %gather3A_559 = tpu.vector_load_idx %arg10[%add3A_558] : memref<51200xf32, #tpu.memory_space<vmem>>[vector<16xi32>], vector<16xf32>,
        %add3A_560 = arith.addf %get3A_557, %gather3A_559 : vector<16xf32>
        %get3A_561 = arith.index_cast %add3A_519 : i32 to index
        %get3A_562 = arith.constant 96 : index
        %get3A_563 = tpu.vector_load %arg13[%get3A_561, %get3A_562] {strides = array<i32>} : memref<64x128xf32, #tpu.memory_space<vmem>>, vector<16xf32>,
        %add3A_564 = arith.addi %gather3A_524, %add3A_42 : vector<16xi32>
        %gather3A_565 = tpu.vector_load_idx %arg10[%add3A_564] : memref<51200xf32, #tpu.memory_space<vmem>>[vector<16xi32>], vector<16xf32>,
        %add3A_566 = arith.addf %get3A_563, %gather3A_565 : vector<16xf32>
        %get3A_567 = arith.index_cast %add3A_519 : i32 to index
        %get3A_568 = arith.constant 112 : index
        %get3A_569 = tpu.vector_load %arg13[%get3A_567, %get3A_568] {strides = array<i32>} : memref<64x128xf32, #tpu.memory_space<vmem>>, vector<16xf32>,
        %add3A_570 = arith.addi %gather3A_524, %add3A_46 : vector<16xi32>
        %gather3A_571 = tpu.vector_load_idx %arg10[%add3A_570] : memref<51200xf32, #tpu.memory_space<vmem>>[vector<16xi32>], vector<16xf32>,
        %add3A_572 = arith.addf %get3A_569, %gather3A_571 : vector<16xf32>
        %add3A_573 = arith.addf %add3A_530, %add3A_536 : vector<16xf32>
        %add3A_574 = arith.addf %add3A_542, %add3A_548 : vector<16xf32>
        %add3A_575 = arith.addf %add3A_573, %add3A_574 : vector<16xf32>
        %add3A_576 = arith.addf %add3A_554, %add3A_560 : vector<16xf32>
        %add3A_577 = arith.addf %add3A_566, %add3A_572 : vector<16xf32>
        %add3A_578 = arith.addf %add3A_576, %add3A_577 : vector<16xf32>
        %add3A_579 = arith.addf %add3A_575, %add3A_578 : vector<16xf32>
        %mul3A_580 = arith.mulf %add3A_530, %add3A_530 : vector<16xf32>
        %mul3A_581 = arith.mulf %add3A_536, %add3A_536 : vector<16xf32>
        %add3A_582 = arith.addf %mul3A_580, %mul3A_581 : vector<16xf32>
        %mul3A_583 = arith.mulf %add3A_542, %add3A_542 : vector<16xf32>
        %mul3A_584 = arith.mulf %add3A_548, %add3A_548 : vector<16xf32>
        %add3A_585 = arith.addf %mul3A_583, %mul3A_584 : vector<16xf32>
        %mul3A_586 = arith.mulf %add3A_554, %add3A_554 : vector<16xf32>
        %mul3A_587 = arith.mulf %add3A_560, %add3A_560 : vector<16xf32>
        %add3A_588 = arith.addf %mul3A_586, %mul3A_587 : vector<16xf32>
        %mul3A_589 = arith.mulf %add3A_566, %add3A_566 : vector<16xf32>
        %mul3A_590 = arith.mulf %add3A_572, %add3A_572 : vector<16xf32>
        %add3A_591 = arith.addf %mul3A_589, %mul3A_590 : vector<16xf32>
        %add3A_592 = arith.addf %add3A_582, %add3A_585 : vector<16xf32>
        %add3A_593 = arith.addf %add3A_588, %add3A_591 : vector<16xf32>
        %add3A_594 = arith.addf %add3A_592, %add3A_593 : vector<16xf32>
        %add3A_595 = arith.constant 0 : i32
        %add3A_596 = arith.addi %mul3A_287, %add3A_595 : i32
        %broadcast_in_dim3A_597 = arith.constant true
        %broadcast_in_dim3A_598 = vector.broadcast %broadcast_in_dim3A_597 : i1 to vector<16xi1>
        %masked_cumsum3A = tpu.scan <sum>, %add3A_348 masked %broadcast_in_dim3A_598 : vector<16xf32>, vector<16xi1> -> vector<16xf32>
        %broadcast_in_dim3A_599 = vector.shape_cast %broadcast_in_dim3A_78 : vector<16xi32> to vector<16x1xi32>
        %gather3A_600 = vector.shape_cast %broadcast_in_dim3A_599 : vector<16x1xi32> to vector<16xi32>
        %gather3A_601 = tpu.dynamic_gather %masked_cumsum3A[%gather3A_600] in [0] : vector<16xf32>, vector<16xi32> -> vector<16xf32>
        %mul3A_602 = vector.broadcast %scan3A_101 : f32 to vector<16xf32>
        %mul3A_603 = arith.mulf %gather3A_601, %mul3A_602 : vector<16xf32>
        %broadcast_in_dim3A_604 = arith.constant true
        %broadcast_in_dim3A_605 = vector.broadcast %broadcast_in_dim3A_604 : i1 to vector<16xi1>
        %masked_cumsum3A_606 = tpu.scan <sum>, %add3A_363 masked %broadcast_in_dim3A_605 : vector<16xf32>, vector<16xi1> -> vector<16xf32>
        %broadcast_in_dim3A_607 = vector.shape_cast %broadcast_in_dim3A_78 : vector<16xi32> to vector<16x1xi32>
        %gather3A_608 = vector.shape_cast %broadcast_in_dim3A_607 : vector<16x1xi32> to vector<16xi32>
        %gather3A_609 = tpu.dynamic_gather %masked_cumsum3A_606[%gather3A_608] in [0] : vector<16xf32>, vector<16xi32> -> vector<16xf32>
        %mul3A_610 = vector.broadcast %scan3A_101 : f32 to vector<16xf32>
        %mul3A_611 = arith.mulf %gather3A_609, %mul3A_610 : vector<16xf32>
        %mul3A_612 = arith.mulf %mul3A_603, %mul3A_603 : vector<16xf32>
        %sub3A = arith.subf %mul3A_611, %mul3A_612 : vector<16xf32>
        %add3A_613 = arith.constant 1.000000e-03 : f32
        %add3A_614 = vector.broadcast %add3A_613 : f32 to vector<16xf32>
        %add3A_615 = arith.addf %sub3A, %add3A_614 : vector<16xf32>
        %bitcast3A = vector.bitcast %add3A_615 : vector<16xf32> to vector<16xi32>
        %shift_right_arithmetic3A = arith.constant 1 : i32
        %shift_right_arithmetic3A_616 = vector.broadcast %shift_right_arithmetic3A : i32 to vector<16xi32>
        %shift_right_arithmetic3A_617 = arith.shrsi %bitcast3A, %shift_right_arithmetic3A_616 : vector<16xi32>
        %sub3A_618 = arith.constant 1597463007 : i32
        %sub3A_619 = vector.broadcast %sub3A_618 : i32 to vector<16xi32>
        %sub3A_620 = arith.subi %sub3A_619, %shift_right_arithmetic3A_617 : vector<16xi32>
        %bitcast3A_621 = vector.bitcast %sub3A_620 : vector<16xi32> to vector<16xf32>
        %mul3A_622 = arith.constant 5.000000e-01 : f32
        %mul3A_623 = vector.broadcast %mul3A_622 : f32 to vector<16xf32>
        %mul3A_624 = arith.mulf %add3A_615, %mul3A_623 : vector<16xf32>
        %mul3A_625 = arith.mulf %mul3A_624, %bitcast3A_621 : vector<16xf32>
        %mul3A_626 = arith.mulf %mul3A_625, %bitcast3A_621 : vector<16xf32>
        %sub3A_627 = arith.constant 1.500000e+00 : f32
        %sub3A_628 = vector.broadcast %sub3A_627 : f32 to vector<16xf32>
        %sub3A_629 = arith.subf %sub3A_628, %mul3A_626 : vector<16xf32>
        %mul3A_630 = arith.mulf %bitcast3A_621, %sub3A_629 : vector<16xf32>
        %mul3A_631 = arith.mulf %mul3A_624, %mul3A_630 : vector<16xf32>
        %mul3A_632 = arith.mulf %mul3A_631, %mul3A_630 : vector<16xf32>
        %sub3A_633 = arith.constant 1.500000e+00 : f32
        %sub3A_634 = vector.broadcast %sub3A_633 : f32 to vector<16xf32>
        %sub3A_635 = arith.subf %sub3A_634, %mul3A_632 : vector<16xf32>
        %mul3A_636 = arith.mulf %mul3A_630, %sub3A_635 : vector<16xf32>
        %mul3A_637 = arith.mulf %mul3A_603, %mul3A_636 : vector<16xf32>
        %sub3A_638 = arith.constant 0.000000e+00 : f32
        %sub3A_639 = vector.broadcast %sub3A_638 : f32 to vector<16xf32>
        %sub3A_640 = arith.subf %sub3A_639, %mul3A_637 : vector<16xf32>
        %mul3A_641 = arith.mulf %add3A_299, %mul3A_636 : vector<16xf32>
        %add3A_642 = arith.addf %mul3A_641, %sub3A_640 : vector<16xf32>
        %mul3A_643 = arith.mulf %add3A_642, %get3A_47 : vector<16xf32>
        %add3A_644 = arith.addf %mul3A_643, %get3A_63 : vector<16xf32>
        %swap3A = arith.index_cast %add3A_596 : i32 to index
        %swap3A_645 = arith.constant 0 : index
        %swap3A_646 = tpu.vector_load %arg13[%swap3A, %swap3A_645] {strides = array<i32>} : memref<64x128xf32, #tpu.memory_space<vmem>>, vector<16xf32>,
        tpu.vector_store %arg13[%swap3A, %swap3A_645], %add3A_644 {strides = array<i32>} : memref<64x128xf32, #tpu.memory_space<vmem>>, vector<16xf32>,
        %mul3A_647 = arith.mulf %add3A_305, %mul3A_636 : vector<16xf32>
        %add3A_648 = arith.addf %mul3A_647, %sub3A_640 : vector<16xf32>
        %mul3A_649 = arith.mulf %add3A_648, %get3A_49 : vector<16xf32>
        %add3A_650 = arith.addf %mul3A_649, %get3A_65 : vector<16xf32>
        %swap3A_651 = arith.index_cast %add3A_596 : i32 to index
        %swap3A_652 = arith.constant 16 : index
        %swap3A_653 = tpu.vector_load %arg13[%swap3A_651, %swap3A_652] {strides = array<i32>} : memref<64x128xf32, #tpu.memory_space<vmem>>, vector<16xf32>,
        tpu.vector_store %arg13[%swap3A_651, %swap3A_652], %add3A_650 {strides = array<i32>} : memref<64x128xf32, #tpu.memory_space<vmem>>, vector<16xf32>,
        %mul3A_654 = arith.mulf %add3A_311, %mul3A_636 : vector<16xf32>
        %add3A_655 = arith.addf %mul3A_654, %sub3A_640 : vector<16xf32>
        %mul3A_656 = arith.mulf %add3A_655, %get3A_51 : vector<16xf32>
        %add3A_657 = arith.addf %mul3A_656, %get3A_67 : vector<16xf32>
        %swap3A_658 = arith.index_cast %add3A_596 : i32 to index
        %swap3A_659 = arith.constant 32 : index
        %swap3A_660 = tpu.vector_load %arg13[%swap3A_658, %swap3A_659] {strides = array<i32>} : memref<64x128xf32, #tpu.memory_space<vmem>>, vector<16xf32>,
        tpu.vector_store %arg13[%swap3A_658, %swap3A_659], %add3A_657 {strides = array<i32>} : memref<64x128xf32, #tpu.memory_space<vmem>>, vector<16xf32>,
        %mul3A_661 = arith.mulf %add3A_317, %mul3A_636 : vector<16xf32>
        %add3A_662 = arith.addf %mul3A_661, %sub3A_640 : vector<16xf32>
        %mul3A_663 = arith.mulf %add3A_662, %get3A_53 : vector<16xf32>
        %add3A_664 = arith.addf %mul3A_663, %get3A_69 : vector<16xf32>
        %swap3A_665 = arith.index_cast %add3A_596 : i32 to index
        %swap3A_666 = arith.constant 48 : index
        %swap3A_667 = tpu.vector_load %arg13[%swap3A_665, %swap3A_666] {strides = array<i32>} : memref<64x128xf32, #tpu.memory_space<vmem>>, vector<16xf32>,
        tpu.vector_store %arg13[%swap3A_665, %swap3A_666], %add3A_664 {strides = array<i32>} : memref<64x128xf32, #tpu.memory_space<vmem>>, vector<16xf32>,
        %mul3A_668 = arith.mulf %add3A_323, %mul3A_636 : vector<16xf32>
        %add3A_669 = arith.addf %mul3A_668, %sub3A_640 : vector<16xf32>
        %mul3A_670 = arith.mulf %add3A_669, %get3A_55 : vector<16xf32>
        %add3A_671 = arith.addf %mul3A_670, %get3A_71 : vector<16xf32>
        %swap3A_672 = arith.index_cast %add3A_596 : i32 to index
        %swap3A_673 = arith.constant 64 : index
        %swap3A_674 = tpu.vector_load %arg13[%swap3A_672, %swap3A_673] {strides = array<i32>} : memref<64x128xf32, #tpu.memory_space<vmem>>, vector<16xf32>,
        tpu.vector_store %arg13[%swap3A_672, %swap3A_673], %add3A_671 {strides = array<i32>} : memref<64x128xf32, #tpu.memory_space<vmem>>, vector<16xf32>,
        %mul3A_675 = arith.mulf %add3A_329, %mul3A_636 : vector<16xf32>
        %add3A_676 = arith.addf %mul3A_675, %sub3A_640 : vector<16xf32>
        %mul3A_677 = arith.mulf %add3A_676, %get3A_57 : vector<16xf32>
        %add3A_678 = arith.addf %mul3A_677, %get3A_73 : vector<16xf32>
        %swap3A_679 = arith.index_cast %add3A_596 : i32 to index
        %swap3A_680 = arith.constant 80 : index
        %swap3A_681 = tpu.vector_load %arg13[%swap3A_679, %swap3A_680] {strides = array<i32>} : memref<64x128xf32, #tpu.memory_space<vmem>>, vector<16xf32>,
        tpu.vector_store %arg13[%swap3A_679, %swap3A_680], %add3A_678 {strides = array<i32>} : memref<64x128xf32, #tpu.memory_space<vmem>>, vector<16xf32>,
        %mul3A_682 = arith.mulf %add3A_335, %mul3A_636 : vector<16xf32>
        %add3A_683 = arith.addf %mul3A_682, %sub3A_640 : vector<16xf32>
        %mul3A_684 = arith.mulf %add3A_683, %get3A_59 : vector<16xf32>
        %add3A_685 = arith.addf %mul3A_684, %get3A_75 : vector<16xf32>
        %swap3A_686 = arith.index_cast %add3A_596 : i32 to index
        %swap3A_687 = arith.constant 96 : index
        %swap3A_688 = tpu.vector_load %arg13[%swap3A_686, %swap3A_687] {strides = array<i32>} : memref<64x128xf32, #tpu.memory_space<vmem>>, vector<16xf32>,
        tpu.vector_store %arg13[%swap3A_686, %swap3A_687], %add3A_685 {strides = array<i32>} : memref<64x128xf32, #tpu.memory_space<vmem>>, vector<16xf32>,
        %mul3A_689 = arith.mulf %add3A_341, %mul3A_636 : vector<16xf32>
        %add3A_690 = arith.addf %mul3A_689, %sub3A_640 : vector<16xf32>
        %mul3A_691 = arith.mulf %add3A_690, %get3A_61 : vector<16xf32>
        %add3A_692 = arith.addf %mul3A_691, %get3A_77 : vector<16xf32>
        %swap3A_693 = arith.index_cast %add3A_596 : i32 to index
        %swap3A_694 = arith.constant 112 : index
        %swap3A_695 = tpu.vector_load %arg13[%swap3A_693, %swap3A_694] {strides = array<i32>} : memref<64x128xf32, #tpu.memory_space<vmem>>, vector<16xf32>,
        tpu.vector_store %arg13[%swap3A_693, %swap3A_694], %add3A_692 {strides = array<i32>} : memref<64x128xf32, #tpu.memory_space<vmem>>, vector<16xf32>,
        %add3A_696 = arith.constant 1 : i32
        %add3A_697 = arith.addi %mul3A_287, %add3A_696 : i32
        %broadcast_in_dim3A_698 = arith.constant true
        %broadcast_in_dim3A_699 = vector.broadcast %broadcast_in_dim3A_698 : i1 to vector<16xi1>
        %masked_cumsum3A_700 = tpu.scan <sum>, %add3A_425 masked %broadcast_in_dim3A_699 : vector<16xf32>, vector<16xi1> -> vector<16xf32>
        %broadcast_in_dim3A_701 = vector.shape_cast %broadcast_in_dim3A_78 : vector<16xi32> to vector<16x1xi32>
        %gather3A_702 = vector.shape_cast %broadcast_in_dim3A_701 : vector<16x1xi32> to vector<16xi32>
        %gather3A_703 = tpu.dynamic_gather %masked_cumsum3A_700[%gather3A_702] in [0] : vector<16xf32>, vector<16xi32> -> vector<16xf32>
        %mul3A_704 = vector.broadcast %scan3A_101 : f32 to vector<16xf32>
        %mul3A_705 = arith.mulf %gather3A_703, %mul3A_704 : vector<16xf32>
        %broadcast_in_dim3A_706 = arith.constant true
        %broadcast_in_dim3A_707 = vector.broadcast %broadcast_in_dim3A_706 : i1 to vector<16xi1>
        %masked_cumsum3A_708 = tpu.scan <sum>, %add3A_440 masked %broadcast_in_dim3A_707 : vector<16xf32>, vector<16xi1> -> vector<16xf32>
        %broadcast_in_dim3A_709 = vector.shape_cast %broadcast_in_dim3A_78 : vector<16xi32> to vector<16x1xi32>
        %gather3A_710 = vector.shape_cast %broadcast_in_dim3A_709 : vector<16x1xi32> to vector<16xi32>
        %gather3A_711 = tpu.dynamic_gather %masked_cumsum3A_708[%gather3A_710] in [0] : vector<16xf32>, vector<16xi32> -> vector<16xf32>
        %mul3A_712 = vector.broadcast %scan3A_101 : f32 to vector<16xf32>
        %mul3A_713 = arith.mulf %gather3A_711, %mul3A_712 : vector<16xf32>
        %mul3A_714 = arith.mulf %mul3A_705, %mul3A_705 : vector<16xf32>
        %sub3A_715 = arith.subf %mul3A_713, %mul3A_714 : vector<16xf32>
        %add3A_716 = arith.constant 1.000000e-03 : f32
        %add3A_717 = vector.broadcast %add3A_716 : f32 to vector<16xf32>
        %add3A_718 = arith.addf %sub3A_715, %add3A_717 : vector<16xf32>
        %bitcast3A_719 = vector.bitcast %add3A_718 : vector<16xf32> to vector<16xi32>
        %shift_right_arithmetic3A_720 = arith.constant 1 : i32
        %shift_right_arithmetic3A_721 = vector.broadcast %shift_right_arithmetic3A_720 : i32 to vector<16xi32>
        %shift_right_arithmetic3A_722 = arith.shrsi %bitcast3A_719, %shift_right_arithmetic3A_721 : vector<16xi32>
        %sub3A_723 = arith.constant 1597463007 : i32
        %sub3A_724 = vector.broadcast %sub3A_723 : i32 to vector<16xi32>
        %sub3A_725 = arith.subi %sub3A_724, %shift_right_arithmetic3A_722 : vector<16xi32>
        %bitcast3A_726 = vector.bitcast %sub3A_725 : vector<16xi32> to vector<16xf32>
        %mul3A_727 = arith.constant 5.000000e-01 : f32
        %mul3A_728 = vector.broadcast %mul3A_727 : f32 to vector<16xf32>
        %mul3A_729 = arith.mulf %add3A_718, %mul3A_728 : vector<16xf32>
        %mul3A_730 = arith.mulf %mul3A_729, %bitcast3A_726 : vector<16xf32>
        %mul3A_731 = arith.mulf %mul3A_730, %bitcast3A_726 : vector<16xf32>
        %sub3A_732 = arith.constant 1.500000e+00 : f32
        %sub3A_733 = vector.broadcast %sub3A_732 : f32 to vector<16xf32>
        %sub3A_734 = arith.subf %sub3A_733, %mul3A_731 : vector<16xf32>
        %mul3A_735 = arith.mulf %bitcast3A_726, %sub3A_734 : vector<16xf32>
        %mul3A_736 = arith.mulf %mul3A_729, %mul3A_735 : vector<16xf32>
        %mul3A_737 = arith.mulf %mul3A_736, %mul3A_735 : vector<16xf32>
        %sub3A_738 = arith.constant 1.500000e+00 : f32
        %sub3A_739 = vector.broadcast %sub3A_738 : f32 to vector<16xf32>
        %sub3A_740 = arith.subf %sub3A_739, %mul3A_737 : vector<16xf32>
        %mul3A_741 = arith.mulf %mul3A_735, %sub3A_740 : vector<16xf32>
        %mul3A_742 = arith.mulf %mul3A_705, %mul3A_741 : vector<16xf32>
        %sub3A_743 = arith.constant 0.000000e+00 : f32
        %sub3A_744 = vector.broadcast %sub3A_743 : f32 to vector<16xf32>
        %sub3A_745 = arith.subf %sub3A_744, %mul3A_742 : vector<16xf32>
        %mul3A_746 = arith.mulf %add3A_376, %mul3A_741 : vector<16xf32>
        %add3A_747 = arith.addf %mul3A_746, %sub3A_745 : vector<16xf32>
        %mul3A_748 = arith.mulf %add3A_747, %get3A_47 : vector<16xf32>
        %add3A_749 = arith.addf %mul3A_748, %get3A_63 : vector<16xf32>
        %swap3A_750 = arith.index_cast %add3A_697 : i32 to index
        %swap3A_751 = arith.constant 0 : index
        %swap3A_752 = tpu.vector_load %arg13[%swap3A_750, %swap3A_751] {strides = array<i32>} : memref<64x128xf32, #tpu.memory_space<vmem>>, vector<16xf32>,
        tpu.vector_store %arg13[%swap3A_750, %swap3A_751], %add3A_749 {strides = array<i32>} : memref<64x128xf32, #tpu.memory_space<vmem>>, vector<16xf32>,
        %mul3A_753 = arith.mulf %add3A_382, %mul3A_741 : vector<16xf32>
        %add3A_754 = arith.addf %mul3A_753, %sub3A_745 : vector<16xf32>
        %mul3A_755 = arith.mulf %add3A_754, %get3A_49 : vector<16xf32>
        %add3A_756 = arith.addf %mul3A_755, %get3A_65 : vector<16xf32>
        %swap3A_757 = arith.index_cast %add3A_697 : i32 to index
        %swap3A_758 = arith.constant 16 : index
        %swap3A_759 = tpu.vector_load %arg13[%swap3A_757, %swap3A_758] {strides = array<i32>} : memref<64x128xf32, #tpu.memory_space<vmem>>, vector<16xf32>,
        tpu.vector_store %arg13[%swap3A_757, %swap3A_758], %add3A_756 {strides = array<i32>} : memref<64x128xf32, #tpu.memory_space<vmem>>, vector<16xf32>,
        %mul3A_760 = arith.mulf %add3A_388, %mul3A_741 : vector<16xf32>
        %add3A_761 = arith.addf %mul3A_760, %sub3A_745 : vector<16xf32>
        %mul3A_762 = arith.mulf %add3A_761, %get3A_51 : vector<16xf32>
        %add3A_763 = arith.addf %mul3A_762, %get3A_67 : vector<16xf32>
        %swap3A_764 = arith.index_cast %add3A_697 : i32 to index
        %swap3A_765 = arith.constant 32 : index
        %swap3A_766 = tpu.vector_load %arg13[%swap3A_764, %swap3A_765] {strides = array<i32>} : memref<64x128xf32, #tpu.memory_space<vmem>>, vector<16xf32>,
        tpu.vector_store %arg13[%swap3A_764, %swap3A_765], %add3A_763 {strides = array<i32>} : memref<64x128xf32, #tpu.memory_space<vmem>>, vector<16xf32>,
        %mul3A_767 = arith.mulf %add3A_394, %mul3A_741 : vector<16xf32>
        %add3A_768 = arith.addf %mul3A_767, %sub3A_745 : vector<16xf32>
        %mul3A_769 = arith.mulf %add3A_768, %get3A_53 : vector<16xf32>
        %add3A_770 = arith.addf %mul3A_769, %get3A_69 : vector<16xf32>
        %swap3A_771 = arith.index_cast %add3A_697 : i32 to index
        %swap3A_772 = arith.constant 48 : index
        %swap3A_773 = tpu.vector_load %arg13[%swap3A_771, %swap3A_772] {strides = array<i32>} : memref<64x128xf32, #tpu.memory_space<vmem>>, vector<16xf32>,
        tpu.vector_store %arg13[%swap3A_771, %swap3A_772], %add3A_770 {strides = array<i32>} : memref<64x128xf32, #tpu.memory_space<vmem>>, vector<16xf32>,
        %mul3A_774 = arith.mulf %add3A_400, %mul3A_741 : vector<16xf32>
        %add3A_775 = arith.addf %mul3A_774, %sub3A_745 : vector<16xf32>
        %mul3A_776 = arith.mulf %add3A_775, %get3A_55 : vector<16xf32>
        %add3A_777 = arith.addf %mul3A_776, %get3A_71 : vector<16xf32>
        %swap3A_778 = arith.index_cast %add3A_697 : i32 to index
        %swap3A_779 = arith.constant 64 : index
        %swap3A_780 = tpu.vector_load %arg13[%swap3A_778, %swap3A_779] {strides = array<i32>} : memref<64x128xf32, #tpu.memory_space<vmem>>, vector<16xf32>,
        tpu.vector_store %arg13[%swap3A_778, %swap3A_779], %add3A_777 {strides = array<i32>} : memref<64x128xf32, #tpu.memory_space<vmem>>, vector<16xf32>,
        %mul3A_781 = arith.mulf %add3A_406, %mul3A_741 : vector<16xf32>
        %add3A_782 = arith.addf %mul3A_781, %sub3A_745 : vector<16xf32>
        %mul3A_783 = arith.mulf %add3A_782, %get3A_57 : vector<16xf32>
        %add3A_784 = arith.addf %mul3A_783, %get3A_73 : vector<16xf32>
        %swap3A_785 = arith.index_cast %add3A_697 : i32 to index
        %swap3A_786 = arith.constant 80 : index
        %swap3A_787 = tpu.vector_load %arg13[%swap3A_785, %swap3A_786] {strides = array<i32>} : memref<64x128xf32, #tpu.memory_space<vmem>>, vector<16xf32>,
        tpu.vector_store %arg13[%swap3A_785, %swap3A_786], %add3A_784 {strides = array<i32>} : memref<64x128xf32, #tpu.memory_space<vmem>>, vector<16xf32>,
        %mul3A_788 = arith.mulf %add3A_412, %mul3A_741 : vector<16xf32>
        %add3A_789 = arith.addf %mul3A_788, %sub3A_745 : vector<16xf32>
        %mul3A_790 = arith.mulf %add3A_789, %get3A_59 : vector<16xf32>
        %add3A_791 = arith.addf %mul3A_790, %get3A_75 : vector<16xf32>
        %swap3A_792 = arith.index_cast %add3A_697 : i32 to index
        %swap3A_793 = arith.constant 96 : index
        %swap3A_794 = tpu.vector_load %arg13[%swap3A_792, %swap3A_793] {strides = array<i32>} : memref<64x128xf32, #tpu.memory_space<vmem>>, vector<16xf32>,
        tpu.vector_store %arg13[%swap3A_792, %swap3A_793], %add3A_791 {strides = array<i32>} : memref<64x128xf32, #tpu.memory_space<vmem>>, vector<16xf32>,
        %mul3A_795 = arith.mulf %add3A_418, %mul3A_741 : vector<16xf32>
        %add3A_796 = arith.addf %mul3A_795, %sub3A_745 : vector<16xf32>
        %mul3A_797 = arith.mulf %add3A_796, %get3A_61 : vector<16xf32>
        %add3A_798 = arith.addf %mul3A_797, %get3A_77 : vector<16xf32>
        %swap3A_799 = arith.index_cast %add3A_697 : i32 to index
        %swap3A_800 = arith.constant 112 : index
        %swap3A_801 = tpu.vector_load %arg13[%swap3A_799, %swap3A_800] {strides = array<i32>} : memref<64x128xf32, #tpu.memory_space<vmem>>, vector<16xf32>,
        tpu.vector_store %arg13[%swap3A_799, %swap3A_800], %add3A_798 {strides = array<i32>} : memref<64x128xf32, #tpu.memory_space<vmem>>, vector<16xf32>,
        %add3A_802 = arith.constant 2 : i32
        %add3A_803 = arith.addi %mul3A_287, %add3A_802 : i32
        %broadcast_in_dim3A_804 = arith.constant true
        %broadcast_in_dim3A_805 = vector.broadcast %broadcast_in_dim3A_804 : i1 to vector<16xi1>
        %masked_cumsum3A_806 = tpu.scan <sum>, %add3A_502 masked %broadcast_in_dim3A_805 : vector<16xf32>, vector<16xi1> -> vector<16xf32>
        %broadcast_in_dim3A_807 = vector.shape_cast %broadcast_in_dim3A_78 : vector<16xi32> to vector<16x1xi32>
        %gather3A_808 = vector.shape_cast %broadcast_in_dim3A_807 : vector<16x1xi32> to vector<16xi32>
        %gather3A_809 = tpu.dynamic_gather %masked_cumsum3A_806[%gather3A_808] in [0] : vector<16xf32>, vector<16xi32> -> vector<16xf32>
        %mul3A_810 = vector.broadcast %scan3A_101 : f32 to vector<16xf32>
        %mul3A_811 = arith.mulf %gather3A_809, %mul3A_810 : vector<16xf32>
        %broadcast_in_dim3A_812 = arith.constant true
        %broadcast_in_dim3A_813 = vector.broadcast %broadcast_in_dim3A_812 : i1 to vector<16xi1>
        %masked_cumsum3A_814 = tpu.scan <sum>, %add3A_517 masked %broadcast_in_dim3A_813 : vector<16xf32>, vector<16xi1> -> vector<16xf32>
        %broadcast_in_dim3A_815 = vector.shape_cast %broadcast_in_dim3A_78 : vector<16xi32> to vector<16x1xi32>
        %gather3A_816 = vector.shape_cast %broadcast_in_dim3A_815 : vector<16x1xi32> to vector<16xi32>
        %gather3A_817 = tpu.dynamic_gather %masked_cumsum3A_814[%gather3A_816] in [0] : vector<16xf32>, vector<16xi32> -> vector<16xf32>
        %mul3A_818 = vector.broadcast %scan3A_101 : f32 to vector<16xf32>
        %mul3A_819 = arith.mulf %gather3A_817, %mul3A_818 : vector<16xf32>
        %mul3A_820 = arith.mulf %mul3A_811, %mul3A_811 : vector<16xf32>
        %sub3A_821 = arith.subf %mul3A_819, %mul3A_820 : vector<16xf32>
        %add3A_822 = arith.constant 1.000000e-03 : f32
        %add3A_823 = vector.broadcast %add3A_822 : f32 to vector<16xf32>
        %add3A_824 = arith.addf %sub3A_821, %add3A_823 : vector<16xf32>
        %bitcast3A_825 = vector.bitcast %add3A_824 : vector<16xf32> to vector<16xi32>
        %shift_right_arithmetic3A_826 = arith.constant 1 : i32
        %shift_right_arithmetic3A_827 = vector.broadcast %shift_right_arithmetic3A_826 : i32 to vector<16xi32>
        %shift_right_arithmetic3A_828 = arith.shrsi %bitcast3A_825, %shift_right_arithmetic3A_827 : vector<16xi32>
        %sub3A_829 = arith.constant 1597463007 : i32
        %sub3A_830 = vector.broadcast %sub3A_829 : i32 to vector<16xi32>
        %sub3A_831 = arith.subi %sub3A_830, %shift_right_arithmetic3A_828 : vector<16xi32>
        %bitcast3A_832 = vector.bitcast %sub3A_831 : vector<16xi32> to vector<16xf32>
        %mul3A_833 = arith.constant 5.000000e-01 : f32
        %mul3A_834 = vector.broadcast %mul3A_833 : f32 to vector<16xf32>
        %mul3A_835 = arith.mulf %add3A_824, %mul3A_834 : vector<16xf32>
        %mul3A_836 = arith.mulf %mul3A_835, %bitcast3A_832 : vector<16xf32>
        %mul3A_837 = arith.mulf %mul3A_836, %bitcast3A_832 : vector<16xf32>
        %sub3A_838 = arith.constant 1.500000e+00 : f32
        %sub3A_839 = vector.broadcast %sub3A_838 : f32 to vector<16xf32>
        %sub3A_840 = arith.subf %sub3A_839, %mul3A_837 : vector<16xf32>
        %mul3A_841 = arith.mulf %bitcast3A_832, %sub3A_840 : vector<16xf32>
        %mul3A_842 = arith.mulf %mul3A_835, %mul3A_841 : vector<16xf32>
        %mul3A_843 = arith.mulf %mul3A_842, %mul3A_841 : vector<16xf32>
        %sub3A_844 = arith.constant 1.500000e+00 : f32
        %sub3A_845 = vector.broadcast %sub3A_844 : f32 to vector<16xf32>
        %sub3A_846 = arith.subf %sub3A_845, %mul3A_843 : vector<16xf32>
        %mul3A_847 = arith.mulf %mul3A_841, %sub3A_846 : vector<16xf32>
        %mul3A_848 = arith.mulf %mul3A_811, %mul3A_847 : vector<16xf32>
        %sub3A_849 = arith.constant 0.000000e+00 : f32
        %sub3A_850 = vector.broadcast %sub3A_849 : f32 to vector<16xf32>
        %sub3A_851 = arith.subf %sub3A_850, %mul3A_848 : vector<16xf32>
        %mul3A_852 = arith.mulf %add3A_453, %mul3A_847 : vector<16xf32>
        %add3A_853 = arith.addf %mul3A_852, %sub3A_851 : vector<16xf32>
        %mul3A_854 = arith.mulf %add3A_853, %get3A_47 : vector<16xf32>
        %add3A_855 = arith.addf %mul3A_854, %get3A_63 : vector<16xf32>
        %swap3A_856 = arith.index_cast %add3A_803 : i32 to index
        %swap3A_857 = arith.constant 0 : index
        %swap3A_858 = tpu.vector_load %arg13[%swap3A_856, %swap3A_857] {strides = array<i32>} : memref<64x128xf32, #tpu.memory_space<vmem>>, vector<16xf32>,
        tpu.vector_store %arg13[%swap3A_856, %swap3A_857], %add3A_855 {strides = array<i32>} : memref<64x128xf32, #tpu.memory_space<vmem>>, vector<16xf32>,
        %mul3A_859 = arith.mulf %add3A_459, %mul3A_847 : vector<16xf32>
        %add3A_860 = arith.addf %mul3A_859, %sub3A_851 : vector<16xf32>
        %mul3A_861 = arith.mulf %add3A_860, %get3A_49 : vector<16xf32>
        %add3A_862 = arith.addf %mul3A_861, %get3A_65 : vector<16xf32>
        %swap3A_863 = arith.index_cast %add3A_803 : i32 to index
        %swap3A_864 = arith.constant 16 : index
        %swap3A_865 = tpu.vector_load %arg13[%swap3A_863, %swap3A_864] {strides = array<i32>} : memref<64x128xf32, #tpu.memory_space<vmem>>, vector<16xf32>,
        tpu.vector_store %arg13[%swap3A_863, %swap3A_864], %add3A_862 {strides = array<i32>} : memref<64x128xf32, #tpu.memory_space<vmem>>, vector<16xf32>,
        %mul3A_866 = arith.mulf %add3A_465, %mul3A_847 : vector<16xf32>
        %add3A_867 = arith.addf %mul3A_866, %sub3A_851 : vector<16xf32>
        %mul3A_868 = arith.mulf %add3A_867, %get3A_51 : vector<16xf32>
        %add3A_869 = arith.addf %mul3A_868, %get3A_67 : vector<16xf32>
        %swap3A_870 = arith.index_cast %add3A_803 : i32 to index
        %swap3A_871 = arith.constant 32 : index
        %swap3A_872 = tpu.vector_load %arg13[%swap3A_870, %swap3A_871] {strides = array<i32>} : memref<64x128xf32, #tpu.memory_space<vmem>>, vector<16xf32>,
        tpu.vector_store %arg13[%swap3A_870, %swap3A_871], %add3A_869 {strides = array<i32>} : memref<64x128xf32, #tpu.memory_space<vmem>>, vector<16xf32>,
        %mul3A_873 = arith.mulf %add3A_471, %mul3A_847 : vector<16xf32>
        %add3A_874 = arith.addf %mul3A_873, %sub3A_851 : vector<16xf32>
        %mul3A_875 = arith.mulf %add3A_874, %get3A_53 : vector<16xf32>
        %add3A_876 = arith.addf %mul3A_875, %get3A_69 : vector<16xf32>
        %swap3A_877 = arith.index_cast %add3A_803 : i32 to index
        %swap3A_878 = arith.constant 48 : index
        %swap3A_879 = tpu.vector_load %arg13[%swap3A_877, %swap3A_878] {strides = array<i32>} : memref<64x128xf32, #tpu.memory_space<vmem>>, vector<16xf32>,
        tpu.vector_store %arg13[%swap3A_877, %swap3A_878], %add3A_876 {strides = array<i32>} : memref<64x128xf32, #tpu.memory_space<vmem>>, vector<16xf32>,
        %mul3A_880 = arith.mulf %add3A_477, %mul3A_847 : vector<16xf32>
        %add3A_881 = arith.addf %mul3A_880, %sub3A_851 : vector<16xf32>
        %mul3A_882 = arith.mulf %add3A_881, %get3A_55 : vector<16xf32>
        %add3A_883 = arith.addf %mul3A_882, %get3A_71 : vector<16xf32>
        %swap3A_884 = arith.index_cast %add3A_803 : i32 to index
        %swap3A_885 = arith.constant 64 : index
        %swap3A_886 = tpu.vector_load %arg13[%swap3A_884, %swap3A_885] {strides = array<i32>} : memref<64x128xf32, #tpu.memory_space<vmem>>, vector<16xf32>,
        tpu.vector_store %arg13[%swap3A_884, %swap3A_885], %add3A_883 {strides = array<i32>} : memref<64x128xf32, #tpu.memory_space<vmem>>, vector<16xf32>,
        %mul3A_887 = arith.mulf %add3A_483, %mul3A_847 : vector<16xf32>
        %add3A_888 = arith.addf %mul3A_887, %sub3A_851 : vector<16xf32>
        %mul3A_889 = arith.mulf %add3A_888, %get3A_57 : vector<16xf32>
        %add3A_890 = arith.addf %mul3A_889, %get3A_73 : vector<16xf32>
        %swap3A_891 = arith.index_cast %add3A_803 : i32 to index
        %swap3A_892 = arith.constant 80 : index
        %swap3A_893 = tpu.vector_load %arg13[%swap3A_891, %swap3A_892] {strides = array<i32>} : memref<64x128xf32, #tpu.memory_space<vmem>>, vector<16xf32>,
        tpu.vector_store %arg13[%swap3A_891, %swap3A_892], %add3A_890 {strides = array<i32>} : memref<64x128xf32, #tpu.memory_space<vmem>>, vector<16xf32>,
        %mul3A_894 = arith.mulf %add3A_489, %mul3A_847 : vector<16xf32>
        %add3A_895 = arith.addf %mul3A_894, %sub3A_851 : vector<16xf32>
        %mul3A_896 = arith.mulf %add3A_895, %get3A_59 : vector<16xf32>
        %add3A_897 = arith.addf %mul3A_896, %get3A_75 : vector<16xf32>
        %swap3A_898 = arith.index_cast %add3A_803 : i32 to index
        %swap3A_899 = arith.constant 96 : index
        %swap3A_900 = tpu.vector_load %arg13[%swap3A_898, %swap3A_899] {strides = array<i32>} : memref<64x128xf32, #tpu.memory_space<vmem>>, vector<16xf32>,
        tpu.vector_store %arg13[%swap3A_898, %swap3A_899], %add3A_897 {strides = array<i32>} : memref<64x128xf32, #tpu.memory_space<vmem>>, vector<16xf32>,
        %mul3A_901 = arith.mulf %add3A_495, %mul3A_847 : vector<16xf32>
        %add3A_902 = arith.addf %mul3A_901, %sub3A_851 : vector<16xf32>
        %mul3A_903 = arith.mulf %add3A_902, %get3A_61 : vector<16xf32>
        %add3A_904 = arith.addf %mul3A_903, %get3A_77 : vector<16xf32>
        %swap3A_905 = arith.index_cast %add3A_803 : i32 to index
        %swap3A_906 = arith.constant 112 : index
        %swap3A_907 = tpu.vector_load %arg13[%swap3A_905, %swap3A_906] {strides = array<i32>} : memref<64x128xf32, #tpu.memory_space<vmem>>, vector<16xf32>,
        tpu.vector_store %arg13[%swap3A_905, %swap3A_906], %add3A_904 {strides = array<i32>} : memref<64x128xf32, #tpu.memory_space<vmem>>, vector<16xf32>,
        %add3A_908 = arith.constant 3 : i32
        %add3A_909 = arith.addi %mul3A_287, %add3A_908 : i32
        %broadcast_in_dim3A_910 = arith.constant true
        %broadcast_in_dim3A_911 = vector.broadcast %broadcast_in_dim3A_910 : i1 to vector<16xi1>
        %masked_cumsum3A_912 = tpu.scan <sum>, %add3A_579 masked %broadcast_in_dim3A_911 : vector<16xf32>, vector<16xi1> -> vector<16xf32>
        %broadcast_in_dim3A_913 = vector.shape_cast %broadcast_in_dim3A_78 : vector<16xi32> to vector<16x1xi32>
        %gather3A_914 = vector.shape_cast %broadcast_in_dim3A_913 : vector<16x1xi32> to vector<16xi32>
        %gather3A_915 = tpu.dynamic_gather %masked_cumsum3A_912[%gather3A_914] in [0] : vector<16xf32>, vector<16xi32> -> vector<16xf32>
        %mul3A_916 = vector.broadcast %scan3A_101 : f32 to vector<16xf32>
        %mul3A_917 = arith.mulf %gather3A_915, %mul3A_916 : vector<16xf32>
        %broadcast_in_dim3A_918 = arith.constant true
        %broadcast_in_dim3A_919 = vector.broadcast %broadcast_in_dim3A_918 : i1 to vector<16xi1>
        %masked_cumsum3A_920 = tpu.scan <sum>, %add3A_594 masked %broadcast_in_dim3A_919 : vector<16xf32>, vector<16xi1> -> vector<16xf32>
        %broadcast_in_dim3A_921 = vector.shape_cast %broadcast_in_dim3A_78 : vector<16xi32> to vector<16x1xi32>
        %gather3A_922 = vector.shape_cast %broadcast_in_dim3A_921 : vector<16x1xi32> to vector<16xi32>
        %gather3A_923 = tpu.dynamic_gather %masked_cumsum3A_920[%gather3A_922] in [0] : vector<16xf32>, vector<16xi32> -> vector<16xf32>
        %mul3A_924 = vector.broadcast %scan3A_101 : f32 to vector<16xf32>
        %mul3A_925 = arith.mulf %gather3A_923, %mul3A_924 : vector<16xf32>
        %mul3A_926 = arith.mulf %mul3A_917, %mul3A_917 : vector<16xf32>
        %sub3A_927 = arith.subf %mul3A_925, %mul3A_926 : vector<16xf32>
        %add3A_928 = arith.constant 1.000000e-03 : f32
        %add3A_929 = vector.broadcast %add3A_928 : f32 to vector<16xf32>
        %add3A_930 = arith.addf %sub3A_927, %add3A_929 : vector<16xf32>
        %bitcast3A_931 = vector.bitcast %add3A_930 : vector<16xf32> to vector<16xi32>
        %shift_right_arithmetic3A_932 = arith.constant 1 : i32
        %shift_right_arithmetic3A_933 = vector.broadcast %shift_right_arithmetic3A_932 : i32 to vector<16xi32>
        %shift_right_arithmetic3A_934 = arith.shrsi %bitcast3A_931, %shift_right_arithmetic3A_933 : vector<16xi32>
        %sub3A_935 = arith.constant 1597463007 : i32
        %sub3A_936 = vector.broadcast %sub3A_935 : i32 to vector<16xi32>
        %sub3A_937 = arith.subi %sub3A_936, %shift_right_arithmetic3A_934 : vector<16xi32>
        %bitcast3A_938 = vector.bitcast %sub3A_937 : vector<16xi32> to vector<16xf32>
        %mul3A_939 = arith.constant 5.000000e-01 : f32
        %mul3A_940 = vector.broadcast %mul3A_939 : f32 to vector<16xf32>
        %mul3A_941 = arith.mulf %add3A_930, %mul3A_940 : vector<16xf32>
        %mul3A_942 = arith.mulf %mul3A_941, %bitcast3A_938 : vector<16xf32>
        %mul3A_943 = arith.mulf %mul3A_942, %bitcast3A_938 : vector<16xf32>
        %sub3A_944 = arith.constant 1.500000e+00 : f32
        %sub3A_945 = vector.broadcast %sub3A_944 : f32 to vector<16xf32>
        %sub3A_946 = arith.subf %sub3A_945, %mul3A_943 : vector<16xf32>
        %mul3A_947 = arith.mulf %bitcast3A_938, %sub3A_946 : vector<16xf32>
        %mul3A_948 = arith.mulf %mul3A_941, %mul3A_947 : vector<16xf32>
        %mul3A_949 = arith.mulf %mul3A_948, %mul3A_947 : vector<16xf32>
        %sub3A_950 = arith.constant 1.500000e+00 : f32
        %sub3A_951 = vector.broadcast %sub3A_950 : f32 to vector<16xf32>
        %sub3A_952 = arith.subf %sub3A_951, %mul3A_949 : vector<16xf32>
        %mul3A_953 = arith.mulf %mul3A_947, %sub3A_952 : vector<16xf32>
        %mul3A_954 = arith.mulf %mul3A_917, %mul3A_953 : vector<16xf32>
        %sub3A_955 = arith.constant 0.000000e+00 : f32
        %sub3A_956 = vector.broadcast %sub3A_955 : f32 to vector<16xf32>
        %sub3A_957 = arith.subf %sub3A_956, %mul3A_954 : vector<16xf32>
        %mul3A_958 = arith.mulf %add3A_530, %mul3A_953 : vector<16xf32>
        %add3A_959 = arith.addf %mul3A_958, %sub3A_957 : vector<16xf32>
        %mul3A_960 = arith.mulf %add3A_959, %get3A_47 : vector<16xf32>
        %add3A_961 = arith.addf %mul3A_960, %get3A_63 : vector<16xf32>
        %swap3A_962 = arith.index_cast %add3A_909 : i32 to index
        %swap3A_963 = arith.constant 0 : index
        %swap3A_964 = tpu.vector_load %arg13[%swap3A_962, %swap3A_963] {strides = array<i32>} : memref<64x128xf32, #tpu.memory_space<vmem>>, vector<16xf32>,
        tpu.vector_store %arg13[%swap3A_962, %swap3A_963], %add3A_961 {strides = array<i32>} : memref<64x128xf32, #tpu.memory_space<vmem>>, vector<16xf32>,
        %mul3A_965 = arith.mulf %add3A_536, %mul3A_953 : vector<16xf32>
        %add3A_966 = arith.addf %mul3A_965, %sub3A_957 : vector<16xf32>
        %mul3A_967 = arith.mulf %add3A_966, %get3A_49 : vector<16xf32>
        %add3A_968 = arith.addf %mul3A_967, %get3A_65 : vector<16xf32>
        %swap3A_969 = arith.index_cast %add3A_909 : i32 to index
        %swap3A_970 = arith.constant 16 : index
        %swap3A_971 = tpu.vector_load %arg13[%swap3A_969, %swap3A_970] {strides = array<i32>} : memref<64x128xf32, #tpu.memory_space<vmem>>, vector<16xf32>,
        tpu.vector_store %arg13[%swap3A_969, %swap3A_970], %add3A_968 {strides = array<i32>} : memref<64x128xf32, #tpu.memory_space<vmem>>, vector<16xf32>,
        %mul3A_972 = arith.mulf %add3A_542, %mul3A_953 : vector<16xf32>
        %add3A_973 = arith.addf %mul3A_972, %sub3A_957 : vector<16xf32>
        %mul3A_974 = arith.mulf %add3A_973, %get3A_51 : vector<16xf32>
        %add3A_975 = arith.addf %mul3A_974, %get3A_67 : vector<16xf32>
        %swap3A_976 = arith.index_cast %add3A_909 : i32 to index
        %swap3A_977 = arith.constant 32 : index
        %swap3A_978 = tpu.vector_load %arg13[%swap3A_976, %swap3A_977] {strides = array<i32>} : memref<64x128xf32, #tpu.memory_space<vmem>>, vector<16xf32>,
        tpu.vector_store %arg13[%swap3A_976, %swap3A_977], %add3A_975 {strides = array<i32>} : memref<64x128xf32, #tpu.memory_space<vmem>>, vector<16xf32>,
        %mul3A_979 = arith.mulf %add3A_548, %mul3A_953 : vector<16xf32>
        %add3A_980 = arith.addf %mul3A_979, %sub3A_957 : vector<16xf32>
        %mul3A_981 = arith.mulf %add3A_980, %get3A_53 : vector<16xf32>
        %add3A_982 = arith.addf %mul3A_981, %get3A_69 : vector<16xf32>
        %swap3A_983 = arith.index_cast %add3A_909 : i32 to index
        %swap3A_984 = arith.constant 48 : index
        %swap3A_985 = tpu.vector_load %arg13[%swap3A_983, %swap3A_984] {strides = array<i32>} : memref<64x128xf32, #tpu.memory_space<vmem>>, vector<16xf32>,
        tpu.vector_store %arg13[%swap3A_983, %swap3A_984], %add3A_982 {strides = array<i32>} : memref<64x128xf32, #tpu.memory_space<vmem>>, vector<16xf32>,
        %mul3A_986 = arith.mulf %add3A_554, %mul3A_953 : vector<16xf32>
        %add3A_987 = arith.addf %mul3A_986, %sub3A_957 : vector<16xf32>
        %mul3A_988 = arith.mulf %add3A_987, %get3A_55 : vector<16xf32>
        %add3A_989 = arith.addf %mul3A_988, %get3A_71 : vector<16xf32>
        %swap3A_990 = arith.index_cast %add3A_909 : i32 to index
        %swap3A_991 = arith.constant 64 : index
        %swap3A_992 = tpu.vector_load %arg13[%swap3A_990, %swap3A_991] {strides = array<i32>} : memref<64x128xf32, #tpu.memory_space<vmem>>, vector<16xf32>,
        tpu.vector_store %arg13[%swap3A_990, %swap3A_991], %add3A_989 {strides = array<i32>} : memref<64x128xf32, #tpu.memory_space<vmem>>, vector<16xf32>,
        %mul3A_993 = arith.mulf %add3A_560, %mul3A_953 : vector<16xf32>
        %add3A_994 = arith.addf %mul3A_993, %sub3A_957 : vector<16xf32>
        %mul3A_995 = arith.mulf %add3A_994, %get3A_57 : vector<16xf32>
        %add3A_996 = arith.addf %mul3A_995, %get3A_73 : vector<16xf32>
        %swap3A_997 = arith.index_cast %add3A_909 : i32 to index
        %swap3A_998 = arith.constant 80 : index
        %swap3A_999 = tpu.vector_load %arg13[%swap3A_997, %swap3A_998] {strides = array<i32>} : memref<64x128xf32, #tpu.memory_space<vmem>>, vector<16xf32>,
        tpu.vector_store %arg13[%swap3A_997, %swap3A_998], %add3A_996 {strides = array<i32>} : memref<64x128xf32, #tpu.memory_space<vmem>>, vector<16xf32>,
        %mul3A_1000 = arith.mulf %add3A_566, %mul3A_953 : vector<16xf32>
        %add3A_1001 = arith.addf %mul3A_1000, %sub3A_957 : vector<16xf32>
        %mul3A_1002 = arith.mulf %add3A_1001, %get3A_59 : vector<16xf32>
        %add3A_1003 = arith.addf %mul3A_1002, %get3A_75 : vector<16xf32>
        %swap3A_1004 = arith.index_cast %add3A_909 : i32 to index
        %swap3A_1005 = arith.constant 96 : index
        %swap3A_1006 = tpu.vector_load %arg13[%swap3A_1004, %swap3A_1005] {strides = array<i32>} : memref<64x128xf32, #tpu.memory_space<vmem>>, vector<16xf32>,
        tpu.vector_store %arg13[%swap3A_1004, %swap3A_1005], %add3A_1003 {strides = array<i32>} : memref<64x128xf32, #tpu.memory_space<vmem>>, vector<16xf32>,
        %mul3A_1007 = arith.mulf %add3A_572, %mul3A_953 : vector<16xf32>
        %add3A_1008 = arith.addf %mul3A_1007, %sub3A_957 : vector<16xf32>
        %mul3A_1009 = arith.mulf %add3A_1008, %get3A_61 : vector<16xf32>
        %add3A_1010 = arith.addf %mul3A_1009, %get3A_77 : vector<16xf32>
        %swap3A_1011 = arith.index_cast %add3A_909 : i32 to index
        %swap3A_1012 = arith.constant 112 : index
        %swap3A_1013 = tpu.vector_load %arg13[%swap3A_1011, %swap3A_1012] {strides = array<i32>} : memref<64x128xf32, #tpu.memory_space<vmem>>, vector<16xf32>,
        tpu.vector_store %arg13[%swap3A_1011, %swap3A_1012], %add3A_1010 {strides = array<i32>} : memref<64x128xf32, #tpu.memory_space<vmem>>, vector<16xf32>,
      }
      %scan3A_217 = arith.constant 16 : i32
      %mul3A_218 = arith.constant 64 : i32
      %mul3A_219 = arith.muli %add3A_198, %mul3A_218 : i32
      %add3A_220 = arith.addi %mul3A_2, %mul3A_219 : i32
      %dma_start3A_221 = arith.constant 0 : i32
      %dma_start3A_222 = tpu.memref_slice %arg9[%add3A_220, %dma_start3A_221] : memref<204800x128xf32, #tpu.memory_space<hbm>> -> memref<64x128xf32, #tpu.memory_space<hbm>>
      %dma_start3A_223 = arith.constant 0 : i32
      %dma_start3A_224 = tpu.memref_slice %arg9[%add3A_220, %dma_start3A_223] : memref<204800x128xf32, #tpu.memory_space<hbm>> -> memref<64x128xf32, #tpu.memory_space<hbm>>
      tpu.enqueue_dma source(%arg13 : memref<64x128xf32, #tpu.memory_space<vmem>>) target(%dma_start3A_224 : memref<64x128xf32, #tpu.memory_space<hbm>>) target_semaphore(%arg22 : memref<!tpu.dma_semaphore, #tpu.memory_space<semaphore_mem>>)
      %mul3A_225 = arith.constant 5 : i32
      %mul3A_226 = arith.muli %mul3A_225, %scan3A_137 : i32
      %add3A_227 = arith.constant 3 : i32
      %add3A_228 = arith.addi %mul3A_226, %add3A_227 : i32
      %dma_wait3A_229 = arith.constant 0 : i32
      %dma_wait3A_230 = arith.constant 0 : i32
      %dma_wait3A_231 = tpu.memref_slice %arg4[%dma_wait3A_229, %dma_wait3A_230] : memref<1000000x128xf32, #tpu.memory_space<hbm>> -> memref<64x128xf32, #tpu.memory_space<hbm>>
      %dma_wait3A_232 = arith.constant 0 : i32
      %dma_wait3A_233 = arith.constant 0 : i32
      %dma_wait3A_234 = tpu.memref_slice %arg4[%dma_wait3A_232, %dma_wait3A_233] : memref<1000000x128xf32, #tpu.memory_space<hbm>> -> memref<64x128xf32, #tpu.memory_space<hbm>>
      tpu.wait_dma2 semaphore(%arg21 : memref<!tpu.dma_semaphore, #tpu.memory_space<semaphore_mem>>) src(%dma_wait3A_234 : memref<64x128xf32, #tpu.memory_space<hbm>>) dst(%arg14 : memref<64x128xf32, #tpu.memory_space<vmem>>)
      %add3A_235 = arith.constant 3 : i32
      %add3A_236 = arith.addi %add3A_228, %add3A_235 : i32
      %lt3A_237 = arith.constant 100 : i32
      %lt3A_238 = arith.cmpi slt, %add3A_236, %lt3A_237 : i32
      %convert_element_type3A_239 = arith.extui %lt3A_238 : i1 to i32
      %cond3A_240 = arith.constant 0 : i32
      %cond3A_241 = arith.cmpi ne, %convert_element_type3A_239, %cond3A_240 : i32
      scf.if %cond3A_241 {
        %ge3A = arith.constant 2 : i32
        %ge3A_285 = arith.cmpi sge, %add3A_228, %ge3A : i32
        %convert_element_type3A_286 = arith.extui %ge3A_285 : i1 to i32
        %cond3A_287 = arith.constant 0 : i32
        %cond3A_288 = arith.cmpi ne, %convert_element_type3A_286, %cond3A_287 : i32
        scf.if %cond3A_288 {
          %dma_wait3A_297 = arith.constant 0 : i32
          %dma_wait3A_298 = arith.constant 0 : i32
          %dma_wait3A_299 = tpu.memref_slice %arg9[%dma_wait3A_297, %dma_wait3A_298] : memref<204800x128xf32, #tpu.memory_space<hbm>> -> memref<64x128xf32, #tpu.memory_space<hbm>>
          %dma_wait3A_300 = arith.constant 0 : i32
          %dma_wait3A_301 = arith.constant 0 : i32
          %dma_wait3A_302 = tpu.memref_slice %arg9[%dma_wait3A_300, %dma_wait3A_301] : memref<204800x128xf32, #tpu.memory_space<hbm>> -> memref<64x128xf32, #tpu.memory_space<hbm>>
          tpu.wait_dma2 semaphore(%arg22 : memref<!tpu.dma_semaphore, #tpu.memory_space<semaphore_mem>>) src(%arg12 : memref<64x128xf32, #tpu.memory_space<vmem>>) dst(%dma_wait3A_302 : memref<64x128xf32, #tpu.memory_space<hbm>>)
        } else {
        }
        %add3A_289 = arith.constant 3 : i32
        %add3A_290 = arith.addi %add3A_228, %add3A_289 : i32
        %dma_start3A_291 = arith.constant 0 : i32
        %dma_start3A_292 = tpu.memref_slice %arg16[%add3A_290, %dma_start3A_291] : memref<100x64xi32, #tpu.memory_space<vmem>> -> memref<1x64xi32, #tpu.memory_space<vmem>>
        %dma_start3A_293 = tpu.memref_squeeze %dma_start3A_292 : memref<1x64xi32, #tpu.memory_space<vmem>> -> memref<64xi32, #tpu.memory_space<vmem>>
        %dma_start3A_294 = arith.constant 0 : i32
        %dma_start3A_295 = arith.constant 0 : i32
        %dma_start3A_296 = tpu.memref_slice %arg4[%dma_start3A_294, %dma_start3A_295] : memref<1000000x128xf32, #tpu.memory_space<hbm>> -> memref<1000000x128xf32, #tpu.memory_space<hbm>>
        tpu.enqueue_indirect_dma source(%dma_start3A_296 : memref<1000000x128xf32, #tpu.memory_space<hbm>>) target(%arg12 : memref<64x128xf32, #tpu.memory_space<vmem>>) offsets(%dma_start3A_293 : memref<64xi32, #tpu.memory_space<vmem>>) semaphore(%arg21 : memref<!tpu.dma_semaphore, #tpu.memory_space<semaphore_mem>>)
      } else {
      }
      %scan3A_242 = arith.constant 0 : i32
      %scan3A_243 = arith.constant 0 : i32
      %scan3A_244 = arith.constant 16 : i32
      %scan3A_245 = arith.addi %scan3A_243, %scan3A_244 : i32
      %scan3A_246 = arith.constant 1 : i32
      scf.for %scan3A_285 = %scan3A_243 to %scan3A_245 step %scan3A_246  : i32 {
        %mul3A_286 = arith.constant 4 : i32
        %mul3A_287 = arith.muli %scan3A_285, %mul3A_286 : i32
        %add3A_288 = arith.constant 0 : i32
        %add3A_289 = arith.addi %mul3A_287, %add3A_288 : i32
        %mul3A_290 = arith.constant 64 : i32
        %mul3A_291 = arith.muli %add3A_228, %mul3A_290 : i32
        %add3A_292 = arith.addi %mul3A_291, %add3A_289 : i32
        %broadcast_in_dim3A_293 = vector.broadcast %add3A_292 : i32 to vector<16xi32>
        %gather3A = tpu.vector_load_idx %arg17[%broadcast_in_dim3A_293] : memref<6400xi32, #tpu.memory_space<vmem>>[vector<16xi32>], vector<16xi32>,
        %get3A_294 = arith.index_cast %add3A_289 : i32 to index
        %get3A_295 = arith.constant 0 : index
        %get3A_296 = tpu.vector_load %arg14[%get3A_294, %get3A_295] {strides = array<i32>} : memref<64x128xf32, #tpu.memory_space<vmem>>, vector<16xf32>,
        %add3A_297 = arith.addi %gather3A, %add3A_18 : vector<16xi32>
        %gather3A_298 = tpu.vector_load_idx %arg10[%add3A_297] : memref<51200xf32, #tpu.memory_space<vmem>>[vector<16xi32>], vector<16xf32>,
        %add3A_299 = arith.addf %get3A_296, %gather3A_298 : vector<16xf32>
        %get3A_300 = arith.index_cast %add3A_289 : i32 to index
        %get3A_301 = arith.constant 16 : index
        %get3A_302 = tpu.vector_load %arg14[%get3A_300, %get3A_301] {strides = array<i32>} : memref<64x128xf32, #tpu.memory_space<vmem>>, vector<16xf32>,
        %add3A_303 = arith.addi %gather3A, %add3A_22 : vector<16xi32>
        %gather3A_304 = tpu.vector_load_idx %arg10[%add3A_303] : memref<51200xf32, #tpu.memory_space<vmem>>[vector<16xi32>], vector<16xf32>,
        %add3A_305 = arith.addf %get3A_302, %gather3A_304 : vector<16xf32>
        %get3A_306 = arith.index_cast %add3A_289 : i32 to index
        %get3A_307 = arith.constant 32 : index
        %get3A_308 = tpu.vector_load %arg14[%get3A_306, %get3A_307] {strides = array<i32>} : memref<64x128xf32, #tpu.memory_space<vmem>>, vector<16xf32>,
        %add3A_309 = arith.addi %gather3A, %add3A_26 : vector<16xi32>
        %gather3A_310 = tpu.vector_load_idx %arg10[%add3A_309] : memref<51200xf32, #tpu.memory_space<vmem>>[vector<16xi32>], vector<16xf32>,
        %add3A_311 = arith.addf %get3A_308, %gather3A_310 : vector<16xf32>
        %get3A_312 = arith.index_cast %add3A_289 : i32 to index
        %get3A_313 = arith.constant 48 : index
        %get3A_314 = tpu.vector_load %arg14[%get3A_312, %get3A_313] {strides = array<i32>} : memref<64x128xf32, #tpu.memory_space<vmem>>, vector<16xf32>,
        %add3A_315 = arith.addi %gather3A, %add3A_30 : vector<16xi32>
        %gather3A_316 = tpu.vector_load_idx %arg10[%add3A_315] : memref<51200xf32, #tpu.memory_space<vmem>>[vector<16xi32>], vector<16xf32>,
        %add3A_317 = arith.addf %get3A_314, %gather3A_316 : vector<16xf32>
        %get3A_318 = arith.index_cast %add3A_289 : i32 to index
        %get3A_319 = arith.constant 64 : index
        %get3A_320 = tpu.vector_load %arg14[%get3A_318, %get3A_319] {strides = array<i32>} : memref<64x128xf32, #tpu.memory_space<vmem>>, vector<16xf32>,
        %add3A_321 = arith.addi %gather3A, %add3A_34 : vector<16xi32>
        %gather3A_322 = tpu.vector_load_idx %arg10[%add3A_321] : memref<51200xf32, #tpu.memory_space<vmem>>[vector<16xi32>], vector<16xf32>,
        %add3A_323 = arith.addf %get3A_320, %gather3A_322 : vector<16xf32>
        %get3A_324 = arith.index_cast %add3A_289 : i32 to index
        %get3A_325 = arith.constant 80 : index
        %get3A_326 = tpu.vector_load %arg14[%get3A_324, %get3A_325] {strides = array<i32>} : memref<64x128xf32, #tpu.memory_space<vmem>>, vector<16xf32>,
        %add3A_327 = arith.addi %gather3A, %add3A_38 : vector<16xi32>
        %gather3A_328 = tpu.vector_load_idx %arg10[%add3A_327] : memref<51200xf32, #tpu.memory_space<vmem>>[vector<16xi32>], vector<16xf32>,
        %add3A_329 = arith.addf %get3A_326, %gather3A_328 : vector<16xf32>
        %get3A_330 = arith.index_cast %add3A_289 : i32 to index
        %get3A_331 = arith.constant 96 : index
        %get3A_332 = tpu.vector_load %arg14[%get3A_330, %get3A_331] {strides = array<i32>} : memref<64x128xf32, #tpu.memory_space<vmem>>, vector<16xf32>,
        %add3A_333 = arith.addi %gather3A, %add3A_42 : vector<16xi32>
        %gather3A_334 = tpu.vector_load_idx %arg10[%add3A_333] : memref<51200xf32, #tpu.memory_space<vmem>>[vector<16xi32>], vector<16xf32>,
        %add3A_335 = arith.addf %get3A_332, %gather3A_334 : vector<16xf32>
        %get3A_336 = arith.index_cast %add3A_289 : i32 to index
        %get3A_337 = arith.constant 112 : index
        %get3A_338 = tpu.vector_load %arg14[%get3A_336, %get3A_337] {strides = array<i32>} : memref<64x128xf32, #tpu.memory_space<vmem>>, vector<16xf32>,
        %add3A_339 = arith.addi %gather3A, %add3A_46 : vector<16xi32>
        %gather3A_340 = tpu.vector_load_idx %arg10[%add3A_339] : memref<51200xf32, #tpu.memory_space<vmem>>[vector<16xi32>], vector<16xf32>,
        %add3A_341 = arith.addf %get3A_338, %gather3A_340 : vector<16xf32>
        %add3A_342 = arith.addf %add3A_299, %add3A_305 : vector<16xf32>
        %add3A_343 = arith.addf %add3A_311, %add3A_317 : vector<16xf32>
        %add3A_344 = arith.addf %add3A_342, %add3A_343 : vector<16xf32>
        %add3A_345 = arith.addf %add3A_323, %add3A_329 : vector<16xf32>
        %add3A_346 = arith.addf %add3A_335, %add3A_341 : vector<16xf32>
        %add3A_347 = arith.addf %add3A_345, %add3A_346 : vector<16xf32>
        %add3A_348 = arith.addf %add3A_344, %add3A_347 : vector<16xf32>
        %mul3A_349 = arith.mulf %add3A_299, %add3A_299 : vector<16xf32>
        %mul3A_350 = arith.mulf %add3A_305, %add3A_305 : vector<16xf32>
        %add3A_351 = arith.addf %mul3A_349, %mul3A_350 : vector<16xf32>
        %mul3A_352 = arith.mulf %add3A_311, %add3A_311 : vector<16xf32>
        %mul3A_353 = arith.mulf %add3A_317, %add3A_317 : vector<16xf32>
        %add3A_354 = arith.addf %mul3A_352, %mul3A_353 : vector<16xf32>
        %mul3A_355 = arith.mulf %add3A_323, %add3A_323 : vector<16xf32>
        %mul3A_356 = arith.mulf %add3A_329, %add3A_329 : vector<16xf32>
        %add3A_357 = arith.addf %mul3A_355, %mul3A_356 : vector<16xf32>
        %mul3A_358 = arith.mulf %add3A_335, %add3A_335 : vector<16xf32>
        %mul3A_359 = arith.mulf %add3A_341, %add3A_341 : vector<16xf32>
        %add3A_360 = arith.addf %mul3A_358, %mul3A_359 : vector<16xf32>
        %add3A_361 = arith.addf %add3A_351, %add3A_354 : vector<16xf32>
        %add3A_362 = arith.addf %add3A_357, %add3A_360 : vector<16xf32>
        %add3A_363 = arith.addf %add3A_361, %add3A_362 : vector<16xf32>
        %add3A_364 = arith.constant 1 : i32
        %add3A_365 = arith.addi %mul3A_287, %add3A_364 : i32
        %mul3A_366 = arith.constant 64 : i32
        %mul3A_367 = arith.muli %add3A_228, %mul3A_366 : i32
        %add3A_368 = arith.addi %mul3A_367, %add3A_365 : i32
        %broadcast_in_dim3A_369 = vector.broadcast %add3A_368 : i32 to vector<16xi32>
        %gather3A_370 = tpu.vector_load_idx %arg17[%broadcast_in_dim3A_369] : memref<6400xi32, #tpu.memory_space<vmem>>[vector<16xi32>], vector<16xi32>,
        %get3A_371 = arith.index_cast %add3A_365 : i32 to index
        %get3A_372 = arith.constant 0 : index
        %get3A_373 = tpu.vector_load %arg14[%get3A_371, %get3A_372] {strides = array<i32>} : memref<64x128xf32, #tpu.memory_space<vmem>>, vector<16xf32>,
        %add3A_374 = arith.addi %gather3A_370, %add3A_18 : vector<16xi32>
        %gather3A_375 = tpu.vector_load_idx %arg10[%add3A_374] : memref<51200xf32, #tpu.memory_space<vmem>>[vector<16xi32>], vector<16xf32>,
        %add3A_376 = arith.addf %get3A_373, %gather3A_375 : vector<16xf32>
        %get3A_377 = arith.index_cast %add3A_365 : i32 to index
        %get3A_378 = arith.constant 16 : index
        %get3A_379 = tpu.vector_load %arg14[%get3A_377, %get3A_378] {strides = array<i32>} : memref<64x128xf32, #tpu.memory_space<vmem>>, vector<16xf32>,
        %add3A_380 = arith.addi %gather3A_370, %add3A_22 : vector<16xi32>
        %gather3A_381 = tpu.vector_load_idx %arg10[%add3A_380] : memref<51200xf32, #tpu.memory_space<vmem>>[vector<16xi32>], vector<16xf32>,
        %add3A_382 = arith.addf %get3A_379, %gather3A_381 : vector<16xf32>
        %get3A_383 = arith.index_cast %add3A_365 : i32 to index
        %get3A_384 = arith.constant 32 : index
        %get3A_385 = tpu.vector_load %arg14[%get3A_383, %get3A_384] {strides = array<i32>} : memref<64x128xf32, #tpu.memory_space<vmem>>, vector<16xf32>,
        %add3A_386 = arith.addi %gather3A_370, %add3A_26 : vector<16xi32>
        %gather3A_387 = tpu.vector_load_idx %arg10[%add3A_386] : memref<51200xf32, #tpu.memory_space<vmem>>[vector<16xi32>], vector<16xf32>,
        %add3A_388 = arith.addf %get3A_385, %gather3A_387 : vector<16xf32>
        %get3A_389 = arith.index_cast %add3A_365 : i32 to index
        %get3A_390 = arith.constant 48 : index
        %get3A_391 = tpu.vector_load %arg14[%get3A_389, %get3A_390] {strides = array<i32>} : memref<64x128xf32, #tpu.memory_space<vmem>>, vector<16xf32>,
        %add3A_392 = arith.addi %gather3A_370, %add3A_30 : vector<16xi32>
        %gather3A_393 = tpu.vector_load_idx %arg10[%add3A_392] : memref<51200xf32, #tpu.memory_space<vmem>>[vector<16xi32>], vector<16xf32>,
        %add3A_394 = arith.addf %get3A_391, %gather3A_393 : vector<16xf32>
        %get3A_395 = arith.index_cast %add3A_365 : i32 to index
        %get3A_396 = arith.constant 64 : index
        %get3A_397 = tpu.vector_load %arg14[%get3A_395, %get3A_396] {strides = array<i32>} : memref<64x128xf32, #tpu.memory_space<vmem>>, vector<16xf32>,
        %add3A_398 = arith.addi %gather3A_370, %add3A_34 : vector<16xi32>
        %gather3A_399 = tpu.vector_load_idx %arg10[%add3A_398] : memref<51200xf32, #tpu.memory_space<vmem>>[vector<16xi32>], vector<16xf32>,
        %add3A_400 = arith.addf %get3A_397, %gather3A_399 : vector<16xf32>
        %get3A_401 = arith.index_cast %add3A_365 : i32 to index
        %get3A_402 = arith.constant 80 : index
        %get3A_403 = tpu.vector_load %arg14[%get3A_401, %get3A_402] {strides = array<i32>} : memref<64x128xf32, #tpu.memory_space<vmem>>, vector<16xf32>,
        %add3A_404 = arith.addi %gather3A_370, %add3A_38 : vector<16xi32>
        %gather3A_405 = tpu.vector_load_idx %arg10[%add3A_404] : memref<51200xf32, #tpu.memory_space<vmem>>[vector<16xi32>], vector<16xf32>,
        %add3A_406 = arith.addf %get3A_403, %gather3A_405 : vector<16xf32>
        %get3A_407 = arith.index_cast %add3A_365 : i32 to index
        %get3A_408 = arith.constant 96 : index
        %get3A_409 = tpu.vector_load %arg14[%get3A_407, %get3A_408] {strides = array<i32>} : memref<64x128xf32, #tpu.memory_space<vmem>>, vector<16xf32>,
        %add3A_410 = arith.addi %gather3A_370, %add3A_42 : vector<16xi32>
        %gather3A_411 = tpu.vector_load_idx %arg10[%add3A_410] : memref<51200xf32, #tpu.memory_space<vmem>>[vector<16xi32>], vector<16xf32>,
        %add3A_412 = arith.addf %get3A_409, %gather3A_411 : vector<16xf32>
        %get3A_413 = arith.index_cast %add3A_365 : i32 to index
        %get3A_414 = arith.constant 112 : index
        %get3A_415 = tpu.vector_load %arg14[%get3A_413, %get3A_414] {strides = array<i32>} : memref<64x128xf32, #tpu.memory_space<vmem>>, vector<16xf32>,
        %add3A_416 = arith.addi %gather3A_370, %add3A_46 : vector<16xi32>
        %gather3A_417 = tpu.vector_load_idx %arg10[%add3A_416] : memref<51200xf32, #tpu.memory_space<vmem>>[vector<16xi32>], vector<16xf32>,
        %add3A_418 = arith.addf %get3A_415, %gather3A_417 : vector<16xf32>
        %add3A_419 = arith.addf %add3A_376, %add3A_382 : vector<16xf32>
        %add3A_420 = arith.addf %add3A_388, %add3A_394 : vector<16xf32>
        %add3A_421 = arith.addf %add3A_419, %add3A_420 : vector<16xf32>
        %add3A_422 = arith.addf %add3A_400, %add3A_406 : vector<16xf32>
        %add3A_423 = arith.addf %add3A_412, %add3A_418 : vector<16xf32>
        %add3A_424 = arith.addf %add3A_422, %add3A_423 : vector<16xf32>
        %add3A_425 = arith.addf %add3A_421, %add3A_424 : vector<16xf32>
        %mul3A_426 = arith.mulf %add3A_376, %add3A_376 : vector<16xf32>
        %mul3A_427 = arith.mulf %add3A_382, %add3A_382 : vector<16xf32>
        %add3A_428 = arith.addf %mul3A_426, %mul3A_427 : vector<16xf32>
        %mul3A_429 = arith.mulf %add3A_388, %add3A_388 : vector<16xf32>
        %mul3A_430 = arith.mulf %add3A_394, %add3A_394 : vector<16xf32>
        %add3A_431 = arith.addf %mul3A_429, %mul3A_430 : vector<16xf32>
        %mul3A_432 = arith.mulf %add3A_400, %add3A_400 : vector<16xf32>
        %mul3A_433 = arith.mulf %add3A_406, %add3A_406 : vector<16xf32>
        %add3A_434 = arith.addf %mul3A_432, %mul3A_433 : vector<16xf32>
        %mul3A_435 = arith.mulf %add3A_412, %add3A_412 : vector<16xf32>
        %mul3A_436 = arith.mulf %add3A_418, %add3A_418 : vector<16xf32>
        %add3A_437 = arith.addf %mul3A_435, %mul3A_436 : vector<16xf32>
        %add3A_438 = arith.addf %add3A_428, %add3A_431 : vector<16xf32>
        %add3A_439 = arith.addf %add3A_434, %add3A_437 : vector<16xf32>
        %add3A_440 = arith.addf %add3A_438, %add3A_439 : vector<16xf32>
        %add3A_441 = arith.constant 2 : i32
        %add3A_442 = arith.addi %mul3A_287, %add3A_441 : i32
        %mul3A_443 = arith.constant 64 : i32
        %mul3A_444 = arith.muli %add3A_228, %mul3A_443 : i32
        %add3A_445 = arith.addi %mul3A_444, %add3A_442 : i32
        %broadcast_in_dim3A_446 = vector.broadcast %add3A_445 : i32 to vector<16xi32>
        %gather3A_447 = tpu.vector_load_idx %arg17[%broadcast_in_dim3A_446] : memref<6400xi32, #tpu.memory_space<vmem>>[vector<16xi32>], vector<16xi32>,
        %get3A_448 = arith.index_cast %add3A_442 : i32 to index
        %get3A_449 = arith.constant 0 : index
        %get3A_450 = tpu.vector_load %arg14[%get3A_448, %get3A_449] {strides = array<i32>} : memref<64x128xf32, #tpu.memory_space<vmem>>, vector<16xf32>,
        %add3A_451 = arith.addi %gather3A_447, %add3A_18 : vector<16xi32>
        %gather3A_452 = tpu.vector_load_idx %arg10[%add3A_451] : memref<51200xf32, #tpu.memory_space<vmem>>[vector<16xi32>], vector<16xf32>,
        %add3A_453 = arith.addf %get3A_450, %gather3A_452 : vector<16xf32>
        %get3A_454 = arith.index_cast %add3A_442 : i32 to index
        %get3A_455 = arith.constant 16 : index
        %get3A_456 = tpu.vector_load %arg14[%get3A_454, %get3A_455] {strides = array<i32>} : memref<64x128xf32, #tpu.memory_space<vmem>>, vector<16xf32>,
        %add3A_457 = arith.addi %gather3A_447, %add3A_22 : vector<16xi32>
        %gather3A_458 = tpu.vector_load_idx %arg10[%add3A_457] : memref<51200xf32, #tpu.memory_space<vmem>>[vector<16xi32>], vector<16xf32>,
        %add3A_459 = arith.addf %get3A_456, %gather3A_458 : vector<16xf32>
        %get3A_460 = arith.index_cast %add3A_442 : i32 to index
        %get3A_461 = arith.constant 32 : index
        %get3A_462 = tpu.vector_load %arg14[%get3A_460, %get3A_461] {strides = array<i32>} : memref<64x128xf32, #tpu.memory_space<vmem>>, vector<16xf32>,
        %add3A_463 = arith.addi %gather3A_447, %add3A_26 : vector<16xi32>
        %gather3A_464 = tpu.vector_load_idx %arg10[%add3A_463] : memref<51200xf32, #tpu.memory_space<vmem>>[vector<16xi32>], vector<16xf32>,
        %add3A_465 = arith.addf %get3A_462, %gather3A_464 : vector<16xf32>
        %get3A_466 = arith.index_cast %add3A_442 : i32 to index
        %get3A_467 = arith.constant 48 : index
        %get3A_468 = tpu.vector_load %arg14[%get3A_466, %get3A_467] {strides = array<i32>} : memref<64x128xf32, #tpu.memory_space<vmem>>, vector<16xf32>,
        %add3A_469 = arith.addi %gather3A_447, %add3A_30 : vector<16xi32>
        %gather3A_470 = tpu.vector_load_idx %arg10[%add3A_469] : memref<51200xf32, #tpu.memory_space<vmem>>[vector<16xi32>], vector<16xf32>,
        %add3A_471 = arith.addf %get3A_468, %gather3A_470 : vector<16xf32>
        %get3A_472 = arith.index_cast %add3A_442 : i32 to index
        %get3A_473 = arith.constant 64 : index
        %get3A_474 = tpu.vector_load %arg14[%get3A_472, %get3A_473] {strides = array<i32>} : memref<64x128xf32, #tpu.memory_space<vmem>>, vector<16xf32>,
        %add3A_475 = arith.addi %gather3A_447, %add3A_34 : vector<16xi32>
        %gather3A_476 = tpu.vector_load_idx %arg10[%add3A_475] : memref<51200xf32, #tpu.memory_space<vmem>>[vector<16xi32>], vector<16xf32>,
        %add3A_477 = arith.addf %get3A_474, %gather3A_476 : vector<16xf32>
        %get3A_478 = arith.index_cast %add3A_442 : i32 to index
        %get3A_479 = arith.constant 80 : index
        %get3A_480 = tpu.vector_load %arg14[%get3A_478, %get3A_479] {strides = array<i32>} : memref<64x128xf32, #tpu.memory_space<vmem>>, vector<16xf32>,
        %add3A_481 = arith.addi %gather3A_447, %add3A_38 : vector<16xi32>
        %gather3A_482 = tpu.vector_load_idx %arg10[%add3A_481] : memref<51200xf32, #tpu.memory_space<vmem>>[vector<16xi32>], vector<16xf32>,
        %add3A_483 = arith.addf %get3A_480, %gather3A_482 : vector<16xf32>
        %get3A_484 = arith.index_cast %add3A_442 : i32 to index
        %get3A_485 = arith.constant 96 : index
        %get3A_486 = tpu.vector_load %arg14[%get3A_484, %get3A_485] {strides = array<i32>} : memref<64x128xf32, #tpu.memory_space<vmem>>, vector<16xf32>,
        %add3A_487 = arith.addi %gather3A_447, %add3A_42 : vector<16xi32>
        %gather3A_488 = tpu.vector_load_idx %arg10[%add3A_487] : memref<51200xf32, #tpu.memory_space<vmem>>[vector<16xi32>], vector<16xf32>,
        %add3A_489 = arith.addf %get3A_486, %gather3A_488 : vector<16xf32>
        %get3A_490 = arith.index_cast %add3A_442 : i32 to index
        %get3A_491 = arith.constant 112 : index
        %get3A_492 = tpu.vector_load %arg14[%get3A_490, %get3A_491] {strides = array<i32>} : memref<64x128xf32, #tpu.memory_space<vmem>>, vector<16xf32>,
        %add3A_493 = arith.addi %gather3A_447, %add3A_46 : vector<16xi32>
        %gather3A_494 = tpu.vector_load_idx %arg10[%add3A_493] : memref<51200xf32, #tpu.memory_space<vmem>>[vector<16xi32>], vector<16xf32>,
        %add3A_495 = arith.addf %get3A_492, %gather3A_494 : vector<16xf32>
        %add3A_496 = arith.addf %add3A_453, %add3A_459 : vector<16xf32>
        %add3A_497 = arith.addf %add3A_465, %add3A_471 : vector<16xf32>
        %add3A_498 = arith.addf %add3A_496, %add3A_497 : vector<16xf32>
        %add3A_499 = arith.addf %add3A_477, %add3A_483 : vector<16xf32>
        %add3A_500 = arith.addf %add3A_489, %add3A_495 : vector<16xf32>
        %add3A_501 = arith.addf %add3A_499, %add3A_500 : vector<16xf32>
        %add3A_502 = arith.addf %add3A_498, %add3A_501 : vector<16xf32>
        %mul3A_503 = arith.mulf %add3A_453, %add3A_453 : vector<16xf32>
        %mul3A_504 = arith.mulf %add3A_459, %add3A_459 : vector<16xf32>
        %add3A_505 = arith.addf %mul3A_503, %mul3A_504 : vector<16xf32>
        %mul3A_506 = arith.mulf %add3A_465, %add3A_465 : vector<16xf32>
        %mul3A_507 = arith.mulf %add3A_471, %add3A_471 : vector<16xf32>
        %add3A_508 = arith.addf %mul3A_506, %mul3A_507 : vector<16xf32>
        %mul3A_509 = arith.mulf %add3A_477, %add3A_477 : vector<16xf32>
        %mul3A_510 = arith.mulf %add3A_483, %add3A_483 : vector<16xf32>
        %add3A_511 = arith.addf %mul3A_509, %mul3A_510 : vector<16xf32>
        %mul3A_512 = arith.mulf %add3A_489, %add3A_489 : vector<16xf32>
        %mul3A_513 = arith.mulf %add3A_495, %add3A_495 : vector<16xf32>
        %add3A_514 = arith.addf %mul3A_512, %mul3A_513 : vector<16xf32>
        %add3A_515 = arith.addf %add3A_505, %add3A_508 : vector<16xf32>
        %add3A_516 = arith.addf %add3A_511, %add3A_514 : vector<16xf32>
        %add3A_517 = arith.addf %add3A_515, %add3A_516 : vector<16xf32>
        %add3A_518 = arith.constant 3 : i32
        %add3A_519 = arith.addi %mul3A_287, %add3A_518 : i32
        %mul3A_520 = arith.constant 64 : i32
        %mul3A_521 = arith.muli %add3A_228, %mul3A_520 : i32
        %add3A_522 = arith.addi %mul3A_521, %add3A_519 : i32
        %broadcast_in_dim3A_523 = vector.broadcast %add3A_522 : i32 to vector<16xi32>
        %gather3A_524 = tpu.vector_load_idx %arg17[%broadcast_in_dim3A_523] : memref<6400xi32, #tpu.memory_space<vmem>>[vector<16xi32>], vector<16xi32>,
        %get3A_525 = arith.index_cast %add3A_519 : i32 to index
        %get3A_526 = arith.constant 0 : index
        %get3A_527 = tpu.vector_load %arg14[%get3A_525, %get3A_526] {strides = array<i32>} : memref<64x128xf32, #tpu.memory_space<vmem>>, vector<16xf32>,
        %add3A_528 = arith.addi %gather3A_524, %add3A_18 : vector<16xi32>
        %gather3A_529 = tpu.vector_load_idx %arg10[%add3A_528] : memref<51200xf32, #tpu.memory_space<vmem>>[vector<16xi32>], vector<16xf32>,
        %add3A_530 = arith.addf %get3A_527, %gather3A_529 : vector<16xf32>
        %get3A_531 = arith.index_cast %add3A_519 : i32 to index
        %get3A_532 = arith.constant 16 : index
        %get3A_533 = tpu.vector_load %arg14[%get3A_531, %get3A_532] {strides = array<i32>} : memref<64x128xf32, #tpu.memory_space<vmem>>, vector<16xf32>,
        %add3A_534 = arith.addi %gather3A_524, %add3A_22 : vector<16xi32>
        %gather3A_535 = tpu.vector_load_idx %arg10[%add3A_534] : memref<51200xf32, #tpu.memory_space<vmem>>[vector<16xi32>], vector<16xf32>,
        %add3A_536 = arith.addf %get3A_533, %gather3A_535 : vector<16xf32>
        %get3A_537 = arith.index_cast %add3A_519 : i32 to index
        %get3A_538 = arith.constant 32 : index
        %get3A_539 = tpu.vector_load %arg14[%get3A_537, %get3A_538] {strides = array<i32>} : memref<64x128xf32, #tpu.memory_space<vmem>>, vector<16xf32>,
        %add3A_540 = arith.addi %gather3A_524, %add3A_26 : vector<16xi32>
        %gather3A_541 = tpu.vector_load_idx %arg10[%add3A_540] : memref<51200xf32, #tpu.memory_space<vmem>>[vector<16xi32>], vector<16xf32>,
        %add3A_542 = arith.addf %get3A_539, %gather3A_541 : vector<16xf32>
        %get3A_543 = arith.index_cast %add3A_519 : i32 to index
        %get3A_544 = arith.constant 48 : index
        %get3A_545 = tpu.vector_load %arg14[%get3A_543, %get3A_544] {strides = array<i32>} : memref<64x128xf32, #tpu.memory_space<vmem>>, vector<16xf32>,
        %add3A_546 = arith.addi %gather3A_524, %add3A_30 : vector<16xi32>
        %gather3A_547 = tpu.vector_load_idx %arg10[%add3A_546] : memref<51200xf32, #tpu.memory_space<vmem>>[vector<16xi32>], vector<16xf32>,
        %add3A_548 = arith.addf %get3A_545, %gather3A_547 : vector<16xf32>
        %get3A_549 = arith.index_cast %add3A_519 : i32 to index
        %get3A_550 = arith.constant 64 : index
        %get3A_551 = tpu.vector_load %arg14[%get3A_549, %get3A_550] {strides = array<i32>} : memref<64x128xf32, #tpu.memory_space<vmem>>, vector<16xf32>,
        %add3A_552 = arith.addi %gather3A_524, %add3A_34 : vector<16xi32>
        %gather3A_553 = tpu.vector_load_idx %arg10[%add3A_552] : memref<51200xf32, #tpu.memory_space<vmem>>[vector<16xi32>], vector<16xf32>,
        %add3A_554 = arith.addf %get3A_551, %gather3A_553 : vector<16xf32>
        %get3A_555 = arith.index_cast %add3A_519 : i32 to index
        %get3A_556 = arith.constant 80 : index
        %get3A_557 = tpu.vector_load %arg14[%get3A_555, %get3A_556] {strides = array<i32>} : memref<64x128xf32, #tpu.memory_space<vmem>>, vector<16xf32>,
        %add3A_558 = arith.addi %gather3A_524, %add3A_38 : vector<16xi32>
        %gather3A_559 = tpu.vector_load_idx %arg10[%add3A_558] : memref<51200xf32, #tpu.memory_space<vmem>>[vector<16xi32>], vector<16xf32>,
        %add3A_560 = arith.addf %get3A_557, %gather3A_559 : vector<16xf32>
        %get3A_561 = arith.index_cast %add3A_519 : i32 to index
        %get3A_562 = arith.constant 96 : index
        %get3A_563 = tpu.vector_load %arg14[%get3A_561, %get3A_562] {strides = array<i32>} : memref<64x128xf32, #tpu.memory_space<vmem>>, vector<16xf32>,
        %add3A_564 = arith.addi %gather3A_524, %add3A_42 : vector<16xi32>
        %gather3A_565 = tpu.vector_load_idx %arg10[%add3A_564] : memref<51200xf32, #tpu.memory_space<vmem>>[vector<16xi32>], vector<16xf32>,
        %add3A_566 = arith.addf %get3A_563, %gather3A_565 : vector<16xf32>
        %get3A_567 = arith.index_cast %add3A_519 : i32 to index
        %get3A_568 = arith.constant 112 : index
        %get3A_569 = tpu.vector_load %arg14[%get3A_567, %get3A_568] {strides = array<i32>} : memref<64x128xf32, #tpu.memory_space<vmem>>, vector<16xf32>,
        %add3A_570 = arith.addi %gather3A_524, %add3A_46 : vector<16xi32>
        %gather3A_571 = tpu.vector_load_idx %arg10[%add3A_570] : memref<51200xf32, #tpu.memory_space<vmem>>[vector<16xi32>], vector<16xf32>,
        %add3A_572 = arith.addf %get3A_569, %gather3A_571 : vector<16xf32>
        %add3A_573 = arith.addf %add3A_530, %add3A_536 : vector<16xf32>
        %add3A_574 = arith.addf %add3A_542, %add3A_548 : vector<16xf32>
        %add3A_575 = arith.addf %add3A_573, %add3A_574 : vector<16xf32>
        %add3A_576 = arith.addf %add3A_554, %add3A_560 : vector<16xf32>
        %add3A_577 = arith.addf %add3A_566, %add3A_572 : vector<16xf32>
        %add3A_578 = arith.addf %add3A_576, %add3A_577 : vector<16xf32>
        %add3A_579 = arith.addf %add3A_575, %add3A_578 : vector<16xf32>
        %mul3A_580 = arith.mulf %add3A_530, %add3A_530 : vector<16xf32>
        %mul3A_581 = arith.mulf %add3A_536, %add3A_536 : vector<16xf32>
        %add3A_582 = arith.addf %mul3A_580, %mul3A_581 : vector<16xf32>
        %mul3A_583 = arith.mulf %add3A_542, %add3A_542 : vector<16xf32>
        %mul3A_584 = arith.mulf %add3A_548, %add3A_548 : vector<16xf32>
        %add3A_585 = arith.addf %mul3A_583, %mul3A_584 : vector<16xf32>
        %mul3A_586 = arith.mulf %add3A_554, %add3A_554 : vector<16xf32>
        %mul3A_587 = arith.mulf %add3A_560, %add3A_560 : vector<16xf32>
        %add3A_588 = arith.addf %mul3A_586, %mul3A_587 : vector<16xf32>
        %mul3A_589 = arith.mulf %add3A_566, %add3A_566 : vector<16xf32>
        %mul3A_590 = arith.mulf %add3A_572, %add3A_572 : vector<16xf32>
        %add3A_591 = arith.addf %mul3A_589, %mul3A_590 : vector<16xf32>
        %add3A_592 = arith.addf %add3A_582, %add3A_585 : vector<16xf32>
        %add3A_593 = arith.addf %add3A_588, %add3A_591 : vector<16xf32>
        %add3A_594 = arith.addf %add3A_592, %add3A_593 : vector<16xf32>
        %add3A_595 = arith.constant 0 : i32
        %add3A_596 = arith.addi %mul3A_287, %add3A_595 : i32
        %broadcast_in_dim3A_597 = arith.constant true
        %broadcast_in_dim3A_598 = vector.broadcast %broadcast_in_dim3A_597 : i1 to vector<16xi1>
        %masked_cumsum3A = tpu.scan <sum>, %add3A_348 masked %broadcast_in_dim3A_598 : vector<16xf32>, vector<16xi1> -> vector<16xf32>
        %broadcast_in_dim3A_599 = vector.shape_cast %broadcast_in_dim3A_78 : vector<16xi32> to vector<16x1xi32>
        %gather3A_600 = vector.shape_cast %broadcast_in_dim3A_599 : vector<16x1xi32> to vector<16xi32>
        %gather3A_601 = tpu.dynamic_gather %masked_cumsum3A[%gather3A_600] in [0] : vector<16xf32>, vector<16xi32> -> vector<16xf32>
        %mul3A_602 = vector.broadcast %scan3A_101 : f32 to vector<16xf32>
        %mul3A_603 = arith.mulf %gather3A_601, %mul3A_602 : vector<16xf32>
        %broadcast_in_dim3A_604 = arith.constant true
        %broadcast_in_dim3A_605 = vector.broadcast %broadcast_in_dim3A_604 : i1 to vector<16xi1>
        %masked_cumsum3A_606 = tpu.scan <sum>, %add3A_363 masked %broadcast_in_dim3A_605 : vector<16xf32>, vector<16xi1> -> vector<16xf32>
        %broadcast_in_dim3A_607 = vector.shape_cast %broadcast_in_dim3A_78 : vector<16xi32> to vector<16x1xi32>
        %gather3A_608 = vector.shape_cast %broadcast_in_dim3A_607 : vector<16x1xi32> to vector<16xi32>
        %gather3A_609 = tpu.dynamic_gather %masked_cumsum3A_606[%gather3A_608] in [0] : vector<16xf32>, vector<16xi32> -> vector<16xf32>
        %mul3A_610 = vector.broadcast %scan3A_101 : f32 to vector<16xf32>
        %mul3A_611 = arith.mulf %gather3A_609, %mul3A_610 : vector<16xf32>
        %mul3A_612 = arith.mulf %mul3A_603, %mul3A_603 : vector<16xf32>
        %sub3A = arith.subf %mul3A_611, %mul3A_612 : vector<16xf32>
        %add3A_613 = arith.constant 1.000000e-03 : f32
        %add3A_614 = vector.broadcast %add3A_613 : f32 to vector<16xf32>
        %add3A_615 = arith.addf %sub3A, %add3A_614 : vector<16xf32>
        %bitcast3A = vector.bitcast %add3A_615 : vector<16xf32> to vector<16xi32>
        %shift_right_arithmetic3A = arith.constant 1 : i32
        %shift_right_arithmetic3A_616 = vector.broadcast %shift_right_arithmetic3A : i32 to vector<16xi32>
        %shift_right_arithmetic3A_617 = arith.shrsi %bitcast3A, %shift_right_arithmetic3A_616 : vector<16xi32>
        %sub3A_618 = arith.constant 1597463007 : i32
        %sub3A_619 = vector.broadcast %sub3A_618 : i32 to vector<16xi32>
        %sub3A_620 = arith.subi %sub3A_619, %shift_right_arithmetic3A_617 : vector<16xi32>
        %bitcast3A_621 = vector.bitcast %sub3A_620 : vector<16xi32> to vector<16xf32>
        %mul3A_622 = arith.constant 5.000000e-01 : f32
        %mul3A_623 = vector.broadcast %mul3A_622 : f32 to vector<16xf32>
        %mul3A_624 = arith.mulf %add3A_615, %mul3A_623 : vector<16xf32>
        %mul3A_625 = arith.mulf %mul3A_624, %bitcast3A_621 : vector<16xf32>
        %mul3A_626 = arith.mulf %mul3A_625, %bitcast3A_621 : vector<16xf32>
        %sub3A_627 = arith.constant 1.500000e+00 : f32
        %sub3A_628 = vector.broadcast %sub3A_627 : f32 to vector<16xf32>
        %sub3A_629 = arith.subf %sub3A_628, %mul3A_626 : vector<16xf32>
        %mul3A_630 = arith.mulf %bitcast3A_621, %sub3A_629 : vector<16xf32>
        %mul3A_631 = arith.mulf %mul3A_624, %mul3A_630 : vector<16xf32>
        %mul3A_632 = arith.mulf %mul3A_631, %mul3A_630 : vector<16xf32>
        %sub3A_633 = arith.constant 1.500000e+00 : f32
        %sub3A_634 = vector.broadcast %sub3A_633 : f32 to vector<16xf32>
        %sub3A_635 = arith.subf %sub3A_634, %mul3A_632 : vector<16xf32>
        %mul3A_636 = arith.mulf %mul3A_630, %sub3A_635 : vector<16xf32>
        %mul3A_637 = arith.mulf %mul3A_603, %mul3A_636 : vector<16xf32>
        %sub3A_638 = arith.constant 0.000000e+00 : f32
        %sub3A_639 = vector.broadcast %sub3A_638 : f32 to vector<16xf32>
        %sub3A_640 = arith.subf %sub3A_639, %mul3A_637 : vector<16xf32>
        %mul3A_641 = arith.mulf %add3A_299, %mul3A_636 : vector<16xf32>
        %add3A_642 = arith.addf %mul3A_641, %sub3A_640 : vector<16xf32>
        %mul3A_643 = arith.mulf %add3A_642, %get3A_47 : vector<16xf32>
        %add3A_644 = arith.addf %mul3A_643, %get3A_63 : vector<16xf32>
        %swap3A = arith.index_cast %add3A_596 : i32 to index
        %swap3A_645 = arith.constant 0 : index
        %swap3A_646 = tpu.vector_load %arg14[%swap3A, %swap3A_645] {strides = array<i32>} : memref<64x128xf32, #tpu.memory_space<vmem>>, vector<16xf32>,
        tpu.vector_store %arg14[%swap3A, %swap3A_645], %add3A_644 {strides = array<i32>} : memref<64x128xf32, #tpu.memory_space<vmem>>, vector<16xf32>,
        %mul3A_647 = arith.mulf %add3A_305, %mul3A_636 : vector<16xf32>
        %add3A_648 = arith.addf %mul3A_647, %sub3A_640 : vector<16xf32>
        %mul3A_649 = arith.mulf %add3A_648, %get3A_49 : vector<16xf32>
        %add3A_650 = arith.addf %mul3A_649, %get3A_65 : vector<16xf32>
        %swap3A_651 = arith.index_cast %add3A_596 : i32 to index
        %swap3A_652 = arith.constant 16 : index
        %swap3A_653 = tpu.vector_load %arg14[%swap3A_651, %swap3A_652] {strides = array<i32>} : memref<64x128xf32, #tpu.memory_space<vmem>>, vector<16xf32>,
        tpu.vector_store %arg14[%swap3A_651, %swap3A_652], %add3A_650 {strides = array<i32>} : memref<64x128xf32, #tpu.memory_space<vmem>>, vector<16xf32>,
        %mul3A_654 = arith.mulf %add3A_311, %mul3A_636 : vector<16xf32>
        %add3A_655 = arith.addf %mul3A_654, %sub3A_640 : vector<16xf32>
        %mul3A_656 = arith.mulf %add3A_655, %get3A_51 : vector<16xf32>
        %add3A_657 = arith.addf %mul3A_656, %get3A_67 : vector<16xf32>
        %swap3A_658 = arith.index_cast %add3A_596 : i32 to index
        %swap3A_659 = arith.constant 32 : index
        %swap3A_660 = tpu.vector_load %arg14[%swap3A_658, %swap3A_659] {strides = array<i32>} : memref<64x128xf32, #tpu.memory_space<vmem>>, vector<16xf32>,
        tpu.vector_store %arg14[%swap3A_658, %swap3A_659], %add3A_657 {strides = array<i32>} : memref<64x128xf32, #tpu.memory_space<vmem>>, vector<16xf32>,
        %mul3A_661 = arith.mulf %add3A_317, %mul3A_636 : vector<16xf32>
        %add3A_662 = arith.addf %mul3A_661, %sub3A_640 : vector<16xf32>
        %mul3A_663 = arith.mulf %add3A_662, %get3A_53 : vector<16xf32>
        %add3A_664 = arith.addf %mul3A_663, %get3A_69 : vector<16xf32>
        %swap3A_665 = arith.index_cast %add3A_596 : i32 to index
        %swap3A_666 = arith.constant 48 : index
        %swap3A_667 = tpu.vector_load %arg14[%swap3A_665, %swap3A_666] {strides = array<i32>} : memref<64x128xf32, #tpu.memory_space<vmem>>, vector<16xf32>,
        tpu.vector_store %arg14[%swap3A_665, %swap3A_666], %add3A_664 {strides = array<i32>} : memref<64x128xf32, #tpu.memory_space<vmem>>, vector<16xf32>,
        %mul3A_668 = arith.mulf %add3A_323, %mul3A_636 : vector<16xf32>
        %add3A_669 = arith.addf %mul3A_668, %sub3A_640 : vector<16xf32>
        %mul3A_670 = arith.mulf %add3A_669, %get3A_55 : vector<16xf32>
        %add3A_671 = arith.addf %mul3A_670, %get3A_71 : vector<16xf32>
        %swap3A_672 = arith.index_cast %add3A_596 : i32 to index
        %swap3A_673 = arith.constant 64 : index
        %swap3A_674 = tpu.vector_load %arg14[%swap3A_672, %swap3A_673] {strides = array<i32>} : memref<64x128xf32, #tpu.memory_space<vmem>>, vector<16xf32>,
        tpu.vector_store %arg14[%swap3A_672, %swap3A_673], %add3A_671 {strides = array<i32>} : memref<64x128xf32, #tpu.memory_space<vmem>>, vector<16xf32>,
        %mul3A_675 = arith.mulf %add3A_329, %mul3A_636 : vector<16xf32>
        %add3A_676 = arith.addf %mul3A_675, %sub3A_640 : vector<16xf32>
        %mul3A_677 = arith.mulf %add3A_676, %get3A_57 : vector<16xf32>
        %add3A_678 = arith.addf %mul3A_677, %get3A_73 : vector<16xf32>
        %swap3A_679 = arith.index_cast %add3A_596 : i32 to index
        %swap3A_680 = arith.constant 80 : index
        %swap3A_681 = tpu.vector_load %arg14[%swap3A_679, %swap3A_680] {strides = array<i32>} : memref<64x128xf32, #tpu.memory_space<vmem>>, vector<16xf32>,
        tpu.vector_store %arg14[%swap3A_679, %swap3A_680], %add3A_678 {strides = array<i32>} : memref<64x128xf32, #tpu.memory_space<vmem>>, vector<16xf32>,
        %mul3A_682 = arith.mulf %add3A_335, %mul3A_636 : vector<16xf32>
        %add3A_683 = arith.addf %mul3A_682, %sub3A_640 : vector<16xf32>
        %mul3A_684 = arith.mulf %add3A_683, %get3A_59 : vector<16xf32>
        %add3A_685 = arith.addf %mul3A_684, %get3A_75 : vector<16xf32>
        %swap3A_686 = arith.index_cast %add3A_596 : i32 to index
        %swap3A_687 = arith.constant 96 : index
        %swap3A_688 = tpu.vector_load %arg14[%swap3A_686, %swap3A_687] {strides = array<i32>} : memref<64x128xf32, #tpu.memory_space<vmem>>, vector<16xf32>,
        tpu.vector_store %arg14[%swap3A_686, %swap3A_687], %add3A_685 {strides = array<i32>} : memref<64x128xf32, #tpu.memory_space<vmem>>, vector<16xf32>,
        %mul3A_689 = arith.mulf %add3A_341, %mul3A_636 : vector<16xf32>
        %add3A_690 = arith.addf %mul3A_689, %sub3A_640 : vector<16xf32>
        %mul3A_691 = arith.mulf %add3A_690, %get3A_61 : vector<16xf32>
        %add3A_692 = arith.addf %mul3A_691, %get3A_77 : vector<16xf32>
        %swap3A_693 = arith.index_cast %add3A_596 : i32 to index
        %swap3A_694 = arith.constant 112 : index
        %swap3A_695 = tpu.vector_load %arg14[%swap3A_693, %swap3A_694] {strides = array<i32>} : memref<64x128xf32, #tpu.memory_space<vmem>>, vector<16xf32>,
        tpu.vector_store %arg14[%swap3A_693, %swap3A_694], %add3A_692 {strides = array<i32>} : memref<64x128xf32, #tpu.memory_space<vmem>>, vector<16xf32>,
        %add3A_696 = arith.constant 1 : i32
        %add3A_697 = arith.addi %mul3A_287, %add3A_696 : i32
        %broadcast_in_dim3A_698 = arith.constant true
        %broadcast_in_dim3A_699 = vector.broadcast %broadcast_in_dim3A_698 : i1 to vector<16xi1>
        %masked_cumsum3A_700 = tpu.scan <sum>, %add3A_425 masked %broadcast_in_dim3A_699 : vector<16xf32>, vector<16xi1> -> vector<16xf32>
        %broadcast_in_dim3A_701 = vector.shape_cast %broadcast_in_dim3A_78 : vector<16xi32> to vector<16x1xi32>
        %gather3A_702 = vector.shape_cast %broadcast_in_dim3A_701 : vector<16x1xi32> to vector<16xi32>
        %gather3A_703 = tpu.dynamic_gather %masked_cumsum3A_700[%gather3A_702] in [0] : vector<16xf32>, vector<16xi32> -> vector<16xf32>
        %mul3A_704 = vector.broadcast %scan3A_101 : f32 to vector<16xf32>
        %mul3A_705 = arith.mulf %gather3A_703, %mul3A_704 : vector<16xf32>
        %broadcast_in_dim3A_706 = arith.constant true
        %broadcast_in_dim3A_707 = vector.broadcast %broadcast_in_dim3A_706 : i1 to vector<16xi1>
        %masked_cumsum3A_708 = tpu.scan <sum>, %add3A_440 masked %broadcast_in_dim3A_707 : vector<16xf32>, vector<16xi1> -> vector<16xf32>
        %broadcast_in_dim3A_709 = vector.shape_cast %broadcast_in_dim3A_78 : vector<16xi32> to vector<16x1xi32>
        %gather3A_710 = vector.shape_cast %broadcast_in_dim3A_709 : vector<16x1xi32> to vector<16xi32>
        %gather3A_711 = tpu.dynamic_gather %masked_cumsum3A_708[%gather3A_710] in [0] : vector<16xf32>, vector<16xi32> -> vector<16xf32>
        %mul3A_712 = vector.broadcast %scan3A_101 : f32 to vector<16xf32>
        %mul3A_713 = arith.mulf %gather3A_711, %mul3A_712 : vector<16xf32>
        %mul3A_714 = arith.mulf %mul3A_705, %mul3A_705 : vector<16xf32>
        %sub3A_715 = arith.subf %mul3A_713, %mul3A_714 : vector<16xf32>
        %add3A_716 = arith.constant 1.000000e-03 : f32
        %add3A_717 = vector.broadcast %add3A_716 : f32 to vector<16xf32>
        %add3A_718 = arith.addf %sub3A_715, %add3A_717 : vector<16xf32>
        %bitcast3A_719 = vector.bitcast %add3A_718 : vector<16xf32> to vector<16xi32>
        %shift_right_arithmetic3A_720 = arith.constant 1 : i32
        %shift_right_arithmetic3A_721 = vector.broadcast %shift_right_arithmetic3A_720 : i32 to vector<16xi32>
        %shift_right_arithmetic3A_722 = arith.shrsi %bitcast3A_719, %shift_right_arithmetic3A_721 : vector<16xi32>
        %sub3A_723 = arith.constant 1597463007 : i32
        %sub3A_724 = vector.broadcast %sub3A_723 : i32 to vector<16xi32>
        %sub3A_725 = arith.subi %sub3A_724, %shift_right_arithmetic3A_722 : vector<16xi32>
        %bitcast3A_726 = vector.bitcast %sub3A_725 : vector<16xi32> to vector<16xf32>
        %mul3A_727 = arith.constant 5.000000e-01 : f32
        %mul3A_728 = vector.broadcast %mul3A_727 : f32 to vector<16xf32>
        %mul3A_729 = arith.mulf %add3A_718, %mul3A_728 : vector<16xf32>
        %mul3A_730 = arith.mulf %mul3A_729, %bitcast3A_726 : vector<16xf32>
        %mul3A_731 = arith.mulf %mul3A_730, %bitcast3A_726 : vector<16xf32>
        %sub3A_732 = arith.constant 1.500000e+00 : f32
        %sub3A_733 = vector.broadcast %sub3A_732 : f32 to vector<16xf32>
        %sub3A_734 = arith.subf %sub3A_733, %mul3A_731 : vector<16xf32>
        %mul3A_735 = arith.mulf %bitcast3A_726, %sub3A_734 : vector<16xf32>
        %mul3A_736 = arith.mulf %mul3A_729, %mul3A_735 : vector<16xf32>
        %mul3A_737 = arith.mulf %mul3A_736, %mul3A_735 : vector<16xf32>
        %sub3A_738 = arith.constant 1.500000e+00 : f32
        %sub3A_739 = vector.broadcast %sub3A_738 : f32 to vector<16xf32>
        %sub3A_740 = arith.subf %sub3A_739, %mul3A_737 : vector<16xf32>
        %mul3A_741 = arith.mulf %mul3A_735, %sub3A_740 : vector<16xf32>
        %mul3A_742 = arith.mulf %mul3A_705, %mul3A_741 : vector<16xf32>
        %sub3A_743 = arith.constant 0.000000e+00 : f32
        %sub3A_744 = vector.broadcast %sub3A_743 : f32 to vector<16xf32>
        %sub3A_745 = arith.subf %sub3A_744, %mul3A_742 : vector<16xf32>
        %mul3A_746 = arith.mulf %add3A_376, %mul3A_741 : vector<16xf32>
        %add3A_747 = arith.addf %mul3A_746, %sub3A_745 : vector<16xf32>
        %mul3A_748 = arith.mulf %add3A_747, %get3A_47 : vector<16xf32>
        %add3A_749 = arith.addf %mul3A_748, %get3A_63 : vector<16xf32>
        %swap3A_750 = arith.index_cast %add3A_697 : i32 to index
        %swap3A_751 = arith.constant 0 : index
        %swap3A_752 = tpu.vector_load %arg14[%swap3A_750, %swap3A_751] {strides = array<i32>} : memref<64x128xf32, #tpu.memory_space<vmem>>, vector<16xf32>,
        tpu.vector_store %arg14[%swap3A_750, %swap3A_751], %add3A_749 {strides = array<i32>} : memref<64x128xf32, #tpu.memory_space<vmem>>, vector<16xf32>,
        %mul3A_753 = arith.mulf %add3A_382, %mul3A_741 : vector<16xf32>
        %add3A_754 = arith.addf %mul3A_753, %sub3A_745 : vector<16xf32>
        %mul3A_755 = arith.mulf %add3A_754, %get3A_49 : vector<16xf32>
        %add3A_756 = arith.addf %mul3A_755, %get3A_65 : vector<16xf32>
        %swap3A_757 = arith.index_cast %add3A_697 : i32 to index
        %swap3A_758 = arith.constant 16 : index
        %swap3A_759 = tpu.vector_load %arg14[%swap3A_757, %swap3A_758] {strides = array<i32>} : memref<64x128xf32, #tpu.memory_space<vmem>>, vector<16xf32>,
        tpu.vector_store %arg14[%swap3A_757, %swap3A_758], %add3A_756 {strides = array<i32>} : memref<64x128xf32, #tpu.memory_space<vmem>>, vector<16xf32>,
        %mul3A_760 = arith.mulf %add3A_388, %mul3A_741 : vector<16xf32>
        %add3A_761 = arith.addf %mul3A_760, %sub3A_745 : vector<16xf32>
        %mul3A_762 = arith.mulf %add3A_761, %get3A_51 : vector<16xf32>
        %add3A_763 = arith.addf %mul3A_762, %get3A_67 : vector<16xf32>
        %swap3A_764 = arith.index_cast %add3A_697 : i32 to index
        %swap3A_765 = arith.constant 32 : index
        %swap3A_766 = tpu.vector_load %arg14[%swap3A_764, %swap3A_765] {strides = array<i32>} : memref<64x128xf32, #tpu.memory_space<vmem>>, vector<16xf32>,
        tpu.vector_store %arg14[%swap3A_764, %swap3A_765], %add3A_763 {strides = array<i32>} : memref<64x128xf32, #tpu.memory_space<vmem>>, vector<16xf32>,
        %mul3A_767 = arith.mulf %add3A_394, %mul3A_741 : vector<16xf32>
        %add3A_768 = arith.addf %mul3A_767, %sub3A_745 : vector<16xf32>
        %mul3A_769 = arith.mulf %add3A_768, %get3A_53 : vector<16xf32>
        %add3A_770 = arith.addf %mul3A_769, %get3A_69 : vector<16xf32>
        %swap3A_771 = arith.index_cast %add3A_697 : i32 to index
        %swap3A_772 = arith.constant 48 : index
        %swap3A_773 = tpu.vector_load %arg14[%swap3A_771, %swap3A_772] {strides = array<i32>} : memref<64x128xf32, #tpu.memory_space<vmem>>, vector<16xf32>,
        tpu.vector_store %arg14[%swap3A_771, %swap3A_772], %add3A_770 {strides = array<i32>} : memref<64x128xf32, #tpu.memory_space<vmem>>, vector<16xf32>,
        %mul3A_774 = arith.mulf %add3A_400, %mul3A_741 : vector<16xf32>
        %add3A_775 = arith.addf %mul3A_774, %sub3A_745 : vector<16xf32>
        %mul3A_776 = arith.mulf %add3A_775, %get3A_55 : vector<16xf32>
        %add3A_777 = arith.addf %mul3A_776, %get3A_71 : vector<16xf32>
        %swap3A_778 = arith.index_cast %add3A_697 : i32 to index
        %swap3A_779 = arith.constant 64 : index
        %swap3A_780 = tpu.vector_load %arg14[%swap3A_778, %swap3A_779] {strides = array<i32>} : memref<64x128xf32, #tpu.memory_space<vmem>>, vector<16xf32>,
        tpu.vector_store %arg14[%swap3A_778, %swap3A_779], %add3A_777 {strides = array<i32>} : memref<64x128xf32, #tpu.memory_space<vmem>>, vector<16xf32>,
        %mul3A_781 = arith.mulf %add3A_406, %mul3A_741 : vector<16xf32>
        %add3A_782 = arith.addf %mul3A_781, %sub3A_745 : vector<16xf32>
        %mul3A_783 = arith.mulf %add3A_782, %get3A_57 : vector<16xf32>
        %add3A_784 = arith.addf %mul3A_783, %get3A_73 : vector<16xf32>
        %swap3A_785 = arith.index_cast %add3A_697 : i32 to index
        %swap3A_786 = arith.constant 80 : index
        %swap3A_787 = tpu.vector_load %arg14[%swap3A_785, %swap3A_786] {strides = array<i32>} : memref<64x128xf32, #tpu.memory_space<vmem>>, vector<16xf32>,
        tpu.vector_store %arg14[%swap3A_785, %swap3A_786], %add3A_784 {strides = array<i32>} : memref<64x128xf32, #tpu.memory_space<vmem>>, vector<16xf32>,
        %mul3A_788 = arith.mulf %add3A_412, %mul3A_741 : vector<16xf32>
        %add3A_789 = arith.addf %mul3A_788, %sub3A_745 : vector<16xf32>
        %mul3A_790 = arith.mulf %add3A_789, %get3A_59 : vector<16xf32>
        %add3A_791 = arith.addf %mul3A_790, %get3A_75 : vector<16xf32>
        %swap3A_792 = arith.index_cast %add3A_697 : i32 to index
        %swap3A_793 = arith.constant 96 : index
        %swap3A_794 = tpu.vector_load %arg14[%swap3A_792, %swap3A_793] {strides = array<i32>} : memref<64x128xf32, #tpu.memory_space<vmem>>, vector<16xf32>,
        tpu.vector_store %arg14[%swap3A_792, %swap3A_793], %add3A_791 {strides = array<i32>} : memref<64x128xf32, #tpu.memory_space<vmem>>, vector<16xf32>,
        %mul3A_795 = arith.mulf %add3A_418, %mul3A_741 : vector<16xf32>
        %add3A_796 = arith.addf %mul3A_795, %sub3A_745 : vector<16xf32>
        %mul3A_797 = arith.mulf %add3A_796, %get3A_61 : vector<16xf32>
        %add3A_798 = arith.addf %mul3A_797, %get3A_77 : vector<16xf32>
        %swap3A_799 = arith.index_cast %add3A_697 : i32 to index
        %swap3A_800 = arith.constant 112 : index
        %swap3A_801 = tpu.vector_load %arg14[%swap3A_799, %swap3A_800] {strides = array<i32>} : memref<64x128xf32, #tpu.memory_space<vmem>>, vector<16xf32>,
        tpu.vector_store %arg14[%swap3A_799, %swap3A_800], %add3A_798 {strides = array<i32>} : memref<64x128xf32, #tpu.memory_space<vmem>>, vector<16xf32>,
        %add3A_802 = arith.constant 2 : i32
        %add3A_803 = arith.addi %mul3A_287, %add3A_802 : i32
        %broadcast_in_dim3A_804 = arith.constant true
        %broadcast_in_dim3A_805 = vector.broadcast %broadcast_in_dim3A_804 : i1 to vector<16xi1>
        %masked_cumsum3A_806 = tpu.scan <sum>, %add3A_502 masked %broadcast_in_dim3A_805 : vector<16xf32>, vector<16xi1> -> vector<16xf32>
        %broadcast_in_dim3A_807 = vector.shape_cast %broadcast_in_dim3A_78 : vector<16xi32> to vector<16x1xi32>
        %gather3A_808 = vector.shape_cast %broadcast_in_dim3A_807 : vector<16x1xi32> to vector<16xi32>
        %gather3A_809 = tpu.dynamic_gather %masked_cumsum3A_806[%gather3A_808] in [0] : vector<16xf32>, vector<16xi32> -> vector<16xf32>
        %mul3A_810 = vector.broadcast %scan3A_101 : f32 to vector<16xf32>
        %mul3A_811 = arith.mulf %gather3A_809, %mul3A_810 : vector<16xf32>
        %broadcast_in_dim3A_812 = arith.constant true
        %broadcast_in_dim3A_813 = vector.broadcast %broadcast_in_dim3A_812 : i1 to vector<16xi1>
        %masked_cumsum3A_814 = tpu.scan <sum>, %add3A_517 masked %broadcast_in_dim3A_813 : vector<16xf32>, vector<16xi1> -> vector<16xf32>
        %broadcast_in_dim3A_815 = vector.shape_cast %broadcast_in_dim3A_78 : vector<16xi32> to vector<16x1xi32>
        %gather3A_816 = vector.shape_cast %broadcast_in_dim3A_815 : vector<16x1xi32> to vector<16xi32>
        %gather3A_817 = tpu.dynamic_gather %masked_cumsum3A_814[%gather3A_816] in [0] : vector<16xf32>, vector<16xi32> -> vector<16xf32>
        %mul3A_818 = vector.broadcast %scan3A_101 : f32 to vector<16xf32>
        %mul3A_819 = arith.mulf %gather3A_817, %mul3A_818 : vector<16xf32>
        %mul3A_820 = arith.mulf %mul3A_811, %mul3A_811 : vector<16xf32>
        %sub3A_821 = arith.subf %mul3A_819, %mul3A_820 : vector<16xf32>
        %add3A_822 = arith.constant 1.000000e-03 : f32
        %add3A_823 = vector.broadcast %add3A_822 : f32 to vector<16xf32>
        %add3A_824 = arith.addf %sub3A_821, %add3A_823 : vector<16xf32>
        %bitcast3A_825 = vector.bitcast %add3A_824 : vector<16xf32> to vector<16xi32>
        %shift_right_arithmetic3A_826 = arith.constant 1 : i32
        %shift_right_arithmetic3A_827 = vector.broadcast %shift_right_arithmetic3A_826 : i32 to vector<16xi32>
        %shift_right_arithmetic3A_828 = arith.shrsi %bitcast3A_825, %shift_right_arithmetic3A_827 : vector<16xi32>
        %sub3A_829 = arith.constant 1597463007 : i32
        %sub3A_830 = vector.broadcast %sub3A_829 : i32 to vector<16xi32>
        %sub3A_831 = arith.subi %sub3A_830, %shift_right_arithmetic3A_828 : vector<16xi32>
        %bitcast3A_832 = vector.bitcast %sub3A_831 : vector<16xi32> to vector<16xf32>
        %mul3A_833 = arith.constant 5.000000e-01 : f32
        %mul3A_834 = vector.broadcast %mul3A_833 : f32 to vector<16xf32>
        %mul3A_835 = arith.mulf %add3A_824, %mul3A_834 : vector<16xf32>
        %mul3A_836 = arith.mulf %mul3A_835, %bitcast3A_832 : vector<16xf32>
        %mul3A_837 = arith.mulf %mul3A_836, %bitcast3A_832 : vector<16xf32>
        %sub3A_838 = arith.constant 1.500000e+00 : f32
        %sub3A_839 = vector.broadcast %sub3A_838 : f32 to vector<16xf32>
        %sub3A_840 = arith.subf %sub3A_839, %mul3A_837 : vector<16xf32>
        %mul3A_841 = arith.mulf %bitcast3A_832, %sub3A_840 : vector<16xf32>
        %mul3A_842 = arith.mulf %mul3A_835, %mul3A_841 : vector<16xf32>
        %mul3A_843 = arith.mulf %mul3A_842, %mul3A_841 : vector<16xf32>
        %sub3A_844 = arith.constant 1.500000e+00 : f32
        %sub3A_845 = vector.broadcast %sub3A_844 : f32 to vector<16xf32>
        %sub3A_846 = arith.subf %sub3A_845, %mul3A_843 : vector<16xf32>
        %mul3A_847 = arith.mulf %mul3A_841, %sub3A_846 : vector<16xf32>
        %mul3A_848 = arith.mulf %mul3A_811, %mul3A_847 : vector<16xf32>
        %sub3A_849 = arith.constant 0.000000e+00 : f32
        %sub3A_850 = vector.broadcast %sub3A_849 : f32 to vector<16xf32>
        %sub3A_851 = arith.subf %sub3A_850, %mul3A_848 : vector<16xf32>
        %mul3A_852 = arith.mulf %add3A_453, %mul3A_847 : vector<16xf32>
        %add3A_853 = arith.addf %mul3A_852, %sub3A_851 : vector<16xf32>
        %mul3A_854 = arith.mulf %add3A_853, %get3A_47 : vector<16xf32>
        %add3A_855 = arith.addf %mul3A_854, %get3A_63 : vector<16xf32>
        %swap3A_856 = arith.index_cast %add3A_803 : i32 to index
        %swap3A_857 = arith.constant 0 : index
        %swap3A_858 = tpu.vector_load %arg14[%swap3A_856, %swap3A_857] {strides = array<i32>} : memref<64x128xf32, #tpu.memory_space<vmem>>, vector<16xf32>,
        tpu.vector_store %arg14[%swap3A_856, %swap3A_857], %add3A_855 {strides = array<i32>} : memref<64x128xf32, #tpu.memory_space<vmem>>, vector<16xf32>,
        %mul3A_859 = arith.mulf %add3A_459, %mul3A_847 : vector<16xf32>
        %add3A_860 = arith.addf %mul3A_859, %sub3A_851 : vector<16xf32>
        %mul3A_861 = arith.mulf %add3A_860, %get3A_49 : vector<16xf32>
        %add3A_862 = arith.addf %mul3A_861, %get3A_65 : vector<16xf32>
        %swap3A_863 = arith.index_cast %add3A_803 : i32 to index
        %swap3A_864 = arith.constant 16 : index
        %swap3A_865 = tpu.vector_load %arg14[%swap3A_863, %swap3A_864] {strides = array<i32>} : memref<64x128xf32, #tpu.memory_space<vmem>>, vector<16xf32>,
        tpu.vector_store %arg14[%swap3A_863, %swap3A_864], %add3A_862 {strides = array<i32>} : memref<64x128xf32, #tpu.memory_space<vmem>>, vector<16xf32>,
        %mul3A_866 = arith.mulf %add3A_465, %mul3A_847 : vector<16xf32>
        %add3A_867 = arith.addf %mul3A_866, %sub3A_851 : vector<16xf32>
        %mul3A_868 = arith.mulf %add3A_867, %get3A_51 : vector<16xf32>
        %add3A_869 = arith.addf %mul3A_868, %get3A_67 : vector<16xf32>
        %swap3A_870 = arith.index_cast %add3A_803 : i32 to index
        %swap3A_871 = arith.constant 32 : index
        %swap3A_872 = tpu.vector_load %arg14[%swap3A_870, %swap3A_871] {strides = array<i32>} : memref<64x128xf32, #tpu.memory_space<vmem>>, vector<16xf32>,
        tpu.vector_store %arg14[%swap3A_870, %swap3A_871], %add3A_869 {strides = array<i32>} : memref<64x128xf32, #tpu.memory_space<vmem>>, vector<16xf32>,
        %mul3A_873 = arith.mulf %add3A_471, %mul3A_847 : vector<16xf32>
        %add3A_874 = arith.addf %mul3A_873, %sub3A_851 : vector<16xf32>
        %mul3A_875 = arith.mulf %add3A_874, %get3A_53 : vector<16xf32>
        %add3A_876 = arith.addf %mul3A_875, %get3A_69 : vector<16xf32>
        %swap3A_877 = arith.index_cast %add3A_803 : i32 to index
        %swap3A_878 = arith.constant 48 : index
        %swap3A_879 = tpu.vector_load %arg14[%swap3A_877, %swap3A_878] {strides = array<i32>} : memref<64x128xf32, #tpu.memory_space<vmem>>, vector<16xf32>,
        tpu.vector_store %arg14[%swap3A_877, %swap3A_878], %add3A_876 {strides = array<i32>} : memref<64x128xf32, #tpu.memory_space<vmem>>, vector<16xf32>,
        %mul3A_880 = arith.mulf %add3A_477, %mul3A_847 : vector<16xf32>
        %add3A_881 = arith.addf %mul3A_880, %sub3A_851 : vector<16xf32>
        %mul3A_882 = arith.mulf %add3A_881, %get3A_55 : vector<16xf32>
        %add3A_883 = arith.addf %mul3A_882, %get3A_71 : vector<16xf32>
        %swap3A_884 = arith.index_cast %add3A_803 : i32 to index
        %swap3A_885 = arith.constant 64 : index
        %swap3A_886 = tpu.vector_load %arg14[%swap3A_884, %swap3A_885] {strides = array<i32>} : memref<64x128xf32, #tpu.memory_space<vmem>>, vector<16xf32>,
        tpu.vector_store %arg14[%swap3A_884, %swap3A_885], %add3A_883 {strides = array<i32>} : memref<64x128xf32, #tpu.memory_space<vmem>>, vector<16xf32>,
        %mul3A_887 = arith.mulf %add3A_483, %mul3A_847 : vector<16xf32>
        %add3A_888 = arith.addf %mul3A_887, %sub3A_851 : vector<16xf32>
        %mul3A_889 = arith.mulf %add3A_888, %get3A_57 : vector<16xf32>
        %add3A_890 = arith.addf %mul3A_889, %get3A_73 : vector<16xf32>
        %swap3A_891 = arith.index_cast %add3A_803 : i32 to index
        %swap3A_892 = arith.constant 80 : index
        %swap3A_893 = tpu.vector_load %arg14[%swap3A_891, %swap3A_892] {strides = array<i32>} : memref<64x128xf32, #tpu.memory_space<vmem>>, vector<16xf32>,
        tpu.vector_store %arg14[%swap3A_891, %swap3A_892], %add3A_890 {strides = array<i32>} : memref<64x128xf32, #tpu.memory_space<vmem>>, vector<16xf32>,
        %mul3A_894 = arith.mulf %add3A_489, %mul3A_847 : vector<16xf32>
        %add3A_895 = arith.addf %mul3A_894, %sub3A_851 : vector<16xf32>
        %mul3A_896 = arith.mulf %add3A_895, %get3A_59 : vector<16xf32>
        %add3A_897 = arith.addf %mul3A_896, %get3A_75 : vector<16xf32>
        %swap3A_898 = arith.index_cast %add3A_803 : i32 to index
        %swap3A_899 = arith.constant 96 : index
        %swap3A_900 = tpu.vector_load %arg14[%swap3A_898, %swap3A_899] {strides = array<i32>} : memref<64x128xf32, #tpu.memory_space<vmem>>, vector<16xf32>,
        tpu.vector_store %arg14[%swap3A_898, %swap3A_899], %add3A_897 {strides = array<i32>} : memref<64x128xf32, #tpu.memory_space<vmem>>, vector<16xf32>,
        %mul3A_901 = arith.mulf %add3A_495, %mul3A_847 : vector<16xf32>
        %add3A_902 = arith.addf %mul3A_901, %sub3A_851 : vector<16xf32>
        %mul3A_903 = arith.mulf %add3A_902, %get3A_61 : vector<16xf32>
        %add3A_904 = arith.addf %mul3A_903, %get3A_77 : vector<16xf32>
        %swap3A_905 = arith.index_cast %add3A_803 : i32 to index
        %swap3A_906 = arith.constant 112 : index
        %swap3A_907 = tpu.vector_load %arg14[%swap3A_905, %swap3A_906] {strides = array<i32>} : memref<64x128xf32, #tpu.memory_space<vmem>>, vector<16xf32>,
        tpu.vector_store %arg14[%swap3A_905, %swap3A_906], %add3A_904 {strides = array<i32>} : memref<64x128xf32, #tpu.memory_space<vmem>>, vector<16xf32>,
        %add3A_908 = arith.constant 3 : i32
        %add3A_909 = arith.addi %mul3A_287, %add3A_908 : i32
        %broadcast_in_dim3A_910 = arith.constant true
        %broadcast_in_dim3A_911 = vector.broadcast %broadcast_in_dim3A_910 : i1 to vector<16xi1>
        %masked_cumsum3A_912 = tpu.scan <sum>, %add3A_579 masked %broadcast_in_dim3A_911 : vector<16xf32>, vector<16xi1> -> vector<16xf32>
        %broadcast_in_dim3A_913 = vector.shape_cast %broadcast_in_dim3A_78 : vector<16xi32> to vector<16x1xi32>
        %gather3A_914 = vector.shape_cast %broadcast_in_dim3A_913 : vector<16x1xi32> to vector<16xi32>
        %gather3A_915 = tpu.dynamic_gather %masked_cumsum3A_912[%gather3A_914] in [0] : vector<16xf32>, vector<16xi32> -> vector<16xf32>
        %mul3A_916 = vector.broadcast %scan3A_101 : f32 to vector<16xf32>
        %mul3A_917 = arith.mulf %gather3A_915, %mul3A_916 : vector<16xf32>
        %broadcast_in_dim3A_918 = arith.constant true
        %broadcast_in_dim3A_919 = vector.broadcast %broadcast_in_dim3A_918 : i1 to vector<16xi1>
        %masked_cumsum3A_920 = tpu.scan <sum>, %add3A_594 masked %broadcast_in_dim3A_919 : vector<16xf32>, vector<16xi1> -> vector<16xf32>
        %broadcast_in_dim3A_921 = vector.shape_cast %broadcast_in_dim3A_78 : vector<16xi32> to vector<16x1xi32>
        %gather3A_922 = vector.shape_cast %broadcast_in_dim3A_921 : vector<16x1xi32> to vector<16xi32>
        %gather3A_923 = tpu.dynamic_gather %masked_cumsum3A_920[%gather3A_922] in [0] : vector<16xf32>, vector<16xi32> -> vector<16xf32>
        %mul3A_924 = vector.broadcast %scan3A_101 : f32 to vector<16xf32>
        %mul3A_925 = arith.mulf %gather3A_923, %mul3A_924 : vector<16xf32>
        %mul3A_926 = arith.mulf %mul3A_917, %mul3A_917 : vector<16xf32>
        %sub3A_927 = arith.subf %mul3A_925, %mul3A_926 : vector<16xf32>
        %add3A_928 = arith.constant 1.000000e-03 : f32
        %add3A_929 = vector.broadcast %add3A_928 : f32 to vector<16xf32>
        %add3A_930 = arith.addf %sub3A_927, %add3A_929 : vector<16xf32>
        %bitcast3A_931 = vector.bitcast %add3A_930 : vector<16xf32> to vector<16xi32>
        %shift_right_arithmetic3A_932 = arith.constant 1 : i32
        %shift_right_arithmetic3A_933 = vector.broadcast %shift_right_arithmetic3A_932 : i32 to vector<16xi32>
        %shift_right_arithmetic3A_934 = arith.shrsi %bitcast3A_931, %shift_right_arithmetic3A_933 : vector<16xi32>
        %sub3A_935 = arith.constant 1597463007 : i32
        %sub3A_936 = vector.broadcast %sub3A_935 : i32 to vector<16xi32>
        %sub3A_937 = arith.subi %sub3A_936, %shift_right_arithmetic3A_934 : vector<16xi32>
        %bitcast3A_938 = vector.bitcast %sub3A_937 : vector<16xi32> to vector<16xf32>
        %mul3A_939 = arith.constant 5.000000e-01 : f32
        %mul3A_940 = vector.broadcast %mul3A_939 : f32 to vector<16xf32>
        %mul3A_941 = arith.mulf %add3A_930, %mul3A_940 : vector<16xf32>
        %mul3A_942 = arith.mulf %mul3A_941, %bitcast3A_938 : vector<16xf32>
        %mul3A_943 = arith.mulf %mul3A_942, %bitcast3A_938 : vector<16xf32>
        %sub3A_944 = arith.constant 1.500000e+00 : f32
        %sub3A_945 = vector.broadcast %sub3A_944 : f32 to vector<16xf32>
        %sub3A_946 = arith.subf %sub3A_945, %mul3A_943 : vector<16xf32>
        %mul3A_947 = arith.mulf %bitcast3A_938, %sub3A_946 : vector<16xf32>
        %mul3A_948 = arith.mulf %mul3A_941, %mul3A_947 : vector<16xf32>
        %mul3A_949 = arith.mulf %mul3A_948, %mul3A_947 : vector<16xf32>
        %sub3A_950 = arith.constant 1.500000e+00 : f32
        %sub3A_951 = vector.broadcast %sub3A_950 : f32 to vector<16xf32>
        %sub3A_952 = arith.subf %sub3A_951, %mul3A_949 : vector<16xf32>
        %mul3A_953 = arith.mulf %mul3A_947, %sub3A_952 : vector<16xf32>
        %mul3A_954 = arith.mulf %mul3A_917, %mul3A_953 : vector<16xf32>
        %sub3A_955 = arith.constant 0.000000e+00 : f32
        %sub3A_956 = vector.broadcast %sub3A_955 : f32 to vector<16xf32>
        %sub3A_957 = arith.subf %sub3A_956, %mul3A_954 : vector<16xf32>
        %mul3A_958 = arith.mulf %add3A_530, %mul3A_953 : vector<16xf32>
        %add3A_959 = arith.addf %mul3A_958, %sub3A_957 : vector<16xf32>
        %mul3A_960 = arith.mulf %add3A_959, %get3A_47 : vector<16xf32>
        %add3A_961 = arith.addf %mul3A_960, %get3A_63 : vector<16xf32>
        %swap3A_962 = arith.index_cast %add3A_909 : i32 to index
        %swap3A_963 = arith.constant 0 : index
        %swap3A_964 = tpu.vector_load %arg14[%swap3A_962, %swap3A_963] {strides = array<i32>} : memref<64x128xf32, #tpu.memory_space<vmem>>, vector<16xf32>,
        tpu.vector_store %arg14[%swap3A_962, %swap3A_963], %add3A_961 {strides = array<i32>} : memref<64x128xf32, #tpu.memory_space<vmem>>, vector<16xf32>,
        %mul3A_965 = arith.mulf %add3A_536, %mul3A_953 : vector<16xf32>
        %add3A_966 = arith.addf %mul3A_965, %sub3A_957 : vector<16xf32>
        %mul3A_967 = arith.mulf %add3A_966, %get3A_49 : vector<16xf32>
        %add3A_968 = arith.addf %mul3A_967, %get3A_65 : vector<16xf32>
        %swap3A_969 = arith.index_cast %add3A_909 : i32 to index
        %swap3A_970 = arith.constant 16 : index
        %swap3A_971 = tpu.vector_load %arg14[%swap3A_969, %swap3A_970] {strides = array<i32>} : memref<64x128xf32, #tpu.memory_space<vmem>>, vector<16xf32>,
        tpu.vector_store %arg14[%swap3A_969, %swap3A_970], %add3A_968 {strides = array<i32>} : memref<64x128xf32, #tpu.memory_space<vmem>>, vector<16xf32>,
        %mul3A_972 = arith.mulf %add3A_542, %mul3A_953 : vector<16xf32>
        %add3A_973 = arith.addf %mul3A_972, %sub3A_957 : vector<16xf32>
        %mul3A_974 = arith.mulf %add3A_973, %get3A_51 : vector<16xf32>
        %add3A_975 = arith.addf %mul3A_974, %get3A_67 : vector<16xf32>
        %swap3A_976 = arith.index_cast %add3A_909 : i32 to index
        %swap3A_977 = arith.constant 32 : index
        %swap3A_978 = tpu.vector_load %arg14[%swap3A_976, %swap3A_977] {strides = array<i32>} : memref<64x128xf32, #tpu.memory_space<vmem>>, vector<16xf32>,
        tpu.vector_store %arg14[%swap3A_976, %swap3A_977], %add3A_975 {strides = array<i32>} : memref<64x128xf32, #tpu.memory_space<vmem>>, vector<16xf32>,
        %mul3A_979 = arith.mulf %add3A_548, %mul3A_953 : vector<16xf32>
        %add3A_980 = arith.addf %mul3A_979, %sub3A_957 : vector<16xf32>
        %mul3A_981 = arith.mulf %add3A_980, %get3A_53 : vector<16xf32>
        %add3A_982 = arith.addf %mul3A_981, %get3A_69 : vector<16xf32>
        %swap3A_983 = arith.index_cast %add3A_909 : i32 to index
        %swap3A_984 = arith.constant 48 : index
        %swap3A_985 = tpu.vector_load %arg14[%swap3A_983, %swap3A_984] {strides = array<i32>} : memref<64x128xf32, #tpu.memory_space<vmem>>, vector<16xf32>,
        tpu.vector_store %arg14[%swap3A_983, %swap3A_984], %add3A_982 {strides = array<i32>} : memref<64x128xf32, #tpu.memory_space<vmem>>, vector<16xf32>,
        %mul3A_986 = arith.mulf %add3A_554, %mul3A_953 : vector<16xf32>
        %add3A_987 = arith.addf %mul3A_986, %sub3A_957 : vector<16xf32>
        %mul3A_988 = arith.mulf %add3A_987, %get3A_55 : vector<16xf32>
        %add3A_989 = arith.addf %mul3A_988, %get3A_71 : vector<16xf32>
        %swap3A_990 = arith.index_cast %add3A_909 : i32 to index
        %swap3A_991 = arith.constant 64 : index
        %swap3A_992 = tpu.vector_load %arg14[%swap3A_990, %swap3A_991] {strides = array<i32>} : memref<64x128xf32, #tpu.memory_space<vmem>>, vector<16xf32>,
        tpu.vector_store %arg14[%swap3A_990, %swap3A_991], %add3A_989 {strides = array<i32>} : memref<64x128xf32, #tpu.memory_space<vmem>>, vector<16xf32>,
        %mul3A_993 = arith.mulf %add3A_560, %mul3A_953 : vector<16xf32>
        %add3A_994 = arith.addf %mul3A_993, %sub3A_957 : vector<16xf32>
        %mul3A_995 = arith.mulf %add3A_994, %get3A_57 : vector<16xf32>
        %add3A_996 = arith.addf %mul3A_995, %get3A_73 : vector<16xf32>
        %swap3A_997 = arith.index_cast %add3A_909 : i32 to index
        %swap3A_998 = arith.constant 80 : index
        %swap3A_999 = tpu.vector_load %arg14[%swap3A_997, %swap3A_998] {strides = array<i32>} : memref<64x128xf32, #tpu.memory_space<vmem>>, vector<16xf32>,
        tpu.vector_store %arg14[%swap3A_997, %swap3A_998], %add3A_996 {strides = array<i32>} : memref<64x128xf32, #tpu.memory_space<vmem>>, vector<16xf32>,
        %mul3A_1000 = arith.mulf %add3A_566, %mul3A_953 : vector<16xf32>
        %add3A_1001 = arith.addf %mul3A_1000, %sub3A_957 : vector<16xf32>
        %mul3A_1002 = arith.mulf %add3A_1001, %get3A_59 : vector<16xf32>
        %add3A_1003 = arith.addf %mul3A_1002, %get3A_75 : vector<16xf32>
        %swap3A_1004 = arith.index_cast %add3A_909 : i32 to index
        %swap3A_1005 = arith.constant 96 : index
        %swap3A_1006 = tpu.vector_load %arg14[%swap3A_1004, %swap3A_1005] {strides = array<i32>} : memref<64x128xf32, #tpu.memory_space<vmem>>, vector<16xf32>,
        tpu.vector_store %arg14[%swap3A_1004, %swap3A_1005], %add3A_1003 {strides = array<i32>} : memref<64x128xf32, #tpu.memory_space<vmem>>, vector<16xf32>,
        %mul3A_1007 = arith.mulf %add3A_572, %mul3A_953 : vector<16xf32>
        %add3A_1008 = arith.addf %mul3A_1007, %sub3A_957 : vector<16xf32>
        %mul3A_1009 = arith.mulf %add3A_1008, %get3A_61 : vector<16xf32>
        %add3A_1010 = arith.addf %mul3A_1009, %get3A_77 : vector<16xf32>
        %swap3A_1011 = arith.index_cast %add3A_909 : i32 to index
        %swap3A_1012 = arith.constant 112 : index
        %swap3A_1013 = tpu.vector_load %arg14[%swap3A_1011, %swap3A_1012] {strides = array<i32>} : memref<64x128xf32, #tpu.memory_space<vmem>>, vector<16xf32>,
        tpu.vector_store %arg14[%swap3A_1011, %swap3A_1012], %add3A_1010 {strides = array<i32>} : memref<64x128xf32, #tpu.memory_space<vmem>>, vector<16xf32>,
      }
      %scan3A_247 = arith.constant 16 : i32
      %mul3A_248 = arith.constant 64 : i32
      %mul3A_249 = arith.muli %add3A_228, %mul3A_248 : i32
      %add3A_250 = arith.addi %mul3A_2, %mul3A_249 : i32
      %dma_start3A_251 = arith.constant 0 : i32
      %dma_start3A_252 = tpu.memref_slice %arg9[%add3A_250, %dma_start3A_251] : memref<204800x128xf32, #tpu.memory_space<hbm>> -> memref<64x128xf32, #tpu.memory_space<hbm>>
      %dma_start3A_253 = arith.constant 0 : i32
      %dma_start3A_254 = tpu.memref_slice %arg9[%add3A_250, %dma_start3A_253] : memref<204800x128xf32, #tpu.memory_space<hbm>> -> memref<64x128xf32, #tpu.memory_space<hbm>>
      tpu.enqueue_dma source(%arg14 : memref<64x128xf32, #tpu.memory_space<vmem>>) target(%dma_start3A_254 : memref<64x128xf32, #tpu.memory_space<hbm>>) target_semaphore(%arg22 : memref<!tpu.dma_semaphore, #tpu.memory_space<semaphore_mem>>)
      %mul3A_255 = arith.constant 5 : i32
      %mul3A_256 = arith.muli %mul3A_255, %scan3A_137 : i32
      %add3A_257 = arith.constant 4 : i32
      %add3A_258 = arith.addi %mul3A_256, %add3A_257 : i32
      %dma_wait3A_259 = arith.constant 0 : i32
      %dma_wait3A_260 = arith.constant 0 : i32
      %dma_wait3A_261 = tpu.memref_slice %arg4[%dma_wait3A_259, %dma_wait3A_260] : memref<1000000x128xf32, #tpu.memory_space<hbm>> -> memref<64x128xf32, #tpu.memory_space<hbm>>
      %dma_wait3A_262 = arith.constant 0 : i32
      %dma_wait3A_263 = arith.constant 0 : i32
      %dma_wait3A_264 = tpu.memref_slice %arg4[%dma_wait3A_262, %dma_wait3A_263] : memref<1000000x128xf32, #tpu.memory_space<hbm>> -> memref<64x128xf32, #tpu.memory_space<hbm>>
      tpu.wait_dma2 semaphore(%arg21 : memref<!tpu.dma_semaphore, #tpu.memory_space<semaphore_mem>>) src(%dma_wait3A_264 : memref<64x128xf32, #tpu.memory_space<hbm>>) dst(%arg15 : memref<64x128xf32, #tpu.memory_space<vmem>>)
      %add3A_265 = arith.constant 3 : i32
      %add3A_266 = arith.addi %add3A_258, %add3A_265 : i32
      %lt3A_267 = arith.constant 100 : i32
      %lt3A_268 = arith.cmpi slt, %add3A_266, %lt3A_267 : i32
      %convert_element_type3A_269 = arith.extui %lt3A_268 : i1 to i32
      %cond3A_270 = arith.constant 0 : i32
      %cond3A_271 = arith.cmpi ne, %convert_element_type3A_269, %cond3A_270 : i32
      scf.if %cond3A_271 {
        %ge3A = arith.constant 2 : i32
        %ge3A_285 = arith.cmpi sge, %add3A_258, %ge3A : i32
        %convert_element_type3A_286 = arith.extui %ge3A_285 : i1 to i32
        %cond3A_287 = arith.constant 0 : i32
        %cond3A_288 = arith.cmpi ne, %convert_element_type3A_286, %cond3A_287 : i32
        scf.if %cond3A_288 {
          %dma_wait3A_297 = arith.constant 0 : i32
          %dma_wait3A_298 = arith.constant 0 : i32
          %dma_wait3A_299 = tpu.memref_slice %arg9[%dma_wait3A_297, %dma_wait3A_298] : memref<204800x128xf32, #tpu.memory_space<hbm>> -> memref<64x128xf32, #tpu.memory_space<hbm>>
          %dma_wait3A_300 = arith.constant 0 : i32
          %dma_wait3A_301 = arith.constant 0 : i32
          %dma_wait3A_302 = tpu.memref_slice %arg9[%dma_wait3A_300, %dma_wait3A_301] : memref<204800x128xf32, #tpu.memory_space<hbm>> -> memref<64x128xf32, #tpu.memory_space<hbm>>
          tpu.wait_dma2 semaphore(%arg22 : memref<!tpu.dma_semaphore, #tpu.memory_space<semaphore_mem>>) src(%arg13 : memref<64x128xf32, #tpu.memory_space<vmem>>) dst(%dma_wait3A_302 : memref<64x128xf32, #tpu.memory_space<hbm>>)
        } else {
        }
        %add3A_289 = arith.constant 3 : i32
        %add3A_290 = arith.addi %add3A_258, %add3A_289 : i32
        %dma_start3A_291 = arith.constant 0 : i32
        %dma_start3A_292 = tpu.memref_slice %arg16[%add3A_290, %dma_start3A_291] : memref<100x64xi32, #tpu.memory_space<vmem>> -> memref<1x64xi32, #tpu.memory_space<vmem>>
        %dma_start3A_293 = tpu.memref_squeeze %dma_start3A_292 : memref<1x64xi32, #tpu.memory_space<vmem>> -> memref<64xi32, #tpu.memory_space<vmem>>
        %dma_start3A_294 = arith.constant 0 : i32
        %dma_start3A_295 = arith.constant 0 : i32
        %dma_start3A_296 = tpu.memref_slice %arg4[%dma_start3A_294, %dma_start3A_295] : memref<1000000x128xf32, #tpu.memory_space<hbm>> -> memref<1000000x128xf32, #tpu.memory_space<hbm>>
        tpu.enqueue_indirect_dma source(%dma_start3A_296 : memref<1000000x128xf32, #tpu.memory_space<hbm>>) target(%arg13 : memref<64x128xf32, #tpu.memory_space<vmem>>) offsets(%dma_start3A_293 : memref<64xi32, #tpu.memory_space<vmem>>) semaphore(%arg21 : memref<!tpu.dma_semaphore, #tpu.memory_space<semaphore_mem>>)
      } else {
      }
      %scan3A_272 = arith.constant 0 : i32
      %scan3A_273 = arith.constant 0 : i32
      %scan3A_274 = arith.constant 16 : i32
      %scan3A_275 = arith.addi %scan3A_273, %scan3A_274 : i32
      %scan3A_276 = arith.constant 1 : i32
      scf.for %scan3A_285 = %scan3A_273 to %scan3A_275 step %scan3A_276  : i32 {
        %mul3A_286 = arith.constant 4 : i32
        %mul3A_287 = arith.muli %scan3A_285, %mul3A_286 : i32
        %add3A_288 = arith.constant 0 : i32
        %add3A_289 = arith.addi %mul3A_287, %add3A_288 : i32
        %mul3A_290 = arith.constant 64 : i32
        %mul3A_291 = arith.muli %add3A_258, %mul3A_290 : i32
        %add3A_292 = arith.addi %mul3A_291, %add3A_289 : i32
        %broadcast_in_dim3A_293 = vector.broadcast %add3A_292 : i32 to vector<16xi32>
        %gather3A = tpu.vector_load_idx %arg17[%broadcast_in_dim3A_293] : memref<6400xi32, #tpu.memory_space<vmem>>[vector<16xi32>], vector<16xi32>,
        %get3A_294 = arith.index_cast %add3A_289 : i32 to index
        %get3A_295 = arith.constant 0 : index
        %get3A_296 = tpu.vector_load %arg15[%get3A_294, %get3A_295] {strides = array<i32>} : memref<64x128xf32, #tpu.memory_space<vmem>>, vector<16xf32>,
        %add3A_297 = arith.addi %gather3A, %add3A_18 : vector<16xi32>
        %gather3A_298 = tpu.vector_load_idx %arg10[%add3A_297] : memref<51200xf32, #tpu.memory_space<vmem>>[vector<16xi32>], vector<16xf32>,
        %add3A_299 = arith.addf %get3A_296, %gather3A_298 : vector<16xf32>
        %get3A_300 = arith.index_cast %add3A_289 : i32 to index
        %get3A_301 = arith.constant 16 : index
        %get3A_302 = tpu.vector_load %arg15[%get3A_300, %get3A_301] {strides = array<i32>} : memref<64x128xf32, #tpu.memory_space<vmem>>, vector<16xf32>,
        %add3A_303 = arith.addi %gather3A, %add3A_22 : vector<16xi32>
        %gather3A_304 = tpu.vector_load_idx %arg10[%add3A_303] : memref<51200xf32, #tpu.memory_space<vmem>>[vector<16xi32>], vector<16xf32>,
        %add3A_305 = arith.addf %get3A_302, %gather3A_304 : vector<16xf32>
        %get3A_306 = arith.index_cast %add3A_289 : i32 to index
        %get3A_307 = arith.constant 32 : index
        %get3A_308 = tpu.vector_load %arg15[%get3A_306, %get3A_307] {strides = array<i32>} : memref<64x128xf32, #tpu.memory_space<vmem>>, vector<16xf32>,
        %add3A_309 = arith.addi %gather3A, %add3A_26 : vector<16xi32>
        %gather3A_310 = tpu.vector_load_idx %arg10[%add3A_309] : memref<51200xf32, #tpu.memory_space<vmem>>[vector<16xi32>], vector<16xf32>,
        %add3A_311 = arith.addf %get3A_308, %gather3A_310 : vector<16xf32>
        %get3A_312 = arith.index_cast %add3A_289 : i32 to index
        %get3A_313 = arith.constant 48 : index
        %get3A_314 = tpu.vector_load %arg15[%get3A_312, %get3A_313] {strides = array<i32>} : memref<64x128xf32, #tpu.memory_space<vmem>>, vector<16xf32>,
        %add3A_315 = arith.addi %gather3A, %add3A_30 : vector<16xi32>
        %gather3A_316 = tpu.vector_load_idx %arg10[%add3A_315] : memref<51200xf32, #tpu.memory_space<vmem>>[vector<16xi32>], vector<16xf32>,
        %add3A_317 = arith.addf %get3A_314, %gather3A_316 : vector<16xf32>
        %get3A_318 = arith.index_cast %add3A_289 : i32 to index
        %get3A_319 = arith.constant 64 : index
        %get3A_320 = tpu.vector_load %arg15[%get3A_318, %get3A_319] {strides = array<i32>} : memref<64x128xf32, #tpu.memory_space<vmem>>, vector<16xf32>,
        %add3A_321 = arith.addi %gather3A, %add3A_34 : vector<16xi32>
        %gather3A_322 = tpu.vector_load_idx %arg10[%add3A_321] : memref<51200xf32, #tpu.memory_space<vmem>>[vector<16xi32>], vector<16xf32>,
        %add3A_323 = arith.addf %get3A_320, %gather3A_322 : vector<16xf32>
        %get3A_324 = arith.index_cast %add3A_289 : i32 to index
        %get3A_325 = arith.constant 80 : index
        %get3A_326 = tpu.vector_load %arg15[%get3A_324, %get3A_325] {strides = array<i32>} : memref<64x128xf32, #tpu.memory_space<vmem>>, vector<16xf32>,
        %add3A_327 = arith.addi %gather3A, %add3A_38 : vector<16xi32>
        %gather3A_328 = tpu.vector_load_idx %arg10[%add3A_327] : memref<51200xf32, #tpu.memory_space<vmem>>[vector<16xi32>], vector<16xf32>,
        %add3A_329 = arith.addf %get3A_326, %gather3A_328 : vector<16xf32>
        %get3A_330 = arith.index_cast %add3A_289 : i32 to index
        %get3A_331 = arith.constant 96 : index
        %get3A_332 = tpu.vector_load %arg15[%get3A_330, %get3A_331] {strides = array<i32>} : memref<64x128xf32, #tpu.memory_space<vmem>>, vector<16xf32>,
        %add3A_333 = arith.addi %gather3A, %add3A_42 : vector<16xi32>
        %gather3A_334 = tpu.vector_load_idx %arg10[%add3A_333] : memref<51200xf32, #tpu.memory_space<vmem>>[vector<16xi32>], vector<16xf32>,
        %add3A_335 = arith.addf %get3A_332, %gather3A_334 : vector<16xf32>
        %get3A_336 = arith.index_cast %add3A_289 : i32 to index
        %get3A_337 = arith.constant 112 : index
        %get3A_338 = tpu.vector_load %arg15[%get3A_336, %get3A_337] {strides = array<i32>} : memref<64x128xf32, #tpu.memory_space<vmem>>, vector<16xf32>,
        %add3A_339 = arith.addi %gather3A, %add3A_46 : vector<16xi32>
        %gather3A_340 = tpu.vector_load_idx %arg10[%add3A_339] : memref<51200xf32, #tpu.memory_space<vmem>>[vector<16xi32>], vector<16xf32>,
        %add3A_341 = arith.addf %get3A_338, %gather3A_340 : vector<16xf32>
        %add3A_342 = arith.addf %add3A_299, %add3A_305 : vector<16xf32>
        %add3A_343 = arith.addf %add3A_311, %add3A_317 : vector<16xf32>
        %add3A_344 = arith.addf %add3A_342, %add3A_343 : vector<16xf32>
        %add3A_345 = arith.addf %add3A_323, %add3A_329 : vector<16xf32>
        %add3A_346 = arith.addf %add3A_335, %add3A_341 : vector<16xf32>
        %add3A_347 = arith.addf %add3A_345, %add3A_346 : vector<16xf32>
        %add3A_348 = arith.addf %add3A_344, %add3A_347 : vector<16xf32>
        %mul3A_349 = arith.mulf %add3A_299, %add3A_299 : vector<16xf32>
        %mul3A_350 = arith.mulf %add3A_305, %add3A_305 : vector<16xf32>
        %add3A_351 = arith.addf %mul3A_349, %mul3A_350 : vector<16xf32>
        %mul3A_352 = arith.mulf %add3A_311, %add3A_311 : vector<16xf32>
        %mul3A_353 = arith.mulf %add3A_317, %add3A_317 : vector<16xf32>
        %add3A_354 = arith.addf %mul3A_352, %mul3A_353 : vector<16xf32>
        %mul3A_355 = arith.mulf %add3A_323, %add3A_323 : vector<16xf32>
        %mul3A_356 = arith.mulf %add3A_329, %add3A_329 : vector<16xf32>
        %add3A_357 = arith.addf %mul3A_355, %mul3A_356 : vector<16xf32>
        %mul3A_358 = arith.mulf %add3A_335, %add3A_335 : vector<16xf32>
        %mul3A_359 = arith.mulf %add3A_341, %add3A_341 : vector<16xf32>
        %add3A_360 = arith.addf %mul3A_358, %mul3A_359 : vector<16xf32>
        %add3A_361 = arith.addf %add3A_351, %add3A_354 : vector<16xf32>
        %add3A_362 = arith.addf %add3A_357, %add3A_360 : vector<16xf32>
        %add3A_363 = arith.addf %add3A_361, %add3A_362 : vector<16xf32>
        %add3A_364 = arith.constant 1 : i32
        %add3A_365 = arith.addi %mul3A_287, %add3A_364 : i32
        %mul3A_366 = arith.constant 64 : i32
        %mul3A_367 = arith.muli %add3A_258, %mul3A_366 : i32
        %add3A_368 = arith.addi %mul3A_367, %add3A_365 : i32
        %broadcast_in_dim3A_369 = vector.broadcast %add3A_368 : i32 to vector<16xi32>
        %gather3A_370 = tpu.vector_load_idx %arg17[%broadcast_in_dim3A_369] : memref<6400xi32, #tpu.memory_space<vmem>>[vector<16xi32>], vector<16xi32>,
        %get3A_371 = arith.index_cast %add3A_365 : i32 to index
        %get3A_372 = arith.constant 0 : index
        %get3A_373 = tpu.vector_load %arg15[%get3A_371, %get3A_372] {strides = array<i32>} : memref<64x128xf32, #tpu.memory_space<vmem>>, vector<16xf32>,
        %add3A_374 = arith.addi %gather3A_370, %add3A_18 : vector<16xi32>
        %gather3A_375 = tpu.vector_load_idx %arg10[%add3A_374] : memref<51200xf32, #tpu.memory_space<vmem>>[vector<16xi32>], vector<16xf32>,
        %add3A_376 = arith.addf %get3A_373, %gather3A_375 : vector<16xf32>
        %get3A_377 = arith.index_cast %add3A_365 : i32 to index
        %get3A_378 = arith.constant 16 : index
        %get3A_379 = tpu.vector_load %arg15[%get3A_377, %get3A_378] {strides = array<i32>} : memref<64x128xf32, #tpu.memory_space<vmem>>, vector<16xf32>,
        %add3A_380 = arith.addi %gather3A_370, %add3A_22 : vector<16xi32>
        %gather3A_381 = tpu.vector_load_idx %arg10[%add3A_380] : memref<51200xf32, #tpu.memory_space<vmem>>[vector<16xi32>], vector<16xf32>,
        %add3A_382 = arith.addf %get3A_379, %gather3A_381 : vector<16xf32>
        %get3A_383 = arith.index_cast %add3A_365 : i32 to index
        %get3A_384 = arith.constant 32 : index
        %get3A_385 = tpu.vector_load %arg15[%get3A_383, %get3A_384] {strides = array<i32>} : memref<64x128xf32, #tpu.memory_space<vmem>>, vector<16xf32>,
        %add3A_386 = arith.addi %gather3A_370, %add3A_26 : vector<16xi32>
        %gather3A_387 = tpu.vector_load_idx %arg10[%add3A_386] : memref<51200xf32, #tpu.memory_space<vmem>>[vector<16xi32>], vector<16xf32>,
        %add3A_388 = arith.addf %get3A_385, %gather3A_387 : vector<16xf32>
        %get3A_389 = arith.index_cast %add3A_365 : i32 to index
        %get3A_390 = arith.constant 48 : index
        %get3A_391 = tpu.vector_load %arg15[%get3A_389, %get3A_390] {strides = array<i32>} : memref<64x128xf32, #tpu.memory_space<vmem>>, vector<16xf32>,
        %add3A_392 = arith.addi %gather3A_370, %add3A_30 : vector<16xi32>
        %gather3A_393 = tpu.vector_load_idx %arg10[%add3A_392] : memref<51200xf32, #tpu.memory_space<vmem>>[vector<16xi32>], vector<16xf32>,
        %add3A_394 = arith.addf %get3A_391, %gather3A_393 : vector<16xf32>
        %get3A_395 = arith.index_cast %add3A_365 : i32 to index
        %get3A_396 = arith.constant 64 : index
        %get3A_397 = tpu.vector_load %arg15[%get3A_395, %get3A_396] {strides = array<i32>} : memref<64x128xf32, #tpu.memory_space<vmem>>, vector<16xf32>,
        %add3A_398 = arith.addi %gather3A_370, %add3A_34 : vector<16xi32>
        %gather3A_399 = tpu.vector_load_idx %arg10[%add3A_398] : memref<51200xf32, #tpu.memory_space<vmem>>[vector<16xi32>], vector<16xf32>,
        %add3A_400 = arith.addf %get3A_397, %gather3A_399 : vector<16xf32>
        %get3A_401 = arith.index_cast %add3A_365 : i32 to index
        %get3A_402 = arith.constant 80 : index
        %get3A_403 = tpu.vector_load %arg15[%get3A_401, %get3A_402] {strides = array<i32>} : memref<64x128xf32, #tpu.memory_space<vmem>>, vector<16xf32>,
        %add3A_404 = arith.addi %gather3A_370, %add3A_38 : vector<16xi32>
        %gather3A_405 = tpu.vector_load_idx %arg10[%add3A_404] : memref<51200xf32, #tpu.memory_space<vmem>>[vector<16xi32>], vector<16xf32>,
        %add3A_406 = arith.addf %get3A_403, %gather3A_405 : vector<16xf32>
        %get3A_407 = arith.index_cast %add3A_365 : i32 to index
        %get3A_408 = arith.constant 96 : index
        %get3A_409 = tpu.vector_load %arg15[%get3A_407, %get3A_408] {strides = array<i32>} : memref<64x128xf32, #tpu.memory_space<vmem>>, vector<16xf32>,
        %add3A_410 = arith.addi %gather3A_370, %add3A_42 : vector<16xi32>
        %gather3A_411 = tpu.vector_load_idx %arg10[%add3A_410] : memref<51200xf32, #tpu.memory_space<vmem>>[vector<16xi32>], vector<16xf32>,
        %add3A_412 = arith.addf %get3A_409, %gather3A_411 : vector<16xf32>
        %get3A_413 = arith.index_cast %add3A_365 : i32 to index
        %get3A_414 = arith.constant 112 : index
        %get3A_415 = tpu.vector_load %arg15[%get3A_413, %get3A_414] {strides = array<i32>} : memref<64x128xf32, #tpu.memory_space<vmem>>, vector<16xf32>,
        %add3A_416 = arith.addi %gather3A_370, %add3A_46 : vector<16xi32>
        %gather3A_417 = tpu.vector_load_idx %arg10[%add3A_416] : memref<51200xf32, #tpu.memory_space<vmem>>[vector<16xi32>], vector<16xf32>,
        %add3A_418 = arith.addf %get3A_415, %gather3A_417 : vector<16xf32>
        %add3A_419 = arith.addf %add3A_376, %add3A_382 : vector<16xf32>
        %add3A_420 = arith.addf %add3A_388, %add3A_394 : vector<16xf32>
        %add3A_421 = arith.addf %add3A_419, %add3A_420 : vector<16xf32>
        %add3A_422 = arith.addf %add3A_400, %add3A_406 : vector<16xf32>
        %add3A_423 = arith.addf %add3A_412, %add3A_418 : vector<16xf32>
        %add3A_424 = arith.addf %add3A_422, %add3A_423 : vector<16xf32>
        %add3A_425 = arith.addf %add3A_421, %add3A_424 : vector<16xf32>
        %mul3A_426 = arith.mulf %add3A_376, %add3A_376 : vector<16xf32>
        %mul3A_427 = arith.mulf %add3A_382, %add3A_382 : vector<16xf32>
        %add3A_428 = arith.addf %mul3A_426, %mul3A_427 : vector<16xf32>
        %mul3A_429 = arith.mulf %add3A_388, %add3A_388 : vector<16xf32>
        %mul3A_430 = arith.mulf %add3A_394, %add3A_394 : vector<16xf32>
        %add3A_431 = arith.addf %mul3A_429, %mul3A_430 : vector<16xf32>
        %mul3A_432 = arith.mulf %add3A_400, %add3A_400 : vector<16xf32>
        %mul3A_433 = arith.mulf %add3A_406, %add3A_406 : vector<16xf32>
        %add3A_434 = arith.addf %mul3A_432, %mul3A_433 : vector<16xf32>
        %mul3A_435 = arith.mulf %add3A_412, %add3A_412 : vector<16xf32>
        %mul3A_436 = arith.mulf %add3A_418, %add3A_418 : vector<16xf32>
        %add3A_437 = arith.addf %mul3A_435, %mul3A_436 : vector<16xf32>
        %add3A_438 = arith.addf %add3A_428, %add3A_431 : vector<16xf32>
        %add3A_439 = arith.addf %add3A_434, %add3A_437 : vector<16xf32>
        %add3A_440 = arith.addf %add3A_438, %add3A_439 : vector<16xf32>
        %add3A_441 = arith.constant 2 : i32
        %add3A_442 = arith.addi %mul3A_287, %add3A_441 : i32
        %mul3A_443 = arith.constant 64 : i32
        %mul3A_444 = arith.muli %add3A_258, %mul3A_443 : i32
        %add3A_445 = arith.addi %mul3A_444, %add3A_442 : i32
        %broadcast_in_dim3A_446 = vector.broadcast %add3A_445 : i32 to vector<16xi32>
        %gather3A_447 = tpu.vector_load_idx %arg17[%broadcast_in_dim3A_446] : memref<6400xi32, #tpu.memory_space<vmem>>[vector<16xi32>], vector<16xi32>,
        %get3A_448 = arith.index_cast %add3A_442 : i32 to index
        %get3A_449 = arith.constant 0 : index
        %get3A_450 = tpu.vector_load %arg15[%get3A_448, %get3A_449] {strides = array<i32>} : memref<64x128xf32, #tpu.memory_space<vmem>>, vector<16xf32>,
        %add3A_451 = arith.addi %gather3A_447, %add3A_18 : vector<16xi32>
        %gather3A_452 = tpu.vector_load_idx %arg10[%add3A_451] : memref<51200xf32, #tpu.memory_space<vmem>>[vector<16xi32>], vector<16xf32>,
        %add3A_453 = arith.addf %get3A_450, %gather3A_452 : vector<16xf32>
        %get3A_454 = arith.index_cast %add3A_442 : i32 to index
        %get3A_455 = arith.constant 16 : index
        %get3A_456 = tpu.vector_load %arg15[%get3A_454, %get3A_455] {strides = array<i32>} : memref<64x128xf32, #tpu.memory_space<vmem>>, vector<16xf32>,
        %add3A_457 = arith.addi %gather3A_447, %add3A_22 : vector<16xi32>
        %gather3A_458 = tpu.vector_load_idx %arg10[%add3A_457] : memref<51200xf32, #tpu.memory_space<vmem>>[vector<16xi32>], vector<16xf32>,
        %add3A_459 = arith.addf %get3A_456, %gather3A_458 : vector<16xf32>
        %get3A_460 = arith.index_cast %add3A_442 : i32 to index
        %get3A_461 = arith.constant 32 : index
        %get3A_462 = tpu.vector_load %arg15[%get3A_460, %get3A_461] {strides = array<i32>} : memref<64x128xf32, #tpu.memory_space<vmem>>, vector<16xf32>,
        %add3A_463 = arith.addi %gather3A_447, %add3A_26 : vector<16xi32>
        %gather3A_464 = tpu.vector_load_idx %arg10[%add3A_463] : memref<51200xf32, #tpu.memory_space<vmem>>[vector<16xi32>], vector<16xf32>,
        %add3A_465 = arith.addf %get3A_462, %gather3A_464 : vector<16xf32>
        %get3A_466 = arith.index_cast %add3A_442 : i32 to index
        %get3A_467 = arith.constant 48 : index
        %get3A_468 = tpu.vector_load %arg15[%get3A_466, %get3A_467] {strides = array<i32>} : memref<64x128xf32, #tpu.memory_space<vmem>>, vector<16xf32>,
        %add3A_469 = arith.addi %gather3A_447, %add3A_30 : vector<16xi32>
        %gather3A_470 = tpu.vector_load_idx %arg10[%add3A_469] : memref<51200xf32, #tpu.memory_space<vmem>>[vector<16xi32>], vector<16xf32>,
        %add3A_471 = arith.addf %get3A_468, %gather3A_470 : vector<16xf32>
        %get3A_472 = arith.index_cast %add3A_442 : i32 to index
        %get3A_473 = arith.constant 64 : index
        %get3A_474 = tpu.vector_load %arg15[%get3A_472, %get3A_473] {strides = array<i32>} : memref<64x128xf32, #tpu.memory_space<vmem>>, vector<16xf32>,
        %add3A_475 = arith.addi %gather3A_447, %add3A_34 : vector<16xi32>
        %gather3A_476 = tpu.vector_load_idx %arg10[%add3A_475] : memref<51200xf32, #tpu.memory_space<vmem>>[vector<16xi32>], vector<16xf32>,
        %add3A_477 = arith.addf %get3A_474, %gather3A_476 : vector<16xf32>
        %get3A_478 = arith.index_cast %add3A_442 : i32 to index
        %get3A_479 = arith.constant 80 : index
        %get3A_480 = tpu.vector_load %arg15[%get3A_478, %get3A_479] {strides = array<i32>} : memref<64x128xf32, #tpu.memory_space<vmem>>, vector<16xf32>,
        %add3A_481 = arith.addi %gather3A_447, %add3A_38 : vector<16xi32>
        %gather3A_482 = tpu.vector_load_idx %arg10[%add3A_481] : memref<51200xf32, #tpu.memory_space<vmem>>[vector<16xi32>], vector<16xf32>,
        %add3A_483 = arith.addf %get3A_480, %gather3A_482 : vector<16xf32>
        %get3A_484 = arith.index_cast %add3A_442 : i32 to index
        %get3A_485 = arith.constant 96 : index
        %get3A_486 = tpu.vector_load %arg15[%get3A_484, %get3A_485] {strides = array<i32>} : memref<64x128xf32, #tpu.memory_space<vmem>>, vector<16xf32>,
        %add3A_487 = arith.addi %gather3A_447, %add3A_42 : vector<16xi32>
        %gather3A_488 = tpu.vector_load_idx %arg10[%add3A_487] : memref<51200xf32, #tpu.memory_space<vmem>>[vector<16xi32>], vector<16xf32>,
        %add3A_489 = arith.addf %get3A_486, %gather3A_488 : vector<16xf32>
        %get3A_490 = arith.index_cast %add3A_442 : i32 to index
        %get3A_491 = arith.constant 112 : index
        %get3A_492 = tpu.vector_load %arg15[%get3A_490, %get3A_491] {strides = array<i32>} : memref<64x128xf32, #tpu.memory_space<vmem>>, vector<16xf32>,
        %add3A_493 = arith.addi %gather3A_447, %add3A_46 : vector<16xi32>
        %gather3A_494 = tpu.vector_load_idx %arg10[%add3A_493] : memref<51200xf32, #tpu.memory_space<vmem>>[vector<16xi32>], vector<16xf32>,
        %add3A_495 = arith.addf %get3A_492, %gather3A_494 : vector<16xf32>
        %add3A_496 = arith.addf %add3A_453, %add3A_459 : vector<16xf32>
        %add3A_497 = arith.addf %add3A_465, %add3A_471 : vector<16xf32>
        %add3A_498 = arith.addf %add3A_496, %add3A_497 : vector<16xf32>
        %add3A_499 = arith.addf %add3A_477, %add3A_483 : vector<16xf32>
        %add3A_500 = arith.addf %add3A_489, %add3A_495 : vector<16xf32>
        %add3A_501 = arith.addf %add3A_499, %add3A_500 : vector<16xf32>
        %add3A_502 = arith.addf %add3A_498, %add3A_501 : vector<16xf32>
        %mul3A_503 = arith.mulf %add3A_453, %add3A_453 : vector<16xf32>
        %mul3A_504 = arith.mulf %add3A_459, %add3A_459 : vector<16xf32>
        %add3A_505 = arith.addf %mul3A_503, %mul3A_504 : vector<16xf32>
        %mul3A_506 = arith.mulf %add3A_465, %add3A_465 : vector<16xf32>
        %mul3A_507 = arith.mulf %add3A_471, %add3A_471 : vector<16xf32>
        %add3A_508 = arith.addf %mul3A_506, %mul3A_507 : vector<16xf32>
        %mul3A_509 = arith.mulf %add3A_477, %add3A_477 : vector<16xf32>
        %mul3A_510 = arith.mulf %add3A_483, %add3A_483 : vector<16xf32>
        %add3A_511 = arith.addf %mul3A_509, %mul3A_510 : vector<16xf32>
        %mul3A_512 = arith.mulf %add3A_489, %add3A_489 : vector<16xf32>
        %mul3A_513 = arith.mulf %add3A_495, %add3A_495 : vector<16xf32>
        %add3A_514 = arith.addf %mul3A_512, %mul3A_513 : vector<16xf32>
        %add3A_515 = arith.addf %add3A_505, %add3A_508 : vector<16xf32>
        %add3A_516 = arith.addf %add3A_511, %add3A_514 : vector<16xf32>
        %add3A_517 = arith.addf %add3A_515, %add3A_516 : vector<16xf32>
        %add3A_518 = arith.constant 3 : i32
        %add3A_519 = arith.addi %mul3A_287, %add3A_518 : i32
        %mul3A_520 = arith.constant 64 : i32
        %mul3A_521 = arith.muli %add3A_258, %mul3A_520 : i32
        %add3A_522 = arith.addi %mul3A_521, %add3A_519 : i32
        %broadcast_in_dim3A_523 = vector.broadcast %add3A_522 : i32 to vector<16xi32>
        %gather3A_524 = tpu.vector_load_idx %arg17[%broadcast_in_dim3A_523] : memref<6400xi32, #tpu.memory_space<vmem>>[vector<16xi32>], vector<16xi32>,
        %get3A_525 = arith.index_cast %add3A_519 : i32 to index
        %get3A_526 = arith.constant 0 : index
        %get3A_527 = tpu.vector_load %arg15[%get3A_525, %get3A_526] {strides = array<i32>} : memref<64x128xf32, #tpu.memory_space<vmem>>, vector<16xf32>,
        %add3A_528 = arith.addi %gather3A_524, %add3A_18 : vector<16xi32>
        %gather3A_529 = tpu.vector_load_idx %arg10[%add3A_528] : memref<51200xf32, #tpu.memory_space<vmem>>[vector<16xi32>], vector<16xf32>,
        %add3A_530 = arith.addf %get3A_527, %gather3A_529 : vector<16xf32>
        %get3A_531 = arith.index_cast %add3A_519 : i32 to index
        %get3A_532 = arith.constant 16 : index
        %get3A_533 = tpu.vector_load %arg15[%get3A_531, %get3A_532] {strides = array<i32>} : memref<64x128xf32, #tpu.memory_space<vmem>>, vector<16xf32>,
        %add3A_534 = arith.addi %gather3A_524, %add3A_22 : vector<16xi32>
        %gather3A_535 = tpu.vector_load_idx %arg10[%add3A_534] : memref<51200xf32, #tpu.memory_space<vmem>>[vector<16xi32>], vector<16xf32>,
        %add3A_536 = arith.addf %get3A_533, %gather3A_535 : vector<16xf32>
        %get3A_537 = arith.index_cast %add3A_519 : i32 to index
        %get3A_538 = arith.constant 32 : index
        %get3A_539 = tpu.vector_load %arg15[%get3A_537, %get3A_538] {strides = array<i32>} : memref<64x128xf32, #tpu.memory_space<vmem>>, vector<16xf32>,
        %add3A_540 = arith.addi %gather3A_524, %add3A_26 : vector<16xi32>
        %gather3A_541 = tpu.vector_load_idx %arg10[%add3A_540] : memref<51200xf32, #tpu.memory_space<vmem>>[vector<16xi32>], vector<16xf32>,
        %add3A_542 = arith.addf %get3A_539, %gather3A_541 : vector<16xf32>
        %get3A_543 = arith.index_cast %add3A_519 : i32 to index
        %get3A_544 = arith.constant 48 : index
        %get3A_545 = tpu.vector_load %arg15[%get3A_543, %get3A_544] {strides = array<i32>} : memref<64x128xf32, #tpu.memory_space<vmem>>, vector<16xf32>,
        %add3A_546 = arith.addi %gather3A_524, %add3A_30 : vector<16xi32>
        %gather3A_547 = tpu.vector_load_idx %arg10[%add3A_546] : memref<51200xf32, #tpu.memory_space<vmem>>[vector<16xi32>], vector<16xf32>,
        %add3A_548 = arith.addf %get3A_545, %gather3A_547 : vector<16xf32>
        %get3A_549 = arith.index_cast %add3A_519 : i32 to index
        %get3A_550 = arith.constant 64 : index
        %get3A_551 = tpu.vector_load %arg15[%get3A_549, %get3A_550] {strides = array<i32>} : memref<64x128xf32, #tpu.memory_space<vmem>>, vector<16xf32>,
        %add3A_552 = arith.addi %gather3A_524, %add3A_34 : vector<16xi32>
        %gather3A_553 = tpu.vector_load_idx %arg10[%add3A_552] : memref<51200xf32, #tpu.memory_space<vmem>>[vector<16xi32>], vector<16xf32>,
        %add3A_554 = arith.addf %get3A_551, %gather3A_553 : vector<16xf32>
        %get3A_555 = arith.index_cast %add3A_519 : i32 to index
        %get3A_556 = arith.constant 80 : index
        %get3A_557 = tpu.vector_load %arg15[%get3A_555, %get3A_556] {strides = array<i32>} : memref<64x128xf32, #tpu.memory_space<vmem>>, vector<16xf32>,
        %add3A_558 = arith.addi %gather3A_524, %add3A_38 : vector<16xi32>
        %gather3A_559 = tpu.vector_load_idx %arg10[%add3A_558] : memref<51200xf32, #tpu.memory_space<vmem>>[vector<16xi32>], vector<16xf32>,
        %add3A_560 = arith.addf %get3A_557, %gather3A_559 : vector<16xf32>
        %get3A_561 = arith.index_cast %add3A_519 : i32 to index
        %get3A_562 = arith.constant 96 : index
        %get3A_563 = tpu.vector_load %arg15[%get3A_561, %get3A_562] {strides = array<i32>} : memref<64x128xf32, #tpu.memory_space<vmem>>, vector<16xf32>,
        %add3A_564 = arith.addi %gather3A_524, %add3A_42 : vector<16xi32>
        %gather3A_565 = tpu.vector_load_idx %arg10[%add3A_564] : memref<51200xf32, #tpu.memory_space<vmem>>[vector<16xi32>], vector<16xf32>,
        %add3A_566 = arith.addf %get3A_563, %gather3A_565 : vector<16xf32>
        %get3A_567 = arith.index_cast %add3A_519 : i32 to index
        %get3A_568 = arith.constant 112 : index
        %get3A_569 = tpu.vector_load %arg15[%get3A_567, %get3A_568] {strides = array<i32>} : memref<64x128xf32, #tpu.memory_space<vmem>>, vector<16xf32>,
        %add3A_570 = arith.addi %gather3A_524, %add3A_46 : vector<16xi32>
        %gather3A_571 = tpu.vector_load_idx %arg10[%add3A_570] : memref<51200xf32, #tpu.memory_space<vmem>>[vector<16xi32>], vector<16xf32>,
        %add3A_572 = arith.addf %get3A_569, %gather3A_571 : vector<16xf32>
        %add3A_573 = arith.addf %add3A_530, %add3A_536 : vector<16xf32>
        %add3A_574 = arith.addf %add3A_542, %add3A_548 : vector<16xf32>
        %add3A_575 = arith.addf %add3A_573, %add3A_574 : vector<16xf32>
        %add3A_576 = arith.addf %add3A_554, %add3A_560 : vector<16xf32>
        %add3A_577 = arith.addf %add3A_566, %add3A_572 : vector<16xf32>
        %add3A_578 = arith.addf %add3A_576, %add3A_577 : vector<16xf32>
        %add3A_579 = arith.addf %add3A_575, %add3A_578 : vector<16xf32>
        %mul3A_580 = arith.mulf %add3A_530, %add3A_530 : vector<16xf32>
        %mul3A_581 = arith.mulf %add3A_536, %add3A_536 : vector<16xf32>
        %add3A_582 = arith.addf %mul3A_580, %mul3A_581 : vector<16xf32>
        %mul3A_583 = arith.mulf %add3A_542, %add3A_542 : vector<16xf32>
        %mul3A_584 = arith.mulf %add3A_548, %add3A_548 : vector<16xf32>
        %add3A_585 = arith.addf %mul3A_583, %mul3A_584 : vector<16xf32>
        %mul3A_586 = arith.mulf %add3A_554, %add3A_554 : vector<16xf32>
        %mul3A_587 = arith.mulf %add3A_560, %add3A_560 : vector<16xf32>
        %add3A_588 = arith.addf %mul3A_586, %mul3A_587 : vector<16xf32>
        %mul3A_589 = arith.mulf %add3A_566, %add3A_566 : vector<16xf32>
        %mul3A_590 = arith.mulf %add3A_572, %add3A_572 : vector<16xf32>
        %add3A_591 = arith.addf %mul3A_589, %mul3A_590 : vector<16xf32>
        %add3A_592 = arith.addf %add3A_582, %add3A_585 : vector<16xf32>
        %add3A_593 = arith.addf %add3A_588, %add3A_591 : vector<16xf32>
        %add3A_594 = arith.addf %add3A_592, %add3A_593 : vector<16xf32>
        %add3A_595 = arith.constant 0 : i32
        %add3A_596 = arith.addi %mul3A_287, %add3A_595 : i32
        %broadcast_in_dim3A_597 = arith.constant true
        %broadcast_in_dim3A_598 = vector.broadcast %broadcast_in_dim3A_597 : i1 to vector<16xi1>
        %masked_cumsum3A = tpu.scan <sum>, %add3A_348 masked %broadcast_in_dim3A_598 : vector<16xf32>, vector<16xi1> -> vector<16xf32>
        %broadcast_in_dim3A_599 = vector.shape_cast %broadcast_in_dim3A_78 : vector<16xi32> to vector<16x1xi32>
        %gather3A_600 = vector.shape_cast %broadcast_in_dim3A_599 : vector<16x1xi32> to vector<16xi32>
        %gather3A_601 = tpu.dynamic_gather %masked_cumsum3A[%gather3A_600] in [0] : vector<16xf32>, vector<16xi32> -> vector<16xf32>
        %mul3A_602 = vector.broadcast %scan3A_101 : f32 to vector<16xf32>
        %mul3A_603 = arith.mulf %gather3A_601, %mul3A_602 : vector<16xf32>
        %broadcast_in_dim3A_604 = arith.constant true
        %broadcast_in_dim3A_605 = vector.broadcast %broadcast_in_dim3A_604 : i1 to vector<16xi1>
        %masked_cumsum3A_606 = tpu.scan <sum>, %add3A_363 masked %broadcast_in_dim3A_605 : vector<16xf32>, vector<16xi1> -> vector<16xf32>
        %broadcast_in_dim3A_607 = vector.shape_cast %broadcast_in_dim3A_78 : vector<16xi32> to vector<16x1xi32>
        %gather3A_608 = vector.shape_cast %broadcast_in_dim3A_607 : vector<16x1xi32> to vector<16xi32>
        %gather3A_609 = tpu.dynamic_gather %masked_cumsum3A_606[%gather3A_608] in [0] : vector<16xf32>, vector<16xi32> -> vector<16xf32>
        %mul3A_610 = vector.broadcast %scan3A_101 : f32 to vector<16xf32>
        %mul3A_611 = arith.mulf %gather3A_609, %mul3A_610 : vector<16xf32>
        %mul3A_612 = arith.mulf %mul3A_603, %mul3A_603 : vector<16xf32>
        %sub3A = arith.subf %mul3A_611, %mul3A_612 : vector<16xf32>
        %add3A_613 = arith.constant 1.000000e-03 : f32
        %add3A_614 = vector.broadcast %add3A_613 : f32 to vector<16xf32>
        %add3A_615 = arith.addf %sub3A, %add3A_614 : vector<16xf32>
        %bitcast3A = vector.bitcast %add3A_615 : vector<16xf32> to vector<16xi32>
        %shift_right_arithmetic3A = arith.constant 1 : i32
        %shift_right_arithmetic3A_616 = vector.broadcast %shift_right_arithmetic3A : i32 to vector<16xi32>
        %shift_right_arithmetic3A_617 = arith.shrsi %bitcast3A, %shift_right_arithmetic3A_616 : vector<16xi32>
        %sub3A_618 = arith.constant 1597463007 : i32
        %sub3A_619 = vector.broadcast %sub3A_618 : i32 to vector<16xi32>
        %sub3A_620 = arith.subi %sub3A_619, %shift_right_arithmetic3A_617 : vector<16xi32>
        %bitcast3A_621 = vector.bitcast %sub3A_620 : vector<16xi32> to vector<16xf32>
        %mul3A_622 = arith.constant 5.000000e-01 : f32
        %mul3A_623 = vector.broadcast %mul3A_622 : f32 to vector<16xf32>
        %mul3A_624 = arith.mulf %add3A_615, %mul3A_623 : vector<16xf32>
        %mul3A_625 = arith.mulf %mul3A_624, %bitcast3A_621 : vector<16xf32>
        %mul3A_626 = arith.mulf %mul3A_625, %bitcast3A_621 : vector<16xf32>
        %sub3A_627 = arith.constant 1.500000e+00 : f32
        %sub3A_628 = vector.broadcast %sub3A_627 : f32 to vector<16xf32>
        %sub3A_629 = arith.subf %sub3A_628, %mul3A_626 : vector<16xf32>
        %mul3A_630 = arith.mulf %bitcast3A_621, %sub3A_629 : vector<16xf32>
        %mul3A_631 = arith.mulf %mul3A_624, %mul3A_630 : vector<16xf32>
        %mul3A_632 = arith.mulf %mul3A_631, %mul3A_630 : vector<16xf32>
        %sub3A_633 = arith.constant 1.500000e+00 : f32
        %sub3A_634 = vector.broadcast %sub3A_633 : f32 to vector<16xf32>
        %sub3A_635 = arith.subf %sub3A_634, %mul3A_632 : vector<16xf32>
        %mul3A_636 = arith.mulf %mul3A_630, %sub3A_635 : vector<16xf32>
        %mul3A_637 = arith.mulf %mul3A_603, %mul3A_636 : vector<16xf32>
        %sub3A_638 = arith.constant 0.000000e+00 : f32
        %sub3A_639 = vector.broadcast %sub3A_638 : f32 to vector<16xf32>
        %sub3A_640 = arith.subf %sub3A_639, %mul3A_637 : vector<16xf32>
        %mul3A_641 = arith.mulf %add3A_299, %mul3A_636 : vector<16xf32>
        %add3A_642 = arith.addf %mul3A_641, %sub3A_640 : vector<16xf32>
        %mul3A_643 = arith.mulf %add3A_642, %get3A_47 : vector<16xf32>
        %add3A_644 = arith.addf %mul3A_643, %get3A_63 : vector<16xf32>
        %swap3A = arith.index_cast %add3A_596 : i32 to index
        %swap3A_645 = arith.constant 0 : index
        %swap3A_646 = tpu.vector_load %arg15[%swap3A, %swap3A_645] {strides = array<i32>} : memref<64x128xf32, #tpu.memory_space<vmem>>, vector<16xf32>,
        tpu.vector_store %arg15[%swap3A, %swap3A_645], %add3A_644 {strides = array<i32>} : memref<64x128xf32, #tpu.memory_space<vmem>>, vector<16xf32>,
        %mul3A_647 = arith.mulf %add3A_305, %mul3A_636 : vector<16xf32>
        %add3A_648 = arith.addf %mul3A_647, %sub3A_640 : vector<16xf32>
        %mul3A_649 = arith.mulf %add3A_648, %get3A_49 : vector<16xf32>
        %add3A_650 = arith.addf %mul3A_649, %get3A_65 : vector<16xf32>
        %swap3A_651 = arith.index_cast %add3A_596 : i32 to index
        %swap3A_652 = arith.constant 16 : index
        %swap3A_653 = tpu.vector_load %arg15[%swap3A_651, %swap3A_652] {strides = array<i32>} : memref<64x128xf32, #tpu.memory_space<vmem>>, vector<16xf32>,
        tpu.vector_store %arg15[%swap3A_651, %swap3A_652], %add3A_650 {strides = array<i32>} : memref<64x128xf32, #tpu.memory_space<vmem>>, vector<16xf32>,
        %mul3A_654 = arith.mulf %add3A_311, %mul3A_636 : vector<16xf32>
        %add3A_655 = arith.addf %mul3A_654, %sub3A_640 : vector<16xf32>
        %mul3A_656 = arith.mulf %add3A_655, %get3A_51 : vector<16xf32>
        %add3A_657 = arith.addf %mul3A_656, %get3A_67 : vector<16xf32>
        %swap3A_658 = arith.index_cast %add3A_596 : i32 to index
        %swap3A_659 = arith.constant 32 : index
        %swap3A_660 = tpu.vector_load %arg15[%swap3A_658, %swap3A_659] {strides = array<i32>} : memref<64x128xf32, #tpu.memory_space<vmem>>, vector<16xf32>,
        tpu.vector_store %arg15[%swap3A_658, %swap3A_659], %add3A_657 {strides = array<i32>} : memref<64x128xf32, #tpu.memory_space<vmem>>, vector<16xf32>,
        %mul3A_661 = arith.mulf %add3A_317, %mul3A_636 : vector<16xf32>
        %add3A_662 = arith.addf %mul3A_661, %sub3A_640 : vector<16xf32>
        %mul3A_663 = arith.mulf %add3A_662, %get3A_53 : vector<16xf32>
        %add3A_664 = arith.addf %mul3A_663, %get3A_69 : vector<16xf32>
        %swap3A_665 = arith.index_cast %add3A_596 : i32 to index
        %swap3A_666 = arith.constant 48 : index
        %swap3A_667 = tpu.vector_load %arg15[%swap3A_665, %swap3A_666] {strides = array<i32>} : memref<64x128xf32, #tpu.memory_space<vmem>>, vector<16xf32>,
        tpu.vector_store %arg15[%swap3A_665, %swap3A_666], %add3A_664 {strides = array<i32>} : memref<64x128xf32, #tpu.memory_space<vmem>>, vector<16xf32>,
        %mul3A_668 = arith.mulf %add3A_323, %mul3A_636 : vector<16xf32>
        %add3A_669 = arith.addf %mul3A_668, %sub3A_640 : vector<16xf32>
        %mul3A_670 = arith.mulf %add3A_669, %get3A_55 : vector<16xf32>
        %add3A_671 = arith.addf %mul3A_670, %get3A_71 : vector<16xf32>
        %swap3A_672 = arith.index_cast %add3A_596 : i32 to index
        %swap3A_673 = arith.constant 64 : index
        %swap3A_674 = tpu.vector_load %arg15[%swap3A_672, %swap3A_673] {strides = array<i32>} : memref<64x128xf32, #tpu.memory_space<vmem>>, vector<16xf32>,
        tpu.vector_store %arg15[%swap3A_672, %swap3A_673], %add3A_671 {strides = array<i32>} : memref<64x128xf32, #tpu.memory_space<vmem>>, vector<16xf32>,
        %mul3A_675 = arith.mulf %add3A_329, %mul3A_636 : vector<16xf32>
        %add3A_676 = arith.addf %mul3A_675, %sub3A_640 : vector<16xf32>
        %mul3A_677 = arith.mulf %add3A_676, %get3A_57 : vector<16xf32>
        %add3A_678 = arith.addf %mul3A_677, %get3A_73 : vector<16xf32>
        %swap3A_679 = arith.index_cast %add3A_596 : i32 to index
        %swap3A_680 = arith.constant 80 : index
        %swap3A_681 = tpu.vector_load %arg15[%swap3A_679, %swap3A_680] {strides = array<i32>} : memref<64x128xf32, #tpu.memory_space<vmem>>, vector<16xf32>,
        tpu.vector_store %arg15[%swap3A_679, %swap3A_680], %add3A_678 {strides = array<i32>} : memref<64x128xf32, #tpu.memory_space<vmem>>, vector<16xf32>,
        %mul3A_682 = arith.mulf %add3A_335, %mul3A_636 : vector<16xf32>
        %add3A_683 = arith.addf %mul3A_682, %sub3A_640 : vector<16xf32>
        %mul3A_684 = arith.mulf %add3A_683, %get3A_59 : vector<16xf32>
        %add3A_685 = arith.addf %mul3A_684, %get3A_75 : vector<16xf32>
        %swap3A_686 = arith.index_cast %add3A_596 : i32 to index
        %swap3A_687 = arith.constant 96 : index
        %swap3A_688 = tpu.vector_load %arg15[%swap3A_686, %swap3A_687] {strides = array<i32>} : memref<64x128xf32, #tpu.memory_space<vmem>>, vector<16xf32>,
        tpu.vector_store %arg15[%swap3A_686, %swap3A_687], %add3A_685 {strides = array<i32>} : memref<64x128xf32, #tpu.memory_space<vmem>>, vector<16xf32>,
        %mul3A_689 = arith.mulf %add3A_341, %mul3A_636 : vector<16xf32>
        %add3A_690 = arith.addf %mul3A_689, %sub3A_640 : vector<16xf32>
        %mul3A_691 = arith.mulf %add3A_690, %get3A_61 : vector<16xf32>
        %add3A_692 = arith.addf %mul3A_691, %get3A_77 : vector<16xf32>
        %swap3A_693 = arith.index_cast %add3A_596 : i32 to index
        %swap3A_694 = arith.constant 112 : index
        %swap3A_695 = tpu.vector_load %arg15[%swap3A_693, %swap3A_694] {strides = array<i32>} : memref<64x128xf32, #tpu.memory_space<vmem>>, vector<16xf32>,
        tpu.vector_store %arg15[%swap3A_693, %swap3A_694], %add3A_692 {strides = array<i32>} : memref<64x128xf32, #tpu.memory_space<vmem>>, vector<16xf32>,
        %add3A_696 = arith.constant 1 : i32
        %add3A_697 = arith.addi %mul3A_287, %add3A_696 : i32
        %broadcast_in_dim3A_698 = arith.constant true
        %broadcast_in_dim3A_699 = vector.broadcast %broadcast_in_dim3A_698 : i1 to vector<16xi1>
        %masked_cumsum3A_700 = tpu.scan <sum>, %add3A_425 masked %broadcast_in_dim3A_699 : vector<16xf32>, vector<16xi1> -> vector<16xf32>
        %broadcast_in_dim3A_701 = vector.shape_cast %broadcast_in_dim3A_78 : vector<16xi32> to vector<16x1xi32>
        %gather3A_702 = vector.shape_cast %broadcast_in_dim3A_701 : vector<16x1xi32> to vector<16xi32>
        %gather3A_703 = tpu.dynamic_gather %masked_cumsum3A_700[%gather3A_702] in [0] : vector<16xf32>, vector<16xi32> -> vector<16xf32>
        %mul3A_704 = vector.broadcast %scan3A_101 : f32 to vector<16xf32>
        %mul3A_705 = arith.mulf %gather3A_703, %mul3A_704 : vector<16xf32>
        %broadcast_in_dim3A_706 = arith.constant true
        %broadcast_in_dim3A_707 = vector.broadcast %broadcast_in_dim3A_706 : i1 to vector<16xi1>
        %masked_cumsum3A_708 = tpu.scan <sum>, %add3A_440 masked %broadcast_in_dim3A_707 : vector<16xf32>, vector<16xi1> -> vector<16xf32>
        %broadcast_in_dim3A_709 = vector.shape_cast %broadcast_in_dim3A_78 : vector<16xi32> to vector<16x1xi32>
        %gather3A_710 = vector.shape_cast %broadcast_in_dim3A_709 : vector<16x1xi32> to vector<16xi32>
        %gather3A_711 = tpu.dynamic_gather %masked_cumsum3A_708[%gather3A_710] in [0] : vector<16xf32>, vector<16xi32> -> vector<16xf32>
        %mul3A_712 = vector.broadcast %scan3A_101 : f32 to vector<16xf32>
        %mul3A_713 = arith.mulf %gather3A_711, %mul3A_712 : vector<16xf32>
        %mul3A_714 = arith.mulf %mul3A_705, %mul3A_705 : vector<16xf32>
        %sub3A_715 = arith.subf %mul3A_713, %mul3A_714 : vector<16xf32>
        %add3A_716 = arith.constant 1.000000e-03 : f32
        %add3A_717 = vector.broadcast %add3A_716 : f32 to vector<16xf32>
        %add3A_718 = arith.addf %sub3A_715, %add3A_717 : vector<16xf32>
        %bitcast3A_719 = vector.bitcast %add3A_718 : vector<16xf32> to vector<16xi32>
        %shift_right_arithmetic3A_720 = arith.constant 1 : i32
        %shift_right_arithmetic3A_721 = vector.broadcast %shift_right_arithmetic3A_720 : i32 to vector<16xi32>
        %shift_right_arithmetic3A_722 = arith.shrsi %bitcast3A_719, %shift_right_arithmetic3A_721 : vector<16xi32>
        %sub3A_723 = arith.constant 1597463007 : i32
        %sub3A_724 = vector.broadcast %sub3A_723 : i32 to vector<16xi32>
        %sub3A_725 = arith.subi %sub3A_724, %shift_right_arithmetic3A_722 : vector<16xi32>
        %bitcast3A_726 = vector.bitcast %sub3A_725 : vector<16xi32> to vector<16xf32>
        %mul3A_727 = arith.constant 5.000000e-01 : f32
        %mul3A_728 = vector.broadcast %mul3A_727 : f32 to vector<16xf32>
        %mul3A_729 = arith.mulf %add3A_718, %mul3A_728 : vector<16xf32>
        %mul3A_730 = arith.mulf %mul3A_729, %bitcast3A_726 : vector<16xf32>
        %mul3A_731 = arith.mulf %mul3A_730, %bitcast3A_726 : vector<16xf32>
        %sub3A_732 = arith.constant 1.500000e+00 : f32
        %sub3A_733 = vector.broadcast %sub3A_732 : f32 to vector<16xf32>
        %sub3A_734 = arith.subf %sub3A_733, %mul3A_731 : vector<16xf32>
        %mul3A_735 = arith.mulf %bitcast3A_726, %sub3A_734 : vector<16xf32>
        %mul3A_736 = arith.mulf %mul3A_729, %mul3A_735 : vector<16xf32>
        %mul3A_737 = arith.mulf %mul3A_736, %mul3A_735 : vector<16xf32>
        %sub3A_738 = arith.constant 1.500000e+00 : f32
        %sub3A_739 = vector.broadcast %sub3A_738 : f32 to vector<16xf32>
        %sub3A_740 = arith.subf %sub3A_739, %mul3A_737 : vector<16xf32>
        %mul3A_741 = arith.mulf %mul3A_735, %sub3A_740 : vector<16xf32>
        %mul3A_742 = arith.mulf %mul3A_705, %mul3A_741 : vector<16xf32>
        %sub3A_743 = arith.constant 0.000000e+00 : f32
        %sub3A_744 = vector.broadcast %sub3A_743 : f32 to vector<16xf32>
        %sub3A_745 = arith.subf %sub3A_744, %mul3A_742 : vector<16xf32>
        %mul3A_746 = arith.mulf %add3A_376, %mul3A_741 : vector<16xf32>
        %add3A_747 = arith.addf %mul3A_746, %sub3A_745 : vector<16xf32>
        %mul3A_748 = arith.mulf %add3A_747, %get3A_47 : vector<16xf32>
        %add3A_749 = arith.addf %mul3A_748, %get3A_63 : vector<16xf32>
        %swap3A_750 = arith.index_cast %add3A_697 : i32 to index
        %swap3A_751 = arith.constant 0 : index
        %swap3A_752 = tpu.vector_load %arg15[%swap3A_750, %swap3A_751] {strides = array<i32>} : memref<64x128xf32, #tpu.memory_space<vmem>>, vector<16xf32>,
        tpu.vector_store %arg15[%swap3A_750, %swap3A_751], %add3A_749 {strides = array<i32>} : memref<64x128xf32, #tpu.memory_space<vmem>>, vector<16xf32>,
        %mul3A_753 = arith.mulf %add3A_382, %mul3A_741 : vector<16xf32>
        %add3A_754 = arith.addf %mul3A_753, %sub3A_745 : vector<16xf32>
        %mul3A_755 = arith.mulf %add3A_754, %get3A_49 : vector<16xf32>
        %add3A_756 = arith.addf %mul3A_755, %get3A_65 : vector<16xf32>
        %swap3A_757 = arith.index_cast %add3A_697 : i32 to index
        %swap3A_758 = arith.constant 16 : index
        %swap3A_759 = tpu.vector_load %arg15[%swap3A_757, %swap3A_758] {strides = array<i32>} : memref<64x128xf32, #tpu.memory_space<vmem>>, vector<16xf32>,
        tpu.vector_store %arg15[%swap3A_757, %swap3A_758], %add3A_756 {strides = array<i32>} : memref<64x128xf32, #tpu.memory_space<vmem>>, vector<16xf32>,
        %mul3A_760 = arith.mulf %add3A_388, %mul3A_741 : vector<16xf32>
        %add3A_761 = arith.addf %mul3A_760, %sub3A_745 : vector<16xf32>
        %mul3A_762 = arith.mulf %add3A_761, %get3A_51 : vector<16xf32>
        %add3A_763 = arith.addf %mul3A_762, %get3A_67 : vector<16xf32>
        %swap3A_764 = arith.index_cast %add3A_697 : i32 to index
        %swap3A_765 = arith.constant 32 : index
        %swap3A_766 = tpu.vector_load %arg15[%swap3A_764, %swap3A_765] {strides = array<i32>} : memref<64x128xf32, #tpu.memory_space<vmem>>, vector<16xf32>,
        tpu.vector_store %arg15[%swap3A_764, %swap3A_765], %add3A_763 {strides = array<i32>} : memref<64x128xf32, #tpu.memory_space<vmem>>, vector<16xf32>,
        %mul3A_767 = arith.mulf %add3A_394, %mul3A_741 : vector<16xf32>
        %add3A_768 = arith.addf %mul3A_767, %sub3A_745 : vector<16xf32>
        %mul3A_769 = arith.mulf %add3A_768, %get3A_53 : vector<16xf32>
        %add3A_770 = arith.addf %mul3A_769, %get3A_69 : vector<16xf32>
        %swap3A_771 = arith.index_cast %add3A_697 : i32 to index
        %swap3A_772 = arith.constant 48 : index
        %swap3A_773 = tpu.vector_load %arg15[%swap3A_771, %swap3A_772] {strides = array<i32>} : memref<64x128xf32, #tpu.memory_space<vmem>>, vector<16xf32>,
        tpu.vector_store %arg15[%swap3A_771, %swap3A_772], %add3A_770 {strides = array<i32>} : memref<64x128xf32, #tpu.memory_space<vmem>>, vector<16xf32>,
        %mul3A_774 = arith.mulf %add3A_400, %mul3A_741 : vector<16xf32>
        %add3A_775 = arith.addf %mul3A_774, %sub3A_745 : vector<16xf32>
        %mul3A_776 = arith.mulf %add3A_775, %get3A_55 : vector<16xf32>
        %add3A_777 = arith.addf %mul3A_776, %get3A_71 : vector<16xf32>
        %swap3A_778 = arith.index_cast %add3A_697 : i32 to index
        %swap3A_779 = arith.constant 64 : index
        %swap3A_780 = tpu.vector_load %arg15[%swap3A_778, %swap3A_779] {strides = array<i32>} : memref<64x128xf32, #tpu.memory_space<vmem>>, vector<16xf32>,
        tpu.vector_store %arg15[%swap3A_778, %swap3A_779], %add3A_777 {strides = array<i32>} : memref<64x128xf32, #tpu.memory_space<vmem>>, vector<16xf32>,
        %mul3A_781 = arith.mulf %add3A_406, %mul3A_741 : vector<16xf32>
        %add3A_782 = arith.addf %mul3A_781, %sub3A_745 : vector<16xf32>
        %mul3A_783 = arith.mulf %add3A_782, %get3A_57 : vector<16xf32>
        %add3A_784 = arith.addf %mul3A_783, %get3A_73 : vector<16xf32>
        %swap3A_785 = arith.index_cast %add3A_697 : i32 to index
        %swap3A_786 = arith.constant 80 : index
        %swap3A_787 = tpu.vector_load %arg15[%swap3A_785, %swap3A_786] {strides = array<i32>} : memref<64x128xf32, #tpu.memory_space<vmem>>, vector<16xf32>,
        tpu.vector_store %arg15[%swap3A_785, %swap3A_786], %add3A_784 {strides = array<i32>} : memref<64x128xf32, #tpu.memory_space<vmem>>, vector<16xf32>,
        %mul3A_788 = arith.mulf %add3A_412, %mul3A_741 : vector<16xf32>
        %add3A_789 = arith.addf %mul3A_788, %sub3A_745 : vector<16xf32>
        %mul3A_790 = arith.mulf %add3A_789, %get3A_59 : vector<16xf32>
        %add3A_791 = arith.addf %mul3A_790, %get3A_75 : vector<16xf32>
        %swap3A_792 = arith.index_cast %add3A_697 : i32 to index
        %swap3A_793 = arith.constant 96 : index
        %swap3A_794 = tpu.vector_load %arg15[%swap3A_792, %swap3A_793] {strides = array<i32>} : memref<64x128xf32, #tpu.memory_space<vmem>>, vector<16xf32>,
        tpu.vector_store %arg15[%swap3A_792, %swap3A_793], %add3A_791 {strides = array<i32>} : memref<64x128xf32, #tpu.memory_space<vmem>>, vector<16xf32>,
        %mul3A_795 = arith.mulf %add3A_418, %mul3A_741 : vector<16xf32>
        %add3A_796 = arith.addf %mul3A_795, %sub3A_745 : vector<16xf32>
        %mul3A_797 = arith.mulf %add3A_796, %get3A_61 : vector<16xf32>
        %add3A_798 = arith.addf %mul3A_797, %get3A_77 : vector<16xf32>
        %swap3A_799 = arith.index_cast %add3A_697 : i32 to index
        %swap3A_800 = arith.constant 112 : index
        %swap3A_801 = tpu.vector_load %arg15[%swap3A_799, %swap3A_800] {strides = array<i32>} : memref<64x128xf32, #tpu.memory_space<vmem>>, vector<16xf32>,
        tpu.vector_store %arg15[%swap3A_799, %swap3A_800], %add3A_798 {strides = array<i32>} : memref<64x128xf32, #tpu.memory_space<vmem>>, vector<16xf32>,
        %add3A_802 = arith.constant 2 : i32
        %add3A_803 = arith.addi %mul3A_287, %add3A_802 : i32
        %broadcast_in_dim3A_804 = arith.constant true
        %broadcast_in_dim3A_805 = vector.broadcast %broadcast_in_dim3A_804 : i1 to vector<16xi1>
        %masked_cumsum3A_806 = tpu.scan <sum>, %add3A_502 masked %broadcast_in_dim3A_805 : vector<16xf32>, vector<16xi1> -> vector<16xf32>
        %broadcast_in_dim3A_807 = vector.shape_cast %broadcast_in_dim3A_78 : vector<16xi32> to vector<16x1xi32>
        %gather3A_808 = vector.shape_cast %broadcast_in_dim3A_807 : vector<16x1xi32> to vector<16xi32>
        %gather3A_809 = tpu.dynamic_gather %masked_cumsum3A_806[%gather3A_808] in [0] : vector<16xf32>, vector<16xi32> -> vector<16xf32>
        %mul3A_810 = vector.broadcast %scan3A_101 : f32 to vector<16xf32>
        %mul3A_811 = arith.mulf %gather3A_809, %mul3A_810 : vector<16xf32>
        %broadcast_in_dim3A_812 = arith.constant true
        %broadcast_in_dim3A_813 = vector.broadcast %broadcast_in_dim3A_812 : i1 to vector<16xi1>
        %masked_cumsum3A_814 = tpu.scan <sum>, %add3A_517 masked %broadcast_in_dim3A_813 : vector<16xf32>, vector<16xi1> -> vector<16xf32>
        %broadcast_in_dim3A_815 = vector.shape_cast %broadcast_in_dim3A_78 : vector<16xi32> to vector<16x1xi32>
        %gather3A_816 = vector.shape_cast %broadcast_in_dim3A_815 : vector<16x1xi32> to vector<16xi32>
        %gather3A_817 = tpu.dynamic_gather %masked_cumsum3A_814[%gather3A_816] in [0] : vector<16xf32>, vector<16xi32> -> vector<16xf32>
        %mul3A_818 = vector.broadcast %scan3A_101 : f32 to vector<16xf32>
        %mul3A_819 = arith.mulf %gather3A_817, %mul3A_818 : vector<16xf32>
        %mul3A_820 = arith.mulf %mul3A_811, %mul3A_811 : vector<16xf32>
        %sub3A_821 = arith.subf %mul3A_819, %mul3A_820 : vector<16xf32>
        %add3A_822 = arith.constant 1.000000e-03 : f32
        %add3A_823 = vector.broadcast %add3A_822 : f32 to vector<16xf32>
        %add3A_824 = arith.addf %sub3A_821, %add3A_823 : vector<16xf32>
        %bitcast3A_825 = vector.bitcast %add3A_824 : vector<16xf32> to vector<16xi32>
        %shift_right_arithmetic3A_826 = arith.constant 1 : i32
        %shift_right_arithmetic3A_827 = vector.broadcast %shift_right_arithmetic3A_826 : i32 to vector<16xi32>
        %shift_right_arithmetic3A_828 = arith.shrsi %bitcast3A_825, %shift_right_arithmetic3A_827 : vector<16xi32>
        %sub3A_829 = arith.constant 1597463007 : i32
        %sub3A_830 = vector.broadcast %sub3A_829 : i32 to vector<16xi32>
        %sub3A_831 = arith.subi %sub3A_830, %shift_right_arithmetic3A_828 : vector<16xi32>
        %bitcast3A_832 = vector.bitcast %sub3A_831 : vector<16xi32> to vector<16xf32>
        %mul3A_833 = arith.constant 5.000000e-01 : f32
        %mul3A_834 = vector.broadcast %mul3A_833 : f32 to vector<16xf32>
        %mul3A_835 = arith.mulf %add3A_824, %mul3A_834 : vector<16xf32>
        %mul3A_836 = arith.mulf %mul3A_835, %bitcast3A_832 : vector<16xf32>
        %mul3A_837 = arith.mulf %mul3A_836, %bitcast3A_832 : vector<16xf32>
        %sub3A_838 = arith.constant 1.500000e+00 : f32
        %sub3A_839 = vector.broadcast %sub3A_838 : f32 to vector<16xf32>
        %sub3A_840 = arith.subf %sub3A_839, %mul3A_837 : vector<16xf32>
        %mul3A_841 = arith.mulf %bitcast3A_832, %sub3A_840 : vector<16xf32>
        %mul3A_842 = arith.mulf %mul3A_835, %mul3A_841 : vector<16xf32>
        %mul3A_843 = arith.mulf %mul3A_842, %mul3A_841 : vector<16xf32>
        %sub3A_844 = arith.constant 1.500000e+00 : f32
        %sub3A_845 = vector.broadcast %sub3A_844 : f32 to vector<16xf32>
        %sub3A_846 = arith.subf %sub3A_845, %mul3A_843 : vector<16xf32>
        %mul3A_847 = arith.mulf %mul3A_841, %sub3A_846 : vector<16xf32>
        %mul3A_848 = arith.mulf %mul3A_811, %mul3A_847 : vector<16xf32>
        %sub3A_849 = arith.constant 0.000000e+00 : f32
        %sub3A_850 = vector.broadcast %sub3A_849 : f32 to vector<16xf32>
        %sub3A_851 = arith.subf %sub3A_850, %mul3A_848 : vector<16xf32>
        %mul3A_852 = arith.mulf %add3A_453, %mul3A_847 : vector<16xf32>
        %add3A_853 = arith.addf %mul3A_852, %sub3A_851 : vector<16xf32>
        %mul3A_854 = arith.mulf %add3A_853, %get3A_47 : vector<16xf32>
        %add3A_855 = arith.addf %mul3A_854, %get3A_63 : vector<16xf32>
        %swap3A_856 = arith.index_cast %add3A_803 : i32 to index
        %swap3A_857 = arith.constant 0 : index
        %swap3A_858 = tpu.vector_load %arg15[%swap3A_856, %swap3A_857] {strides = array<i32>} : memref<64x128xf32, #tpu.memory_space<vmem>>, vector<16xf32>,
        tpu.vector_store %arg15[%swap3A_856, %swap3A_857], %add3A_855 {strides = array<i32>} : memref<64x128xf32, #tpu.memory_space<vmem>>, vector<16xf32>,
        %mul3A_859 = arith.mulf %add3A_459, %mul3A_847 : vector<16xf32>
        %add3A_860 = arith.addf %mul3A_859, %sub3A_851 : vector<16xf32>
        %mul3A_861 = arith.mulf %add3A_860, %get3A_49 : vector<16xf32>
        %add3A_862 = arith.addf %mul3A_861, %get3A_65 : vector<16xf32>
        %swap3A_863 = arith.index_cast %add3A_803 : i32 to index
        %swap3A_864 = arith.constant 16 : index
        %swap3A_865 = tpu.vector_load %arg15[%swap3A_863, %swap3A_864] {strides = array<i32>} : memref<64x128xf32, #tpu.memory_space<vmem>>, vector<16xf32>,
        tpu.vector_store %arg15[%swap3A_863, %swap3A_864], %add3A_862 {strides = array<i32>} : memref<64x128xf32, #tpu.memory_space<vmem>>, vector<16xf32>,
        %mul3A_866 = arith.mulf %add3A_465, %mul3A_847 : vector<16xf32>
        %add3A_867 = arith.addf %mul3A_866, %sub3A_851 : vector<16xf32>
        %mul3A_868 = arith.mulf %add3A_867, %get3A_51 : vector<16xf32>
        %add3A_869 = arith.addf %mul3A_868, %get3A_67 : vector<16xf32>
        %swap3A_870 = arith.index_cast %add3A_803 : i32 to index
        %swap3A_871 = arith.constant 32 : index
        %swap3A_872 = tpu.vector_load %arg15[%swap3A_870, %swap3A_871] {strides = array<i32>} : memref<64x128xf32, #tpu.memory_space<vmem>>, vector<16xf32>,
        tpu.vector_store %arg15[%swap3A_870, %swap3A_871], %add3A_869 {strides = array<i32>} : memref<64x128xf32, #tpu.memory_space<vmem>>, vector<16xf32>,
        %mul3A_873 = arith.mulf %add3A_471, %mul3A_847 : vector<16xf32>
        %add3A_874 = arith.addf %mul3A_873, %sub3A_851 : vector<16xf32>
        %mul3A_875 = arith.mulf %add3A_874, %get3A_53 : vector<16xf32>
        %add3A_876 = arith.addf %mul3A_875, %get3A_69 : vector<16xf32>
        %swap3A_877 = arith.index_cast %add3A_803 : i32 to index
        %swap3A_878 = arith.constant 48 : index
        %swap3A_879 = tpu.vector_load %arg15[%swap3A_877, %swap3A_878] {strides = array<i32>} : memref<64x128xf32, #tpu.memory_space<vmem>>, vector<16xf32>,
        tpu.vector_store %arg15[%swap3A_877, %swap3A_878], %add3A_876 {strides = array<i32>} : memref<64x128xf32, #tpu.memory_space<vmem>>, vector<16xf32>,
        %mul3A_880 = arith.mulf %add3A_477, %mul3A_847 : vector<16xf32>
        %add3A_881 = arith.addf %mul3A_880, %sub3A_851 : vector<16xf32>
        %mul3A_882 = arith.mulf %add3A_881, %get3A_55 : vector<16xf32>
        %add3A_883 = arith.addf %mul3A_882, %get3A_71 : vector<16xf32>
        %swap3A_884 = arith.index_cast %add3A_803 : i32 to index
        %swap3A_885 = arith.constant 64 : index
        %swap3A_886 = tpu.vector_load %arg15[%swap3A_884, %swap3A_885] {strides = array<i32>} : memref<64x128xf32, #tpu.memory_space<vmem>>, vector<16xf32>,
        tpu.vector_store %arg15[%swap3A_884, %swap3A_885], %add3A_883 {strides = array<i32>} : memref<64x128xf32, #tpu.memory_space<vmem>>, vector<16xf32>,
        %mul3A_887 = arith.mulf %add3A_483, %mul3A_847 : vector<16xf32>
        %add3A_888 = arith.addf %mul3A_887, %sub3A_851 : vector<16xf32>
        %mul3A_889 = arith.mulf %add3A_888, %get3A_57 : vector<16xf32>
        %add3A_890 = arith.addf %mul3A_889, %get3A_73 : vector<16xf32>
        %swap3A_891 = arith.index_cast %add3A_803 : i32 to index
        %swap3A_892 = arith.constant 80 : index
        %swap3A_893 = tpu.vector_load %arg15[%swap3A_891, %swap3A_892] {strides = array<i32>} : memref<64x128xf32, #tpu.memory_space<vmem>>, vector<16xf32>,
        tpu.vector_store %arg15[%swap3A_891, %swap3A_892], %add3A_890 {strides = array<i32>} : memref<64x128xf32, #tpu.memory_space<vmem>>, vector<16xf32>,
        %mul3A_894 = arith.mulf %add3A_489, %mul3A_847 : vector<16xf32>
        %add3A_895 = arith.addf %mul3A_894, %sub3A_851 : vector<16xf32>
        %mul3A_896 = arith.mulf %add3A_895, %get3A_59 : vector<16xf32>
        %add3A_897 = arith.addf %mul3A_896, %get3A_75 : vector<16xf32>
        %swap3A_898 = arith.index_cast %add3A_803 : i32 to index
        %swap3A_899 = arith.constant 96 : index
        %swap3A_900 = tpu.vector_load %arg15[%swap3A_898, %swap3A_899] {strides = array<i32>} : memref<64x128xf32, #tpu.memory_space<vmem>>, vector<16xf32>,
        tpu.vector_store %arg15[%swap3A_898, %swap3A_899], %add3A_897 {strides = array<i32>} : memref<64x128xf32, #tpu.memory_space<vmem>>, vector<16xf32>,
        %mul3A_901 = arith.mulf %add3A_495, %mul3A_847 : vector<16xf32>
        %add3A_902 = arith.addf %mul3A_901, %sub3A_851 : vector<16xf32>
        %mul3A_903 = arith.mulf %add3A_902, %get3A_61 : vector<16xf32>
        %add3A_904 = arith.addf %mul3A_903, %get3A_77 : vector<16xf32>
        %swap3A_905 = arith.index_cast %add3A_803 : i32 to index
        %swap3A_906 = arith.constant 112 : index
        %swap3A_907 = tpu.vector_load %arg15[%swap3A_905, %swap3A_906] {strides = array<i32>} : memref<64x128xf32, #tpu.memory_space<vmem>>, vector<16xf32>,
        tpu.vector_store %arg15[%swap3A_905, %swap3A_906], %add3A_904 {strides = array<i32>} : memref<64x128xf32, #tpu.memory_space<vmem>>, vector<16xf32>,
        %add3A_908 = arith.constant 3 : i32
        %add3A_909 = arith.addi %mul3A_287, %add3A_908 : i32
        %broadcast_in_dim3A_910 = arith.constant true
        %broadcast_in_dim3A_911 = vector.broadcast %broadcast_in_dim3A_910 : i1 to vector<16xi1>
        %masked_cumsum3A_912 = tpu.scan <sum>, %add3A_579 masked %broadcast_in_dim3A_911 : vector<16xf32>, vector<16xi1> -> vector<16xf32>
        %broadcast_in_dim3A_913 = vector.shape_cast %broadcast_in_dim3A_78 : vector<16xi32> to vector<16x1xi32>
        %gather3A_914 = vector.shape_cast %broadcast_in_dim3A_913 : vector<16x1xi32> to vector<16xi32>
        %gather3A_915 = tpu.dynamic_gather %masked_cumsum3A_912[%gather3A_914] in [0] : vector<16xf32>, vector<16xi32> -> vector<16xf32>
        %mul3A_916 = vector.broadcast %scan3A_101 : f32 to vector<16xf32>
        %mul3A_917 = arith.mulf %gather3A_915, %mul3A_916 : vector<16xf32>
        %broadcast_in_dim3A_918 = arith.constant true
        %broadcast_in_dim3A_919 = vector.broadcast %broadcast_in_dim3A_918 : i1 to vector<16xi1>
        %masked_cumsum3A_920 = tpu.scan <sum>, %add3A_594 masked %broadcast_in_dim3A_919 : vector<16xf32>, vector<16xi1> -> vector<16xf32>
        %broadcast_in_dim3A_921 = vector.shape_cast %broadcast_in_dim3A_78 : vector<16xi32> to vector<16x1xi32>
        %gather3A_922 = vector.shape_cast %broadcast_in_dim3A_921 : vector<16x1xi32> to vector<16xi32>
        %gather3A_923 = tpu.dynamic_gather %masked_cumsum3A_920[%gather3A_922] in [0] : vector<16xf32>, vector<16xi32> -> vector<16xf32>
        %mul3A_924 = vector.broadcast %scan3A_101 : f32 to vector<16xf32>
        %mul3A_925 = arith.mulf %gather3A_923, %mul3A_924 : vector<16xf32>
        %mul3A_926 = arith.mulf %mul3A_917, %mul3A_917 : vector<16xf32>
        %sub3A_927 = arith.subf %mul3A_925, %mul3A_926 : vector<16xf32>
        %add3A_928 = arith.constant 1.000000e-03 : f32
        %add3A_929 = vector.broadcast %add3A_928 : f32 to vector<16xf32>
        %add3A_930 = arith.addf %sub3A_927, %add3A_929 : vector<16xf32>
        %bitcast3A_931 = vector.bitcast %add3A_930 : vector<16xf32> to vector<16xi32>
        %shift_right_arithmetic3A_932 = arith.constant 1 : i32
        %shift_right_arithmetic3A_933 = vector.broadcast %shift_right_arithmetic3A_932 : i32 to vector<16xi32>
        %shift_right_arithmetic3A_934 = arith.shrsi %bitcast3A_931, %shift_right_arithmetic3A_933 : vector<16xi32>
        %sub3A_935 = arith.constant 1597463007 : i32
        %sub3A_936 = vector.broadcast %sub3A_935 : i32 to vector<16xi32>
        %sub3A_937 = arith.subi %sub3A_936, %shift_right_arithmetic3A_934 : vector<16xi32>
        %bitcast3A_938 = vector.bitcast %sub3A_937 : vector<16xi32> to vector<16xf32>
        %mul3A_939 = arith.constant 5.000000e-01 : f32
        %mul3A_940 = vector.broadcast %mul3A_939 : f32 to vector<16xf32>
        %mul3A_941 = arith.mulf %add3A_930, %mul3A_940 : vector<16xf32>
        %mul3A_942 = arith.mulf %mul3A_941, %bitcast3A_938 : vector<16xf32>
        %mul3A_943 = arith.mulf %mul3A_942, %bitcast3A_938 : vector<16xf32>
        %sub3A_944 = arith.constant 1.500000e+00 : f32
        %sub3A_945 = vector.broadcast %sub3A_944 : f32 to vector<16xf32>
        %sub3A_946 = arith.subf %sub3A_945, %mul3A_943 : vector<16xf32>
        %mul3A_947 = arith.mulf %bitcast3A_938, %sub3A_946 : vector<16xf32>
        %mul3A_948 = arith.mulf %mul3A_941, %mul3A_947 : vector<16xf32>
        %mul3A_949 = arith.mulf %mul3A_948, %mul3A_947 : vector<16xf32>
        %sub3A_950 = arith.constant 1.500000e+00 : f32
        %sub3A_951 = vector.broadcast %sub3A_950 : f32 to vector<16xf32>
        %sub3A_952 = arith.subf %sub3A_951, %mul3A_949 : vector<16xf32>
        %mul3A_953 = arith.mulf %mul3A_947, %sub3A_952 : vector<16xf32>
        %mul3A_954 = arith.mulf %mul3A_917, %mul3A_953 : vector<16xf32>
        %sub3A_955 = arith.constant 0.000000e+00 : f32
        %sub3A_956 = vector.broadcast %sub3A_955 : f32 to vector<16xf32>
        %sub3A_957 = arith.subf %sub3A_956, %mul3A_954 : vector<16xf32>
        %mul3A_958 = arith.mulf %add3A_530, %mul3A_953 : vector<16xf32>
        %add3A_959 = arith.addf %mul3A_958, %sub3A_957 : vector<16xf32>
        %mul3A_960 = arith.mulf %add3A_959, %get3A_47 : vector<16xf32>
        %add3A_961 = arith.addf %mul3A_960, %get3A_63 : vector<16xf32>
        %swap3A_962 = arith.index_cast %add3A_909 : i32 to index
        %swap3A_963 = arith.constant 0 : index
        %swap3A_964 = tpu.vector_load %arg15[%swap3A_962, %swap3A_963] {strides = array<i32>} : memref<64x128xf32, #tpu.memory_space<vmem>>, vector<16xf32>,
        tpu.vector_store %arg15[%swap3A_962, %swap3A_963], %add3A_961 {strides = array<i32>} : memref<64x128xf32, #tpu.memory_space<vmem>>, vector<16xf32>,
        %mul3A_965 = arith.mulf %add3A_536, %mul3A_953 : vector<16xf32>
        %add3A_966 = arith.addf %mul3A_965, %sub3A_957 : vector<16xf32>
        %mul3A_967 = arith.mulf %add3A_966, %get3A_49 : vector<16xf32>
        %add3A_968 = arith.addf %mul3A_967, %get3A_65 : vector<16xf32>
        %swap3A_969 = arith.index_cast %add3A_909 : i32 to index
        %swap3A_970 = arith.constant 16 : index
        %swap3A_971 = tpu.vector_load %arg15[%swap3A_969, %swap3A_970] {strides = array<i32>} : memref<64x128xf32, #tpu.memory_space<vmem>>, vector<16xf32>,
        tpu.vector_store %arg15[%swap3A_969, %swap3A_970], %add3A_968 {strides = array<i32>} : memref<64x128xf32, #tpu.memory_space<vmem>>, vector<16xf32>,
        %mul3A_972 = arith.mulf %add3A_542, %mul3A_953 : vector<16xf32>
        %add3A_973 = arith.addf %mul3A_972, %sub3A_957 : vector<16xf32>
        %mul3A_974 = arith.mulf %add3A_973, %get3A_51 : vector<16xf32>
        %add3A_975 = arith.addf %mul3A_974, %get3A_67 : vector<16xf32>
        %swap3A_976 = arith.index_cast %add3A_909 : i32 to index
        %swap3A_977 = arith.constant 32 : index
        %swap3A_978 = tpu.vector_load %arg15[%swap3A_976, %swap3A_977] {strides = array<i32>} : memref<64x128xf32, #tpu.memory_space<vmem>>, vector<16xf32>,
        tpu.vector_store %arg15[%swap3A_976, %swap3A_977], %add3A_975 {strides = array<i32>} : memref<64x128xf32, #tpu.memory_space<vmem>>, vector<16xf32>,
        %mul3A_979 = arith.mulf %add3A_548, %mul3A_953 : vector<16xf32>
        %add3A_980 = arith.addf %mul3A_979, %sub3A_957 : vector<16xf32>
        %mul3A_981 = arith.mulf %add3A_980, %get3A_53 : vector<16xf32>
        %add3A_982 = arith.addf %mul3A_981, %get3A_69 : vector<16xf32>
        %swap3A_983 = arith.index_cast %add3A_909 : i32 to index
        %swap3A_984 = arith.constant 48 : index
        %swap3A_985 = tpu.vector_load %arg15[%swap3A_983, %swap3A_984] {strides = array<i32>} : memref<64x128xf32, #tpu.memory_space<vmem>>, vector<16xf32>,
        tpu.vector_store %arg15[%swap3A_983, %swap3A_984], %add3A_982 {strides = array<i32>} : memref<64x128xf32, #tpu.memory_space<vmem>>, vector<16xf32>,
        %mul3A_986 = arith.mulf %add3A_554, %mul3A_953 : vector<16xf32>
        %add3A_987 = arith.addf %mul3A_986, %sub3A_957 : vector<16xf32>
        %mul3A_988 = arith.mulf %add3A_987, %get3A_55 : vector<16xf32>
        %add3A_989 = arith.addf %mul3A_988, %get3A_71 : vector<16xf32>
        %swap3A_990 = arith.index_cast %add3A_909 : i32 to index
        %swap3A_991 = arith.constant 64 : index
        %swap3A_992 = tpu.vector_load %arg15[%swap3A_990, %swap3A_991] {strides = array<i32>} : memref<64x128xf32, #tpu.memory_space<vmem>>, vector<16xf32>,
        tpu.vector_store %arg15[%swap3A_990, %swap3A_991], %add3A_989 {strides = array<i32>} : memref<64x128xf32, #tpu.memory_space<vmem>>, vector<16xf32>,
        %mul3A_993 = arith.mulf %add3A_560, %mul3A_953 : vector<16xf32>
        %add3A_994 = arith.addf %mul3A_993, %sub3A_957 : vector<16xf32>
        %mul3A_995 = arith.mulf %add3A_994, %get3A_57 : vector<16xf32>
        %add3A_996 = arith.addf %mul3A_995, %get3A_73 : vector<16xf32>
        %swap3A_997 = arith.index_cast %add3A_909 : i32 to index
        %swap3A_998 = arith.constant 80 : index
        %swap3A_999 = tpu.vector_load %arg15[%swap3A_997, %swap3A_998] {strides = array<i32>} : memref<64x128xf32, #tpu.memory_space<vmem>>, vector<16xf32>,
        tpu.vector_store %arg15[%swap3A_997, %swap3A_998], %add3A_996 {strides = array<i32>} : memref<64x128xf32, #tpu.memory_space<vmem>>, vector<16xf32>,
        %mul3A_1000 = arith.mulf %add3A_566, %mul3A_953 : vector<16xf32>
        %add3A_1001 = arith.addf %mul3A_1000, %sub3A_957 : vector<16xf32>
        %mul3A_1002 = arith.mulf %add3A_1001, %get3A_59 : vector<16xf32>
        %add3A_1003 = arith.addf %mul3A_1002, %get3A_75 : vector<16xf32>
        %swap3A_1004 = arith.index_cast %add3A_909 : i32 to index
        %swap3A_1005 = arith.constant 96 : index
        %swap3A_1006 = tpu.vector_load %arg15[%swap3A_1004, %swap3A_1005] {strides = array<i32>} : memref<64x128xf32, #tpu.memory_space<vmem>>, vector<16xf32>,
        tpu.vector_store %arg15[%swap3A_1004, %swap3A_1005], %add3A_1003 {strides = array<i32>} : memref<64x128xf32, #tpu.memory_space<vmem>>, vector<16xf32>,
        %mul3A_1007 = arith.mulf %add3A_572, %mul3A_953 : vector<16xf32>
        %add3A_1008 = arith.addf %mul3A_1007, %sub3A_957 : vector<16xf32>
        %mul3A_1009 = arith.mulf %add3A_1008, %get3A_61 : vector<16xf32>
        %add3A_1010 = arith.addf %mul3A_1009, %get3A_77 : vector<16xf32>
        %swap3A_1011 = arith.index_cast %add3A_909 : i32 to index
        %swap3A_1012 = arith.constant 112 : index
        %swap3A_1013 = tpu.vector_load %arg15[%swap3A_1011, %swap3A_1012] {strides = array<i32>} : memref<64x128xf32, #tpu.memory_space<vmem>>, vector<16xf32>,
        tpu.vector_store %arg15[%swap3A_1011, %swap3A_1012], %add3A_1010 {strides = array<i32>} : memref<64x128xf32, #tpu.memory_space<vmem>>, vector<16xf32>,
      }
      %scan3A_277 = arith.constant 16 : i32
      %mul3A_278 = arith.constant 64 : i32
      %mul3A_279 = arith.muli %add3A_258, %mul3A_278 : i32
      %add3A_280 = arith.addi %mul3A_2, %mul3A_279 : i32
      %dma_start3A_281 = arith.constant 0 : i32
      %dma_start3A_282 = tpu.memref_slice %arg9[%add3A_280, %dma_start3A_281] : memref<204800x128xf32, #tpu.memory_space<hbm>> -> memref<64x128xf32, #tpu.memory_space<hbm>>
      %dma_start3A_283 = arith.constant 0 : i32
      %dma_start3A_284 = tpu.memref_slice %arg9[%add3A_280, %dma_start3A_283] : memref<204800x128xf32, #tpu.memory_space<hbm>> -> memref<64x128xf32, #tpu.memory_space<hbm>>
      tpu.enqueue_dma source(%arg15 : memref<64x128xf32, #tpu.memory_space<vmem>>) target(%dma_start3A_284 : memref<64x128xf32, #tpu.memory_space<hbm>>) target_semaphore(%arg22 : memref<!tpu.dma_semaphore, #tpu.memory_space<semaphore_mem>>)
    }
    %scan3A_106 = arith.constant 20 : i32
    %dma_wait3A_107 = arith.constant 0 : i32
    %dma_wait3A_108 = arith.constant 0 : i32
    %dma_wait3A_109 = tpu.memref_slice %arg9[%dma_wait3A_107, %dma_wait3A_108] : memref<204800x128xf32, #tpu.memory_space<hbm>> -> memref<64x128xf32, #tpu.memory_space<hbm>>
    %dma_wait3A_110 = arith.constant 0 : i32
    %dma_wait3A_111 = arith.constant 0 : i32
    %dma_wait3A_112 = tpu.memref_slice %arg9[%dma_wait3A_110, %dma_wait3A_111] : memref<204800x128xf32, #tpu.memory_space<hbm>> -> memref<64x128xf32, #tpu.memory_space<hbm>>
    tpu.wait_dma2 semaphore(%arg22 : memref<!tpu.dma_semaphore, #tpu.memory_space<semaphore_mem>>) src(%arg11 : memref<64x128xf32, #tpu.memory_space<vmem>>) dst(%dma_wait3A_112 : memref<64x128xf32, #tpu.memory_space<hbm>>)
    %dma_wait3A_113 = arith.constant 0 : i32
    %dma_wait3A_114 = arith.constant 0 : i32
    %dma_wait3A_115 = tpu.memref_slice %arg9[%dma_wait3A_113, %dma_wait3A_114] : memref<204800x128xf32, #tpu.memory_space<hbm>> -> memref<64x128xf32, #tpu.memory_space<hbm>>
    %dma_wait3A_116 = arith.constant 0 : i32
    %dma_wait3A_117 = arith.constant 0 : i32
    %dma_wait3A_118 = tpu.memref_slice %arg9[%dma_wait3A_116, %dma_wait3A_117] : memref<204800x128xf32, #tpu.memory_space<hbm>> -> memref<64x128xf32, #tpu.memory_space<hbm>>
    tpu.wait_dma2 semaphore(%arg22 : memref<!tpu.dma_semaphore, #tpu.memory_space<semaphore_mem>>) src(%arg12 : memref<64x128xf32, #tpu.memory_space<vmem>>) dst(%dma_wait3A_118 : memref<64x128xf32, #tpu.memory_space<hbm>>)
    %dma_wait3A_119 = arith.constant 0 : i32
    %dma_wait3A_120 = arith.constant 0 : i32
    %dma_wait3A_121 = tpu.memref_slice %arg9[%dma_wait3A_119, %dma_wait3A_120] : memref<204800x128xf32, #tpu.memory_space<hbm>> -> memref<64x128xf32, #tpu.memory_space<hbm>>
    %dma_wait3A_122 = arith.constant 0 : i32
    %dma_wait3A_123 = arith.constant 0 : i32
    %dma_wait3A_124 = tpu.memref_slice %arg9[%dma_wait3A_122, %dma_wait3A_123] : memref<204800x128xf32, #tpu.memory_space<hbm>> -> memref<64x128xf32, #tpu.memory_space<hbm>>
    tpu.wait_dma2 semaphore(%arg22 : memref<!tpu.dma_semaphore, #tpu.memory_space<semaphore_mem>>) src(%arg13 : memref<64x128xf32, #tpu.memory_space<vmem>>) dst(%dma_wait3A_124 : memref<64x128xf32, #tpu.memory_space<hbm>>)
    %dma_wait3A_125 = arith.constant 0 : i32
    %dma_wait3A_126 = arith.constant 0 : i32
    %dma_wait3A_127 = tpu.memref_slice %arg9[%dma_wait3A_125, %dma_wait3A_126] : memref<204800x128xf32, #tpu.memory_space<hbm>> -> memref<64x128xf32, #tpu.memory_space<hbm>>
    %dma_wait3A_128 = arith.constant 0 : i32
    %dma_wait3A_129 = arith.constant 0 : i32
    %dma_wait3A_130 = tpu.memref_slice %arg9[%dma_wait3A_128, %dma_wait3A_129] : memref<204800x128xf32, #tpu.memory_space<hbm>> -> memref<64x128xf32, #tpu.memory_space<hbm>>
    tpu.wait_dma2 semaphore(%arg22 : memref<!tpu.dma_semaphore, #tpu.memory_space<semaphore_mem>>) src(%arg14 : memref<64x128xf32, #tpu.memory_space<vmem>>) dst(%dma_wait3A_130 : memref<64x128xf32, #tpu.memory_space<hbm>>)
    %dma_wait3A_131 = arith.constant 0 : i32
    %dma_wait3A_132 = arith.constant 0 : i32
    %dma_wait3A_133 = tpu.memref_slice %arg9[%dma_wait3A_131, %dma_wait3A_132] : memref<204800x128xf32, #tpu.memory_space<hbm>> -> memref<64x128xf32, #tpu.memory_space<hbm>>
    %dma_wait3A_134 = arith.constant 0 : i32
    %dma_wait3A_135 = arith.constant 0 : i32
    %dma_wait3A_136 = tpu.memref_slice %arg9[%dma_wait3A_134, %dma_wait3A_135] : memref<204800x128xf32, #tpu.memory_space<hbm>> -> memref<64x128xf32, #tpu.memory_space<hbm>>
    tpu.wait_dma2 semaphore(%arg22 : memref<!tpu.dma_semaphore, #tpu.memory_space<semaphore_mem>>) src(%arg15 : memref<64x128xf32, #tpu.memory_space<vmem>>) dst(%dma_wait3A_136 : memref<64x128xf32, #tpu.memory_space<hbm>>)
    return
  }
}

</mosaic_0001>

<sc_bundles>
// kernel: _run.3.cloned.1.call-start
scs
__scs_entry_jumppad:
0x0: {  	(pc) =	sbr.rel $0x88, $3  }
0x1: {  	(tag) =	ssettag $0x0;
	lr =	simm.s32 $0x1  }
0x2: {  	[smem:$0x3F9A] =	sst lr;
	_ =	strace $0xD0000000  }
0x3: {  	_ = 	snop  }
0x4: {  	_ = 	snop  }
0x5: {  	_ = 	snop  }
0x6: {  	_ = 	snop  }
0x7: {  	_ = 	snop  }
__scs_overlays_trampoline_lowered:
0x8: {  	[smem:$0x3FA9] =	sst s0  }
0x9: {  	[smem:$0x3FAA] =	sst s1  }
0xa: {  	[smem:$0x3FAB] =	sst s2  }
0xb: {  	[smem:$0x3FAC] =	sst s3  }
0xc: {  	[smem:$0x3FAD] =	sst s4  }
0xd: {  	[smem:$0x3FAE] =	sst s5  }
0xe: {  	[smem:$0x3FAF] =	sst s6  }
0xf: {  	[smem:$0x3FB0] =	sst s7  }
0x10: {  	[smem:$0x3FB1] =	sst s8  }
0x11: {  	[smem:$0x3FB2] =	sst s9;
	s0 =	simm.s32 @!p0 $0x0  }
0x12: {  	s1 =	sld [smem:$0x3F98];
	s0 =	simm.s32 @p0 $0x1  }
0x13: {  	[smem:$0x3FB3] =	sst s0;
	s0 =	simm.s32 @!p1 $0x0  }
0x14: {  	s2 =	sld [smem:$0x3F97];
	s0 =	simm.s32 @p1 $0x1  }
0x15: {  	[smem:$0x3FB4] =	sst s0;
	s0 =	simm.s32 @!p2 $0x0  }
0x16: {  	s3 =	sld [smem:$0x3FDB];
	s0 =	simm.s32 @p2 $0x1  }
0x17: {  	s4 =	simm.s32 $0x1BF5;
	[smem:$0x3FB6] =	sst s0  }
0x18: {  	s0 =	sld [smem:$0x3F99];
	_ =	swait.ge [sflag:s4], $0x0  }
0x19: {  	s7 =	sld [smem:$0x3F9A]  }
0x1a: {  	s8 =	sadd.s32 $0xFFFFE003, lr  }
0x1b: {  	s9 =	sadd.s32 $0xFFFFFEF7, lr;
	s5 =	simm.s32 $0xFFFFFFFF;
	p2 =	slt.u32 s8, $0xFFFFF086  }
0x1c: {  	p1 =	slt.u32 s9, $0xF7A;
	s5 =	simm.s32 @!p2 $0x0  }
0x1d: {  	s5 =	simm.s32 @p1 $0x1;
	p0 =	seq.s32 s7, s2  }
0x1e: {  	s7 =	smul.u32 @!p0 $0xF7A, s2;
	p2 =	seq.s32 @!p0 s5, $0x0  }
0x1f: {  	s9 =	smul.u32 $0xF7A, s1;
	s8 =	simm.s32 @!p0 $0x1BF5;
	p2 =	por !p2, p0  }
0x20: {  	[sflag:s8] =	ssyncset.s32 @!p0 $0xFFFFF086;
	s6 =	sadd.s32 @!p0 s3, s7;
	s7 =	simm.s32 @!p0 $0x108  }
0x21: {  	s3 =	sadd.s32 s3, s9;
	s6 =	sadd.s32 @!p0 $0x88, s6;
	s7 =	simm.s32 @p2 $0x1082  }
0x22: {  	[simem:s7], [sflag:s8] =	dma.local @!p0 [hbm:s6], $0xF7A  }
0x23: {  	s9 =	sor.u32 $0xD0000000, s2;
	s6 =	simm.s32 $0x108;
	_ =	swait.ge @!p0 [sflag:s8], $0x0  }
0x24: {  	s3 =	sadd.s32 $0x88, s3;
	s6 =	simm.s32 @!p1 $0x1082;
	[sflag:s4] =	ssyncset.s32 $0xFFFFF086  }
0x25: {  	[simem:s6], [sflag:s4] =	dma.local [hbm:s3], $0xF7A  }
0x26: {  	[smem:$0x3F9A] =	sst s1;
	(tag) =	ssettag s2;
	_ =	strace s9  }
0x27: {  	s1 =	sld [smem:$0x3FAA]  }
0x28: {  	s2 =	sld [smem:$0x3FAB]  }
0x29: {  	s4 =	sld [smem:$0x3FAD]  }
0x2a: {  	p0 =	seq.s32 s5, $0x0;
	s5 =	sld [smem:$0x3FAE]  }
0x2b: {  	s6 =	sld [smem:$0x3FAF]  }
0x2c: {  	s7 =	sld [smem:$0x3FB0]  }
0x2d: {  	s3 =	simm.s32 $0x108;
	s8 =	sld [smem:$0x3FB1]  }
0x2e: {  	s3 =	simm.s32 @!p0 $0x1082;
	s9 =	sld [smem:$0x3FB2]  }
0x2f: {  	lr =	sadd.s32 s0, s3;
	s0 =	sld [smem:$0x3FA9]  }
0x30: {  	s3 =	sld [smem:$0x3FAC]  }
0x31: {  	[smem:$0x3FB5] =	sst s10  }
0x32: {  	s10 =	sld [smem:$0x3FB3];
	_ =	sdelay $0x3  }
0x33: {  	p0 =	seq.s32 s10, $0x1;
	s10 =	sld [smem:$0x3FB5];
	_ =	sdelay $0x3  }
0x34: {  	[smem:$0x3FB5] =	sst s10  }
0x35: {  	s10 =	sld [smem:$0x3FB4];
	_ =	sdelay $0x3  }
0x36: {  	p1 =	seq.s32 s10, $0x1;
	s10 =	sld [smem:$0x3FB5];
	_ =	sdelay $0x3  }
0x37: {  	[smem:$0x3FB5] =	sst s10  }
0x38: {  	s10 =	sld [smem:$0x3FB6]  }
0x39: {  	_ = 	snop;
	(pc) =	sbr.ind lr, $3  }
0x3a: {  	_ = 	snop  }
0x3b: {  	_ = 	snop  }
0x3c: {  	p2 =	seq.s32 s10, $0x1;
	s10 =	sld [smem:$0x3FB5]  }
0x3d: {  	_ =	shalt  }
0x3e: {  	_ =	shalt  }
0x3f: {  	_ =	shalt  }
0x40: {  	_ =	shalt  }
0x41: {  	_ =	shalt  }
0x42: {  	_ =	shalt  }
0x43: {  	_ =	shalt  }
0x44: {  	_ =	shalt  }
0x45: {  	_ =	shalt  }
0x46: {  	_ =	shalt  }
0x47: {  	_ =	shalt  }
0x48: {  	_ =	shalt  }
0x49: {  	_ =	shalt  }
0x4a: {  	_ =	shalt  }
0x4b: {  	_ =	shalt  }
0x4c: {  	_ =	shalt  }
0x4d: {  	_ =	shalt  }
0x4e: {  	_ =	shalt  }
0x4f: {  	_ =	shalt  }
0x50: {  	_ =	shalt  }
0x51: {  	_ =	shalt  }
0x52: {  	_ =	shalt  }
0x53: {  	_ =	shalt  }
0x54: {  	_ =	shalt  }
0x55: {  	_ =	shalt  }
0x56: {  	_ =	shalt  }
0x57: {  	_ =	shalt  }
0x58: {  	_ =	shalt  }
0x59: {  	_ =	shalt  }
0x5a: {  	_ =	shalt  }
0x5b: {  	_ =	shalt  }
0x5c: {  	_ =	shalt  }
0x5d: {  	_ =	shalt  }
0x5e: {  	_ =	shalt  }
0x5f: {  	_ =	shalt  }
0x60: {  	_ =	shalt  }
0x61: {  	_ =	shalt  }
0x62: {  	_ =	shalt  }
0x63: {  	_ =	shalt  }
0x64: {  	_ =	shalt  }
0x65: {  	_ =	shalt  }
0x66: {  	_ =	shalt  }
0x67: {  	_ =	shalt  }
0x68: {  	_ =	shalt  }
0x69: {  	_ =	shalt  }
0x6a: {  	_ =	shalt  }
0x6b: {  	_ =	shalt  }
0x6c: {  	_ =	shalt  }
0x6d: {  	_ =	shalt  }
0x6e: {  	_ =	shalt  }
0x6f: {  	_ =	shalt  }
0x70: {  	_ =	shalt  }
0x71: {  	_ =	shalt  }
0x72: {  	_ =	shalt  }
0x73: {  	_ =	shalt  }
0x74: {  	_ =	shalt  }
0x75: {  	_ =	shalt  }
0x76: {  	_ =	shalt  }
0x77: {  	_ =	shalt  }
0x78: {  	_ =	shalt  }
0x79: {  	_ =	shalt  }
0x7a: {  	_ =	shalt  }
0x7b: {  	_ =	shalt  }
0x7c: {  	_ =	shalt  }
0x7d: {  	_ =	shalt  }
0x7e: {  	_ =	shalt  }
0x7f: {  	_ =	shalt  }
0x80: {  	_ =	shalt  }
0x81: {  	_ =	shalt  }
0x82: {  	_ =	shalt  }
0x83: {  	_ =	shalt  }
0x84: {  	_ =	shalt  }
0x85: {  	_ =	shalt  }
0x86: {  	_ =	shalt  }
0x87: {  	_ =	shalt  }
.Lfunc_end0:
.L_simem_size_0:
called_computation_lowered:
.L_overlay_start_0:
0x88: {  	s2 =	sld [smem:$0x3FD9]  }
0x89: {  	s3 =	sld [smem:$0x3FFE];
	_ =	sdelay $0x1  }
0x8a: {  	s1 =	srdreg.scid  }
0x8b: {  	s0 =	sand.u32 $0x1, s1  }
0x8c: {  	s17 =	sshll.u32 s0, $0xA;
	s2 =	sadd.s32 s3, s2  }
0x8d: {  	s2 =	sadd.s32 s2, s17  }
0x8e: {  	[smem:$0x3FC1] =	sst s2  }
0x8f: {  	_ = 	snop  }
0x90: {  	s2 =	sld [smem:$0x3FC8]  }
0x91: {  	s18 =	sld [smem:$0x3FC7]  }
0x92: {  	s4 =	sld [smem:$0x3FC6]  }
0x93: {  	s5 =	sld [smem:$0x3FC5]  }
0x94: {  	s6 =	sld [smem:$0x3FC4]  }
0x95: {  	s7 =	sld [smem:$0x3FC3]  }
0x96: {  	s8 =	sld [smem:$0x3FD0];
	(tm) =	ssettm $0x1  }
0x97: {  	s9 =	sld [smem:$0x3FFB];
	_ =	sdelay $0x3  }
0x98: {  	_ =	strace s9  }
0x99: {  	s9 =	sld [smem:$0x3FFC];
	_ =	sdelay $0x3  }
0x9a: {  	_ =	strace s9  }
0x9b: {  	s9 =	sld [smem:$0x3FFD];
	_ =	sdelay $0x3  }
0x9c: {  	_ =	strace s9  }
0x9d: {  	_ =	strace $0x8FFFFFFF  }
0x9e: {  	s19 =	sld [smem:$0x3FDB];
	_ =	sdelay $0x1  }
0x9f: {  	s10 =	simm.s32 $_scs_section_size  }
0xa0: {  	s11 =	simm.s32 $_size__tile_overlayer_lowered;
	s12 =	simm.s32 $_tile_overlayer_lowered  }
0xa1: {  	s22 =	simm.s32 $0x1BFF;
	s21 =	sshll.u32 s12, $0x1;
	s9 =	sadd.s32 s10, s19  }
0xa2: {  	s13 =	simm.s32 $0x0;
	s20 =	sshll.u32 s11, $0x1;
	s11 =	sadd.s32 s21, s9  }
0xa3: {  	[timem:s13], [sflag:s22] =	dma.local [hbm:s11], s20  }
0xa4: {  	_ =	swait.ge [sflag:s22], s20  }
0xa5: {  	s10 =	ssub.s32 $0x0, s20;
	[sflag:s22] =	ssyncset.done $0x0  }
0xa6: {  	[sflag:s22] =	ssyncadd.s32 s10;
	_ =	sdelay $0x1  }
0xa7: {  	s23 =	simm.s32 $0x1B8B  }
0xa8: {  	_ =	swait.ge [sflag:s23], $0x1  }
0xa9: {  	[sflag:s23] =	ssyncset.done $0x0  }
0xaa: {  	s25 =	simm.s32 $0x1B8E;
	s24 =	sld [smem:$0x3FFE];
	[sflag:s23] =	ssyncadd.s32 $0xFFFFFFFF  }
0xab: {  	s26 =	simm.s32 $execute0_lowered;
	[smem:$0x3FD2] =	sst s25  }
0xac: {  	s11 =	sshll.u32 s26, $0x1;
	_ =	strace $0x80000046;
	[dreg:$0x1] =	wrdreg $0xFFFFFFFF  }
0xad: {  	s28 =	simm.s32 $_size_execute0_lowered;
	s9 =	sadd.s32 s9, s11;
	[dreg:$0x0] =	wrdreg $0x0  }
0xae: {  	s11 =	sshll.u32 s28, $0x1;
	[dreg:$0x2] =	wrdreg s9  }
0xaf: {  	[dreg:$0x3] =	wrdreg s11  }
0xb0: {  	[dreg:$0x4] =	wrdreg $0xC0  }
0xb1: {  	_ =	task [dreg:s13], $0x5FFFF  }
0xb2: {  	[dreg:$0x1] =	wrdreg $0xFFFFFFFF  }
0xb3: {  	[dreg:$0x0] =	wrdreg $0x60  }
0xb4: {  	[dreg:$0x2] =	wrdreg s24  }
0xb5: {  	[dreg:$0x3] =	wrdreg s2  }
0xb6: {  	[dreg:$0x4] =	wrdreg s18  }
0xb7: {  	[dreg:$0x5] =	wrdreg s4  }
0xb8: {  	[dreg:$0x6] =	wrdreg s5  }
0xb9: {  	[dreg:$0x7] =	wrdreg s6  }
0xba: {  	[dreg:$0x8] =	wrdreg s7  }
0xbb: {  	[dreg:$0x9] =	wrdreg s8  }
0xbc: {  	[dreg:$0xa] =	wrdreg $0x9  }
0xbd: {  	_ =	task.clear_ibuf [dreg:s13], $0xBFFFF;
	_ =	strace $0x90000046  }
0xbe: {  	s29 =	simm.s32 $0x9;
	_ =	strace $0x80000048  }
0xbf: {  	_ =	swait.ge [sflag:s29], $0x1  }
0xc0: {  	[sflag:s29] =	ssyncadd.s32 $0xFFFFFFFF  }
0xc1: {  	_ =	strace $0x90000048  }
0xc2: {  	_ =	sfence  }
0xc3: {  	s30 =	sld [smem:$0x0];
	_ =	sdelay $0x2  }
0xc4: {  	s31 =	sshll.u32 s1, $0xD;
	s1 =	sshrl.u32 s1, $0x2  }
0xc5: {  	s3 =	sand.u32 $0x4000, s31;
	s1 =	sadd.s32 s1, s30  }
0xc6: {  	s0 =	sor.u32 s3, s0;
	s1 =	sshll.u32 s1, $0x11  }
0xc7: {  	s0 =	sor.u32 s1, s0  }
0xc8: {  	s0 =	sadd.s32 $0x8F2B, s0  }
0xc9: {  	[sflag:s0] =	ssyncadd.remote.s32 $0x1  }
0xca: {  	_ =	sfence.sel $0xFFFF  }
0xcb: {  	[dreg:$0x0] =	wrdreg $0xFFFFFFFF;
	(pc) =	sbr.abs _section_cstart, $3  }
0xcc: {  	[dreg:$0x1] =	wrdreg $0xFFFFFFFF  }
0xcd: {  	_ =	task.clear_ibuf [dreg:s13], $0x2FFFF;
	_ =	strace $0x9FFFFFFF  }
0xce: {  	(tm) =	ssettm $0x7FFFFFFF  }
0xcf: {  	_ =	shalt  }
tec
execute0_lowered:
.L_overlay_start_1:
0x0: {  	(tag) =	ssettag $0x1  }
0x1: {  	s1 =	rddreg [dreg:$0x0]  }
0x2: {  	s2 =	rddreg [dreg:$0x1]  }
0x3: {  	s0 =	rddreg [dreg:$0x2];
	s3 =	srdreg.scid  }
0x4: {  	s10 =	stileid.u32;
	s7 =	rddreg [dreg:$0x7]  }
0x5: {  	s8 =	simm.s32 $0x0;
	s16 =	simm.s32 $0x4;
	s15 =	simm.s32 $0x16800  }
0x6: {  	s21 =	simm.s32 $0x19C00;
	s22 =	simm.s32 $0x3;
	s23 =	simm.s32 $0x40  }
0x7: {  	v63 =	vlaneseq.u32;
	s24 =	simm.s32 $0xC800;
	s3 =	sand.u32 $0x1, s3;
	s4 =	sshll.u32 s10, $0x1  }
0x8: {  	[smem:$0x7FF] =	sst s8;
	s14 =	smul.u32 $0x3200, s10;
	v0 =	vor.u32 $0x10, v63;
	s4 =	sor.u32 s3, s4  }
0x9: {  	v1 =	vor.u32 $0x20, v63;
	_ =	strace $0x80000047;
	s6 =	ssub.s32 $0x2, s3;
	s3 =	smul.u32 $0x1900, s3;
	[tilespmem:$0x1FF90] =	vst v0  }
0xa: {  	s29 =	simm.s32 $0x10800;
	s30 =	simm.s32 $0x1;
	v2 =	vor.u32 $0x30, v63;
	[tilespmem:$0x1FFA0] =	vst v1;
	s5 =	smul.u32 $0x680, s4  }
0xb: {  	s31 =	simm.s32 $0x12800;
	v3 =	vor.u32 $0x40, v63;
	[tilespmem:$0x1FFB0] =	vst v2;
	s9 =	smul.u32 $0x1900, s4;
	s26 =	sshrl.u32 s6, $0x1  }
0xc: {  	v4 =	vor.u32 $0x50, v63;
	[tilespmem:$0x1FFC0] =	vst v3;
	s12 =	smul.u32 $0xC8000, s4;
	s14 =	sadd.s32 s3, s14;
	s1 =	sadd.s32 s5, s1  }
0xd: {  	v5 =	vor.u32 $0x60, v63;
	[tilespmem:$0x1FFD0] =	vst v4;
	s5 =	ssub.s32 s6, s26;
	s28 =	sshrl.u32 s9, $0x3;
	s26 =	simm.s32 $0xE800  }
0xe: {  	v6 =	vor.u32 $0x70, v63;
	[tilespmem:$0x1FFE0] =	vst v5;
	s10 =	sadd.s32 $0x400, s1;
	s11 =	sadd.s32 s2, s28;
	s13 =	smax.u32 s5, $0x1  }
0xf: {  	v16 =	vimm.s32 $0xF;
	[tilespmem:$0x1FFF0] =	vst v6;
	s5 =	simm.s32 $0x14800;
	s2 =	simm.s32 $0x2;
	s1 =	simm.s32 $0x0  }
.LBB2_1:
0x10: {  	s3 =	rddreg [dreg:$0x5];
	s4 =	simm.s32 $0x1B500  }
0x11: {  	[tilespmem:s4], [sflag:$0x4] =	stream.linear.gather [hbm4b:s3+s8], $0x80, $0x38;
	[tilespmem:$0x1B700] =	vst v63  }
0x12: {  	_ =	swait.ge [sflag:s16], $0x80  }
0x13: {  	[sflag:s16] =	ssyncset.done $0x0  }
0x14: {  	[sflag:s16] =	ssyncadd.s32 $0xFFFFFF80  }
0x15: {  	s18 =	simm.s32 $0x1B580;
	s17 =	rddreg [dreg:$0x6]  }
0x16: {  	[tilespmem:s18], [sflag:$0x4] =	stream.linear.gather [hbm4b:s17+s8], $0x80, $0x38;
	[tilespmem:$0x1B700] =	vst v63  }
0x17: {  	_ =	swait.ge [sflag:s16], $0x80  }
0x18: {  	[sflag:s16] =	ssyncset.done $0x0  }
0x19: {  	[sflag:s16] =	ssyncadd.s32 $0xFFFFFF80  }
0x1a: {  	s20 =	simm.s32 $0x1B600;
	s19 =	rddreg [dreg:$0x3]  }
0x1b: {  	[tilespmem:s20], [sflag:$0x4] =	stream.linear.gather [hbm4b:s19+s8], $0x100, $0x38;
	[tilespmem:$0x1B700] =	vst v63  }
0x1c: {  	_ =	swait.ge [sflag:s16], $0x100  }
0x1d: {  	[sflag:s16] =	ssyncset.done $0x0  }
0x1e: {  	[sflag:s16] =	ssyncadd.s32 $0xFFFFFF00  }
0x1f: {  	[tilespmem:s15], [sflag:$0x4] =	stream.linear.gather [hbm4b:s10+s8], $0x3200, $0x38;
	[tilespmem:$0x1B700] =	vst v63  }
0x20: {  	_ =	swait.ge [sflag:s16], $0x3200  }
0x21: {  	[sflag:s16] =	ssyncset.done $0x0  }
0x22: {  	[sflag:s16] =	ssyncadd.s32 $0xFFFFCE00  }
0x23: {  	s25 =	rddreg [dreg:$0x4]  }
0x24: {  	[tilespmem:s8], [sflag:$0x4] =	stream.linear.gather [hbm4b:s25+s8], $0x6400, $0x38;
	[tilespmem:$0x1B700] =	vst v63  }
0x25: {  	_ =	swait.ge [sflag:s16], $0x6400  }
0x26: {  	[sflag:s16] =	ssyncset.done $0x0  }
0x27: {  	s28 =	simm.s32 $0x6400;
	[sflag:s16] =	ssyncadd.s32 $0xFFFF9C00  }
0x28: {  	[tilespmem:s28], [sflag:$0x4] =	stream.linear.gather [hbm4b:s25+s8], $0x6400, $0x38;
	[tilespmem:$0x1B700] =	vst v63  }
0x29: {  	_ =	swait.ge [sflag:s16], $0x6400  }
0x2a: {  	[sflag:s16] =	ssyncset.done $0x0  }
0x2b: {  	s4 =	simm.s32 $0x0;
	[sflag:s16] =	ssyncadd.s32 $0xFFFF9C00  }
0x2c: {  	s6 =	simm.s32 $0x200;
	v9 =	vld [tilespmem:s4+$0x0]  }
.LBB2_2:
0x2d: {  	p0 =	sne.s32 s6, $0x18E00;
	v10 =	vld [tilespmem:$0x1B600];
	_ =	sdelay $0x4  }
0x2e: {  	v9 =	vadd.f32 v10, v9;
	_ =	sdelay $0x1  }
0x2f: {  	[tilespmem:s4+$0x0] =	vst v9;
	v9 =	vld [tilespmem:s4+$0x10]  }
0x30: {  	v10 =	vld [tilespmem:$0x1B610];
	_ =	sdelay $0x4  }
0x31: {  	v9 =	vadd.f32 v10, v9;
	_ =	sdelay $0x1  }
0x32: {  	[tilespmem:s4+$0x10] =	vst v9;
	v9 =	vld [tilespmem:s4+$0x20]  }
0x33: {  	v10 =	vld [tilespmem:$0x1B620];
	_ =	sdelay $0x4  }
0x34: {  	v9 =	vadd.f32 v10, v9;
	_ =	sdelay $0x1  }
0x35: {  	[tilespmem:s4+$0x20] =	vst v9;
	v9 =	vld [tilespmem:s4+$0x30]  }
0x36: {  	v10 =	vld [tilespmem:$0x1B630];
	_ =	sdelay $0x4  }
0x37: {  	v9 =	vadd.f32 v10, v9;
	_ =	sdelay $0x1  }
0x38: {  	[tilespmem:s4+$0x30] =	vst v9;
	v9 =	vld [tilespmem:s4+$0x40]  }
0x39: {  	v10 =	vld [tilespmem:$0x1B640];
	_ =	sdelay $0x4  }
0x3a: {  	v9 =	vadd.f32 v10, v9;
	_ =	sdelay $0x1  }
0x3b: {  	[tilespmem:s4+$0x40] =	vst v9;
	v9 =	vld [tilespmem:s4+$0x50]  }
0x3c: {  	v10 =	vld [tilespmem:$0x1B650];
	_ =	sdelay $0x4  }
0x3d: {  	v9 =	vadd.f32 v10, v9;
	_ =	sdelay $0x1  }
0x3e: {  	[tilespmem:s4+$0x50] =	vst v9;
	v9 =	vld [tilespmem:s4+$0x60]  }
0x3f: {  	v10 =	vld [tilespmem:$0x1B660];
	_ =	sdelay $0x4  }
0x40: {  	v9 =	vadd.f32 v10, v9;
	_ =	sdelay $0x1  }
0x41: {  	[tilespmem:s4+$0x60] =	vst v9;
	v9 =	vld [tilespmem:s4+$0x70]  }
0x42: {  	v10 =	vld [tilespmem:$0x1B670];
	_ =	sdelay $0x4  }
0x43: {  	v9 =	vadd.f32 v10, v9;
	_ =	sdelay $0x1  }
0x44: {  	[tilespmem:s4+$0x70] =	vst v9;
	v9 =	vld [tilespmem:s4+$0x6400]  }
0x45: {  	v10 =	vld [tilespmem:$0x1B680];
	_ =	sdelay $0x4  }
0x46: {  	v9 =	vadd.f32 v10, v9;
	_ =	sdelay $0x1  }
0x47: {  	[tilespmem:s4+$0x6400] =	vst v9;
	v9 =	vld [tilespmem:s4+$0x6410]  }
0x48: {  	v10 =	vld [tilespmem:$0x1B690];
	_ =	sdelay $0x4  }
0x49: {  	v9 =	vadd.f32 v10, v9;
	_ =	sdelay $0x1  }
0x4a: {  	[tilespmem:s4+$0x6410] =	vst v9;
	v9 =	vld [tilespmem:s4+$0x6420]  }
0x4b: {  	v10 =	vld [tilespmem:$0x1B6A0];
	_ =	sdelay $0x4  }
0x4c: {  	v9 =	vadd.f32 v10, v9;
	_ =	sdelay $0x1  }
0x4d: {  	[tilespmem:s4+$0x6420] =	vst v9;
	v9 =	vld [tilespmem:s4+$0x6430]  }
0x4e: {  	v10 =	vld [tilespmem:$0x1B6B0];
	_ =	sdelay $0x4  }
0x4f: {  	v9 =	vadd.f32 v10, v9;
	_ =	sdelay $0x1  }
0x50: {  	[tilespmem:s4+$0x6430] =	vst v9;
	v9 =	vld [tilespmem:s4+$0x6440]  }
0x51: {  	v10 =	vld [tilespmem:$0x1B6C0];
	_ =	sdelay $0x4  }
0x52: {  	v9 =	vadd.f32 v10, v9;
	_ =	sdelay $0x1  }
0x53: {  	[tilespmem:s4+$0x6440] =	vst v9;
	v9 =	vld [tilespmem:s4+$0x6450]  }
0x54: {  	v10 =	vld [tilespmem:$0x1B6D0];
	_ =	sdelay $0x4  }
0x55: {  	v9 =	vadd.f32 v10, v9;
	_ =	sdelay $0x1  }
0x56: {  	[tilespmem:s4+$0x6450] =	vst v9;
	v9 =	vld [tilespmem:s4+$0x6460]  }
0x57: {  	v10 =	vld [tilespmem:$0x1B6E0];
	_ =	sdelay $0x4  }
0x58: {  	v9 =	vadd.f32 v10, v9;
	_ =	sdelay $0x1  }
0x59: {  	[tilespmem:s4+$0x6460] =	vst v9;
	v9 =	vld [tilespmem:s4+$0x6470]  }
0x5a: {  	v10 =	vld [tilespmem:$0x1B6F0];
	_ =	sdelay $0x2  }
.Ltmp0:
0x5b: {  	(pc) =	sbr.rel @p0 .LBB2_2-.Ltmp0, $4  }
0x5c: {  	_ = 	snop  }
0x5d: {  	v10 =	vadd.f32 v10, v9  }
0x5e: {  	s3 =	sshra.s32 s6, $0x2  }
0x5f: {  	s6 =	sadd.s32 $0x200, s6;
	v9 =	vld [tilespmem:s3+$0x0];
	[tilespmem:s4+$0x6470] =	vst v10;
	s4 =	smov.u32 s3  }
0x60: {  	v10 =	vld [tilespmem:$0x1B600];
	_ =	sdelay $0x4  }
0x61: {  	v9 =	vadd.f32 v10, v9;
	_ =	sdelay $0x1  }
0x62: {  	v33 =	vld [tilespmem:s4+$0x10];
	[tilespmem:s4+$0x0] =	vst v9  }
0x63: {  	v34 =	vld [tilespmem:$0x1B610];
	_ =	sdelay $0x4  }
0x64: {  	v9 =	vadd.f32 v34, v33;
	_ =	sdelay $0x1  }
0x65: {  	v35 =	vld [tilespmem:s4+$0x20];
	[tilespmem:s4+$0x10] =	vst v9  }
0x66: {  	v36 =	vld [tilespmem:$0x1B620];
	_ =	sdelay $0x4  }
0x67: {  	v9 =	vadd.f32 v36, v35;
	_ =	sdelay $0x1  }
0x68: {  	v37 =	vld [tilespmem:s4+$0x30];
	[tilespmem:s4+$0x20] =	vst v9  }
0x69: {  	v38 =	vld [tilespmem:$0x1B630];
	_ =	sdelay $0x4  }
0x6a: {  	v9 =	vadd.f32 v38, v37;
	_ =	sdelay $0x1  }
0x6b: {  	v39 =	vld [tilespmem:s4+$0x40];
	[tilespmem:s4+$0x30] =	vst v9  }
0x6c: {  	v40 =	vld [tilespmem:$0x1B640];
	_ =	sdelay $0x4  }
0x6d: {  	v9 =	vadd.f32 v40, v39;
	_ =	sdelay $0x1  }
0x6e: {  	v41 =	vld [tilespmem:s4+$0x50];
	[tilespmem:s4+$0x40] =	vst v9  }
0x6f: {  	v42 =	vld [tilespmem:$0x1B650];
	_ =	sdelay $0x4  }
0x70: {  	v9 =	vadd.f32 v42, v41;
	_ =	sdelay $0x1  }
0x71: {  	v43 =	vld [tilespmem:s4+$0x60];
	[tilespmem:s4+$0x50] =	vst v9  }
0x72: {  	v44 =	vld [tilespmem:$0x1B660];
	_ =	sdelay $0x4  }
0x73: {  	v9 =	vadd.f32 v44, v43;
	_ =	sdelay $0x1  }
0x74: {  	v45 =	vld [tilespmem:s4+$0x70];
	[tilespmem:s4+$0x60] =	vst v9  }
0x75: {  	v46 =	vld [tilespmem:$0x1B670];
	_ =	sdelay $0x4  }
0x76: {  	v9 =	vadd.f32 v46, v45;
	_ =	sdelay $0x1  }
0x77: {  	v47 =	vld [tilespmem:s4+$0x6400];
	[tilespmem:s4+$0x70] =	vst v9  }
0x78: {  	v48 =	vld [tilespmem:$0x1B680];
	_ =	sdelay $0x4  }
0x79: {  	v9 =	vadd.f32 v48, v47;
	_ =	sdelay $0x1  }
0x7a: {  	v49 =	vld [tilespmem:s4+$0x6410];
	[tilespmem:s4+$0x6400] =	vst v9  }
0x7b: {  	v50 =	vld [tilespmem:$0x1B690];
	_ =	sdelay $0x4  }
0x7c: {  	v9 =	vadd.f32 v50, v49;
	_ =	sdelay $0x1  }
0x7d: {  	v51 =	vld [tilespmem:s4+$0x6420];
	[tilespmem:s4+$0x6410] =	vst v9  }
0x7e: {  	v52 =	vld [tilespmem:$0x1B6A0];
	_ =	sdelay $0x4  }
0x7f: {  	v9 =	vadd.f32 v52, v51;
	_ =	sdelay $0x1  }
0x80: {  	v53 =	vld [tilespmem:s4+$0x6430];
	[tilespmem:s4+$0x6420] =	vst v9  }
0x81: {  	v54 =	vld [tilespmem:$0x1B6B0];
	_ =	sdelay $0x4  }
0x82: {  	v9 =	vadd.f32 v54, v53;
	_ =	sdelay $0x1  }
0x83: {  	v55 =	vld [tilespmem:s4+$0x6440];
	[tilespmem:s4+$0x6430] =	vst v9  }
0x84: {  	v56 =	vld [tilespmem:$0x1B6C0];
	_ =	sdelay $0x4  }
0x85: {  	v9 =	vadd.f32 v56, v55;
	_ =	sdelay $0x1  }
0x86: {  	v57 =	vld [tilespmem:s4+$0x6450];
	[tilespmem:s4+$0x6440] =	vst v9  }
0x87: {  	v58 =	vld [tilespmem:$0x1B6D0];
	_ =	sdelay $0x4  }
0x88: {  	v9 =	vadd.f32 v58, v57;
	_ =	sdelay $0x1  }
0x89: {  	v59 =	vld [tilespmem:s4+$0x6460];
	[tilespmem:s4+$0x6450] =	vst v9  }
0x8a: {  	v60 =	vld [tilespmem:$0x1B6E0];
	_ =	sdelay $0x4  }
0x8b: {  	v9 =	vadd.f32 v60, v59;
	_ =	sdelay $0x1  }
0x8c: {  	v61 =	vld [tilespmem:s4+$0x6470];
	[tilespmem:s4+$0x6460] =	vst v9  }
0x8d: {  	v62 =	vld [tilespmem:$0x1B6F0];
	_ =	sdelay $0x4  }
0x8e: {  	v9 =	vadd.f32 v62, v61;
	_ =	sdelay $0x1  }
0x8f: {  	s3 =	simm.s32 $0x0;
	[tilespmem:s4+$0x6470] =	vst v9  }
0x90: {  	[tilespmem:s21], [sflag:$0x3] =	stream.linear.gather [hbm4b:s11+s3], $0x1900, $0x38;
	[tilespmem:$0x1B700] =	vst v63  }
0x91: {  	_ =	swait.ge [sflag:s22], $0x1900  }
0x92: {  	s6 =	simm.s32 $0x40;
	[sflag:s22] =	ssyncset.done $0x0  }
0x93: {  	s4 =	smov.u32 s14;
	s3 =	simm.s32 $0x0;
	[sflag:s22] =	ssyncadd.s32 $0xFFFFE700  }
.LBB2_4:
0x94: {  	p0 =	sne.s32 s6, $0x63C0;
	v9 =	vor.u32 s4, v63;
	v10 =	vld [tilespmem:s3+$0x19C00]  }
0x95: {  	v11 =	vmulhi.u32 $0x51EB851F, v9;
	_ =	sdelay $0x1  }
0x96: {  	v11 =	vshrl.u32 v11, $0x6  }
0x97: {  	v11 =	vmul.u32 $0xC8, v11  }
.Ltmp1:
0x98: {  	v10 =	vmul.u32 $0xC8, v10;
	(pc) =	sbr.rel @p0 .LBB2_4-.Ltmp1, $4  }
0x99: {  	v9 =	vsub.s32 v9, v11  }
0x9a: {  	v9 =	vadd.s32 v9, v10  }
0x9b: {  	v9 =	vshll.u32 v9, $0x7  }
0x9c: {  	s4 =	sadd.s32 $0x10, s4;
	[tilespmem:s3+$0x19C00] =	vst v9;
	s3 =	sshra.s32 s6, $0x2;
	s6 =	sadd.s32 $0x40, s6  }
0x9d: {  	v9 =	vor.u32 s4, v63;
	v10 =	vld [tilespmem:s3+$0x19C00]  }
0x9e: {  	v11 =	vmulhi.u32 $0x51EB851F, v9;
	_ =	sdelay $0x1  }
0x9f: {  	v11 =	vshrl.u32 v11, $0x6  }
0xa0: {  	v11 =	vmul.u32 $0xC8, v11  }
0xa1: {  	v10 =	vmul.u32 $0xC8, v10  }
0xa2: {  	v9 =	vsub.s32 v9, v11  }
0xa3: {  	v9 =	vadd.s32 v9, v10  }
0xa4: {  	v9 =	vshll.u32 v9, $0x7  }
0xa5: {  	[tilespmem:s3+$0x19C00] =	vst v9  }
0xa6: {  	v57 =	vld [tilespmem:$0x1B500]  }
0xa7: {  	v58 =	vld [tilespmem:$0x1B510]  }
0xa8: {  	v59 =	vld [tilespmem:$0x1B520]  }
0xa9: {  	v53 =	vld [tilespmem:$0x1B530]  }
0xaa: {  	v54 =	vld [tilespmem:$0x1B540]  }
0xab: {  	v55 =	vld [tilespmem:$0x1B550]  }
0xac: {  	v56 =	vld [tilespmem:$0x1B560]  }
0xad: {  	v39 =	vld [tilespmem:$0x1B570]  }
0xae: {  	v17 =	vld [tilespmem:$0x1B580]  }
0xaf: {  	v18 =	vld [tilespmem:$0x1B590]  }
0xb0: {  	v19 =	vld [tilespmem:$0x1B5A0]  }
0xb1: {  	v20 =	vld [tilespmem:$0x1B5B0]  }
0xb2: {  	v21 =	vld [tilespmem:$0x1B5C0]  }
0xb3: {  	v22 =	vld [tilespmem:$0x1B5D0]  }
0xb4: {  	v23 =	vld [tilespmem:$0x1B5E0]  }
0xb5: {  	v24 =	vld [tilespmem:$0x1B5F0];
	[tilespmem:s24], [sflag:$0x1] =	stream.indirect.gather [hbm4b:s0+s23], $0x80, s15, s23, $0xb8  }
0xb6: {  	s25 =	simm.s32 $0x16880  }
0xb7: {  	[tilespmem:s26], [sflag:$0x1] =	stream.indirect.gather [hbm4b:s0+s23], $0x80, s25, s23, $0xb8;
	[tilespmem:$0x1B700] =	vst v63  }
0xb8: {  	s28 =	simm.s32 $0x16900  }
0xb9: {  	[tilespmem:s29], [sflag:$0x1] =	stream.indirect.gather [hbm4b:s0+s23], $0x80, s28, s23, $0xb8;
	[tilespmem:$0x1B700] =	vst v63  }
0xba: {  	[tilespmem:$0x1FF10] =	vst v57  }
0xbb: {  	[tilespmem:$0x1FF20] =	vst v58  }
0xbc: {  	[tilespmem:$0x1FF30] =	vst v59  }
0xbd: {  	[tilespmem:$0x1FF40] =	vst v53  }
0xbe: {  	[tilespmem:$0x1FF50] =	vst v54  }
0xbf: {  	[tilespmem:$0x1FF60] =	vst v55  }
0xc0: {  	[tilespmem:$0x1FF70] =	vst v56  }
0xc1: {  	s4 =	simm.s32 $0x0;
	s6 =	simm.s32 $0x0;
	[tilespmem:$0x1FF80] =	vst v39  }
.LBB2_6:
0xc2: {  	_ =	swait.ge [sflag:s30], $0x2000  }
0xc3: {  	p0 =	seq.s32 s6, $0x0;
	[sflag:s30] =	ssyncset.done $0x0  }
0xc4: {  	s3 =	simm.s32 @!p0 $0x2;
	[sflag:s30] =	ssyncadd.s32 $0xFFFFE000  }
0xc5: {  	_ =	swait.ge @!p0 [sflag:s3], $0x2000  }
0xc6: {  	s18 =	smul.u32 $0x5, s6;
	v9 =	vld [tilespmem:$0x1FF90]  }
0xc7: {  	v10 =	vld [tilespmem:$0x1FFA0]  }
0xc8: {  	s15 =	sadd.s32 $0x3, s18;
	v11 =	vld [tilespmem:$0x1FFB0]  }
0xc9: {  	s20 =	simm.s32 $0xC900;
	s17 =	sshll.u32 s15, $0x7;
	v12 =	vld [tilespmem:$0x1FFC0]  }
0xca: {  	s25 =	simm.s32 $0x0;
	[sflag:s3] =	ssyncset.done @!p0 $0x0;
	s17 =	sand.u32 $0x3FFFFF80, s17;
	v13 =	vld [tilespmem:$0x1FFD0]  }
0xcb: {  	v14 =	vld [tilespmem:$0x1FFE0];
	[sflag:s3] =	ssyncadd.s32 @!p0 $0xFFFFE000;
	s28 =	sadd.s32 $0x16800, s17;
	s17 =	smul.u32 $0x140, s6  }
0xcc: {  	v15 =	vld [tilespmem:$0x1FFF0];
	[tilespmem:s31], [sflag:$0x1] =	stream.indirect.gather [hbm4b:s0+s23], $0x80, s28, s23, $0xb8  }
.LBB2_7:
0xcd: {  	s3 =	sadd.s32 s25, s4  }
0xce: {  	v25 =	vmov s3  }
0xcf: {  	v25 =	vand.u32 $0xFFFFFFFC, v25  }
0xd0: {  	v25 =	vbroadcast v25, $0x0;
	_ =	sdelay $0x1  }
0xd1: {  	v28 =	vld [tilespmem:s20+$0xFFFFFF00]  }
0xd2: {  	v31 =	vld [tilespmem:s20+$0xFFFFFF10]  }
0xd3: {  	v33 =	vld [tilespmem:s20+$0xFFFFFF20]  }
0xd4: {  	v35 =	vld [tilespmem:s20+$0xFFFFFF30];
	s28 =	sadd.s32 $0x1, s3  }
0xd5: {  	v30 =	vmov s28;
	v25 =	vld.idx.msk [tilespmem:v25+s21+$0x0], $0xffff  }
0xd6: {  	v61 =	vld [tilespmem:s20+$0xFFFFFF40];
	v30 =	vand.u32 $0xFFFFFFFD, v30  }
0xd7: {  	v39 =	vld [tilespmem:s20+$0xFFFFFF50];
	v30 =	vbroadcast v30, $0x0  }
0xd8: {  	v41 =	vld [tilespmem:s20+$0xFFFFFF60]  }
0xd9: {  	v42 =	vld [tilespmem:s20+$0xFFFFFF70]  }
0xda: {  	v45 =	vld [tilespmem:s20+$0xFFFFFF80];
	v26 =	vadd.s32 v63, v25  }
0xdb: {  	v50 =	vld [tilespmem:s20+$0xFFFFFFA0];
	v27 =	vadd.s32 v9, v25  }
0xdc: {  	v57 =	vld [tilespmem:s20+$0xFFFFFFE0];
	s19 =	sadd.s32 $0x2, s3;
	v29 =	vadd.s32 v10, v25  }
0xdd: {  	v46 =	vmov s19;
	v37 =	vld.idx.msk [tilespmem:v30+s21+$0x0], $0xffff;
	v32 =	vadd.s32 v11, v25  }
0xde: {  	v0 =	vand.u32 $0xFFFFFFFE, v46;
	v46 =	vld [tilespmem:s20+$0xFFFFFF90];
	v34 =	vadd.s32 v12, v25  }
0xdf: {  	v60 =	vadd.s32 v13, v25;
	v38 =	vadd.s32 v14, v25;
	v25 =	vadd.s32 v15, v25;
	v26 =	vld.idx.msk [tilespmem:v26+s8+$0x0], $0xffff  }
0xe0: {  	v27 =	vld.idx.msk [tilespmem:v27+s8+$0x0], $0xffff  }
0xe1: {  	v29 =	vld.idx.msk [tilespmem:v29+s8+$0x0], $0xffff  }
0xe2: {  	v62 =	vadd.s32 v63, v37;
	v36 =	vld.idx.msk [tilespmem:v32+s8+$0x0], $0xffff  }
0xe3: {  	v4 =	vadd.s32 v14, v37;
	v34 =	vld.idx.msk [tilespmem:v34+s8+$0x0], $0xffff  }
0xe4: {  	v44 =	vld.idx.msk [tilespmem:v25+s8+$0x0], $0xffff;
	v25 =	vadd.s32 v10, v37  }
0xe5: {  	v40 =	vld.idx.msk [tilespmem:v60+s8+$0x0], $0xffff  }
0xe6: {  	v49 =	vbroadcast v0, $0x0;
	v48 =	vadd.s32 v11, v37;
	v38 =	vld.idx.msk [tilespmem:v38+s8+$0x0], $0xffff  }
0xe7: {  	v47 =	vld.idx.msk [tilespmem:v62+s8+$0x0], $0xffff  }
0xe8: {  	v60 =	vld.idx.msk [tilespmem:v4+s8+$0x0], $0xffff  }
0xe9: {  	v52 =	vadd.s32 v12, v37;
	v32 =	vadd.f32 v26, v28;
	v28 =	vadd.f32 v27, v31;
	v51 =	vld.idx.msk [tilespmem:v25+s8+$0x0], $0xffff  }
0xea: {  	v43 =	vadd.s32 v9, v37;
	v29 =	vadd.f32 v29, v33;
	v25 =	vadd.f32 v36, v35;
	v33 =	vld [tilespmem:s20+$0xFFFFFFB0]  }
0xeb: {  	v1 =	vadd.s32 v13, v37;
	v26 =	vadd.f32 v34, v61;
	v27 =	vadd.f32 v40, v39;
	v34 =	vld.idx.msk [tilespmem:v48+s8+$0x0], $0xffff  }
0xec: {  	v37 =	vadd.s32 v15, v37;
	v48 =	vld.idx.msk [tilespmem:v49+s21+$0x0], $0xffff;
	v30 =	vadd.f32 v38, v41;
	v31 =	vadd.f32 v44, v42  }
0xed: {  	v40 =	vld [tilespmem:s20+$0xFFFFFFC0];
	v2 =	vadd.f32 v28, v32;
	v3 =	vadd.f32 v25, v29;
	v6 =	vmul.f32 v32, v32  }
0xee: {  	v41 =	vld.idx.msk [tilespmem:v52+s8+$0x0], $0xffff;
	v5 =	vadd.f32 v27, v26;
	v7 =	vmul.f32 v28, v28;
	v53 =	vmul.f32 v29, v29  }
0xef: {  	v49 =	vld [tilespmem:s20+$0xFFFFFFD0];
	v62 =	vadd.f32 v31, v30;
	v54 =	vmul.f32 v25, v25;
	v55 =	vmul.f32 v26, v26  }
0xf0: {  	v35 =	vld.idx.msk [tilespmem:v1+s8+$0x0], $0xffff;
	v56 =	vmul.f32 v27, v27;
	v0 =	vmul.f32 v30, v30;
	v36 =	vadd.f32 v3, v2  }
0xf1: {  	v43 =	vld.idx.msk [tilespmem:v43+s8+$0x0], $0xffff;
	v59 =	vmul.f32 v31, v31;
	v39 =	vadd.f32 v62, v5;
	v1 =	vadd.f32 v7, v6  }
0xf2: {  	v2 =	vadd.f32 v54, v53;
	v3 =	vld [tilespmem:s20+$0xFFFFFFF0];
	v5 =	vadd.f32 v56, v55  }
0xf3: {  	v52 =	vadd.f32 v59, v0;
	v6 =	vld.idx.msk [tilespmem:v37+s8+$0x0], $0xffff;
	v58 =	vadd.s32 v63, v48;
	v37 =	vadd.f32 v51, v50  }
0xf4: {  	v59 =	vld [tilespmem:s20+$0x0];
	v4 =	vadd.s32 v9, v48;
	v38 =	vadd.f32 v34, v33;
	v40 =	vadd.f32 v41, v40  }
0xf5: {  	v61 =	vadd.s32 v10, v48;
	v33 =	vadd.f32 v35, v49;
	v41 =	vld [tilespmem:s20+$0x20];
	v34 =	vadd.f32 v60, v57  }
0xf6: {  	v7 =	vadd.s32 v11, v48;
	v57 =	vld [tilespmem:s20+$0x30];
	v56 =	vadd.f32 v39, v36;
	v42 =	vadd.f32 v2, v1  }
0xf7: {  	s3 =	sadd.s32 $0x3, s3;
	v49 =	vadd.s32 v12, v48;
	v63 =	vld [tilespmem:s20+$0x40];
	v52 =	vadd.f32 v52, v5;
	v39 =	vadd.f32 v47, v45  }
0xf8: {  	v36 =	vadd.f32 v43, v46;
	v43 =	vld [tilespmem:s20+$0x10];
	v47 =	vmov s3;
	v2 =	vadd.s32 v14, v48  }
0xf9: {  	v51 =	vadd.f32 v38, v37;
	v60 =	vadd.f32 v33, v40;
	v62 =	vmul.f32 v38, v38;
	v54 =	vld.idx.msk [tilespmem:v58+s8+$0x0], $0xffff  }
0xfa: {  	v0 =	vmul.f32 v40, v40;
	v1 =	vmul.f32 v33, v33;
	v50 =	vadd.f32 v36, v39;
	v46 =	vld.idx.msk [tilespmem:v4+s8+$0x0], $0xffff  }
0xfb: {  	v53 =	vmul.f32 v39, v39;
	v35 =	vadd.f32 v6, v3;
	v44 =	vld.idx.msk [tilespmem:v61+s8+$0x0], $0xffff;
	v58 =	vadd.s32 v13, v48  }
0xfc: {  	v55 =	vmul.f32 v36, v36;
	v42 =	vadd.f32 v52, v42;
	v45 =	vld.idx.msk [tilespmem:v7+s8+$0x0], $0xffff;
	v61 =	vmul.f32 v37, v37  }
0xfd: {  	v4 =	vmul.f32 v34, v34;
	v49 =	vld.idx.msk [tilespmem:v49+s8+$0x0], $0xffff;
	v48 =	vadd.s32 v15, v48;
	v3 =	vadd.f32 v35, v34  }
0xfe: {  	v53 =	vadd.f32 v55, v53;
	v47 =	vld.idx.msk [tilespmem:v47+s21+$0x0], $0xffff;
	v5 =	vmul.f32 v35, v35;
	v55 =	vadd.f32 v62, v61  }
0xff: {  	v62 =	vadd.f32 v51, v50;
	v51 =	vld [tilespmem:s20+$0x60];
	v3 =	vadd.f32 v3, v60  }
0x100: {  	v0 =	vadd.f32 v1, v0;
	v1 =	vadd.f32 v5, v4;
	v4 =	vld.idx.msk [tilespmem:v58+s8+$0x0], $0xffff  }
0x101: {  	(xrf2) =	vadd.scan.msk.f32 $0xffff, v56;
	v58 =	vadd.f32 v55, v53;
	v3 =	vadd.f32 v3, v62;
	v62 =	vld [tilespmem:s20+$0x70]  }
0x102: {  	v6 =	vlaneseq.u32;
	(xrf2) =	vadd.scan.msk.f32 $0xffff, v42;
	v0 =	vadd.f32 v1, v0;
	v52 =	vadd.f32 v54, v59;
	v48 =	vld.idx.msk [tilespmem:v48+s8+$0x0], $0xffff  }
0x103: {  	v1 =	vld.idx.msk [tilespmem:v2+s8+$0x0], $0xffff;
	v55 =	vadd.f32 v46, v43;
	v53 =	vadd.f32 v44, v41;
	v60 =	vadd.s32 v6, v47  }
0x104: {  	v61 =	vld [tilespmem:s20+$0x50];
	v54 =	vadd.f32 v45, v57;
	v49 =	vadd.f32 v49, v63;
	v42 =	vadd.s32 v10, v47  }
0x105: {  	v41 =	vld [tilespmem:s20+$0x80];
	v44 =	vadd.s32 v11, v47;
	v57 =	vadd.s32 v12, v47;
	v0 =	vadd.f32 v0, v58  }
0x106: {  	v43 =	vld [tilespmem:s20+$0x90];
	v58 =	vadd.s32 v9, v47;
	v6 =	vmul.f32 v53, v53;
	v7 =	vmul.f32 v54, v54  }
0x107: {  	v63 =	vmul.f32 v55, v55;
	v56 =	vadd.f32 v48, v62;
	v62 =	vmul.f32 v52, v52;
	v48 =	vld [tilespmem:s20+$0xA0]  }
0x108: {  	v45 =	vadd.f32 v7, v6;
	v7 =	vadd.s32 v14, v47;
	v51 =	vadd.f32 v1, v51;
	v1 =	vld.idx.msk [tilespmem:v60+s8+$0x0], $0xffff  }
0x109: {  	v50 =	vadd.f32 v4, v61;
	v59 =	vld.idx.msk [tilespmem:v42+s8+$0x0], $0xffff;
	v5 =	vadd.f32 v63, v62;
	v63 =	vmul.f32 v56, v56  }
0x10a: {  	v61 =	vadd.f32 v54, v53;
	v60 =	vadd.f32 v55, v52;
	v42 =	vmul.f32 v49, v49;
	v44 =	vld.idx.msk [tilespmem:v44+s8+$0x0], $0xffff  }
0x10b: {  	v6, _, _ =	vpop (xrf2);
	v46 =	vld.idx.msk [tilespmem:v58+s8+$0x0], $0xffff;
	v4 =	vadd.f32 v50, v49;
	v62 =	vadd.s32 v13, v47;
	v58 =	vmul.f32 v51, v51  }
0x10c: {  	v57 =	vld.idx.msk [tilespmem:v57+s8+$0x0], $0xffff;
	v6 =	vperm.xlane v6, v16;
	v2 =	vadd.f32 v61, v60;
	v60 =	vmul.f32 v50, v50  }
0x10d: {  	v8 =	vadd.s32 v15, v47;
	(xrf2) =	vadd.scan.msk.f32 $0xffff, v3;
	v3 =	vadd.f32 v56, v51;
	v61 =	vld [tilespmem:s20+$0xB0];
	v58 =	vadd.f32 v63, v58;
	v63, _, _ =	vpop (xrf2)  }
0x10e: {  	v6 =	vmul.f32 $7.812500000e-03, v6;
	v42 =	vadd.f32 v60, v42;
	v60 =	vld [tilespmem:s20+$0xC0];
	v47 =	vperm.xlane v63, v16  }
0x10f: {  	v3 =	vadd.f32 v3, v4;
	(xrf2) =	vadd.scan.msk.f32 $0xffff, v0;
	v0 =	vld [tilespmem:s20+$0xD0]  }
0x110: {  	v4 =	vadd.f32 v45, v5;
	v5 =	vld.idx.msk [tilespmem:v62+s8+$0x0], $0xffff;
	v62 =	vmul.f32 v6, v6;
	v45 =	vmul.f32 $7.812500000e-03, v47  }
0x111: {  	v2 =	vadd.f32 v3, v2;
	v3 =	vld.idx.msk [tilespmem:v7+s8+$0x0], $0xffff  }
0x112: {  	v7 =	vld [tilespmem:s20+$0xF0];
	v62 =	vsub.f32 v45, v62  }
0x113: {  	v42 =	vadd.f32 v58, v42;
	v58 =	vld [tilespmem:s20+$0xE0]  }
0x114: {  	v47 =	vadd.f32 v1, v41;
	v1 =	vld.idx.msk [tilespmem:v8+s8+$0x0], $0xffff;
	v8 =	vadd.f32 $1.000000050e-03, v62  }
0x115: {  	v4 =	vadd.f32 v42, v4;
	v42 =	vadd.f32 v46, v43  }
0x116: {  	v43 =	vadd.f32 v44, v61;
	v44 =	vadd.f32 v57, v60  }
0x117: {  	v41 =	vadd.f32 v5, v0;
	v60 =	vshra.s32 v8, $0x1;
	v5 =	vmul.f32 $5.000000000e-01, v8  }
0x118: {  	v45 =	vadd.f32 v59, v48;
	v46 =	vadd.f32 v3, v58;
	v0 =	vsub.s32 $0x5F3759DF, v60;
	v8, _, _ =	vpop (xrf2)  }
0x119: {  	v48 =	vadd.f32 v1, v7;
	(xrf2) =	vadd.scan.msk.f32 $0xffff, v2;
	v62 =	vmul.f32 v0, v5;
	v61 =	vperm.xlane v8, v16;
	v59, _, _ =	vpop (xrf2)  }
0x11a: {  	v1 =	vadd.f32 v42, v47;
	v8 =	vadd.f32 v43, v45;
	v7 =	vperm.xlane v59, v16  }
0x11b: {  	v60 =	vadd.f32 v41, v44;
	(xrf2) =	vadd.scan.msk.f32 $0xffff, v4;
	v2 =	vmul.f32 v0, v62;
	v3 =	vmul.f32 $7.812500000e-03, v61  }
0x11c: {  	v61 =	vadd.f32 v48, v46;
	v1 =	vadd.f32 v8, v1  }
0x11d: {  	v7 =	vmul.f32 $7.812500000e-03, v7;
	v2 =	vsub.f32 $1.500000000e+00, v2;
	v8 =	vmul.f32 v3, v3  }
0x11e: {  	v57 =	vmul.f32 v43, v43;
	v62 =	vmul.f32 v47, v47;
	v4 =	vadd.f32 v61, v60  }
0x11f: {  	v60 =	vmul.f32 v42, v42;
	v0 =	vmul.f32 v0, v2;
	v7 =	vsub.f32 v7, v8  }
0x120: {  	v58 =	vmul.f32 v44, v44;
	v59 =	vmul.f32 v45, v45  }
0x121: {  	v8 =	vadd.f32 v60, v62;
	v5 =	vmul.f32 v0, v5;
	v2 =	vadd.f32 $1.000000050e-03, v7  }
0x122: {  	v60 =	vmul.f32 v41, v41;
	v7 =	vadd.f32 v57, v59;
	v57 =	vmul.f32 v46, v46  }
0x123: {  	v59 =	vmul.f32 v48, v48;
	v62, _, _ =	vpop (xrf2);
	v5 =	vmul.f32 v5, v0;
	v61 =	vshra.s32 v2, $0x1  }
0x124: {  	v58 =	vadd.f32 v60, v58;
	v60 =	vsub.s32 $0x5F3759DF, v61;
	v61 =	vperm.xlane v62, v16  }
0x125: {  	v2 =	vmul.f32 $5.000000000e-01, v2;
	v57 =	vadd.f32 v59, v57;
	v62, _, _ =	vpop (xrf2);
	v5 =	vsub.f32 $1.500000000e+00, v5  }
0x126: {  	v7 =	vadd.f32 v7, v8;
	v8 =	vmul.f32 $7.812500000e-03, v61;
	v61 =	vperm.xlane v62, v16  }
0x127: {  	v59 =	vmul.f32 v60, v2;
	v57 =	vadd.f32 v57, v58;
	v0 =	vmul.f32 v5, v0  }
0x128: {  	v1 =	vadd.f32 v4, v1;
	v61 =	vmul.f32 $7.812500000e-03, v61;
	v62 =	vmul.f32 v8, v8  }
0x129: {  	v58 =	vmul.f32 v60, v59;
	v7 =	vadd.f32 v57, v7  }
0x12a: {  	(xrf2) =	vadd.scan.msk.f32 $0xffff, v1;
	v5 =	vmul.f32 v0, v6;
	v4 =	vsub.f32 v61, v62  }
0x12b: {  	v28 =	vmul.f32 v0, v28;
	v29 =	vmul.f32 v0, v29;
	(xrf2) =	vadd.scan.msk.f32 $0xffff, v7;
	v61 =	vsub.f32 $1.500000000e+00, v58  }
0x12c: {  	v25 =	vmul.f32 v0, v25;
	v26 =	vmul.f32 v0, v26;
	v4 =	vadd.f32 $1.000000050e-03, v4  }
0x12d: {  	v57 =	vld [tilespmem:$0x1FF10];
	v27 =	vmul.f32 v0, v27;
	v1 =	vmul.f32 v60, v61  }
0x12e: {  	v59 =	vld [tilespmem:$0x1FF30];
	v62 =	vmul.f32 v0, v32;
	v32 =	vshra.s32 v4, $0x1;
	v4 =	vmul.f32 $5.000000000e-01, v4  }
0x12f: {  	v58 =	vld [tilespmem:$0x1FF20];
	v5 =	vsub.f32 $0.0e+00, v5;
	v2 =	vmul.f32 v1, v2;
	v7 =	vsub.s32 $0x5F3759DF, v32  }
0x130: {  	v30 =	vmul.f32 v0, v30;
	v60 =	vmul.f32 v7, v4  }
0x131: {  	v0 =	vmul.f32 v0, v31;
	v6 =	vadd.f32 v5, v62;
	v2 =	vmul.f32 v2, v1  }
0x132: {  	v28 =	vadd.f32 v5, v28;
	v29 =	vadd.f32 v5, v29;
	v32 =	vmul.f32 v7, v60  }
0x133: {  	v25 =	vadd.f32 v5, v25;
	v6 =	vmul.f32 v6, v57;
	v2 =	vsub.f32 $1.500000000e+00, v2  }
0x134: {  	v61, _, _ =	vpop (xrf2);
	v29 =	vmul.f32 v29, v59;
	v28 =	vmul.f32 v28, v58;
	v62 =	vsub.f32 $1.500000000e+00, v32  }
0x135: {  	v26 =	vadd.f32 v5, v26;
	v1 =	vmul.f32 v2, v1;
	v2 =	vperm.xlane v61, v16;
	v60, _, _ =	vpop (xrf2)  }
0x136: {  	v27 =	vadd.f32 v5, v27;
	v31 =	vperm.xlane v60, v16;
	v7 =	vmul.f32 v7, v62  }
0x137: {  	v30 =	vadd.f32 v5, v30;
	v2 =	vmul.f32 $7.812500000e-03, v2;
	v3 =	vmul.f32 v1, v3  }
0x138: {  	v0 =	vadd.f32 v5, v0;
	v39 =	vmul.f32 v1, v39;
	v4 =	vmul.f32 v7, v4  }
0x139: {  	v61 =	vmul.f32 $7.812500000e-03, v31;
	v62 =	vmul.f32 v2, v2;
	v3 =	vsub.f32 $0.0e+00, v3  }
0x13a: {  	v29 =	vadd.f32 v29, v19;
	v60 =	vmul.f32 v1, v36;
	v4 =	vmul.f32 v4, v7  }
0x13b: {  	v33 =	vmul.f32 v1, v33;
	v5 =	vsub.f32 v61, v62;
	v32 =	vadd.f32 v3, v39  }
0x13c: {  	v61 =	vmul.f32 v1, v37;
	v62 =	vmul.f32 v1, v38;
	v4 =	vsub.f32 $1.500000000e+00, v4  }
0x13d: {  	v31 =	vadd.f32 v3, v60;
	v60 =	vmul.f32 v1, v40;
	v33 =	vadd.f32 v3, v33  }
0x13e: {  	v36 =	vadd.f32 v3, v61;
	v5 =	vadd.f32 $1.000000050e-03, v5;
	v4 =	vmul.f32 v4, v7  }
0x13f: {  	v37 =	vadd.f32 v3, v62;
	v61 =	vmul.f32 v1, v34;
	v1 =	vmul.f32 v1, v35  }
0x140: {  	v62 =	vshra.s32 v5, $0x1;
	v5 =	vmul.f32 $5.000000000e-01, v5;
	v8 =	vmul.f32 v4, v8  }
0x141: {  	v38 =	vadd.f32 v3, v60;
	v34 =	vmul.f32 v4, v52;
	v35 =	vmul.f32 v4, v55  }
0x142: {  	v39 =	vsub.s32 $0x5F3759DF, v62;
	v55 =	vld [tilespmem:$0x1FF60];
	v40 =	vmul.f32 v4, v53;
	v52 =	vmul.f32 v4, v54  }
0x143: {  	v7 =	vadd.f32 v3, v61;
	v54 =	vld [tilespmem:$0x1FF50];
	v49 =	vmul.f32 v4, v49;
	v60 =	vmul.f32 v39, v5  }
0x144: {  	v1 =	vadd.f32 v3, v1;
	v3 =	vmul.f32 v4, v50;
	v50 =	vmul.f32 v4, v51;
	v53 =	vld [tilespmem:$0x1FF40]  }
0x145: {  	v4 =	vmul.f32 v4, v56;
	v56 =	vld [tilespmem:$0x1FF70];
	v61 =	vmul.f32 v39, v60;
	v8 =	vsub.f32 $0.0e+00, v8  }
0x146: {  	v6 =	vadd.f32 v6, v17;
	v28 =	vadd.f32 v28, v18  }
0x147: {  	[tilespmem:s20+$0xFFFFFF20] =	vst v29;
	v51 =	vsub.f32 $1.500000000e+00, v61;
	v29 =	vadd.f32 v8, v35  }
0x148: {  	v60 =	vadd.f32 v8, v52;
	v61 =	vadd.f32 v8, v49  }
0x149: {  	v3 =	vadd.f32 v8, v3;
	v25 =	vmul.f32 v25, v53;
	v26 =	vmul.f32 v26, v54  }
0x14a: {  	v4 =	vadd.f32 v8, v4;
	v27 =	vmul.f32 v27, v55;
	v30 =	vmul.f32 v30, v56  }
0x14b: {  	[tilespmem:s20+$0xFFFFFF00] =	vst v6;
	v6 =	vmul.f32 v39, v51;
	v51 =	vadd.f32 v8, v40;
	v25 =	vadd.f32 v25, v20  }
0x14c: {  	[tilespmem:s20+$0xFFFFFF10] =	vst v28;
	v7 =	vmul.f32 v7, v56;
	v39 =	vld [tilespmem:$0x1FF80];
	v26 =	vadd.f32 v26, v21;
	v27 =	vadd.f32 v27, v22  }
0x14d: {  	v3 =	vmul.f32 v3, v55;
	v62 =	vadd.f32 v30, v23;
	v30 =	vadd.f32 v8, v34;
	[tilespmem:s20+$0xFFFFFF30] =	vst v25  }
0x14e: {  	v49 =	vadd.f32 v7, v23;
	v5 =	vmul.f32 v6, v5;
	v25 =	vmul.f32 v32, v57;
	[tilespmem:s20+$0xFFFFFF40] =	vst v26  }
0x14f: {  	v26 =	vadd.f32 v8, v50;
	[tilespmem:s20+$0xFFFFFF50] =	vst v27;
	v8 =	vmul.f32 v31, v58;
	v27 =	vmul.f32 v36, v59  }
0x150: {  	v3 =	vadd.f32 v3, v22;
	[tilespmem:s20+$0xFFFFFF60] =	vst v62;
	v36 =	vmul.f32 v38, v54;
	v50 =	vmul.f32 v29, v58  }
0x151: {  	[tilespmem:s20+$0xFFFFFFE0] =	vst v49;
	v5 =	vmul.f32 v5, v6;
	v0 =	vmul.f32 v0, v39;
	v25 =	vadd.f32 v25, v17  }
0x152: {  	[tilespmem:s20+$0x50] =	vst v3;
	v62 =	vadd.f32 v8, v18;
	v8 =	vmul.f32 v37, v53;
	v37 =	vadd.f32 v27, v19  }
0x153: {  	v1 =	vmul.f32 v1, v39;
	v27 =	vmul.f32 v51, v59;
	v5 =	vsub.f32 $1.500000000e+00, v5;
	[tilespmem:s20+$0xFFFFFF80] =	vst v25  }
0x154: {  	v51 =	vmul.f32 v61, v54;
	v0 =	vadd.f32 v0, v24;
	v25 =	vmul.f32 v33, v55;
	[tilespmem:s20+$0xFFFFFF90] =	vst v62  }
0x155: {  	v38 =	vadd.f32 v8, v20;
	v8 =	vadd.f32 v36, v21;
	[tilespmem:s20+$0xFFFFFFA0] =	vst v37;
	v5 =	vmul.f32 v5, v6  }
0x156: {  	v4 =	vmul.f32 v4, v39;
	[tilespmem:s20+$0xFFFFFF70] =	vst v0;
	v40 =	vadd.f32 v25, v22;
	v25 =	vmul.f32 v30, v57  }
0x157: {  	v1 =	vadd.f32 v1, v24;
	[tilespmem:s20+$0xFFFFFFC0] =	vst v8;
	v8 =	vmul.f32 v60, v53;
	v2 =	vmul.f32 v5, v2  }
0x158: {  	v33 =	vadd.f32 v27, v19;
	[tilespmem:s20+$0xFFFFFFB0] =	vst v38;
	v61 =	vmul.f32 v5, v42;
	v62 =	vmul.f32 v5, v45  }
0x159: {  	v60 =	vadd.f32 v50, v18;
	[tilespmem:s20+$0xFFFFFFF0] =	vst v1;
	v27 =	vmul.f32 v5, v43;
	v34 =	vmul.f32 v5, v44  }
0x15a: {  	[tilespmem:s20+$0x20] =	vst v33;
	v52 =	vadd.f32 v25, v17;
	v25 =	vmul.f32 v5, v47;
	v2 =	vsub.f32 $0.0e+00, v2  }
0x15b: {  	v35 =	vmul.f32 v5, v41;
	v36 =	vmul.f32 v5, v46;
	v44 =	vadd.f32 v4, v24;
	[tilespmem:s20+$0xFFFFFFD0] =	vst v40  }
0x15c: {  	[tilespmem:s20+$0x10] =	vst v60;
	v38 =	vadd.f32 v8, v20;
	v8 =	vmul.f32 v26, v56;
	v25 =	vadd.f32 v2, v25  }
0x15d: {  	v37 =	vmul.f32 v5, v48;
	v40 =	vadd.f32 v51, v21;
	[tilespmem:s20+$0x70] =	vst v44;
	v41 =	vadd.f32 v2, v61  }
0x15e: {  	[tilespmem:s20+$0x0] =	vst v52;
	v42 =	vadd.f32 v8, v23;
	v8 =	vadd.f32 v2, v62;
	v43 =	vmul.f32 v25, v57  }
0x15f: {  	[tilespmem:s20+$0x30] =	vst v38;
	v46 =	vadd.f32 v2, v27;
	v51 =	vadd.f32 v2, v35;
	v45 =	vmul.f32 v41, v58  }
0x160: {  	[tilespmem:s20+$0x40] =	vst v40;
	v0 =	vadd.f32 v2, v37;
	v48 =	vmul.f32 v8, v59;
	v47 =	vadd.f32 v43, v17  }
0x161: {  	[tilespmem:s20+$0x60] =	vst v42;
	v8 =	vadd.f32 v2, v34;
	v50 =	vmul.f32 v46, v53;
	v49 =	vadd.f32 v45, v18  }
0x162: {  	v58 =	vmul.f32 v51, v55;
	v0 =	vmul.f32 v0, v39;
	v52 =	vadd.f32 v48, v19;
	[tilespmem:s20+$0x80] =	vst v47  }
0x163: {  	v53 =	vmul.f32 v8, v54;
	v54 =	vadd.f32 v2, v36;
	v57 =	vadd.f32 v50, v20;
	[tilespmem:s20+$0x90] =	vst v49  }
0x164: {  	p1 =	sne.s32 s25, $0x3C;
	v61 =	vadd.f32 v58, v22;
	[tilespmem:s20+$0xA0] =	vst v52  }
.Ltmp2:
0x165: {  	v0 =	vadd.f32 v0, v24;
	v60 =	vmul.f32 v54, v56;
	[tilespmem:s20+$0xB0] =	vst v57;
	(pc) =	sbr.rel @p1 .LBB2_7-.Ltmp2, $4  }
0x166: {  	v59 =	vadd.f32 v53, v21;
	[tilespmem:s20+$0xD0] =	vst v61  }
0x167: {  	[tilespmem:s20+$0xF0] =	vst v0;
	v62 =	vadd.f32 v60, v23  }
0x168: {  	[tilespmem:s20+$0xC0] =	vst v59  }
0x169: {  	s25 =	sadd.s32 $0x4, s25;
	v63 =	vlaneseq.u32;
	[tilespmem:s20+$0xE0] =	vst v62;
	s20 =	sadd.s32 $0x200, s20  }
0x16a: {  	s3 =	sadd.s32 s9, s17  }
0x16b: {  	s3 =	sshll.u32 s3, $0x4  }
0x16c: {  	s3 =	sadd.s32 s7, s3  }
0x16d: {  	[hbm4b:s3+s8] =	stream.linear.scatter [tilespmem:s24], [sflag:$0x2], $0x2000, $0x38;
	[tilespmem:$0x1B700] =	vst v63  }
0x16e: {  	_ =	swait.ge [sflag:s30], $0x2000  }
0x16f: {  	[sflag:s30] =	ssyncset.done $0x0  }
0x170: {  	s17 =	sadd.s32 $0x4, s18;
	s3 =	simm.s32 @!p0 $0x2;
	[sflag:s30] =	ssyncadd.s32 $0xFFFFE000  }
0x171: {  	s20 =	sshll.u32 s17, $0x7;
	_ =	swait.ge @!p0 [sflag:s3], $0x2000  }
0x172: {  	s20 =	sand.u32 $0x3FFFFF80, s20;
	[sflag:s3] =	ssyncset.done @!p0 $0x0  }
0x173: {  	s25 =	sadd.s32 $0x16800, s20;
	[sflag:s3] =	ssyncadd.s32 @!p0 $0xFFFFE000  }
0x174: {  	[tilespmem:s5], [sflag:$0x1] =	stream.indirect.gather [hbm4b:s0+s23], $0x80, s25, s23, $0xb8;
	[tilespmem:$0x1B700] =	vst v63  }
0x175: {  	s28 =	simm.s32 $0xE900;
	s20 =	sadd.s32 $0x1, s18;
	s25 =	simm.s32 $0xFFFFFFC0  }
.LBB2_9:
0x176: {  	s3 =	sadd.s32 s25, s4  }
0x177: {  	s19 =	sadd.s32 $0x80, s3  }
0x178: {  	v0 =	vmov s19  }
0x179: {  	v0 =	vand.u32 $0xFFFFFFFC, v0  }
0x17a: {  	v0 =	vbroadcast v0, $0x0  }
0x17b: {  	v3 =	vld [tilespmem:s28+$0xFFFFFF00]  }
0x17c: {  	v6 =	vld [tilespmem:s28+$0xFFFFFF10]  }
0x17d: {  	v8 =	vld [tilespmem:s28+$0xFFFFFF20]  }
0x17e: {  	v26 =	vld [tilespmem:s28+$0xFFFFFF30]  }
0x17f: {  	v30 =	vld [tilespmem:s28+$0xFFFFFF40];
	s19 =	sadd.s32 $0x81, s3  }
0x180: {  	v5 =	vmov s19;
	v0 =	vld.idx.msk [tilespmem:v0+s21+$0x0], $0xffff  }
0x181: {  	v33 =	vld [tilespmem:s28+$0xFFFFFF50];
	v5 =	vand.u32 $0xFFFFFFFD, v5  }
0x182: {  	v34 =	vld [tilespmem:s28+$0xFFFFFF60];
	v5 =	vbroadcast v5, $0x0  }
0x183: {  	v36 =	vld [tilespmem:s28+$0xFFFFFF70]  }
0x184: {  	v37 =	vld [tilespmem:s28+$0xFFFFFF80]  }
0x185: {  	v40 =	vld [tilespmem:s28+$0xFFFFFF90];
	v1 =	vadd.s32 v63, v0  }
0x186: {  	v43 =	vld [tilespmem:s28+$0xFFFFFFA0];
	v2 =	vadd.s32 v9, v0  }
0x187: {  	v44 =	vld [tilespmem:s28+$0xFFFFFFD0];
	v4 =	vadd.s32 v10, v0  }
0x188: {  	v5 =	vld.idx.msk [tilespmem:v5+s21+$0x0], $0xffff;
	v7 =	vadd.s32 v11, v0  }
0x189: {  	v48 =	vld [tilespmem:s28+$0xFFFFFFE0];
	v25 =	vadd.s32 v12, v0  }
0x18a: {  	v27 =	vadd.s32 v13, v0;
	v1 =	vld.idx.msk [tilespmem:v1+s8+$0x0], $0xffff  }
0x18b: {  	v28 =	vadd.s32 v14, v0;
	v2 =	vld.idx.msk [tilespmem:v2+s8+$0x0], $0xffff  }
0x18c: {  	v0 =	vadd.s32 v15, v0;
	v4 =	vld.idx.msk [tilespmem:v4+s8+$0x0], $0xffff  }
0x18d: {  	v59 =	vadd.s32 v14, v5;
	v7 =	vld.idx.msk [tilespmem:v7+s8+$0x0], $0xffff  }
0x18e: {  	v31 =	vld.idx.msk [tilespmem:v25+s8+$0x0], $0xffff;
	v25 =	vadd.s32 v63, v5  }
0x18f: {  	v29 =	vadd.s32 v10, v5;
	v27 =	vld.idx.msk [tilespmem:v27+s8+$0x0], $0xffff  }
0x190: {  	v55 =	vadd.s32 v9, v5;
	v35 =	vld.idx.msk [tilespmem:v28+s8+$0x0], $0xffff  }
0x191: {  	s19 =	sadd.s32 $0x82, s3;
	v0 =	vld.idx.msk [tilespmem:v0+s8+$0x0], $0xffff  }
0x192: {  	v32 =	vmov s19;
	v39 =	vadd.s32 v11, v5;
	v51 =	vld.idx.msk [tilespmem:v59+s8+$0x0], $0xffff  }
0x193: {  	v56 =	vadd.s32 v12, v5;
	v38 =	vld.idx.msk [tilespmem:v25+s8+$0x0], $0xffff;
	v25 =	vand.u32 $0xFFFFFFFE, v32;
	v32 =	vadd.f32 v1, v3  }
0x194: {  	v57 =	vadd.s32 v13, v5;
	v28 =	vadd.f32 v2, v6;
	v1 =	vld.idx.msk [tilespmem:v29+s8+$0x0], $0xffff;
	v29 =	vadd.f32 v4, v8  }
0x195: {  	v42 =	vld.idx.msk [tilespmem:v55+s8+$0x0], $0xffff;
	v27 =	vadd.f32 v27, v33;
	v41 =	vbroadcast v25, $0x0;
	v25 =	vadd.f32 v7, v26  }
0x196: {  	v5 =	vadd.s32 v15, v5;
	v3 =	vld [tilespmem:s28+$0xFFFFFFB0];
	v26 =	vadd.f32 v31, v30;
	v30 =	vadd.f32 v35, v34  }
0x197: {  	v4 =	vld.idx.msk [tilespmem:v39+s8+$0x0], $0xffff;
	v31 =	vadd.f32 v0, v36;
	v34 =	vadd.f32 v51, v48;
	v60 =	vmul.f32 v32, v32  }
0x198: {  	v2 =	vld.idx.msk [tilespmem:v56+s8+$0x0], $0xffff;
	v58 =	vadd.f32 v28, v32;
	v61 =	vmul.f32 v28, v28;
	v62 =	vmul.f32 v29, v29  }
0x199: {  	v6 =	vld.idx.msk [tilespmem:v57+s8+$0x0], $0xffff;
	v47 =	vmul.f32 v27, v27;
	v8 =	vadd.f32 v25, v29;
	v36 =	vadd.f32 v31, v30  }
0x19a: {  	v57 =	vld [tilespmem:s28+$0xFFFFFFF0];
	v45 =	vmul.f32 v25, v25;
	v46 =	vmul.f32 v26, v26;
	v55 =	vadd.f32 v61, v60  }
0x19b: {  	v7 =	vadd.f32 v8, v58;
	v8 =	vadd.f32 v27, v26;
	v41 =	vld.idx.msk [tilespmem:v41+s21+$0x0], $0xffff  }
0x19c: {  	v5 =	vld.idx.msk [tilespmem:v5+s8+$0x0], $0xffff;
	v54 =	vmul.f32 v30, v30;
	v56 =	vadd.f32 v45, v62;
	v59 =	vadd.f32 v47, v46  }
0x19d: {  	s3 =	sadd.s32 $0x83, s3;
	v0 =	vld [tilespmem:s28+$0xFFFFFFC0];
	v50 =	vmul.f32 v31, v31;
	v39 =	vadd.f32 v38, v37;
	v37 =	vadd.f32 v1, v43  }
0x19e: {  	v61 =	vmov s3;
	v38 =	vadd.f32 v4, v3;
	v43 =	vld [tilespmem:s28+$0x30];
	v8 =	vadd.f32 v36, v8  }
0x19f: {  	v36 =	vadd.f32 v50, v54;
	v47 =	vadd.f32 v56, v55;
	v56 =	vld [tilespmem:s28+$0x40]  }
0x1a0: {  	v33 =	vadd.f32 v6, v44;
	v7 =	vadd.f32 v8, v7;
	v8 =	vld [tilespmem:s28+$0x0];
	v49 =	vadd.s32 v63, v41  }
0x1a1: {  	v50 =	vadd.f32 v36, v59;
	v36 =	vadd.f32 v42, v40;
	v42 =	vld [tilespmem:s28+$0x10];
	v58 =	vadd.s32 v9, v41  }
0x1a2: {  	v35 =	vadd.f32 v5, v57;
	v40 =	vadd.f32 v2, v0;
	v0 =	vld [tilespmem:s28+$0x20];
	v52 =	vadd.s32 v11, v41  }
0x1a3: {  	v6 =	vadd.f32 v38, v37;
	v44 =	vmul.f32 v39, v39;
	v2 =	vld.idx.msk [tilespmem:v61+s21+$0x0], $0xffff;
	v60 =	vadd.s32 v10, v41  }
0x1a4: {  	v53 =	vmul.f32 v38, v38;
	v55 =	vmul.f32 v33, v33;
	v61 =	vld [tilespmem:s28+$0x50];
	v4 =	vadd.s32 v12, v41  }
0x1a5: {  	v59 =	vmul.f32 v34, v34;
	v5 =	vadd.f32 v36, v39;
	v48 =	vadd.s32 v13, v41;
	v49 =	vld.idx.msk [tilespmem:v49+s8+$0x0], $0xffff  }
0x1a6: {  	v45 =	vmul.f32 v36, v36;
	v51 =	vadd.f32 v33, v40;
	v57 =	vadd.s32 v14, v41;
	v1 =	vld.idx.msk [tilespmem:v58+s8+$0x0], $0xffff  }
0x1a7: {  	v54 =	vmul.f32 v40, v40;
	v47 =	vadd.f32 v50, v47;
	v46 =	vld.idx.msk [tilespmem:v52+s8+$0x0], $0xffff;
	v52 =	vmul.f32 v37, v37  }
0x1a8: {  	v41 =	vadd.s32 v15, v41;
	v44 =	vadd.f32 v45, v44;
	v3 =	vld.idx.msk [tilespmem:v60+s8+$0x0], $0xffff;
	v60 =	vmul.f32 v35, v35  }
0x1a9: {  	v58 =	vadd.f32 v35, v34;
	v4 =	vld.idx.msk [tilespmem:v4+s8+$0x0], $0xffff;
	v45 =	vadd.f32 v53, v52  }
0x1aa: {  	v48 =	vld.idx.msk [tilespmem:v48+s8+$0x0], $0xffff;
	v52 =	vadd.f32 v55, v54;
	v62 =	vadd.f32 v60, v59  }
0x1ab: {  	v5 =	vadd.f32 v6, v5;
	v57 =	vld.idx.msk [tilespmem:v57+s8+$0x0], $0xffff;
	v54 =	vadd.f32 v58, v51  }
0x1ac: {  	(xrf2) =	vadd.scan.msk.f32 $0xffff, v7;
	v60 =	vld [tilespmem:s28+$0x70];
	v44 =	vadd.f32 v45, v44;
	v55 =	vadd.f32 v62, v52  }
0x1ad: {  	v5 =	vadd.f32 v54, v5;
	v52 =	vadd.f32 v49, v8;
	v8 =	vld.idx.msk [tilespmem:v41+s8+$0x0], $0xffff  }
0x1ae: {  	(xrf2) =	vadd.scan.msk.f32 $0xffff, v47;
	v51 =	vld [tilespmem:s28+$0x60];
	v62 =	vadd.s32 v63, v2;
	v53 =	vadd.f32 v3, v0;
	v54 =	vadd.f32 v46, v43  }
0x1af: {  	v41 =	vadd.s32 v9, v2;
	v49 =	vadd.f32 v4, v56;
	v50 =	vadd.f32 v48, v61  }
0x1b0: {  	v58 =	vld [tilespmem:s28+$0xB0];
	v46 =	vadd.s32 v12, v2;
	v7 =	vadd.f32 v55, v44;
	v55 =	vadd.f32 v1, v42  }
0x1b1: {  	v45 =	vld [tilespmem:s28+$0xA0];
	v1 =	vadd.s32 v10, v2;
	v44 =	vadd.s32 v11, v2;
	v61 =	vmul.f32 v54, v54  }
0x1b2: {  	v0 =	vld [tilespmem:s28+$0x80];
	v56 =	vadd.f32 v8, v60;
	v60 =	vmul.f32 v52, v52;
	v8 =	vmul.f32 v55, v55  }
0x1b3: {  	v51 =	vadd.f32 v57, v51;
	v48 =	vadd.f32 v54, v53;
	v3 =	vld.idx.msk [tilespmem:v62+s8+$0x0], $0xffff  }
0x1b4: {  	v41 =	vld.idx.msk [tilespmem:v41+s8+$0x0], $0xffff;
	v6 =	vadd.f32 v8, v60;
	v8 =	vmul.f32 v53, v53;
	v60 =	vmul.f32 v56, v56  }
0x1b5: {  	v59 =	vadd.s32 v13, v2;
	v42 =	vadd.f32 v50, v49;
	v62 =	vadd.f32 v55, v52;
	v46 =	vld.idx.msk [tilespmem:v46+s8+$0x0], $0xffff  }
0x1b6: {  	v57 =	vmul.f32 v50, v50;
	v47 =	vmul.f32 v51, v51;
	v1 =	vld.idx.msk [tilespmem:v1+s8+$0x0], $0xffff;
	v8 =	vadd.f32 v61, v8;
	v61, _, _ =	vpop (xrf2)  }
0x1b7: {  	v4 =	vadd.f32 v48, v62;
	v48 =	vmul.f32 v49, v49;
	v44 =	vld.idx.msk [tilespmem:v44+s8+$0x0], $0xffff;
	v61 =	vperm.xlane v61, v16  }
0x1b8: {  	v43 =	vld [tilespmem:s28+$0x90];
	v62 =	vadd.s32 v14, v2;
	(xrf2) =	vadd.scan.msk.f32 $0xffff, v5;
	v5 =	vadd.f32 v56, v51;
	v47 =	vadd.f32 v60, v47;
	v60, _, _ =	vpop (xrf2)  }
0x1b9: {  	v48 =	vadd.f32 v57, v48;
	v57 =	vld [tilespmem:s28+$0xC0];
	v61 =	vmul.f32 $7.812500000e-03, v61;
	v60 =	vperm.xlane v60, v16  }
0x1ba: {  	v2 =	vadd.s32 v15, v2;
	(xrf2) =	vadd.scan.msk.f32 $0xffff, v7;
	v7 =	vld [tilespmem:s28+$0xD0];
	v5 =	vadd.f32 v5, v42;
	v6 =	vadd.f32 v8, v6  }
0x1bb: {  	v8 =	vld.idx.msk [tilespmem:v59+s8+$0x0], $0xffff;
	v42 =	vadd.f32 v47, v48;
	v47 =	vmul.f32 $7.812500000e-03, v60;
	v59 =	vmul.f32 v61, v61  }
0x1bc: {  	v48 =	vld [tilespmem:s28+$0xE0]  }
0x1bd: {  	v4 =	vadd.f32 v5, v4;
	v5 =	vld.idx.msk [tilespmem:v62+s8+$0x0], $0xffff;
	v59 =	vsub.f32 v47, v59  }
0x1be: {  	v60 =	vld [tilespmem:s28+$0xF0]  }
0x1bf: {  	v47 =	vadd.f32 v3, v0;
	v0 =	vld.idx.msk [tilespmem:v2+s8+$0x0], $0xffff;
	v62 =	vadd.f32 $1.000000050e-03, v59  }
0x1c0: {  	v45 =	vadd.f32 v1, v45;
	v6 =	vadd.f32 v42, v6  }
0x1c1: {  	v42 =	vadd.f32 v41, v43;
	v43 =	vadd.f32 v44, v58;
	v58 =	vshra.s32 v62, $0x1  }
0x1c2: {  	v44 =	vadd.f32 v46, v57;
	v41 =	vadd.f32 v8, v7;
	v1 =	vmul.f32 $5.000000000e-01, v62;
	v59, _, _ =	vpop (xrf2)  }
0x1c3: {  	v46 =	vadd.f32 v5, v48;
	(xrf2) =	vadd.scan.msk.f32 $0xffff, v4;
	v2 =	vsub.s32 $0x5F3759DF, v58;
	v3 =	vperm.xlane v59, v16  }
0x1c4: {  	v62 =	vadd.f32 v42, v47;
	v48 =	vadd.f32 v0, v60;
	v57 =	vmul.f32 v2, v1;
	v58, _, _ =	vpop (xrf2)  }
0x1c5: {  	v59 =	vadd.f32 v43, v45;
	v3 =	vmul.f32 $7.812500000e-03, v3;
	(xrf2) =	vadd.scan.msk.f32 $0xffff, v6;
	v5 =	vperm.xlane v58, v16  }
0x1c6: {  	v60 =	vadd.f32 v41, v44;
	v8 =	vadd.f32 v48, v46;
	v4 =	vmul.f32 v2, v57  }
0x1c7: {  	v0 =	vadd.f32 v59, v62;
	v7 =	vmul.f32 v3, v3;
	v5 =	vmul.f32 $7.812500000e-03, v5  }
0x1c8: {  	v62 =	vmul.f32 v42, v42;
	v6 =	vadd.f32 v8, v60;
	v8 =	vmul.f32 v47, v47  }
0x1c9: {  	v4 =	vsub.f32 $1.500000000e+00, v4;
	v5 =	vsub.f32 v5, v7  }
0x1ca: {  	v60 =	vmul.f32 v45, v45;
	v7 =	vadd.f32 v62, v8;
	v8 =	vmul.f32 v43, v43  }
0x1cb: {  	v59 =	vmul.f32 v41, v41;
	v2 =	vmul.f32 v2, v4;
	v4 =	vadd.f32 $1.000000050e-03, v5  }
0x1cc: {  	v57 =	vmul.f32 v44, v44;
	v58 =	vmul.f32 v48, v48;
	v5 =	vadd.f32 v8, v60  }
0x1cd: {  	v8 =	vmul.f32 v46, v46;
	v1 =	vmul.f32 v2, v1;
	v62, _, _ =	vpop (xrf2);
	v60 =	vshra.s32 v4, $0x1  }
0x1ce: {  	v57 =	vadd.f32 v59, v57;
	v59 =	vsub.s32 $0x5F3759DF, v60;
	v60 =	vperm.xlane v62, v16  }
0x1cf: {  	v4 =	vmul.f32 $5.000000000e-01, v4;
	v8 =	vadd.f32 v58, v8;
	v1 =	vmul.f32 v1, v2;
	v62, _, _ =	vpop (xrf2)  }
0x1d0: {  	v5 =	vadd.f32 v5, v7;
	v7 =	vmul.f32 $7.812500000e-03, v60;
	v60 =	vperm.xlane v62, v16  }
0x1d1: {  	v58 =	vmul.f32 v59, v4;
	v8 =	vadd.f32 v8, v57;
	v1 =	vsub.f32 $1.500000000e+00, v1  }
0x1d2: {  	v0 =	vadd.f32 v6, v0;
	v62 =	vmul.f32 $7.812500000e-03, v60;
	v60 =	vmul.f32 v7, v7  }
0x1d3: {  	v57 =	vmul.f32 v59, v58;
	v5 =	vadd.f32 v8, v5;
	v1 =	vmul.f32 v1, v2  }
0x1d4: {  	(xrf2) =	vadd.scan.msk.f32 $0xffff, v0;
	v62 =	vsub.f32 v62, v60  }
0x1d5: {  	v61 =	vmul.f32 v1, v61;
	(xrf2) =	vadd.scan.msk.f32 $0xffff, v5;
	v28 =	vmul.f32 v1, v28;
	v60 =	vsub.f32 $1.500000000e+00, v57  }
0x1d6: {  	v29 =	vmul.f32 v1, v29;
	v25 =	vmul.f32 v1, v25;
	v2 =	vadd.f32 $1.000000050e-03, v62  }
0x1d7: {  	v58 =	vld [tilespmem:$0x1FF20];
	v26 =	vmul.f32 v1, v26;
	v0 =	vmul.f32 v59, v60  }
0x1d8: {  	v27 =	vmul.f32 v1, v27;
	v57 =	vld [tilespmem:$0x1FF10];
	v8 =	vshra.s32 v2, $0x1;
	v2 =	vmul.f32 $5.000000000e-01, v2  }
0x1d9: {  	v5 =	vsub.f32 $0.0e+00, v61;
	v59 =	vld [tilespmem:$0x1FF30];
	v4 =	vmul.f32 v0, v4;
	v8 =	vsub.s32 $0x5F3759DF, v8  }
0x1da: {  	v62 =	vmul.f32 v1, v32;
	v60 =	vmul.f32 v8, v2  }
0x1db: {  	v30 =	vmul.f32 v1, v30;
	v28 =	vadd.f32 v5, v28;
	v4 =	vmul.f32 v4, v0  }
0x1dc: {  	v29 =	vadd.f32 v5, v29;
	v6 =	vadd.f32 v5, v62;
	v32 =	vmul.f32 v8, v60  }
0x1dd: {  	v1 =	vmul.f32 v1, v31;
	v28 =	vmul.f32 v28, v58;
	v4 =	vsub.f32 $1.500000000e+00, v4  }
0x1de: {  	v61, _, _ =	vpop (xrf2);
	v6 =	vmul.f32 v6, v57;
	v29 =	vmul.f32 v29, v59;
	v62 =	vsub.f32 $1.500000000e+00, v32  }
0x1df: {  	v25 =	vadd.f32 v5, v25;
	v0 =	vmul.f32 v4, v0;
	v4 =	vperm.xlane v61, v16;
	v60, _, _ =	vpop (xrf2)  }
0x1e0: {  	v26 =	vadd.f32 v5, v26;
	v31 =	vperm.xlane v60, v16;
	v8 =	vmul.f32 v8, v62  }
0x1e1: {  	v27 =	vadd.f32 v5, v27;
	v4 =	vmul.f32 $7.812500000e-03, v4;
	v3 =	vmul.f32 v0, v3  }
0x1e2: {  	v30 =	vadd.f32 v5, v30;
	v39 =	vmul.f32 v0, v39;
	v2 =	vmul.f32 v8, v2  }
0x1e3: {  	v61 =	vmul.f32 $7.812500000e-03, v31;
	v62 =	vmul.f32 v4, v4;
	v3 =	vsub.f32 $0.0e+00, v3  }
0x1e4: {  	v1 =	vadd.f32 v5, v1;
	v60 =	vmul.f32 v0, v36;
	v2 =	vmul.f32 v2, v8  }
0x1e5: {  	v33 =	vmul.f32 v0, v33;
	v5 =	vsub.f32 v61, v62;
	v32 =	vadd.f32 v3, v39  }
0x1e6: {  	v61 =	vmul.f32 v0, v37;
	v62 =	vmul.f32 v0, v38;
	v2 =	vsub.f32 $1.500000000e+00, v2  }
0x1e7: {  	v31 =	vadd.f32 v3, v60;
	v60 =	vmul.f32 v0, v40;
	v33 =	vadd.f32 v3, v33  }
0x1e8: {  	v36 =	vadd.f32 v3, v61;
	v5 =	vadd.f32 $1.000000050e-03, v5;
	v2 =	vmul.f32 v2, v8  }
0x1e9: {  	v37 =	vadd.f32 v3, v62;
	v8 =	vmul.f32 v0, v34;
	v0 =	vmul.f32 v0, v35  }
0x1ea: {  	v61 =	vshra.s32 v5, $0x1;
	v5 =	vmul.f32 $5.000000000e-01, v5;
	v7 =	vmul.f32 v2, v7  }
0x1eb: {  	v38 =	vadd.f32 v3, v60;
	v34 =	vmul.f32 v2, v52;
	v35 =	vmul.f32 v2, v55  }
0x1ec: {  	v39 =	vsub.s32 $0x5F3759DF, v61;
	v55 =	vld [tilespmem:$0x1FF60];
	v40 =	vmul.f32 v2, v53;
	v52 =	vmul.f32 v2, v54  }
0x1ed: {  	v8 =	vadd.f32 v3, v8;
	v49 =	vmul.f32 v2, v49;
	v62 =	vmul.f32 v39, v5;
	v53 =	vld [tilespmem:$0x1FF40]  }
0x1ee: {  	v54 =	vld [tilespmem:$0x1FF50];
	v0 =	vadd.f32 v3, v0;
	v3 =	vmul.f32 v2, v50;
	v60 =	vmul.f32 v2, v51  }
0x1ef: {  	v28 =	vadd.f32 v28, v18;
	v2 =	vmul.f32 v2, v56;
	v56 =	vld [tilespmem:$0x1FF70];
	v61 =	vmul.f32 v39, v62  }
0x1f0: {  	v29 =	vadd.f32 v29, v19;
	v7 =	vsub.f32 $0.0e+00, v7  }
0x1f1: {  	v6 =	vadd.f32 v6, v17;
	v51 =	vsub.f32 $1.500000000e+00, v61  }
0x1f2: {  	[tilespmem:s28+$0xFFFFFF20] =	vst v29;
	v29 =	vadd.f32 v7, v35;
	v3 =	vadd.f32 v7, v3;
	v25 =	vmul.f32 v25, v53  }
0x1f3: {  	v2 =	vadd.f32 v7, v2;
	v26 =	vmul.f32 v26, v54;
	v27 =	vmul.f32 v27, v55  }
0x1f4: {  	[tilespmem:s28+$0xFFFFFF00] =	vst v6;
	v30 =	vmul.f32 v30, v56;
	v6 =	vmul.f32 v39, v51;
	v51 =	vadd.f32 v7, v52  }
0x1f5: {  	v8 =	vmul.f32 v8, v56;
	v52 =	vadd.f32 v7, v49;
	v25 =	vadd.f32 v25, v20  }
0x1f6: {  	[tilespmem:s28+$0xFFFFFF10] =	vst v28;
	v3 =	vmul.f32 v3, v55;
	v26 =	vadd.f32 v26, v21;
	v27 =	vadd.f32 v27, v22  }
0x1f7: {  	v62 =	vadd.f32 v30, v23;
	v50 =	vadd.f32 v8, v23;
	v8 =	vmul.f32 v29, v58;
	[tilespmem:s28+$0xFFFFFF30] =	vst v25  }
0x1f8: {  	v39 =	vld [tilespmem:$0x1FF80];
	v30 =	vadd.f32 v7, v34;
	v5 =	vmul.f32 v6, v5;
	v51 =	vmul.f32 v51, v53;
	[tilespmem:s28+$0xFFFFFF40] =	vst v26  }
0x1f9: {  	v34 =	vadd.f32 v7, v40;
	v52 =	vmul.f32 v52, v54;
	v25 =	vmul.f32 v32, v57;
	[tilespmem:s28+$0xFFFFFF50] =	vst v27  }
0x1fa: {  	v3 =	vadd.f32 v3, v22;
	v26 =	vadd.f32 v7, v60;
	v60 =	vmul.f32 v31, v58;
	[tilespmem:s28+$0xFFFFFF60] =	vst v62  }
0x1fb: {  	v27 =	vmul.f32 v36, v59;
	v62 =	vmul.f32 v37, v53;
	[tilespmem:s28+$0xFFFFFFE0] =	vst v50;
	v25 =	vadd.f32 v25, v17  }
0x1fc: {  	v36 =	vmul.f32 v38, v54;
	v5 =	vmul.f32 v5, v6;
	[tilespmem:s28+$0x50] =	vst v3;
	v61 =	vadd.f32 v60, v18  }
0x1fd: {  	v1 =	vmul.f32 v1, v39;
	v37 =	vadd.f32 v27, v19;
	v38 =	vadd.f32 v62, v20;
	[tilespmem:s28+$0xFFFFFF80] =	vst v25  }
0x1fe: {  	v40 =	vadd.f32 v36, v21;
	v0 =	vmul.f32 v0, v39;
	v5 =	vsub.f32 $1.500000000e+00, v5;
	[tilespmem:s28+$0xFFFFFF90] =	vst v61  }
0x1ff: {  	v27 =	vmul.f32 v34, v59;
	v1 =	vadd.f32 v1, v24;
	v25 =	vmul.f32 v33, v55;
	[tilespmem:s28+$0xFFFFFFA0] =	vst v37  }
0x200: {  	[tilespmem:s28+$0xFFFFFFB0] =	vst v38;
	v0 =	vadd.f32 v0, v24;
	v61 =	vadd.f32 v8, v18;
	v5 =	vmul.f32 v5, v6  }
0x201: {  	v2 =	vmul.f32 v2, v39;
	[tilespmem:s28+$0xFFFFFFC0] =	vst v40;
	v33 =	vadd.f32 v27, v19;
	v38 =	vadd.f32 v51, v20  }
0x202: {  	[tilespmem:s28+$0xFFFFFF70] =	vst v1;
	v49 =	vadd.f32 v25, v22;
	v25 =	vmul.f32 v30, v57;
	v4 =	vmul.f32 v5, v4  }
0x203: {  	v40 =	vadd.f32 v52, v21;
	[tilespmem:s28+$0xFFFFFFF0] =	vst v0;
	v8 =	vmul.f32 v5, v42;
	v62 =	vmul.f32 v5, v45  }
0x204: {  	[tilespmem:s28+$0x10] =	vst v61;
	v60 =	vadd.f32 v25, v17;
	v25 =	vmul.f32 v5, v47;
	v4 =	vsub.f32 $0.0e+00, v4  }
0x205: {  	v2 =	vadd.f32 v2, v24;
	[tilespmem:s28+$0x20] =	vst v33;
	v27 =	vmul.f32 v5, v43;
	v34 =	vmul.f32 v5, v44  }
0x206: {  	[tilespmem:s28+$0x30] =	vst v38;
	v35 =	vmul.f32 v5, v41;
	v41 =	vmul.f32 v26, v56;
	v25 =	vadd.f32 v4, v25  }
0x207: {  	[tilespmem:s28+$0x40] =	vst v40;
	v36 =	vmul.f32 v5, v46;
	v37 =	vmul.f32 v5, v48;
	v42 =	vadd.f32 v4, v8  }
0x208: {  	[tilespmem:s28+$0x70] =	vst v2;
	v43 =	vadd.f32 v41, v23;
	v8 =	vadd.f32 v4, v62;
	v44 =	vmul.f32 v25, v57  }
0x209: {  	[tilespmem:s28+$0xFFFFFFD0] =	vst v49;
	v46 =	vadd.f32 v4, v27;
	v51 =	vadd.f32 v4, v35;
	v45 =	vmul.f32 v42, v58  }
0x20a: {  	[tilespmem:s28+$0x0] =	vst v60;
	v1 =	vadd.f32 v4, v37;
	v48 =	vmul.f32 v8, v59;
	v47 =	vadd.f32 v44, v17  }
0x20b: {  	[tilespmem:s28+$0x60] =	vst v43;
	v8 =	vadd.f32 v4, v34;
	v50 =	vmul.f32 v46, v53;
	v49 =	vadd.f32 v45, v18  }
0x20c: {  	v58 =	vmul.f32 v51, v55;
	v1 =	vmul.f32 v1, v39;
	v52 =	vadd.f32 v48, v19;
	[tilespmem:s28+$0x80] =	vst v47  }
0x20d: {  	v53 =	vmul.f32 v8, v54;
	v54 =	vadd.f32 v4, v36;
	v57 =	vadd.f32 v50, v20;
	[tilespmem:s28+$0x90] =	vst v49  }
0x20e: {  	p0 =	sne.s32 s25, $0xFFFFFFFC;
	v61 =	vadd.f32 v58, v22;
	[tilespmem:s28+$0xA0] =	vst v52  }
.Ltmp3:
0x20f: {  	v1 =	vadd.f32 v1, v24;
	v60 =	vmul.f32 v54, v56;
	[tilespmem:s28+$0xB0] =	vst v57;
	(pc) =	sbr.rel @p0 .LBB2_9-.Ltmp3, $4  }
0x210: {  	v59 =	vadd.f32 v53, v21;
	[tilespmem:s28+$0xD0] =	vst v61  }
0x211: {  	[tilespmem:s28+$0xF0] =	vst v1;
	v62 =	vadd.f32 v60, v23  }
0x212: {  	[tilespmem:s28+$0xC0] =	vst v59  }
0x213: {  	s25 =	sadd.s32 $0x4, s25;
	[tilespmem:s28+$0xE0] =	vst v62;
	s28 =	sadd.s32 $0x200, s28  }
0x214: {  	s3 =	sshll.u32 s20, $0xD  }
0x215: {  	s3 =	sadd.s32 s12, s3  }
0x216: {  	s3 =	sshrl.u32 s3, $0x3  }
0x217: {  	s3 =	sadd.s32 s7, s3  }
0x218: {  	[hbm4b:s3+s8] =	stream.linear.scatter [tilespmem:s26], [sflag:$0x2], $0x2000, $0x38;
	[tilespmem:$0x1B700] =	vst v63  }
0x219: {  	_ =	swait.ge [sflag:s30], $0x2000  }
0x21a: {  	p0 =	seq.s32 s6, $0x13;
	[sflag:s30] =	ssyncset.done $0x0  }
0x21b: {  	s19 =	smul.u32 @!p0 $0xA00, s6;
	s3 =	simm.s32 @!p0 $0x2;
	[sflag:s30] =	ssyncadd.s32 $0xFFFFE000  }
0x21c: {  	_ =	swait.ge @!p0 [sflag:s3], $0x2000  }
0x21d: {  	s25 =	simm.s32 @!p0 $0xC800;
	s20 =	sshra.s32 @!p0 s19, $0x2;
	[sflag:s3] =	ssyncset.done @!p0 $0x0  }
0x21e: {  	s19 =	simm.s32 @!p0 $0x40;
	[sflag:s3] =	ssyncadd.s32 @!p0 $0xFFFFE000;
	s3 =	sadd.s32 @!p0 $0x16A80, s20  }
0x21f: {  	[tilespmem:s25], [sflag:$0x1] =	stream.indirect.gather @!p0 [hbm4b:s0+s19], $0x80, s3, s19, $0xb8;
	[tilespmem:$0x1B700] =	vst v63  }
0x220: {  	s18 =	sadd.s32 $0x2, s18;
	s28 =	simm.s32 $0x10900;
	s25 =	simm.s32 $0xFFFFFFC0  }
.LBB2_11:
0x221: {  	s3 =	sadd.s32 s25, s4  }
0x222: {  	s19 =	sadd.s32 $0xC0, s3  }
0x223: {  	v0 =	vmov s19  }
0x224: {  	v0 =	vand.u32 $0xFFFFFFFC, v0  }
0x225: {  	v0 =	vbroadcast v0, $0x0  }
0x226: {  	v3 =	vld [tilespmem:s28+$0xFFFFFF00]  }
0x227: {  	v6 =	vld [tilespmem:s28+$0xFFFFFF10]  }
0x228: {  	v8 =	vld [tilespmem:s28+$0xFFFFFF20]  }
0x229: {  	v26 =	vld [tilespmem:s28+$0xFFFFFF30]  }
0x22a: {  	v30 =	vld [tilespmem:s28+$0xFFFFFF40];
	s19 =	sadd.s32 $0xC1, s3  }
0x22b: {  	v5 =	vmov s19;
	v0 =	vld.idx.msk [tilespmem:v0+s21+$0x0], $0xffff  }
0x22c: {  	v33 =	vld [tilespmem:s28+$0xFFFFFF50];
	v5 =	vand.u32 $0xFFFFFFFD, v5  }
0x22d: {  	v34 =	vld [tilespmem:s28+$0xFFFFFF60];
	v5 =	vbroadcast v5, $0x0  }
0x22e: {  	v36 =	vld [tilespmem:s28+$0xFFFFFF70]  }
0x22f: {  	v37 =	vld [tilespmem:s28+$0xFFFFFF80]  }
0x230: {  	v40 =	vld [tilespmem:s28+$0xFFFFFF90];
	v1 =	vadd.s32 v63, v0  }
0x231: {  	v43 =	vld [tilespmem:s28+$0xFFFFFFA0];
	v2 =	vadd.s32 v9, v0  }
0x232: {  	v44 =	vld [tilespmem:s28+$0xFFFFFFD0];
	v4 =	vadd.s32 v10, v0  }
0x233: {  	v5 =	vld.idx.msk [tilespmem:v5+s21+$0x0], $0xffff;
	v7 =	vadd.s32 v11, v0  }
0x234: {  	v48 =	vld [tilespmem:s28+$0xFFFFFFE0];
	v25 =	vadd.s32 v12, v0  }
0x235: {  	v27 =	vadd.s32 v13, v0;
	v1 =	vld.idx.msk [tilespmem:v1+s8+$0x0], $0xffff  }
0x236: {  	v28 =	vadd.s32 v14, v0;
	v2 =	vld.idx.msk [tilespmem:v2+s8+$0x0], $0xffff  }
0x237: {  	v0 =	vadd.s32 v15, v0;
	v4 =	vld.idx.msk [tilespmem:v4+s8+$0x0], $0xffff  }
0x238: {  	v59 =	vadd.s32 v14, v5;
	v7 =	vld.idx.msk [tilespmem:v7+s8+$0x0], $0xffff  }
0x239: {  	v31 =	vld.idx.msk [tilespmem:v25+s8+$0x0], $0xffff;
	v25 =	vadd.s32 v63, v5  }
0x23a: {  	v29 =	vadd.s32 v10, v5;
	v27 =	vld.idx.msk [tilespmem:v27+s8+$0x0], $0xffff  }
0x23b: {  	v55 =	vadd.s32 v9, v5;
	v35 =	vld.idx.msk [tilespmem:v28+s8+$0x0], $0xffff  }
0x23c: {  	s19 =	sadd.s32 $0xC2, s3;
	v0 =	vld.idx.msk [tilespmem:v0+s8+$0x0], $0xffff  }
0x23d: {  	v32 =	vmov s19;
	v39 =	vadd.s32 v11, v5;
	v51 =	vld.idx.msk [tilespmem:v59+s8+$0x0], $0xffff  }
0x23e: {  	v56 =	vadd.s32 v12, v5;
	v38 =	vld.idx.msk [tilespmem:v25+s8+$0x0], $0xffff;
	v25 =	vand.u32 $0xFFFFFFFE, v32;
	v32 =	vadd.f32 v1, v3  }
0x23f: {  	v57 =	vadd.s32 v13, v5;
	v28 =	vadd.f32 v2, v6;
	v1 =	vld.idx.msk [tilespmem:v29+s8+$0x0], $0xffff;
	v29 =	vadd.f32 v4, v8  }
0x240: {  	v42 =	vld.idx.msk [tilespmem:v55+s8+$0x0], $0xffff;
	v27 =	vadd.f32 v27, v33;
	v41 =	vbroadcast v25, $0x0;
	v25 =	vadd.f32 v7, v26  }
0x241: {  	v5 =	vadd.s32 v15, v5;
	v3 =	vld [tilespmem:s28+$0xFFFFFFB0];
	v26 =	vadd.f32 v31, v30;
	v30 =	vadd.f32 v35, v34  }
0x242: {  	v4 =	vld.idx.msk [tilespmem:v39+s8+$0x0], $0xffff;
	v31 =	vadd.f32 v0, v36;
	v34 =	vadd.f32 v51, v48;
	v60 =	vmul.f32 v32, v32  }
0x243: {  	v2 =	vld.idx.msk [tilespmem:v56+s8+$0x0], $0xffff;
	v58 =	vadd.f32 v28, v32;
	v61 =	vmul.f32 v28, v28;
	v62 =	vmul.f32 v29, v29  }
0x244: {  	v6 =	vld.idx.msk [tilespmem:v57+s8+$0x0], $0xffff;
	v47 =	vmul.f32 v27, v27;
	v8 =	vadd.f32 v25, v29;
	v36 =	vadd.f32 v31, v30  }
0x245: {  	v57 =	vld [tilespmem:s28+$0xFFFFFFF0];
	v45 =	vmul.f32 v25, v25;
	v46 =	vmul.f32 v26, v26;
	v55 =	vadd.f32 v61, v60  }
0x246: {  	v7 =	vadd.f32 v8, v58;
	v8 =	vadd.f32 v27, v26;
	v41 =	vld.idx.msk [tilespmem:v41+s21+$0x0], $0xffff  }
0x247: {  	v5 =	vld.idx.msk [tilespmem:v5+s8+$0x0], $0xffff;
	v54 =	vmul.f32 v30, v30;
	v56 =	vadd.f32 v45, v62;
	v59 =	vadd.f32 v47, v46  }
0x248: {  	s3 =	sadd.s32 $0xC3, s3;
	v0 =	vld [tilespmem:s28+$0xFFFFFFC0];
	v50 =	vmul.f32 v31, v31;
	v39 =	vadd.f32 v38, v37;
	v37 =	vadd.f32 v1, v43  }
0x249: {  	v61 =	vmov s3;
	v38 =	vadd.f32 v4, v3;
	v43 =	vld [tilespmem:s28+$0x30];
	v8 =	vadd.f32 v36, v8  }
0x24a: {  	v36 =	vadd.f32 v50, v54;
	v47 =	vadd.f32 v56, v55;
	v56 =	vld [tilespmem:s28+$0x40]  }
0x24b: {  	v33 =	vadd.f32 v6, v44;
	v7 =	vadd.f32 v8, v7;
	v8 =	vld [tilespmem:s28+$0x0];
	v49 =	vadd.s32 v63, v41  }
0x24c: {  	v50 =	vadd.f32 v36, v59;
	v36 =	vadd.f32 v42, v40;
	v42 =	vld [tilespmem:s28+$0x10];
	v58 =	vadd.s32 v9, v41  }
0x24d: {  	v35 =	vadd.f32 v5, v57;
	v40 =	vadd.f32 v2, v0;
	v0 =	vld [tilespmem:s28+$0x20];
	v52 =	vadd.s32 v11, v41  }
0x24e: {  	v6 =	vadd.f32 v38, v37;
	v44 =	vmul.f32 v39, v39;
	v2 =	vld.idx.msk [tilespmem:v61+s21+$0x0], $0xffff;
	v60 =	vadd.s32 v10, v41  }
0x24f: {  	v53 =	vmul.f32 v38, v38;
	v55 =	vmul.f32 v33, v33;
	v61 =	vld [tilespmem:s28+$0x50];
	v4 =	vadd.s32 v12, v41  }
0x250: {  	v59 =	vmul.f32 v34, v34;
	v5 =	vadd.f32 v36, v39;
	v48 =	vadd.s32 v13, v41;
	v49 =	vld.idx.msk [tilespmem:v49+s8+$0x0], $0xffff  }
0x251: {  	v45 =	vmul.f32 v36, v36;
	v51 =	vadd.f32 v33, v40;
	v57 =	vadd.s32 v14, v41;
	v1 =	vld.idx.msk [tilespmem:v58+s8+$0x0], $0xffff  }
0x252: {  	v54 =	vmul.f32 v40, v40;
	v47 =	vadd.f32 v50, v47;
	v46 =	vld.idx.msk [tilespmem:v52+s8+$0x0], $0xffff;
	v52 =	vmul.f32 v37, v37  }
0x253: {  	v41 =	vadd.s32 v15, v41;
	v44 =	vadd.f32 v45, v44;
	v3 =	vld.idx.msk [tilespmem:v60+s8+$0x0], $0xffff;
	v60 =	vmul.f32 v35, v35  }
0x254: {  	v58 =	vadd.f32 v35, v34;
	v4 =	vld.idx.msk [tilespmem:v4+s8+$0x0], $0xffff;
	v45 =	vadd.f32 v53, v52  }
0x255: {  	v48 =	vld.idx.msk [tilespmem:v48+s8+$0x0], $0xffff;
	v52 =	vadd.f32 v55, v54;
	v62 =	vadd.f32 v60, v59  }
0x256: {  	v5 =	vadd.f32 v6, v5;
	v57 =	vld.idx.msk [tilespmem:v57+s8+$0x0], $0xffff;
	v54 =	vadd.f32 v58, v51  }
0x257: {  	(xrf2) =	vadd.scan.msk.f32 $0xffff, v7;
	v60 =	vld [tilespmem:s28+$0x70];
	v44 =	vadd.f32 v45, v44;
	v55 =	vadd.f32 v62, v52  }
0x258: {  	v5 =	vadd.f32 v54, v5;
	v52 =	vadd.f32 v49, v8;
	v8 =	vld.idx.msk [tilespmem:v41+s8+$0x0], $0xffff  }
0x259: {  	(xrf2) =	vadd.scan.msk.f32 $0xffff, v47;
	v51 =	vld [tilespmem:s28+$0x60];
	v62 =	vadd.s32 v63, v2;
	v53 =	vadd.f32 v3, v0;
	v54 =	vadd.f32 v46, v43  }
0x25a: {  	v41 =	vadd.s32 v9, v2;
	v49 =	vadd.f32 v4, v56;
	v50 =	vadd.f32 v48, v61  }
0x25b: {  	v58 =	vld [tilespmem:s28+$0xB0];
	v46 =	vadd.s32 v12, v2;
	v7 =	vadd.f32 v55, v44;
	v55 =	vadd.f32 v1, v42  }
0x25c: {  	v45 =	vld [tilespmem:s28+$0xA0];
	v1 =	vadd.s32 v10, v2;
	v44 =	vadd.s32 v11, v2;
	v61 =	vmul.f32 v54, v54  }
0x25d: {  	v0 =	vld [tilespmem:s28+$0x80];
	v56 =	vadd.f32 v8, v60;
	v60 =	vmul.f32 v52, v52;
	v8 =	vmul.f32 v55, v55  }
0x25e: {  	v51 =	vadd.f32 v57, v51;
	v48 =	vadd.f32 v54, v53;
	v3 =	vld.idx.msk [tilespmem:v62+s8+$0x0], $0xffff  }
0x25f: {  	v41 =	vld.idx.msk [tilespmem:v41+s8+$0x0], $0xffff;
	v6 =	vadd.f32 v8, v60;
	v8 =	vmul.f32 v53, v53;
	v60 =	vmul.f32 v56, v56  }
0x260: {  	v59 =	vadd.s32 v13, v2;
	v42 =	vadd.f32 v50, v49;
	v62 =	vadd.f32 v55, v52;
	v46 =	vld.idx.msk [tilespmem:v46+s8+$0x0], $0xffff  }
0x261: {  	v57 =	vmul.f32 v50, v50;
	v47 =	vmul.f32 v51, v51;
	v1 =	vld.idx.msk [tilespmem:v1+s8+$0x0], $0xffff;
	v8 =	vadd.f32 v61, v8;
	v61, _, _ =	vpop (xrf2)  }
0x262: {  	v4 =	vadd.f32 v48, v62;
	v48 =	vmul.f32 v49, v49;
	v44 =	vld.idx.msk [tilespmem:v44+s8+$0x0], $0xffff;
	v61 =	vperm.xlane v61, v16  }
0x263: {  	v43 =	vld [tilespmem:s28+$0x90];
	v62 =	vadd.s32 v14, v2;
	(xrf2) =	vadd.scan.msk.f32 $0xffff, v5;
	v5 =	vadd.f32 v56, v51;
	v47 =	vadd.f32 v60, v47;
	v60, _, _ =	vpop (xrf2)  }
0x264: {  	v48 =	vadd.f32 v57, v48;
	v57 =	vld [tilespmem:s28+$0xC0];
	v61 =	vmul.f32 $7.812500000e-03, v61;
	v60 =	vperm.xlane v60, v16  }
0x265: {  	v2 =	vadd.s32 v15, v2;
	(xrf2) =	vadd.scan.msk.f32 $0xffff, v7;
	v7 =	vld [tilespmem:s28+$0xD0];
	v5 =	vadd.f32 v5, v42;
	v6 =	vadd.f32 v8, v6  }
0x266: {  	v8 =	vld.idx.msk [tilespmem:v59+s8+$0x0], $0xffff;
	v42 =	vadd.f32 v47, v48;
	v47 =	vmul.f32 $7.812500000e-03, v60;
	v59 =	vmul.f32 v61, v61  }
0x267: {  	v48 =	vld [tilespmem:s28+$0xE0]  }
0x268: {  	v4 =	vadd.f32 v5, v4;
	v5 =	vld.idx.msk [tilespmem:v62+s8+$0x0], $0xffff;
	v59 =	vsub.f32 v47, v59  }
0x269: {  	v60 =	vld [tilespmem:s28+$0xF0]  }
0x26a: {  	v47 =	vadd.f32 v3, v0;
	v0 =	vld.idx.msk [tilespmem:v2+s8+$0x0], $0xffff;
	v62 =	vadd.f32 $1.000000050e-03, v59  }
0x26b: {  	v45 =	vadd.f32 v1, v45;
	v6 =	vadd.f32 v42, v6  }
0x26c: {  	v42 =	vadd.f32 v41, v43;
	v43 =	vadd.f32 v44, v58;
	v58 =	vshra.s32 v62, $0x1  }
0x26d: {  	v44 =	vadd.f32 v46, v57;
	v41 =	vadd.f32 v8, v7;
	v1 =	vmul.f32 $5.000000000e-01, v62;
	v59, _, _ =	vpop (xrf2)  }
0x26e: {  	v46 =	vadd.f32 v5, v48;
	(xrf2) =	vadd.scan.msk.f32 $0xffff, v4;
	v2 =	vsub.s32 $0x5F3759DF, v58;
	v3 =	vperm.xlane v59, v16  }
0x26f: {  	v62 =	vadd.f32 v42, v47;
	v48 =	vadd.f32 v0, v60;
	v57 =	vmul.f32 v2, v1;
	v58, _, _ =	vpop (xrf2)  }
0x270: {  	v59 =	vadd.f32 v43, v45;
	v3 =	vmul.f32 $7.812500000e-03, v3;
	(xrf2) =	vadd.scan.msk.f32 $0xffff, v6;
	v5 =	vperm.xlane v58, v16  }
0x271: {  	v60 =	vadd.f32 v41, v44;
	v8 =	vadd.f32 v48, v46;
	v4 =	vmul.f32 v2, v57  }
0x272: {  	v0 =	vadd.f32 v59, v62;
	v7 =	vmul.f32 v3, v3;
	v5 =	vmul.f32 $7.812500000e-03, v5  }
0x273: {  	v62 =	vmul.f32 v42, v42;
	v6 =	vadd.f32 v8, v60;
	v8 =	vmul.f32 v47, v47  }
0x274: {  	v4 =	vsub.f32 $1.500000000e+00, v4;
	v5 =	vsub.f32 v5, v7  }
0x275: {  	v60 =	vmul.f32 v45, v45;
	v7 =	vadd.f32 v62, v8;
	v8 =	vmul.f32 v43, v43  }
0x276: {  	v59 =	vmul.f32 v41, v41;
	v2 =	vmul.f32 v2, v4;
	v4 =	vadd.f32 $1.000000050e-03, v5  }
0x277: {  	v57 =	vmul.f32 v44, v44;
	v58 =	vmul.f32 v48, v48;
	v5 =	vadd.f32 v8, v60  }
0x278: {  	v8 =	vmul.f32 v46, v46;
	v1 =	vmul.f32 v2, v1;
	v62, _, _ =	vpop (xrf2);
	v60 =	vshra.s32 v4, $0x1  }
0x279: {  	v57 =	vadd.f32 v59, v57;
	v59 =	vsub.s32 $0x5F3759DF, v60;
	v60 =	vperm.xlane v62, v16  }
0x27a: {  	v4 =	vmul.f32 $5.000000000e-01, v4;
	v8 =	vadd.f32 v58, v8;
	v1 =	vmul.f32 v1, v2;
	v62, _, _ =	vpop (xrf2)  }
0x27b: {  	v5 =	vadd.f32 v5, v7;
	v7 =	vmul.f32 $7.812500000e-03, v60;
	v60 =	vperm.xlane v62, v16  }
0x27c: {  	v58 =	vmul.f32 v59, v4;
	v8 =	vadd.f32 v8, v57;
	v1 =	vsub.f32 $1.500000000e+00, v1  }
0x27d: {  	v0 =	vadd.f32 v6, v0;
	v62 =	vmul.f32 $7.812500000e-03, v60;
	v60 =	vmul.f32 v7, v7  }
0x27e: {  	v57 =	vmul.f32 v59, v58;
	v5 =	vadd.f32 v8, v5;
	v1 =	vmul.f32 v1, v2  }
0x27f: {  	(xrf2) =	vadd.scan.msk.f32 $0xffff, v0;
	v62 =	vsub.f32 v62, v60  }
0x280: {  	v61 =	vmul.f32 v1, v61;
	(xrf2) =	vadd.scan.msk.f32 $0xffff, v5;
	v28 =	vmul.f32 v1, v28;
	v60 =	vsub.f32 $1.500000000e+00, v57  }
0x281: {  	v29 =	vmul.f32 v1, v29;
	v25 =	vmul.f32 v1, v25;
	v2 =	vadd.f32 $1.000000050e-03, v62  }
0x282: {  	v58 =	vld [tilespmem:$0x1FF20];
	v26 =	vmul.f32 v1, v26;
	v0 =	vmul.f32 v59, v60  }
0x283: {  	v27 =	vmul.f32 v1, v27;
	v57 =	vld [tilespmem:$0x1FF10];
	v8 =	vshra.s32 v2, $0x1;
	v2 =	vmul.f32 $5.000000000e-01, v2  }
0x284: {  	v5 =	vsub.f32 $0.0e+00, v61;
	v59 =	vld [tilespmem:$0x1FF30];
	v4 =	vmul.f32 v0, v4;
	v8 =	vsub.s32 $0x5F3759DF, v8  }
0x285: {  	v62 =	vmul.f32 v1, v32;
	v60 =	vmul.f32 v8, v2  }
0x286: {  	v30 =	vmul.f32 v1, v30;
	v28 =	vadd.f32 v5, v28;
	v4 =	vmul.f32 v4, v0  }
0x287: {  	v29 =	vadd.f32 v5, v29;
	v6 =	vadd.f32 v5, v62;
	v32 =	vmul.f32 v8, v60  }
0x288: {  	v1 =	vmul.f32 v1, v31;
	v28 =	vmul.f32 v28, v58;
	v4 =	vsub.f32 $1.500000000e+00, v4  }
0x289: {  	v61, _, _ =	vpop (xrf2);
	v6 =	vmul.f32 v6, v57;
	v29 =	vmul.f32 v29, v59;
	v62 =	vsub.f32 $1.500000000e+00, v32  }
0x28a: {  	v25 =	vadd.f32 v5, v25;
	v0 =	vmul.f32 v4, v0;
	v4 =	vperm.xlane v61, v16;
	v60, _, _ =	vpop (xrf2)  }
0x28b: {  	v26 =	vadd.f32 v5, v26;
	v31 =	vperm.xlane v60, v16;
	v8 =	vmul.f32 v8, v62  }
0x28c: {  	v27 =	vadd.f32 v5, v27;
	v4 =	vmul.f32 $7.812500000e-03, v4;
	v3 =	vmul.f32 v0, v3  }
0x28d: {  	v30 =	vadd.f32 v5, v30;
	v39 =	vmul.f32 v0, v39;
	v2 =	vmul.f32 v8, v2  }
0x28e: {  	v61 =	vmul.f32 $7.812500000e-03, v31;
	v62 =	vmul.f32 v4, v4;
	v3 =	vsub.f32 $0.0e+00, v3  }
0x28f: {  	v1 =	vadd.f32 v5, v1;
	v60 =	vmul.f32 v0, v36;
	v2 =	vmul.f32 v2, v8  }
0x290: {  	v33 =	vmul.f32 v0, v33;
	v5 =	vsub.f32 v61, v62;
	v32 =	vadd.f32 v3, v39  }
0x291: {  	v61 =	vmul.f32 v0, v37;
	v62 =	vmul.f32 v0, v38;
	v2 =	vsub.f32 $1.500000000e+00, v2  }
0x292: {  	v31 =	vadd.f32 v3, v60;
	v60 =	vmul.f32 v0, v40;
	v33 =	vadd.f32 v3, v33  }
0x293: {  	v36 =	vadd.f32 v3, v61;
	v5 =	vadd.f32 $1.000000050e-03, v5;
	v2 =	vmul.f32 v2, v8  }
0x294: {  	v37 =	vadd.f32 v3, v62;
	v8 =	vmul.f32 v0, v34;
	v0 =	vmul.f32 v0, v35  }
0x295: {  	v61 =	vshra.s32 v5, $0x1;
	v5 =	vmul.f32 $5.000000000e-01, v5;
	v7 =	vmul.f32 v2, v7  }
0x296: {  	v38 =	vadd.f32 v3, v60;
	v34 =	vmul.f32 v2, v52;
	v35 =	vmul.f32 v2, v55  }
0x297: {  	v39 =	vsub.s32 $0x5F3759DF, v61;
	v55 =	vld [tilespmem:$0x1FF60];
	v40 =	vmul.f32 v2, v53;
	v52 =	vmul.f32 v2, v54  }
0x298: {  	v8 =	vadd.f32 v3, v8;
	v49 =	vmul.f32 v2, v49;
	v62 =	vmul.f32 v39, v5;
	v53 =	vld [tilespmem:$0x1FF40]  }
0x299: {  	v54 =	vld [tilespmem:$0x1FF50];
	v0 =	vadd.f32 v3, v0;
	v3 =	vmul.f32 v2, v50;
	v60 =	vmul.f32 v2, v51  }
0x29a: {  	v28 =	vadd.f32 v28, v18;
	v2 =	vmul.f32 v2, v56;
	v56 =	vld [tilespmem:$0x1FF70];
	v61 =	vmul.f32 v39, v62  }
0x29b: {  	v29 =	vadd.f32 v29, v19;
	v7 =	vsub.f32 $0.0e+00, v7  }
0x29c: {  	v6 =	vadd.f32 v6, v17;
	v51 =	vsub.f32 $1.500000000e+00, v61  }
0x29d: {  	[tilespmem:s28+$0xFFFFFF20] =	vst v29;
	v29 =	vadd.f32 v7, v35;
	v3 =	vadd.f32 v7, v3;
	v25 =	vmul.f32 v25, v53  }
0x29e: {  	v2 =	vadd.f32 v7, v2;
	v26 =	vmul.f32 v26, v54;
	v27 =	vmul.f32 v27, v55  }
0x29f: {  	[tilespmem:s28+$0xFFFFFF00] =	vst v6;
	v30 =	vmul.f32 v30, v56;
	v6 =	vmul.f32 v39, v51;
	v51 =	vadd.f32 v7, v52  }
0x2a0: {  	v8 =	vmul.f32 v8, v56;
	v52 =	vadd.f32 v7, v49;
	v25 =	vadd.f32 v25, v20  }
0x2a1: {  	[tilespmem:s28+$0xFFFFFF10] =	vst v28;
	v3 =	vmul.f32 v3, v55;
	v26 =	vadd.f32 v26, v21;
	v27 =	vadd.f32 v27, v22  }
0x2a2: {  	v62 =	vadd.f32 v30, v23;
	v50 =	vadd.f32 v8, v23;
	v8 =	vmul.f32 v29, v58;
	[tilespmem:s28+$0xFFFFFF30] =	vst v25  }
0x2a3: {  	v39 =	vld [tilespmem:$0x1FF80];
	v30 =	vadd.f32 v7, v34;
	v5 =	vmul.f32 v6, v5;
	v51 =	vmul.f32 v51, v53;
	[tilespmem:s28+$0xFFFFFF40] =	vst v26  }
0x2a4: {  	v34 =	vadd.f32 v7, v40;
	v52 =	vmul.f32 v52, v54;
	v25 =	vmul.f32 v32, v57;
	[tilespmem:s28+$0xFFFFFF50] =	vst v27  }
0x2a5: {  	v3 =	vadd.f32 v3, v22;
	v26 =	vadd.f32 v7, v60;
	v60 =	vmul.f32 v31, v58;
	[tilespmem:s28+$0xFFFFFF60] =	vst v62  }
0x2a6: {  	v27 =	vmul.f32 v36, v59;
	v62 =	vmul.f32 v37, v53;
	[tilespmem:s28+$0xFFFFFFE0] =	vst v50;
	v25 =	vadd.f32 v25, v17  }
0x2a7: {  	v36 =	vmul.f32 v38, v54;
	v5 =	vmul.f32 v5, v6;
	[tilespmem:s28+$0x50] =	vst v3;
	v61 =	vadd.f32 v60, v18  }
0x2a8: {  	v1 =	vmul.f32 v1, v39;
	v37 =	vadd.f32 v27, v19;
	v38 =	vadd.f32 v62, v20;
	[tilespmem:s28+$0xFFFFFF80] =	vst v25  }
0x2a9: {  	v40 =	vadd.f32 v36, v21;
	v0 =	vmul.f32 v0, v39;
	v5 =	vsub.f32 $1.500000000e+00, v5;
	[tilespmem:s28+$0xFFFFFF90] =	vst v61  }
0x2aa: {  	v27 =	vmul.f32 v34, v59;
	v1 =	vadd.f32 v1, v24;
	v25 =	vmul.f32 v33, v55;
	[tilespmem:s28+$0xFFFFFFA0] =	vst v37  }
0x2ab: {  	[tilespmem:s28+$0xFFFFFFB0] =	vst v38;
	v0 =	vadd.f32 v0, v24;
	v61 =	vadd.f32 v8, v18;
	v5 =	vmul.f32 v5, v6  }
0x2ac: {  	v2 =	vmul.f32 v2, v39;
	[tilespmem:s28+$0xFFFFFFC0] =	vst v40;
	v33 =	vadd.f32 v27, v19;
	v38 =	vadd.f32 v51, v20  }
0x2ad: {  	[tilespmem:s28+$0xFFFFFF70] =	vst v1;
	v49 =	vadd.f32 v25, v22;
	v25 =	vmul.f32 v30, v57;
	v4 =	vmul.f32 v5, v4  }
0x2ae: {  	v40 =	vadd.f32 v52, v21;
	[tilespmem:s28+$0xFFFFFFF0] =	vst v0;
	v8 =	vmul.f32 v5, v42;
	v62 =	vmul.f32 v5, v45  }
0x2af: {  	[tilespmem:s28+$0x10] =	vst v61;
	v60 =	vadd.f32 v25, v17;
	v25 =	vmul.f32 v5, v47;
	v4 =	vsub.f32 $0.0e+00, v4  }
0x2b0: {  	v2 =	vadd.f32 v2, v24;
	[tilespmem:s28+$0x20] =	vst v33;
	v27 =	vmul.f32 v5, v43;
	v34 =	vmul.f32 v5, v44  }
0x2b1: {  	[tilespmem:s28+$0x30] =	vst v38;
	v35 =	vmul.f32 v5, v41;
	v41 =	vmul.f32 v26, v56;
	v25 =	vadd.f32 v4, v25  }
0x2b2: {  	[tilespmem:s28+$0x40] =	vst v40;
	v36 =	vmul.f32 v5, v46;
	v37 =	vmul.f32 v5, v48;
	v42 =	vadd.f32 v4, v8  }
0x2b3: {  	[tilespmem:s28+$0x70] =	vst v2;
	v43 =	vadd.f32 v41, v23;
	v8 =	vadd.f32 v4, v62;
	v44 =	vmul.f32 v25, v57  }
0x2b4: {  	[tilespmem:s28+$0xFFFFFFD0] =	vst v49;
	v46 =	vadd.f32 v4, v27;
	v51 =	vadd.f32 v4, v35;
	v45 =	vmul.f32 v42, v58  }
0x2b5: {  	[tilespmem:s28+$0x0] =	vst v60;
	v1 =	vadd.f32 v4, v37;
	v48 =	vmul.f32 v8, v59;
	v47 =	vadd.f32 v44, v17  }
0x2b6: {  	[tilespmem:s28+$0x60] =	vst v43;
	v8 =	vadd.f32 v4, v34;
	v50 =	vmul.f32 v46, v53;
	v49 =	vadd.f32 v45, v18  }
0x2b7: {  	v58 =	vmul.f32 v51, v55;
	v1 =	vmul.f32 v1, v39;
	v52 =	vadd.f32 v48, v19;
	[tilespmem:s28+$0x80] =	vst v47  }
0x2b8: {  	v53 =	vmul.f32 v8, v54;
	v54 =	vadd.f32 v4, v36;
	v57 =	vadd.f32 v50, v20;
	[tilespmem:s28+$0x90] =	vst v49  }
0x2b9: {  	p1 =	sne.s32 s25, $0xFFFFFFFC;
	v61 =	vadd.f32 v58, v22;
	[tilespmem:s28+$0xA0] =	vst v52  }
.Ltmp4:
0x2ba: {  	v1 =	vadd.f32 v1, v24;
	v60 =	vmul.f32 v54, v56;
	[tilespmem:s28+$0xB0] =	vst v57;
	(pc) =	sbr.rel @p1 .LBB2_11-.Ltmp4, $4  }
0x2bb: {  	v59 =	vadd.f32 v53, v21;
	[tilespmem:s28+$0xD0] =	vst v61  }
0x2bc: {  	[tilespmem:s28+$0xF0] =	vst v1;
	v62 =	vadd.f32 v60, v23  }
0x2bd: {  	[tilespmem:s28+$0xC0] =	vst v59  }
0x2be: {  	s25 =	sadd.s32 $0x4, s25;
	[tilespmem:s28+$0xE0] =	vst v62;
	s28 =	sadd.s32 $0x200, s28  }
0x2bf: {  	s3 =	sshll.u32 s18, $0xD  }
0x2c0: {  	s3 =	sadd.s32 s12, s3  }
0x2c1: {  	s3 =	sshrl.u32 s3, $0x3  }
0x2c2: {  	s3 =	sadd.s32 s7, s3  }
0x2c3: {  	[hbm4b:s3+s8] =	stream.linear.scatter [tilespmem:s29], [sflag:$0x2], $0x2000, $0x38;
	[tilespmem:$0x1B700] =	vst v63  }
0x2c4: {  	_ =	swait.ge [sflag:s30], $0x2000  }
0x2c5: {  	[sflag:s30] =	ssyncset.done $0x0  }
0x2c6: {  	s3 =	simm.s32 @!p0 $0x2;
	[sflag:s30] =	ssyncadd.s32 $0xFFFFE000  }
0x2c7: {  	_ =	swait.ge @!p0 [sflag:s3], $0x2000  }
0x2c8: {  	s18 =	simm.s32 @!p0 $0x40;
	[sflag:s3] =	ssyncset.done @!p0 $0x0  }
0x2c9: {  	s19 =	simm.s32 @!p0 $0xE800;
	[sflag:s3] =	ssyncadd.s32 @!p0 $0xFFFFE000;
	s3 =	sadd.s32 @!p0 $0x16B00, s20  }
0x2ca: {  	[tilespmem:s19], [sflag:$0x1] =	stream.indirect.gather @!p0 [hbm4b:s0+s18], $0x80, s3, s18, $0xb8;
	[tilespmem:$0x1B700] =	vst v63  }
0x2cb: {  	s25 =	simm.s32 $0x12900;
	s18 =	simm.s32 $0xFFFFFFC0  }
.LBB2_13:
0x2cc: {  	s3 =	sadd.s32 s18, s4  }
0x2cd: {  	s19 =	sadd.s32 $0x100, s3  }
0x2ce: {  	v0 =	vmov s19  }
0x2cf: {  	v0 =	vand.u32 $0xFFFFFFFC, v0  }
0x2d0: {  	v0 =	vbroadcast v0, $0x0  }
0x2d1: {  	v3 =	vld [tilespmem:s25+$0xFFFFFF00]  }
0x2d2: {  	v6 =	vld [tilespmem:s25+$0xFFFFFF10]  }
0x2d3: {  	v8 =	vld [tilespmem:s25+$0xFFFFFF20]  }
0x2d4: {  	v26 =	vld [tilespmem:s25+$0xFFFFFF30]  }
0x2d5: {  	v30 =	vld [tilespmem:s25+$0xFFFFFF40];
	s28 =	sadd.s32 $0x101, s3  }
0x2d6: {  	v5 =	vmov s28;
	v0 =	vld.idx.msk [tilespmem:v0+s21+$0x0], $0xffff  }
0x2d7: {  	v33 =	vld [tilespmem:s25+$0xFFFFFF50];
	v5 =	vand.u32 $0xFFFFFFFD, v5  }
0x2d8: {  	v34 =	vld [tilespmem:s25+$0xFFFFFF60];
	v5 =	vbroadcast v5, $0x0  }
0x2d9: {  	v36 =	vld [tilespmem:s25+$0xFFFFFF70]  }
0x2da: {  	v37 =	vld [tilespmem:s25+$0xFFFFFF80]  }
0x2db: {  	v40 =	vld [tilespmem:s25+$0xFFFFFF90];
	v1 =	vadd.s32 v63, v0  }
0x2dc: {  	v43 =	vld [tilespmem:s25+$0xFFFFFFA0];
	v2 =	vadd.s32 v9, v0  }
0x2dd: {  	v44 =	vld [tilespmem:s25+$0xFFFFFFD0];
	v4 =	vadd.s32 v10, v0  }
0x2de: {  	v5 =	vld.idx.msk [tilespmem:v5+s21+$0x0], $0xffff;
	v7 =	vadd.s32 v11, v0  }
0x2df: {  	v48 =	vld [tilespmem:s25+$0xFFFFFFE0];
	v25 =	vadd.s32 v12, v0  }
0x2e0: {  	v27 =	vadd.s32 v13, v0;
	v1 =	vld.idx.msk [tilespmem:v1+s8+$0x0], $0xffff  }
0x2e1: {  	v28 =	vadd.s32 v14, v0;
	v2 =	vld.idx.msk [tilespmem:v2+s8+$0x0], $0xffff  }
0x2e2: {  	v0 =	vadd.s32 v15, v0;
	v4 =	vld.idx.msk [tilespmem:v4+s8+$0x0], $0xffff  }
0x2e3: {  	v59 =	vadd.s32 v14, v5;
	v7 =	vld.idx.msk [tilespmem:v7+s8+$0x0], $0xffff  }
0x2e4: {  	v31 =	vld.idx.msk [tilespmem:v25+s8+$0x0], $0xffff;
	v25 =	vadd.s32 v63, v5  }
0x2e5: {  	v29 =	vadd.s32 v10, v5;
	v27 =	vld.idx.msk [tilespmem:v27+s8+$0x0], $0xffff  }
0x2e6: {  	v55 =	vadd.s32 v9, v5;
	v35 =	vld.idx.msk [tilespmem:v28+s8+$0x0], $0xffff  }
0x2e7: {  	s28 =	sadd.s32 $0x102, s3;
	v0 =	vld.idx.msk [tilespmem:v0+s8+$0x0], $0xffff  }
0x2e8: {  	v32 =	vmov s28;
	v39 =	vadd.s32 v11, v5;
	v51 =	vld.idx.msk [tilespmem:v59+s8+$0x0], $0xffff  }
0x2e9: {  	v56 =	vadd.s32 v12, v5;
	v38 =	vld.idx.msk [tilespmem:v25+s8+$0x0], $0xffff;
	v25 =	vand.u32 $0xFFFFFFFE, v32;
	v32 =	vadd.f32 v1, v3  }
0x2ea: {  	v57 =	vadd.s32 v13, v5;
	v28 =	vadd.f32 v2, v6;
	v1 =	vld.idx.msk [tilespmem:v29+s8+$0x0], $0xffff;
	v29 =	vadd.f32 v4, v8  }
0x2eb: {  	v42 =	vld.idx.msk [tilespmem:v55+s8+$0x0], $0xffff;
	v27 =	vadd.f32 v27, v33;
	v41 =	vbroadcast v25, $0x0;
	v25 =	vadd.f32 v7, v26  }
0x2ec: {  	v5 =	vadd.s32 v15, v5;
	v3 =	vld [tilespmem:s25+$0xFFFFFFB0];
	v26 =	vadd.f32 v31, v30;
	v30 =	vadd.f32 v35, v34  }
0x2ed: {  	v4 =	vld.idx.msk [tilespmem:v39+s8+$0x0], $0xffff;
	v31 =	vadd.f32 v0, v36;
	v34 =	vadd.f32 v51, v48;
	v60 =	vmul.f32 v32, v32  }
0x2ee: {  	v2 =	vld.idx.msk [tilespmem:v56+s8+$0x0], $0xffff;
	v58 =	vadd.f32 v28, v32;
	v61 =	vmul.f32 v28, v28;
	v62 =	vmul.f32 v29, v29  }
0x2ef: {  	v6 =	vld.idx.msk [tilespmem:v57+s8+$0x0], $0xffff;
	v47 =	vmul.f32 v27, v27;
	v8 =	vadd.f32 v25, v29;
	v36 =	vadd.f32 v31, v30  }
0x2f0: {  	v57 =	vld [tilespmem:s25+$0xFFFFFFF0];
	v45 =	vmul.f32 v25, v25;
	v46 =	vmul.f32 v26, v26;
	v55 =	vadd.f32 v61, v60  }
0x2f1: {  	v7 =	vadd.f32 v8, v58;
	v8 =	vadd.f32 v27, v26;
	v41 =	vld.idx.msk [tilespmem:v41+s21+$0x0], $0xffff  }
0x2f2: {  	v5 =	vld.idx.msk [tilespmem:v5+s8+$0x0], $0xffff;
	v54 =	vmul.f32 v30, v30;
	v56 =	vadd.f32 v45, v62;
	v59 =	vadd.f32 v47, v46  }
0x2f3: {  	s3 =	sadd.s32 $0x103, s3;
	v0 =	vld [tilespmem:s25+$0xFFFFFFC0];
	v50 =	vmul.f32 v31, v31;
	v39 =	vadd.f32 v38, v37;
	v37 =	vadd.f32 v1, v43  }
0x2f4: {  	v61 =	vmov s3;
	v38 =	vadd.f32 v4, v3;
	v43 =	vld [tilespmem:s25+$0x30];
	v8 =	vadd.f32 v36, v8  }
0x2f5: {  	v36 =	vadd.f32 v50, v54;
	v47 =	vadd.f32 v56, v55;
	v56 =	vld [tilespmem:s25+$0x40]  }
0x2f6: {  	v33 =	vadd.f32 v6, v44;
	v7 =	vadd.f32 v8, v7;
	v8 =	vld [tilespmem:s25+$0x0];
	v49 =	vadd.s32 v63, v41  }
0x2f7: {  	v50 =	vadd.f32 v36, v59;
	v36 =	vadd.f32 v42, v40;
	v42 =	vld [tilespmem:s25+$0x10];
	v58 =	vadd.s32 v9, v41  }
0x2f8: {  	v35 =	vadd.f32 v5, v57;
	v40 =	vadd.f32 v2, v0;
	v0 =	vld [tilespmem:s25+$0x20];
	v52 =	vadd.s32 v11, v41  }
0x2f9: {  	v6 =	vadd.f32 v38, v37;
	v44 =	vmul.f32 v39, v39;
	v2 =	vld.idx.msk [tilespmem:v61+s21+$0x0], $0xffff;
	v60 =	vadd.s32 v10, v41  }
0x2fa: {  	v53 =	vmul.f32 v38, v38;
	v55 =	vmul.f32 v33, v33;
	v61 =	vld [tilespmem:s25+$0x50];
	v4 =	vadd.s32 v12, v41  }
0x2fb: {  	v59 =	vmul.f32 v34, v34;
	v5 =	vadd.f32 v36, v39;
	v48 =	vadd.s32 v13, v41;
	v49 =	vld.idx.msk [tilespmem:v49+s8+$0x0], $0xffff  }
0x2fc: {  	v45 =	vmul.f32 v36, v36;
	v51 =	vadd.f32 v33, v40;
	v57 =	vadd.s32 v14, v41;
	v1 =	vld.idx.msk [tilespmem:v58+s8+$0x0], $0xffff  }
0x2fd: {  	v54 =	vmul.f32 v40, v40;
	v47 =	vadd.f32 v50, v47;
	v46 =	vld.idx.msk [tilespmem:v52+s8+$0x0], $0xffff;
	v52 =	vmul.f32 v37, v37  }
0x2fe: {  	v41 =	vadd.s32 v15, v41;
	v44 =	vadd.f32 v45, v44;
	v3 =	vld.idx.msk [tilespmem:v60+s8+$0x0], $0xffff;
	v60 =	vmul.f32 v35, v35  }
0x2ff: {  	v58 =	vadd.f32 v35, v34;
	v4 =	vld.idx.msk [tilespmem:v4+s8+$0x0], $0xffff;
	v45 =	vadd.f32 v53, v52  }
0x300: {  	v48 =	vld.idx.msk [tilespmem:v48+s8+$0x0], $0xffff;
	v52 =	vadd.f32 v55, v54;
	v62 =	vadd.f32 v60, v59  }
0x301: {  	v5 =	vadd.f32 v6, v5;
	v57 =	vld.idx.msk [tilespmem:v57+s8+$0x0], $0xffff;
	v54 =	vadd.f32 v58, v51  }
0x302: {  	(xrf2) =	vadd.scan.msk.f32 $0xffff, v7;
	v60 =	vld [tilespmem:s25+$0x70];
	v44 =	vadd.f32 v45, v44;
	v55 =	vadd.f32 v62, v52  }
0x303: {  	v5 =	vadd.f32 v54, v5;
	v52 =	vadd.f32 v49, v8;
	v8 =	vld.idx.msk [tilespmem:v41+s8+$0x0], $0xffff  }
0x304: {  	(xrf2) =	vadd.scan.msk.f32 $0xffff, v47;
	v51 =	vld [tilespmem:s25+$0x60];
	v62 =	vadd.s32 v63, v2;
	v53 =	vadd.f32 v3, v0;
	v54 =	vadd.f32 v46, v43  }
0x305: {  	v41 =	vadd.s32 v9, v2;
	v49 =	vadd.f32 v4, v56;
	v50 =	vadd.f32 v48, v61  }
0x306: {  	v58 =	vld [tilespmem:s25+$0xB0];
	v46 =	vadd.s32 v12, v2;
	v7 =	vadd.f32 v55, v44;
	v55 =	vadd.f32 v1, v42  }
0x307: {  	v45 =	vld [tilespmem:s25+$0xA0];
	v1 =	vadd.s32 v10, v2;
	v44 =	vadd.s32 v11, v2;
	v61 =	vmul.f32 v54, v54  }
0x308: {  	v0 =	vld [tilespmem:s25+$0x80];
	v56 =	vadd.f32 v8, v60;
	v60 =	vmul.f32 v52, v52;
	v8 =	vmul.f32 v55, v55  }
0x309: {  	v51 =	vadd.f32 v57, v51;
	v48 =	vadd.f32 v54, v53;
	v3 =	vld.idx.msk [tilespmem:v62+s8+$0x0], $0xffff  }
0x30a: {  	v41 =	vld.idx.msk [tilespmem:v41+s8+$0x0], $0xffff;
	v6 =	vadd.f32 v8, v60;
	v8 =	vmul.f32 v53, v53;
	v60 =	vmul.f32 v56, v56  }
0x30b: {  	v59 =	vadd.s32 v13, v2;
	v42 =	vadd.f32 v50, v49;
	v62 =	vadd.f32 v55, v52;
	v46 =	vld.idx.msk [tilespmem:v46+s8+$0x0], $0xffff  }
0x30c: {  	v57 =	vmul.f32 v50, v50;
	v47 =	vmul.f32 v51, v51;
	v1 =	vld.idx.msk [tilespmem:v1+s8+$0x0], $0xffff;
	v8 =	vadd.f32 v61, v8;
	v61, _, _ =	vpop (xrf2)  }
0x30d: {  	v4 =	vadd.f32 v48, v62;
	v48 =	vmul.f32 v49, v49;
	v44 =	vld.idx.msk [tilespmem:v44+s8+$0x0], $0xffff;
	v61 =	vperm.xlane v61, v16  }
0x30e: {  	v43 =	vld [tilespmem:s25+$0x90];
	v62 =	vadd.s32 v14, v2;
	(xrf2) =	vadd.scan.msk.f32 $0xffff, v5;
	v5 =	vadd.f32 v56, v51;
	v47 =	vadd.f32 v60, v47;
	v60, _, _ =	vpop (xrf2)  }
0x30f: {  	v48 =	vadd.f32 v57, v48;
	v57 =	vld [tilespmem:s25+$0xC0];
	v61 =	vmul.f32 $7.812500000e-03, v61;
	v60 =	vperm.xlane v60, v16  }
0x310: {  	v2 =	vadd.s32 v15, v2;
	(xrf2) =	vadd.scan.msk.f32 $0xffff, v7;
	v7 =	vld [tilespmem:s25+$0xD0];
	v5 =	vadd.f32 v5, v42;
	v6 =	vadd.f32 v8, v6  }
0x311: {  	v8 =	vld.idx.msk [tilespmem:v59+s8+$0x0], $0xffff;
	v42 =	vadd.f32 v47, v48;
	v47 =	vmul.f32 $7.812500000e-03, v60;
	v59 =	vmul.f32 v61, v61  }
0x312: {  	v48 =	vld [tilespmem:s25+$0xE0]  }
0x313: {  	v4 =	vadd.f32 v5, v4;
	v5 =	vld.idx.msk [tilespmem:v62+s8+$0x0], $0xffff;
	v59 =	vsub.f32 v47, v59  }
0x314: {  	v60 =	vld [tilespmem:s25+$0xF0]  }
0x315: {  	v47 =	vadd.f32 v3, v0;
	v0 =	vld.idx.msk [tilespmem:v2+s8+$0x0], $0xffff;
	v62 =	vadd.f32 $1.000000050e-03, v59  }
0x316: {  	v45 =	vadd.f32 v1, v45;
	v6 =	vadd.f32 v42, v6  }
0x317: {  	v42 =	vadd.f32 v41, v43;
	v43 =	vadd.f32 v44, v58;
	v58 =	vshra.s32 v62, $0x1  }
0x318: {  	v44 =	vadd.f32 v46, v57;
	v41 =	vadd.f32 v8, v7;
	v1 =	vmul.f32 $5.000000000e-01, v62;
	v59, _, _ =	vpop (xrf2)  }
0x319: {  	v46 =	vadd.f32 v5, v48;
	(xrf2) =	vadd.scan.msk.f32 $0xffff, v4;
	v2 =	vsub.s32 $0x5F3759DF, v58;
	v3 =	vperm.xlane v59, v16  }
0x31a: {  	v62 =	vadd.f32 v42, v47;
	v48 =	vadd.f32 v0, v60;
	v57 =	vmul.f32 v2, v1;
	v58, _, _ =	vpop (xrf2)  }
0x31b: {  	v59 =	vadd.f32 v43, v45;
	v3 =	vmul.f32 $7.812500000e-03, v3;
	(xrf2) =	vadd.scan.msk.f32 $0xffff, v6;
	v5 =	vperm.xlane v58, v16  }
0x31c: {  	v60 =	vadd.f32 v41, v44;
	v8 =	vadd.f32 v48, v46;
	v4 =	vmul.f32 v2, v57  }
0x31d: {  	v0 =	vadd.f32 v59, v62;
	v7 =	vmul.f32 v3, v3;
	v5 =	vmul.f32 $7.812500000e-03, v5  }
0x31e: {  	v62 =	vmul.f32 v42, v42;
	v6 =	vadd.f32 v8, v60;
	v8 =	vmul.f32 v47, v47  }
0x31f: {  	v4 =	vsub.f32 $1.500000000e+00, v4;
	v5 =	vsub.f32 v5, v7  }
0x320: {  	v60 =	vmul.f32 v45, v45;
	v7 =	vadd.f32 v62, v8;
	v8 =	vmul.f32 v43, v43  }
0x321: {  	v59 =	vmul.f32 v41, v41;
	v2 =	vmul.f32 v2, v4;
	v4 =	vadd.f32 $1.000000050e-03, v5  }
0x322: {  	v57 =	vmul.f32 v44, v44;
	v58 =	vmul.f32 v48, v48;
	v5 =	vadd.f32 v8, v60  }
0x323: {  	v8 =	vmul.f32 v46, v46;
	v1 =	vmul.f32 v2, v1;
	v62, _, _ =	vpop (xrf2);
	v60 =	vshra.s32 v4, $0x1  }
0x324: {  	v57 =	vadd.f32 v59, v57;
	v59 =	vsub.s32 $0x5F3759DF, v60;
	v60 =	vperm.xlane v62, v16  }
0x325: {  	v4 =	vmul.f32 $5.000000000e-01, v4;
	v8 =	vadd.f32 v58, v8;
	v1 =	vmul.f32 v1, v2;
	v62, _, _ =	vpop (xrf2)  }
0x326: {  	v5 =	vadd.f32 v5, v7;
	v7 =	vmul.f32 $7.812500000e-03, v60;
	v60 =	vperm.xlane v62, v16  }
0x327: {  	v58 =	vmul.f32 v59, v4;
	v8 =	vadd.f32 v8, v57;
	v1 =	vsub.f32 $1.500000000e+00, v1  }
0x328: {  	v0 =	vadd.f32 v6, v0;
	v62 =	vmul.f32 $7.812500000e-03, v60;
	v60 =	vmul.f32 v7, v7  }
0x329: {  	v57 =	vmul.f32 v59, v58;
	v5 =	vadd.f32 v8, v5;
	v1 =	vmul.f32 v1, v2  }
0x32a: {  	(xrf2) =	vadd.scan.msk.f32 $0xffff, v0;
	v62 =	vsub.f32 v62, v60  }
0x32b: {  	v61 =	vmul.f32 v1, v61;
	(xrf2) =	vadd.scan.msk.f32 $0xffff, v5;
	v28 =	vmul.f32 v1, v28;
	v60 =	vsub.f32 $1.500000000e+00, v57  }
0x32c: {  	v29 =	vmul.f32 v1, v29;
	v25 =	vmul.f32 v1, v25;
	v2 =	vadd.f32 $1.000000050e-03, v62  }
0x32d: {  	v58 =	vld [tilespmem:$0x1FF20];
	v26 =	vmul.f32 v1, v26;
	v0 =	vmul.f32 v59, v60  }
0x32e: {  	v27 =	vmul.f32 v1, v27;
	v57 =	vld [tilespmem:$0x1FF10];
	v8 =	vshra.s32 v2, $0x1;
	v2 =	vmul.f32 $5.000000000e-01, v2  }
0x32f: {  	v5 =	vsub.f32 $0.0e+00, v61;
	v59 =	vld [tilespmem:$0x1FF30];
	v4 =	vmul.f32 v0, v4;
	v8 =	vsub.s32 $0x5F3759DF, v8  }
0x330: {  	v62 =	vmul.f32 v1, v32;
	v60 =	vmul.f32 v8, v2  }
0x331: {  	v30 =	vmul.f32 v1, v30;
	v28 =	vadd.f32 v5, v28;
	v4 =	vmul.f32 v4, v0  }
0x332: {  	v29 =	vadd.f32 v5, v29;
	v6 =	vadd.f32 v5, v62;
	v32 =	vmul.f32 v8, v60  }
0x333: {  	v1 =	vmul.f32 v1, v31;
	v28 =	vmul.f32 v28, v58;
	v4 =	vsub.f32 $1.500000000e+00, v4  }
0x334: {  	v61, _, _ =	vpop (xrf2);
	v6 =	vmul.f32 v6, v57;
	v29 =	vmul.f32 v29, v59;
	v62 =	vsub.f32 $1.500000000e+00, v32  }
0x335: {  	v25 =	vadd.f32 v5, v25;
	v0 =	vmul.f32 v4, v0;
	v4 =	vperm.xlane v61, v16;
	v60, _, _ =	vpop (xrf2)  }
0x336: {  	v26 =	vadd.f32 v5, v26;
	v31 =	vperm.xlane v60, v16;
	v8 =	vmul.f32 v8, v62  }
0x337: {  	v27 =	vadd.f32 v5, v27;
	v4 =	vmul.f32 $7.812500000e-03, v4;
	v3 =	vmul.f32 v0, v3  }
0x338: {  	v30 =	vadd.f32 v5, v30;
	v39 =	vmul.f32 v0, v39;
	v2 =	vmul.f32 v8, v2  }
0x339: {  	v61 =	vmul.f32 $7.812500000e-03, v31;
	v62 =	vmul.f32 v4, v4;
	v3 =	vsub.f32 $0.0e+00, v3  }
0x33a: {  	v1 =	vadd.f32 v5, v1;
	v60 =	vmul.f32 v0, v36;
	v2 =	vmul.f32 v2, v8  }
0x33b: {  	v33 =	vmul.f32 v0, v33;
	v5 =	vsub.f32 v61, v62;
	v32 =	vadd.f32 v3, v39  }
0x33c: {  	v61 =	vmul.f32 v0, v37;
	v62 =	vmul.f32 v0, v38;
	v2 =	vsub.f32 $1.500000000e+00, v2  }
0x33d: {  	v31 =	vadd.f32 v3, v60;
	v60 =	vmul.f32 v0, v40;
	v33 =	vadd.f32 v3, v33  }
0x33e: {  	v36 =	vadd.f32 v3, v61;
	v5 =	vadd.f32 $1.000000050e-03, v5;
	v2 =	vmul.f32 v2, v8  }
0x33f: {  	v37 =	vadd.f32 v3, v62;
	v8 =	vmul.f32 v0, v34;
	v0 =	vmul.f32 v0, v35  }
0x340: {  	v61 =	vshra.s32 v5, $0x1;
	v5 =	vmul.f32 $5.000000000e-01, v5;
	v7 =	vmul.f32 v2, v7  }
0x341: {  	v38 =	vadd.f32 v3, v60;
	v34 =	vmul.f32 v2, v52;
	v35 =	vmul.f32 v2, v55  }
0x342: {  	v39 =	vsub.s32 $0x5F3759DF, v61;
	v55 =	vld [tilespmem:$0x1FF60];
	v40 =	vmul.f32 v2, v53;
	v52 =	vmul.f32 v2, v54  }
0x343: {  	v8 =	vadd.f32 v3, v8;
	v49 =	vmul.f32 v2, v49;
	v62 =	vmul.f32 v39, v5;
	v53 =	vld [tilespmem:$0x1FF40]  }
0x344: {  	v54 =	vld [tilespmem:$0x1FF50];
	v0 =	vadd.f32 v3, v0;
	v3 =	vmul.f32 v2, v50;
	v60 =	vmul.f32 v2, v51  }
0x345: {  	v28 =	vadd.f32 v28, v18;
	v2 =	vmul.f32 v2, v56;
	v56 =	vld [tilespmem:$0x1FF70];
	v61 =	vmul.f32 v39, v62  }
0x346: {  	v29 =	vadd.f32 v29, v19;
	v7 =	vsub.f32 $0.0e+00, v7  }
0x347: {  	v6 =	vadd.f32 v6, v17;
	v51 =	vsub.f32 $1.500000000e+00, v61  }
0x348: {  	[tilespmem:s25+$0xFFFFFF20] =	vst v29;
	v29 =	vadd.f32 v7, v35;
	v3 =	vadd.f32 v7, v3;
	v25 =	vmul.f32 v25, v53  }
0x349: {  	v2 =	vadd.f32 v7, v2;
	v26 =	vmul.f32 v26, v54;
	v27 =	vmul.f32 v27, v55  }
0x34a: {  	[tilespmem:s25+$0xFFFFFF00] =	vst v6;
	v30 =	vmul.f32 v30, v56;
	v6 =	vmul.f32 v39, v51;
	v51 =	vadd.f32 v7, v52  }
0x34b: {  	v8 =	vmul.f32 v8, v56;
	v52 =	vadd.f32 v7, v49;
	v25 =	vadd.f32 v25, v20  }
0x34c: {  	[tilespmem:s25+$0xFFFFFF10] =	vst v28;
	v3 =	vmul.f32 v3, v55;
	v26 =	vadd.f32 v26, v21;
	v27 =	vadd.f32 v27, v22  }
0x34d: {  	v62 =	vadd.f32 v30, v23;
	v50 =	vadd.f32 v8, v23;
	v8 =	vmul.f32 v29, v58;
	[tilespmem:s25+$0xFFFFFF30] =	vst v25  }
0x34e: {  	v39 =	vld [tilespmem:$0x1FF80];
	v30 =	vadd.f32 v7, v34;
	v5 =	vmul.f32 v6, v5;
	v51 =	vmul.f32 v51, v53;
	[tilespmem:s25+$0xFFFFFF40] =	vst v26  }
0x34f: {  	v34 =	vadd.f32 v7, v40;
	v52 =	vmul.f32 v52, v54;
	v25 =	vmul.f32 v32, v57;
	[tilespmem:s25+$0xFFFFFF50] =	vst v27  }
0x350: {  	v3 =	vadd.f32 v3, v22;
	v26 =	vadd.f32 v7, v60;
	v60 =	vmul.f32 v31, v58;
	[tilespmem:s25+$0xFFFFFF60] =	vst v62  }
0x351: {  	v27 =	vmul.f32 v36, v59;
	v62 =	vmul.f32 v37, v53;
	[tilespmem:s25+$0xFFFFFFE0] =	vst v50;
	v25 =	vadd.f32 v25, v17  }
0x352: {  	v36 =	vmul.f32 v38, v54;
	v5 =	vmul.f32 v5, v6;
	[tilespmem:s25+$0x50] =	vst v3;
	v61 =	vadd.f32 v60, v18  }
0x353: {  	v1 =	vmul.f32 v1, v39;
	v37 =	vadd.f32 v27, v19;
	v38 =	vadd.f32 v62, v20;
	[tilespmem:s25+$0xFFFFFF80] =	vst v25  }
0x354: {  	v40 =	vadd.f32 v36, v21;
	v0 =	vmul.f32 v0, v39;
	v5 =	vsub.f32 $1.500000000e+00, v5;
	[tilespmem:s25+$0xFFFFFF90] =	vst v61  }
0x355: {  	v27 =	vmul.f32 v34, v59;
	v1 =	vadd.f32 v1, v24;
	v25 =	vmul.f32 v33, v55;
	[tilespmem:s25+$0xFFFFFFA0] =	vst v37  }
0x356: {  	[tilespmem:s25+$0xFFFFFFB0] =	vst v38;
	v0 =	vadd.f32 v0, v24;
	v61 =	vadd.f32 v8, v18;
	v5 =	vmul.f32 v5, v6  }
0x357: {  	v2 =	vmul.f32 v2, v39;
	[tilespmem:s25+$0xFFFFFFC0] =	vst v40;
	v33 =	vadd.f32 v27, v19;
	v38 =	vadd.f32 v51, v20  }
0x358: {  	[tilespmem:s25+$0xFFFFFF70] =	vst v1;
	v49 =	vadd.f32 v25, v22;
	v25 =	vmul.f32 v30, v57;
	v4 =	vmul.f32 v5, v4  }
0x359: {  	v40 =	vadd.f32 v52, v21;
	[tilespmem:s25+$0xFFFFFFF0] =	vst v0;
	v8 =	vmul.f32 v5, v42;
	v62 =	vmul.f32 v5, v45  }
0x35a: {  	[tilespmem:s25+$0x10] =	vst v61;
	v60 =	vadd.f32 v25, v17;
	v25 =	vmul.f32 v5, v47;
	v4 =	vsub.f32 $0.0e+00, v4  }
0x35b: {  	v2 =	vadd.f32 v2, v24;
	[tilespmem:s25+$0x20] =	vst v33;
	v27 =	vmul.f32 v5, v43;
	v34 =	vmul.f32 v5, v44  }
0x35c: {  	[tilespmem:s25+$0x30] =	vst v38;
	v35 =	vmul.f32 v5, v41;
	v41 =	vmul.f32 v26, v56;
	v25 =	vadd.f32 v4, v25  }
0x35d: {  	[tilespmem:s25+$0x40] =	vst v40;
	v36 =	vmul.f32 v5, v46;
	v37 =	vmul.f32 v5, v48;
	v42 =	vadd.f32 v4, v8  }
0x35e: {  	[tilespmem:s25+$0x70] =	vst v2;
	v43 =	vadd.f32 v41, v23;
	v8 =	vadd.f32 v4, v62;
	v44 =	vmul.f32 v25, v57  }
0x35f: {  	[tilespmem:s25+$0xFFFFFFD0] =	vst v49;
	v46 =	vadd.f32 v4, v27;
	v51 =	vadd.f32 v4, v35;
	v45 =	vmul.f32 v42, v58  }
0x360: {  	[tilespmem:s25+$0x0] =	vst v60;
	v1 =	vadd.f32 v4, v37;
	v48 =	vmul.f32 v8, v59;
	v47 =	vadd.f32 v44, v17  }
0x361: {  	[tilespmem:s25+$0x60] =	vst v43;
	v8 =	vadd.f32 v4, v34;
	v50 =	vmul.f32 v46, v53;
	v49 =	vadd.f32 v45, v18  }
0x362: {  	v58 =	vmul.f32 v51, v55;
	v1 =	vmul.f32 v1, v39;
	v52 =	vadd.f32 v48, v19;
	[tilespmem:s25+$0x80] =	vst v47  }
0x363: {  	v53 =	vmul.f32 v8, v54;
	v54 =	vadd.f32 v4, v36;
	v57 =	vadd.f32 v50, v20;
	[tilespmem:s25+$0x90] =	vst v49  }
0x364: {  	p1 =	sne.s32 s18, $0xFFFFFFFC;
	v61 =	vadd.f32 v58, v22;
	[tilespmem:s25+$0xA0] =	vst v52  }
.Ltmp5:
0x365: {  	v1 =	vadd.f32 v1, v24;
	v60 =	vmul.f32 v54, v56;
	[tilespmem:s25+$0xB0] =	vst v57;
	(pc) =	sbr.rel @p1 .LBB2_13-.Ltmp5, $4  }
0x366: {  	v59 =	vadd.f32 v53, v21;
	[tilespmem:s25+$0xD0] =	vst v61  }
0x367: {  	[tilespmem:s25+$0xF0] =	vst v1;
	v62 =	vadd.f32 v60, v23  }
0x368: {  	[tilespmem:s25+$0xC0] =	vst v59  }
0x369: {  	s18 =	sadd.s32 $0x4, s18;
	[tilespmem:s25+$0xE0] =	vst v62;
	s25 =	sadd.s32 $0x200, s25  }
0x36a: {  	s3 =	sshll.u32 s15, $0xD  }
0x36b: {  	s3 =	sadd.s32 s12, s3  }
0x36c: {  	s3 =	sshrl.u32 s3, $0x3  }
0x36d: {  	s3 =	sadd.s32 s7, s3  }
0x36e: {  	[hbm4b:s3+s8] =	stream.linear.scatter [tilespmem:s31], [sflag:$0x2], $0x2000, $0x38;
	[tilespmem:$0x1B700] =	vst v63  }
0x36f: {  	_ =	swait.ge [sflag:s30], $0x2000  }
0x370: {  	[sflag:s30] =	ssyncset.done $0x0  }
0x371: {  	s3 =	simm.s32 @!p0 $0x2;
	[sflag:s30] =	ssyncadd.s32 $0xFFFFE000  }
0x372: {  	_ =	swait.ge @!p0 [sflag:s3], $0x2000  }
0x373: {  	s15 =	simm.s32 @!p0 $0x40;
	[sflag:s3] =	ssyncset.done @!p0 $0x0  }
0x374: {  	s18 =	simm.s32 @!p0 $0x10800;
	[sflag:s3] =	ssyncadd.s32 @!p0 $0xFFFFE000;
	s3 =	sadd.s32 @!p0 $0x16B80, s20  }
0x375: {  	[tilespmem:s18], [sflag:$0x1] =	stream.indirect.gather @!p0 [hbm4b:s0+s15], $0x80, s3, s15, $0xb8;
	[tilespmem:$0x1B700] =	vst v63  }
0x376: {  	s15 =	simm.s32 $0xFFFFFFC0;
	s18 =	simm.s32 $0x14900  }
.LBB2_15:
0x377: {  	s3 =	sadd.s32 s15, s4  }
0x378: {  	s19 =	sadd.s32 $0x140, s3  }
0x379: {  	v0 =	vmov s19  }
0x37a: {  	v0 =	vand.u32 $0xFFFFFFFC, v0  }
0x37b: {  	v0 =	vbroadcast v0, $0x0  }
0x37c: {  	v3 =	vld [tilespmem:s18+$0xFFFFFF00]  }
0x37d: {  	v6 =	vld [tilespmem:s18+$0xFFFFFF10]  }
0x37e: {  	v8 =	vld [tilespmem:s18+$0xFFFFFF20]  }
0x37f: {  	v26 =	vld [tilespmem:s18+$0xFFFFFF30]  }
0x380: {  	v30 =	vld [tilespmem:s18+$0xFFFFFF40];
	s25 =	sadd.s32 $0x141, s3  }
0x381: {  	v5 =	vmov s25;
	v0 =	vld.idx.msk [tilespmem:v0+s21+$0x0], $0xffff  }
0x382: {  	v33 =	vld [tilespmem:s18+$0xFFFFFF50];
	v5 =	vand.u32 $0xFFFFFFFD, v5  }
0x383: {  	v34 =	vld [tilespmem:s18+$0xFFFFFF60];
	v5 =	vbroadcast v5, $0x0  }
0x384: {  	v36 =	vld [tilespmem:s18+$0xFFFFFF70]  }
0x385: {  	v37 =	vld [tilespmem:s18+$0xFFFFFF80]  }
0x386: {  	v40 =	vld [tilespmem:s18+$0xFFFFFF90];
	v1 =	vadd.s32 v63, v0  }
0x387: {  	v43 =	vld [tilespmem:s18+$0xFFFFFFA0];
	v2 =	vadd.s32 v9, v0  }
0x388: {  	v44 =	vld [tilespmem:s18+$0xFFFFFFD0];
	v4 =	vadd.s32 v10, v0  }
0x389: {  	v5 =	vld.idx.msk [tilespmem:v5+s21+$0x0], $0xffff;
	v7 =	vadd.s32 v11, v0  }
0x38a: {  	v48 =	vld [tilespmem:s18+$0xFFFFFFE0];
	v25 =	vadd.s32 v12, v0  }
0x38b: {  	v27 =	vadd.s32 v13, v0;
	v1 =	vld.idx.msk [tilespmem:v1+s8+$0x0], $0xffff  }
0x38c: {  	v28 =	vadd.s32 v14, v0;
	v2 =	vld.idx.msk [tilespmem:v2+s8+$0x0], $0xffff  }
0x38d: {  	v0 =	vadd.s32 v15, v0;
	v4 =	vld.idx.msk [tilespmem:v4+s8+$0x0], $0xffff  }
0x38e: {  	v59 =	vadd.s32 v14, v5;
	v7 =	vld.idx.msk [tilespmem:v7+s8+$0x0], $0xffff  }
0x38f: {  	v31 =	vld.idx.msk [tilespmem:v25+s8+$0x0], $0xffff;
	v25 =	vadd.s32 v63, v5  }
0x390: {  	v29 =	vadd.s32 v10, v5;
	v27 =	vld.idx.msk [tilespmem:v27+s8+$0x0], $0xffff  }
0x391: {  	v55 =	vadd.s32 v9, v5;
	v35 =	vld.idx.msk [tilespmem:v28+s8+$0x0], $0xffff  }
0x392: {  	s28 =	sadd.s32 $0x142, s3;
	v0 =	vld.idx.msk [tilespmem:v0+s8+$0x0], $0xffff  }
0x393: {  	v32 =	vmov s28;
	v39 =	vadd.s32 v11, v5;
	v51 =	vld.idx.msk [tilespmem:v59+s8+$0x0], $0xffff  }
0x394: {  	v56 =	vadd.s32 v12, v5;
	v38 =	vld.idx.msk [tilespmem:v25+s8+$0x0], $0xffff;
	v25 =	vand.u32 $0xFFFFFFFE, v32;
	v32 =	vadd.f32 v1, v3  }
0x395: {  	v57 =	vadd.s32 v13, v5;
	v28 =	vadd.f32 v2, v6;
	v1 =	vld.idx.msk [tilespmem:v29+s8+$0x0], $0xffff;
	v29 =	vadd.f32 v4, v8  }
0x396: {  	v42 =	vld.idx.msk [tilespmem:v55+s8+$0x0], $0xffff;
	v27 =	vadd.f32 v27, v33;
	v41 =	vbroadcast v25, $0x0;
	v25 =	vadd.f32 v7, v26  }
0x397: {  	v5 =	vadd.s32 v15, v5;
	v3 =	vld [tilespmem:s18+$0xFFFFFFB0];
	v26 =	vadd.f32 v31, v30;
	v30 =	vadd.f32 v35, v34  }
0x398: {  	v4 =	vld.idx.msk [tilespmem:v39+s8+$0x0], $0xffff;
	v31 =	vadd.f32 v0, v36;
	v34 =	vadd.f32 v51, v48;
	v60 =	vmul.f32 v32, v32  }
0x399: {  	v2 =	vld.idx.msk [tilespmem:v56+s8+$0x0], $0xffff;
	v58 =	vadd.f32 v28, v32;
	v61 =	vmul.f32 v28, v28;
	v62 =	vmul.f32 v29, v29  }
0x39a: {  	v6 =	vld.idx.msk [tilespmem:v57+s8+$0x0], $0xffff;
	v47 =	vmul.f32 v27, v27;
	v8 =	vadd.f32 v25, v29;
	v36 =	vadd.f32 v31, v30  }
0x39b: {  	v57 =	vld [tilespmem:s18+$0xFFFFFFF0];
	v45 =	vmul.f32 v25, v25;
	v46 =	vmul.f32 v26, v26;
	v55 =	vadd.f32 v61, v60  }
0x39c: {  	v7 =	vadd.f32 v8, v58;
	v8 =	vadd.f32 v27, v26;
	v41 =	vld.idx.msk [tilespmem:v41+s21+$0x0], $0xffff  }
0x39d: {  	v5 =	vld.idx.msk [tilespmem:v5+s8+$0x0], $0xffff;
	v54 =	vmul.f32 v30, v30;
	v56 =	vadd.f32 v45, v62;
	v59 =	vadd.f32 v47, v46  }
0x39e: {  	s3 =	sadd.s32 $0x143, s3;
	v0 =	vld [tilespmem:s18+$0xFFFFFFC0];
	v50 =	vmul.f32 v31, v31;
	v39 =	vadd.f32 v38, v37;
	v37 =	vadd.f32 v1, v43  }
0x39f: {  	v61 =	vmov s3;
	v38 =	vadd.f32 v4, v3;
	v43 =	vld [tilespmem:s18+$0x30];
	v8 =	vadd.f32 v36, v8  }
0x3a0: {  	v36 =	vadd.f32 v50, v54;
	v47 =	vadd.f32 v56, v55;
	v56 =	vld [tilespmem:s18+$0x40]  }
0x3a1: {  	v33 =	vadd.f32 v6, v44;
	v7 =	vadd.f32 v8, v7;
	v8 =	vld [tilespmem:s18+$0x0];
	v49 =	vadd.s32 v63, v41  }
0x3a2: {  	v50 =	vadd.f32 v36, v59;
	v36 =	vadd.f32 v42, v40;
	v42 =	vld [tilespmem:s18+$0x10];
	v58 =	vadd.s32 v9, v41  }
0x3a3: {  	v35 =	vadd.f32 v5, v57;
	v40 =	vadd.f32 v2, v0;
	v0 =	vld [tilespmem:s18+$0x20];
	v52 =	vadd.s32 v11, v41  }
0x3a4: {  	v6 =	vadd.f32 v38, v37;
	v44 =	vmul.f32 v39, v39;
	v2 =	vld.idx.msk [tilespmem:v61+s21+$0x0], $0xffff;
	v60 =	vadd.s32 v10, v41  }
0x3a5: {  	v53 =	vmul.f32 v38, v38;
	v55 =	vmul.f32 v33, v33;
	v61 =	vld [tilespmem:s18+$0x50];
	v4 =	vadd.s32 v12, v41  }
0x3a6: {  	v59 =	vmul.f32 v34, v34;
	v5 =	vadd.f32 v36, v39;
	v48 =	vadd.s32 v13, v41;
	v49 =	vld.idx.msk [tilespmem:v49+s8+$0x0], $0xffff  }
0x3a7: {  	v45 =	vmul.f32 v36, v36;
	v51 =	vadd.f32 v33, v40;
	v57 =	vadd.s32 v14, v41;
	v1 =	vld.idx.msk [tilespmem:v58+s8+$0x0], $0xffff  }
0x3a8: {  	v54 =	vmul.f32 v40, v40;
	v47 =	vadd.f32 v50, v47;
	v46 =	vld.idx.msk [tilespmem:v52+s8+$0x0], $0xffff;
	v52 =	vmul.f32 v37, v37  }
0x3a9: {  	v41 =	vadd.s32 v15, v41;
	v44 =	vadd.f32 v45, v44;
	v3 =	vld.idx.msk [tilespmem:v60+s8+$0x0], $0xffff;
	v60 =	vmul.f32 v35, v35  }
0x3aa: {  	v58 =	vadd.f32 v35, v34;
	v4 =	vld.idx.msk [tilespmem:v4+s8+$0x0], $0xffff;
	v45 =	vadd.f32 v53, v52  }
0x3ab: {  	v48 =	vld.idx.msk [tilespmem:v48+s8+$0x0], $0xffff;
	v52 =	vadd.f32 v55, v54;
	v62 =	vadd.f32 v60, v59  }
0x3ac: {  	v5 =	vadd.f32 v6, v5;
	v57 =	vld.idx.msk [tilespmem:v57+s8+$0x0], $0xffff;
	v54 =	vadd.f32 v58, v51  }
0x3ad: {  	(xrf2) =	vadd.scan.msk.f32 $0xffff, v7;
	v60 =	vld [tilespmem:s18+$0x70];
	v44 =	vadd.f32 v45, v44;
	v55 =	vadd.f32 v62, v52  }
0x3ae: {  	v5 =	vadd.f32 v54, v5;
	v52 =	vadd.f32 v49, v8;
	v8 =	vld.idx.msk [tilespmem:v41+s8+$0x0], $0xffff  }
0x3af: {  	(xrf2) =	vadd.scan.msk.f32 $0xffff, v47;
	v51 =	vld [tilespmem:s18+$0x60];
	v62 =	vadd.s32 v63, v2;
	v53 =	vadd.f32 v3, v0;
	v54 =	vadd.f32 v46, v43  }
0x3b0: {  	v41 =	vadd.s32 v9, v2;
	v49 =	vadd.f32 v4, v56;
	v50 =	vadd.f32 v48, v61  }
0x3b1: {  	v58 =	vld [tilespmem:s18+$0xB0];
	v46 =	vadd.s32 v12, v2;
	v7 =	vadd.f32 v55, v44;
	v55 =	vadd.f32 v1, v42  }
0x3b2: {  	v45 =	vld [tilespmem:s18+$0xA0];
	v1 =	vadd.s32 v10, v2;
	v44 =	vadd.s32 v11, v2;
	v61 =	vmul.f32 v54, v54  }
0x3b3: {  	v0 =	vld [tilespmem:s18+$0x80];
	v56 =	vadd.f32 v8, v60;
	v60 =	vmul.f32 v52, v52;
	v8 =	vmul.f32 v55, v55  }
0x3b4: {  	v51 =	vadd.f32 v57, v51;
	v48 =	vadd.f32 v54, v53;
	v3 =	vld.idx.msk [tilespmem:v62+s8+$0x0], $0xffff  }
0x3b5: {  	v41 =	vld.idx.msk [tilespmem:v41+s8+$0x0], $0xffff;
	v6 =	vadd.f32 v8, v60;
	v8 =	vmul.f32 v53, v53;
	v60 =	vmul.f32 v56, v56  }
0x3b6: {  	v59 =	vadd.s32 v13, v2;
	v42 =	vadd.f32 v50, v49;
	v62 =	vadd.f32 v55, v52;
	v46 =	vld.idx.msk [tilespmem:v46+s8+$0x0], $0xffff  }
0x3b7: {  	v57 =	vmul.f32 v50, v50;
	v47 =	vmul.f32 v51, v51;
	v1 =	vld.idx.msk [tilespmem:v1+s8+$0x0], $0xffff;
	v8 =	vadd.f32 v61, v8;
	v61, _, _ =	vpop (xrf2)  }
0x3b8: {  	v4 =	vadd.f32 v48, v62;
	v48 =	vmul.f32 v49, v49;
	v44 =	vld.idx.msk [tilespmem:v44+s8+$0x0], $0xffff;
	v61 =	vperm.xlane v61, v16  }
0x3b9: {  	v43 =	vld [tilespmem:s18+$0x90];
	v62 =	vadd.s32 v14, v2;
	(xrf2) =	vadd.scan.msk.f32 $0xffff, v5;
	v5 =	vadd.f32 v56, v51;
	v47 =	vadd.f32 v60, v47;
	v60, _, _ =	vpop (xrf2)  }
0x3ba: {  	v48 =	vadd.f32 v57, v48;
	v57 =	vld [tilespmem:s18+$0xC0];
	v61 =	vmul.f32 $7.812500000e-03, v61;
	v60 =	vperm.xlane v60, v16  }
0x3bb: {  	v2 =	vadd.s32 v15, v2;
	(xrf2) =	vadd.scan.msk.f32 $0xffff, v7;
	v7 =	vld [tilespmem:s18+$0xD0];
	v5 =	vadd.f32 v5, v42;
	v6 =	vadd.f32 v8, v6  }
0x3bc: {  	v8 =	vld.idx.msk [tilespmem:v59+s8+$0x0], $0xffff;
	v42 =	vadd.f32 v47, v48;
	v47 =	vmul.f32 $7.812500000e-03, v60;
	v59 =	vmul.f32 v61, v61  }
0x3bd: {  	v48 =	vld [tilespmem:s18+$0xE0]  }
0x3be: {  	v4 =	vadd.f32 v5, v4;
	v5 =	vld.idx.msk [tilespmem:v62+s8+$0x0], $0xffff;
	v59 =	vsub.f32 v47, v59  }
0x3bf: {  	v60 =	vld [tilespmem:s18+$0xF0]  }
0x3c0: {  	v47 =	vadd.f32 v3, v0;
	v0 =	vld.idx.msk [tilespmem:v2+s8+$0x0], $0xffff;
	v62 =	vadd.f32 $1.000000050e-03, v59  }
0x3c1: {  	v45 =	vadd.f32 v1, v45;
	v6 =	vadd.f32 v42, v6  }
0x3c2: {  	v42 =	vadd.f32 v41, v43;
	v43 =	vadd.f32 v44, v58;
	v58 =	vshra.s32 v62, $0x1  }
0x3c3: {  	v44 =	vadd.f32 v46, v57;
	v41 =	vadd.f32 v8, v7;
	v1 =	vmul.f32 $5.000000000e-01, v62;
	v59, _, _ =	vpop (xrf2)  }
0x3c4: {  	v46 =	vadd.f32 v5, v48;
	(xrf2) =	vadd.scan.msk.f32 $0xffff, v4;
	v2 =	vsub.s32 $0x5F3759DF, v58;
	v3 =	vperm.xlane v59, v16  }
0x3c5: {  	v62 =	vadd.f32 v42, v47;
	v48 =	vadd.f32 v0, v60;
	v57 =	vmul.f32 v2, v1;
	v58, _, _ =	vpop (xrf2)  }
0x3c6: {  	v59 =	vadd.f32 v43, v45;
	v3 =	vmul.f32 $7.812500000e-03, v3;
	(xrf2) =	vadd.scan.msk.f32 $0xffff, v6;
	v5 =	vperm.xlane v58, v16  }
0x3c7: {  	v60 =	vadd.f32 v41, v44;
	v8 =	vadd.f32 v48, v46;
	v4 =	vmul.f32 v2, v57  }
0x3c8: {  	v0 =	vadd.f32 v59, v62;
	v7 =	vmul.f32 v3, v3;
	v5 =	vmul.f32 $7.812500000e-03, v5  }
0x3c9: {  	v62 =	vmul.f32 v42, v42;
	v6 =	vadd.f32 v8, v60;
	v8 =	vmul.f32 v47, v47  }
0x3ca: {  	v4 =	vsub.f32 $1.500000000e+00, v4;
	v5 =	vsub.f32 v5, v7  }
0x3cb: {  	v60 =	vmul.f32 v45, v45;
	v7 =	vadd.f32 v62, v8;
	v8 =	vmul.f32 v43, v43  }
0x3cc: {  	v59 =	vmul.f32 v41, v41;
	v2 =	vmul.f32 v2, v4;
	v4 =	vadd.f32 $1.000000050e-03, v5  }
0x3cd: {  	v57 =	vmul.f32 v44, v44;
	v58 =	vmul.f32 v48, v48;
	v5 =	vadd.f32 v8, v60  }
0x3ce: {  	v8 =	vmul.f32 v46, v46;
	v1 =	vmul.f32 v2, v1;
	v62, _, _ =	vpop (xrf2);
	v60 =	vshra.s32 v4, $0x1  }
0x3cf: {  	v57 =	vadd.f32 v59, v57;
	v59 =	vsub.s32 $0x5F3759DF, v60;
	v60 =	vperm.xlane v62, v16  }
0x3d0: {  	v4 =	vmul.f32 $5.000000000e-01, v4;
	v8 =	vadd.f32 v58, v8;
	v1 =	vmul.f32 v1, v2;
	v62, _, _ =	vpop (xrf2)  }
0x3d1: {  	v5 =	vadd.f32 v5, v7;
	v7 =	vmul.f32 $7.812500000e-03, v60;
	v60 =	vperm.xlane v62, v16  }
0x3d2: {  	v58 =	vmul.f32 v59, v4;
	v8 =	vadd.f32 v8, v57;
	v1 =	vsub.f32 $1.500000000e+00, v1  }
0x3d3: {  	v0 =	vadd.f32 v6, v0;
	v62 =	vmul.f32 $7.812500000e-03, v60;
	v60 =	vmul.f32 v7, v7  }
0x3d4: {  	v57 =	vmul.f32 v59, v58;
	v5 =	vadd.f32 v8, v5;
	v1 =	vmul.f32 v1, v2  }
0x3d5: {  	(xrf2) =	vadd.scan.msk.f32 $0xffff, v0;
	v62 =	vsub.f32 v62, v60  }
0x3d6: {  	v61 =	vmul.f32 v1, v61;
	(xrf2) =	vadd.scan.msk.f32 $0xffff, v5;
	v28 =	vmul.f32 v1, v28;
	v60 =	vsub.f32 $1.500000000e+00, v57  }
0x3d7: {  	v29 =	vmul.f32 v1, v29;
	v25 =	vmul.f32 v1, v25;
	v2 =	vadd.f32 $1.000000050e-03, v62  }
0x3d8: {  	v58 =	vld [tilespmem:$0x1FF20];
	v26 =	vmul.f32 v1, v26;
	v0 =	vmul.f32 v59, v60  }
0x3d9: {  	v27 =	vmul.f32 v1, v27;
	v57 =	vld [tilespmem:$0x1FF10];
	v8 =	vshra.s32 v2, $0x1;
	v2 =	vmul.f32 $5.000000000e-01, v2  }
0x3da: {  	v5 =	vsub.f32 $0.0e+00, v61;
	v59 =	vld [tilespmem:$0x1FF30];
	v4 =	vmul.f32 v0, v4;
	v8 =	vsub.s32 $0x5F3759DF, v8  }
0x3db: {  	v62 =	vmul.f32 v1, v32;
	v60 =	vmul.f32 v8, v2  }
0x3dc: {  	v30 =	vmul.f32 v1, v30;
	v28 =	vadd.f32 v5, v28;
	v4 =	vmul.f32 v4, v0  }
0x3dd: {  	v29 =	vadd.f32 v5, v29;
	v6 =	vadd.f32 v5, v62;
	v32 =	vmul.f32 v8, v60  }
0x3de: {  	v1 =	vmul.f32 v1, v31;
	v28 =	vmul.f32 v28, v58;
	v4 =	vsub.f32 $1.500000000e+00, v4  }
0x3df: {  	v61, _, _ =	vpop (xrf2);
	v6 =	vmul.f32 v6, v57;
	v29 =	vmul.f32 v29, v59;
	v62 =	vsub.f32 $1.500000000e+00, v32  }
0x3e0: {  	v25 =	vadd.f32 v5, v25;
	v0 =	vmul.f32 v4, v0;
	v4 =	vperm.xlane v61, v16;
	v60, _, _ =	vpop (xrf2)  }
0x3e1: {  	v26 =	vadd.f32 v5, v26;
	v31 =	vperm.xlane v60, v16;
	v8 =	vmul.f32 v8, v62  }
0x3e2: {  	v27 =	vadd.f32 v5, v27;
	v4 =	vmul.f32 $7.812500000e-03, v4;
	v3 =	vmul.f32 v0, v3  }
0x3e3: {  	v30 =	vadd.f32 v5, v30;
	v39 =	vmul.f32 v0, v39;
	v2 =	vmul.f32 v8, v2  }
0x3e4: {  	v61 =	vmul.f32 $7.812500000e-03, v31;
	v62 =	vmul.f32 v4, v4;
	v3 =	vsub.f32 $0.0e+00, v3  }
0x3e5: {  	v1 =	vadd.f32 v5, v1;
	v60 =	vmul.f32 v0, v36;
	v2 =	vmul.f32 v2, v8  }
0x3e6: {  	v33 =	vmul.f32 v0, v33;
	v5 =	vsub.f32 v61, v62;
	v32 =	vadd.f32 v3, v39  }
0x3e7: {  	v61 =	vmul.f32 v0, v37;
	v62 =	vmul.f32 v0, v38;
	v2 =	vsub.f32 $1.500000000e+00, v2  }
0x3e8: {  	v31 =	vadd.f32 v3, v60;
	v60 =	vmul.f32 v0, v40;
	v33 =	vadd.f32 v3, v33  }
0x3e9: {  	v36 =	vadd.f32 v3, v61;
	v5 =	vadd.f32 $1.000000050e-03, v5;
	v2 =	vmul.f32 v2, v8  }
0x3ea: {  	v37 =	vadd.f32 v3, v62;
	v8 =	vmul.f32 v0, v34;
	v0 =	vmul.f32 v0, v35  }
0x3eb: {  	v61 =	vshra.s32 v5, $0x1;
	v5 =	vmul.f32 $5.000000000e-01, v5;
	v7 =	vmul.f32 v2, v7  }
0x3ec: {  	v38 =	vadd.f32 v3, v60;
	v34 =	vmul.f32 v2, v52;
	v35 =	vmul.f32 v2, v55  }
0x3ed: {  	v39 =	vsub.s32 $0x5F3759DF, v61;
	v55 =	vld [tilespmem:$0x1FF60];
	v40 =	vmul.f32 v2, v53;
	v52 =	vmul.f32 v2, v54  }
0x3ee: {  	v8 =	vadd.f32 v3, v8;
	v49 =	vmul.f32 v2, v49;
	v62 =	vmul.f32 v39, v5;
	v53 =	vld [tilespmem:$0x1FF40]  }
0x3ef: {  	v54 =	vld [tilespmem:$0x1FF50];
	v0 =	vadd.f32 v3, v0;
	v3 =	vmul.f32 v2, v50;
	v60 =	vmul.f32 v2, v51  }
0x3f0: {  	v28 =	vadd.f32 v28, v18;
	v2 =	vmul.f32 v2, v56;
	v56 =	vld [tilespmem:$0x1FF70];
	v61 =	vmul.f32 v39, v62  }
0x3f1: {  	v29 =	vadd.f32 v29, v19;
	v7 =	vsub.f32 $0.0e+00, v7  }
0x3f2: {  	v6 =	vadd.f32 v6, v17;
	v51 =	vsub.f32 $1.500000000e+00, v61  }
0x3f3: {  	[tilespmem:s18+$0xFFFFFF20] =	vst v29;
	v29 =	vadd.f32 v7, v35;
	v3 =	vadd.f32 v7, v3;
	v25 =	vmul.f32 v25, v53  }
0x3f4: {  	v2 =	vadd.f32 v7, v2;
	v26 =	vmul.f32 v26, v54;
	v27 =	vmul.f32 v27, v55  }
0x3f5: {  	[tilespmem:s18+$0xFFFFFF00] =	vst v6;
	v30 =	vmul.f32 v30, v56;
	v6 =	vmul.f32 v39, v51;
	v51 =	vadd.f32 v7, v52  }
0x3f6: {  	v8 =	vmul.f32 v8, v56;
	v52 =	vadd.f32 v7, v49;
	v25 =	vadd.f32 v25, v20  }
0x3f7: {  	[tilespmem:s18+$0xFFFFFF10] =	vst v28;
	v3 =	vmul.f32 v3, v55;
	v26 =	vadd.f32 v26, v21;
	v27 =	vadd.f32 v27, v22  }
0x3f8: {  	v62 =	vadd.f32 v30, v23;
	v50 =	vadd.f32 v8, v23;
	v8 =	vmul.f32 v29, v58;
	[tilespmem:s18+$0xFFFFFF30] =	vst v25  }
0x3f9: {  	v39 =	vld [tilespmem:$0x1FF80];
	v30 =	vadd.f32 v7, v34;
	v5 =	vmul.f32 v6, v5;
	v51 =	vmul.f32 v51, v53;
	[tilespmem:s18+$0xFFFFFF40] =	vst v26  }
0x3fa: {  	v34 =	vadd.f32 v7, v40;
	v52 =	vmul.f32 v52, v54;
	v25 =	vmul.f32 v32, v57;
	[tilespmem:s18+$0xFFFFFF50] =	vst v27  }
0x3fb: {  	v3 =	vadd.f32 v3, v22;
	v26 =	vadd.f32 v7, v60;
	v60 =	vmul.f32 v31, v58;
	[tilespmem:s18+$0xFFFFFF60] =	vst v62  }
0x3fc: {  	v27 =	vmul.f32 v36, v59;
	v62 =	vmul.f32 v37, v53;
	[tilespmem:s18+$0xFFFFFFE0] =	vst v50;
	v25 =	vadd.f32 v25, v17  }
0x3fd: {  	v36 =	vmul.f32 v38, v54;
	v5 =	vmul.f32 v5, v6;
	[tilespmem:s18+$0x50] =	vst v3;
	v61 =	vadd.f32 v60, v18  }
0x3fe: {  	v1 =	vmul.f32 v1, v39;
	v37 =	vadd.f32 v27, v19;
	v38 =	vadd.f32 v62, v20;
	[tilespmem:s18+$0xFFFFFF80] =	vst v25  }
0x3ff: {  	v40 =	vadd.f32 v36, v21;
	v0 =	vmul.f32 v0, v39;
	v5 =	vsub.f32 $1.500000000e+00, v5;
	[tilespmem:s18+$0xFFFFFF90] =	vst v61  }
0x400: {  	v27 =	vmul.f32 v34, v59;
	v1 =	vadd.f32 v1, v24;
	v25 =	vmul.f32 v33, v55;
	[tilespmem:s18+$0xFFFFFFA0] =	vst v37  }
0x401: {  	[tilespmem:s18+$0xFFFFFFB0] =	vst v38;
	v0 =	vadd.f32 v0, v24;
	v61 =	vadd.f32 v8, v18;
	v5 =	vmul.f32 v5, v6  }
0x402: {  	v2 =	vmul.f32 v2, v39;
	[tilespmem:s18+$0xFFFFFFC0] =	vst v40;
	v33 =	vadd.f32 v27, v19;
	v38 =	vadd.f32 v51, v20  }
0x403: {  	[tilespmem:s18+$0xFFFFFF70] =	vst v1;
	v49 =	vadd.f32 v25, v22;
	v25 =	vmul.f32 v30, v57;
	v4 =	vmul.f32 v5, v4  }
0x404: {  	v40 =	vadd.f32 v52, v21;
	[tilespmem:s18+$0xFFFFFFF0] =	vst v0;
	v8 =	vmul.f32 v5, v42;
	v62 =	vmul.f32 v5, v45  }
0x405: {  	[tilespmem:s18+$0x10] =	vst v61;
	v60 =	vadd.f32 v25, v17;
	v25 =	vmul.f32 v5, v47;
	v4 =	vsub.f32 $0.0e+00, v4  }
0x406: {  	v2 =	vadd.f32 v2, v24;
	[tilespmem:s18+$0x20] =	vst v33;
	v27 =	vmul.f32 v5, v43;
	v34 =	vmul.f32 v5, v44  }
0x407: {  	[tilespmem:s18+$0x30] =	vst v38;
	v35 =	vmul.f32 v5, v41;
	v41 =	vmul.f32 v26, v56;
	v25 =	vadd.f32 v4, v25  }
0x408: {  	[tilespmem:s18+$0x40] =	vst v40;
	v36 =	vmul.f32 v5, v46;
	v37 =	vmul.f32 v5, v48;
	v42 =	vadd.f32 v4, v8  }
0x409: {  	[tilespmem:s18+$0x70] =	vst v2;
	v43 =	vadd.f32 v41, v23;
	v8 =	vadd.f32 v4, v62;
	v44 =	vmul.f32 v25, v57  }
0x40a: {  	[tilespmem:s18+$0xFFFFFFD0] =	vst v49;
	v46 =	vadd.f32 v4, v27;
	v51 =	vadd.f32 v4, v35;
	v45 =	vmul.f32 v42, v58  }
0x40b: {  	[tilespmem:s18+$0x0] =	vst v60;
	v1 =	vadd.f32 v4, v37;
	v48 =	vmul.f32 v8, v59;
	v47 =	vadd.f32 v44, v17  }
0x40c: {  	[tilespmem:s18+$0x60] =	vst v43;
	v8 =	vadd.f32 v4, v34;
	v50 =	vmul.f32 v46, v53;
	v49 =	vadd.f32 v45, v18  }
0x40d: {  	v58 =	vmul.f32 v51, v55;
	v1 =	vmul.f32 v1, v39;
	v52 =	vadd.f32 v48, v19;
	[tilespmem:s18+$0x80] =	vst v47  }
0x40e: {  	v53 =	vmul.f32 v8, v54;
	v54 =	vadd.f32 v4, v36;
	v57 =	vadd.f32 v50, v20;
	[tilespmem:s18+$0x90] =	vst v49  }
0x40f: {  	p0 =	sne.s32 s15, $0xFFFFFFFC;
	v61 =	vadd.f32 v58, v22;
	[tilespmem:s18+$0xA0] =	vst v52  }
.Ltmp6:
0x410: {  	v1 =	vadd.f32 v1, v24;
	v60 =	vmul.f32 v54, v56;
	[tilespmem:s18+$0xB0] =	vst v57;
	(pc) =	sbr.rel @p0 .LBB2_15-.Ltmp6, $4  }
0x411: {  	v59 =	vadd.f32 v53, v21;
	[tilespmem:s18+$0xD0] =	vst v61  }
0x412: {  	[tilespmem:s18+$0xF0] =	vst v1;
	v62 =	vadd.f32 v60, v23  }
0x413: {  	[tilespmem:s18+$0xC0] =	vst v59  }
0x414: {  	s15 =	sadd.s32 $0x4, s15;
	[tilespmem:s18+$0xE0] =	vst v62;
	s18 =	sadd.s32 $0x200, s18  }
0x415: {  	s6 =	sadd.s32 $0x1, s6  }
0x416: {  	p0 =	sne.s32 s6, $0x14  }
.Ltmp7:
0x417: {  	s3 =	sshll.u32 s17, $0xD;
	(pc) =	sbr.rel @p0 .LBB2_6-.Ltmp7, $4  }
0x418: {  	s3 =	sadd.s32 s12, s3  }
0x419: {  	s3 =	sshrl.u32 s3, $0x3  }
0x41a: {  	s4 =	sadd.s32 $0x140, s4;
	s3 =	sadd.s32 s7, s3  }
0x41b: {  	[hbm4b:s3+s8] =	stream.linear.scatter [tilespmem:s5], [sflag:$0x2], $0x2000, $0x38;
	[tilespmem:$0x1B700] =	vst v63  }
0x41c: {  	_ =	swait.ge [sflag:s2], $0x2000  }
0x41d: {  	[sflag:s2] =	ssyncset.done $0x0  }
0x41e: {  	[sflag:s2] =	ssyncadd.s32 $0xFFFFE000  }
0x41f: {  	_ =	swait.ge [sflag:s2], $0x2000  }
0x420: {  	[sflag:s2] =	ssyncset.done $0x0  }
0x421: {  	[sflag:s2] =	ssyncadd.s32 $0xFFFFE000  }
0x422: {  	_ =	swait.ge [sflag:s2], $0x2000  }
0x423: {  	[sflag:s2] =	ssyncset.done $0x0  }
0x424: {  	s1 =	sadd.s32 $0x1, s1;
	[sflag:s2] =	ssyncadd.s32 $0xFFFFE000  }
0x425: {  	p0 =	sne.s32 s1, s13;
	_ =	swait.ge [sflag:s2], $0x2000  }
.Ltmp8:
0x426: {  	[sflag:s2] =	ssyncset.done $0x0;
	(pc) =	sbr.rel @p0 .LBB2_1-.Ltmp8, $4  }
0x427: {  	[sflag:s2] =	ssyncadd.s32 $0xFFFFE000  }
0x428: {  	_ =	swait.ge [sflag:s2], $0x2000  }
0x429: {  	[sflag:s2] =	ssyncset.done $0x0  }
0x42a: {  	s15 =	simm.s32 $0x16800;
	[sflag:s2] =	ssyncadd.s32 $0xFFFFE000  }
0x42b: {  	_ =	sfence.sel $0x180000  }
0x42c: {  	[bflag:$0x0] =	sbarrier.arrive $0xFFFF  }
0x42d: {  	_ =	strace $0x90000047  }
0x42e: {  	s0 =	stileid.u32;
	[bflag:$0x2] =	sbarrier.arrive $0xFFFF  }
0x42f: {  	p0 =	sne.s32 s0, $0x0;
	s0 =	rddreg [dreg:$0x8]  }
0x430: {  	s0 =	sadd.s32 @!p0 $0x100000, s0  }
0x431: {  	[sflag:s0] =	ssyncadd.tile.s32 @!p0 $0x1;
	_ =	shalt  }
.Lfunc_end2:
_tile_overlayer_lowered:
.L_overlay_start_2:
0x432: {  	(tag) =	ssettag $0x2  }
0x433: {  	s0 =	rddreg [dreg:$0x0];
	s2 =	stileid.u32  }
0x434: {  	s1 =	rddreg [dreg:$0x1];
	p0 =	sne.s32 s2, $0x0  }
0x435: {  	s3 =	rddreg [dreg:$0x2];
	[bflag:$0x3] =	sbarrier.arrive $0xFFFF;
	s2 =	simm.s32 @!p0 $0x1C04  }
0x436: {  	[timem:s3], [sflag:s2] =	dma.local @!p0 [hbm:s0], s1  }
0x437: {  	s0 =	simm.s32 @!p0 $0x4  }
0x438: {  	_ =	swait.ge @!p0 [sflag:s0], s1  }
0x439: {  	s1 =	ssub.s32 @!p0 $0x0, s1;
	[sflag:s0] =	ssyncset.done @!p0 $0x0  }
0x43a: {  	[sflag:s0] =	ssyncadd.s32 @!p0 s1  }
0x43b: {  	[bflag:$0x3] =	sbarrier.arrive $0xFFFF  }
0x43c: {  	_ =	shalt  }

</sc_bundles>
